<compile_context>
chip_gen: v7x
topology: tpu7x:2x2x1
jax: 0.10.2.dev20260603
libtpu: 0.0.44.dev20260713+nightly
codegen_flags: <defaults>
</compile_context>

<pallas_src>
import functools

import jax
import jax.numpy as jnp
from jax import lax
from jax.experimental import pallas as pl
from jax.experimental.pallas import tpu as pltpu
from jax.experimental.pallas import tpu_sc as plsc

_EPS = 1e-06
_V = 50
_B = 4096
_NW = 32
_B_SC = 1024
_B_TC = _B - _B_SC
_CPW = 128
_NCH = _B_SC // _CPW
_NJS = _NW // _NCH
_NG = _CPW // 16

_C0 = 1.4720650111170774e-06
_C1 = 0.9998476974962422
_C2 = -0.4973732161580111
_C3 = 0.3157473167581541
_C4 = -0.19035433673335944
_C5 = 0.08269123711166838
_C6 = -0.017414077524345536


def _log1p_poly(y):
    r = _C6
    r = r * y + _C5
    r = r * y + _C4
    r = r * y + _C3
    r = r * y + _C2
    r = r * y + _C1
    return r * y + _C0


def _tc_kernel(p_ref, t_ref, v_ref, sum_ref, cnt_ref):
    p = p_ref[...]
    t = t_ref[...]
    vf = v_ref[...]
    V, B = p.shape
    row_s = jnp.zeros((1, B), jnp.float32)
    row_c = jnp.zeros((1, B), jnp.float32)
    for j in range(1, V):
        pj = p[j:j + 1, :]
        tj = t[j:j + 1, :]
        vj = vf[j:j + 1, :]
        dt = tj - t[0:j, :]
        dp = p[0:j, :] - pj
        adp = jnp.abs(dp)
        relu_term = jnp.where(dp * dt < 0.0, adp, 0.0)
        loss = relu_term + jnp.log1p(jnp.exp(-adp))
        m = jnp.where(jnp.abs(dt) > _EPS, vf[0:j, :] * vj, 0.0)
        row_s = row_s + jnp.sum(loss * m, axis=0, keepdims=True)
        row_c = row_c + jnp.sum(m, axis=0, keepdims=True)
    sum_ref[...] = jnp.sum(row_s).reshape(1, 1)
    cnt_ref[...] = jnp.sum(row_c).reshape(1, 1)


def _sc_body(p_hbm, t_hbm, v_hbm, sum_out, cnt_out, p_v, t_v, v_v, s_v, c_v):
    c = lax.axis_index("c")
    s = lax.axis_index("s")
    wid = s * 2 + c
    chunk = lax.rem(wid, _NCH)
    jsub = wid // _NCH
    base = chunk * _CPW
    pltpu.sync_copy(p_hbm.at[:, pl.ds(base, _CPW)], p_v)
    pltpu.sync_copy(t_hbm.at[:, pl.ds(base, _CPW)], t_v)
    pltpu.sync_copy(v_hbm.at[:, pl.ds(base, _CPW)], v_v)

    first = jnp.where(jsub == 0, _NJS, jsub)
    count = (_V - 1 - first) // _NJS + 1

    zero = jnp.zeros((16,), jnp.float32)

    def outer(k, carry):
        j = first + _NJS * k
        accs = carry
        pj = [p_v[j, pl.ds(g * 16, 16)] for g in range(_NG)]
        tj = [t_v[j, pl.ds(g * 16, 16)] for g in range(_NG)]
        vj = [v_v[j, pl.ds(g * 16, 16)] for g in range(_NG)]

        def inner(i, accs2):
            new = []
            for g in range(_NG):
                a_s = accs2[2 * g]
                a_c = accs2[2 * g + 1]
                pi = p_v[i, pl.ds(g * 16, 16)]
                ti = t_v[i, pl.ds(g * 16, 16)]
                vi = v_v[i, pl.ds(g * 16, 16)]
                dt = tj[g] - ti
                dp = pi - pj[g]
                adp = jnp.abs(dp)
                relu_term = jnp.where(dp * dt < 0.0, adp, 0.0)
                y = jnp.exp(-adp)
                loss = relu_term + _log1p_poly(y)
                m = jnp.where(jnp.abs(dt) > _EPS, vi * vj[g], 0.0)
                new.append(a_s + loss * m)
                new.append(a_c + m)
            return tuple(new)

        return lax.fori_loop(0, j, inner, accs)

    accs = lax.fori_loop(0, count, outer, tuple([zero] * (2 * _NG)))
    sum_g = accs[0]
    cnt_g = accs[1]
    for g in range(1, _NG):
        sum_g = sum_g + accs[2 * g]
        cnt_g = cnt_g + accs[2 * g + 1]
    s_v[...] = sum_g
    c_v[...] = cnt_g
    pltpu.sync_copy(s_v, sum_out.at[wid])
    pltpu.sync_copy(c_v, cnt_out.at[wid])


def kernel(pred_severity, target_severity, visit_mask):
    p = pred_severity.T
    t = target_severity.T
    v = visit_mask.T.astype(jnp.float32)

    mesh = plsc.VectorSubcoreMesh(core_axis_name="c", subcore_axis_name="s")
    sc_fn = functools.partial(
        pl.kernel,
        mesh=mesh,
        out_type=[
            jax.ShapeDtypeStruct((_NW, 16), jnp.float32),
            jax.ShapeDtypeStruct((_NW, 16), jnp.float32),
        ],
        scratch_types=[
            pltpu.VMEM((_V, _CPW), jnp.float32),
            pltpu.VMEM((_V, _CPW), jnp.float32),
            pltpu.VMEM((_V, _CPW), jnp.float32),
            pltpu.VMEM((16,), jnp.float32),
            pltpu.VMEM((16,), jnp.float32),
        ],
    )(_sc_body)
    sc_sums, sc_cnts = sc_fn(p[:, _B_TC:], t[:, _B_TC:], v[:, _B_TC:])

    tc_sum, tc_cnt = pl.pallas_call(
        _tc_kernel,
        out_shape=[
            jax.ShapeDtypeStruct((1, 1), jnp.float32),
            jax.ShapeDtypeStruct((1, 1), jnp.float32),
        ],
    )(p[:, :_B_TC], t[:, :_B_TC], v[:, :_B_TC])

    total = tc_sum[0, 0] + jnp.sum(sc_sums)
    count = tc_cnt[0, 0] + jnp.sum(sc_cnts)
    return jnp.where(count > 0, total / jnp.maximum(count, 1.0),
                     jnp.array(0.0, dtype=jnp.float32))

# --- scband reference (transcript-rebuilt; emitter-appended) ---
"""Pipeline reference for scband-pairwise-ranking-loss-31464930410802 (READ-ONLY COPY).

The authoritative reference and input builder live on the scoring server;
editing this copy changes nothing except your own understanding.
"""

import jax, jax.numpy as jnp
import numpy as np

EPS = 1e-06

def setup_inputs(seed: int = 0) -> dict:
    key = jax.random.key(seed)
    k1, k2, k3 = jax.random.split(key, 3)
    pred_severity = jax.random.normal(k1, (4096, 50), dtype=jnp.float32)
    target_severity = jax.random.normal(k2, (4096, 50), dtype=jnp.float32)
    visit_mask = jax.random.randint(k3, (4096, 50), 0, 2, dtype=jnp.int32)
    return {"pred_severity": pred_severity, "target_severity": target_severity, "visit_mask": visit_mask}

def reference(pred_severity, target_severity, visit_mask):
    # Vectorized, mathematically faithful version of the per-batch double loop:
    # for each batch b and ordered pair (i, j) with i < j, both visits valid,
    # and |t[j] - t[i]| > eps, accumulate softplus(-(p[i] - p[j]) * sign(t[j] - t[i]));
    # final loss is the mean over all accumulated pair losses (0.0 if none).
    valid = visit_mask.astype(jnp.bool_)                      # [B, V]
    p = pred_severity
    t = target_severity
    B, V = p.shape
    # delta_t[b, i, j] = t[b, j] - t[b, i]
    delta_t = t[:, None, :] - t[:, :, None]                   # [B, V, V]
    sign = jnp.sign(delta_t)
    # dp[b, i, j] = p[b, i] - p[b, j]
    dp = p[:, :, None] - p[:, None, :]                        # [B, V, V]
    pair_loss = jax.nn.softplus(-dp * sign)                   # [B, V, V]
    pair_valid = valid[:, :, None] & valid[:, None, :]        # both visits valid
    upper = jnp.triu(jnp.ones((V, V), dtype=jnp.bool_), k=1)[None, :, :]  # i < j
    nontrivial = jnp.abs(delta_t) > EPS                       # skip near-equal targets
    mask = pair_valid & upper & nontrivial
    maskf = mask.astype(p.dtype)
    total = jnp.sum(pair_loss * maskf)
    count = jnp.sum(maskf)
    return jnp.where(count > 0, total / jnp.maximum(count, 1.0), jnp.array(0.0, dtype=p.dtype))

if __name__ == "__main__":
    import jax
    _d = setup_inputs()
    print(jax.jit(kernel)(*tuple(_d.values())))

</pallas_src>

<mosaic_0001>
#map = affine_map<(d0, d1) -> (0, 0)>
module attributes {stable_mosaic.version = 14 : i64} {
  func.func @_sc_body(%arg0: i32, %arg1: i32, %arg2: memref<50x1024xf32, #tpu.memory_space<hbm>>, %arg3: memref<50x1024xf32, #tpu.memory_space<hbm>>, %arg4: memref<50x1024xf32, #tpu.memory_space<hbm>>, %arg5: memref<32x16xf32, #tpu.memory_space<hbm>>, %arg6: memref<32x16xf32, #tpu.memory_space<hbm>>, %arg7: memref<50x128xf32, #tpu.memory_space<vmem>>, %arg8: memref<50x128xf32, #tpu.memory_space<vmem>>, %arg9: memref<50x128xf32, #tpu.memory_space<vmem>>, %arg10: memref<16xf32, #tpu.memory_space<vmem>>, %arg11: memref<16xf32, #tpu.memory_space<vmem>>) attributes {dimension_semantics = [#tpu.dimension_semantics<core_parallel>, #tpu.dimension_semantics<subcore_parallel>], iteration_bounds = array<i64: 2, 16>, scalar_prefetch = 0 : i64, scratch_operands = 5 : i64, tpu.core_type = #tpu.core_type<sc_vector_subcore>, window_params = [{transform_indices = #map}, {transform_indices = #map}, {transform_indices = #map}, {transform_indices = #map}, {transform_indices = #map}]} {
    %mul3A = arith.constant 2 : i32
    %mul3A_0 = arith.muli %arg1, %mul3A : i32
    %add3A = arith.addi %mul3A_0, %arg0 : i32
    %rem3A = arith.constant 8 : i32
    %rem3A_1 = arith.remsi %add3A, %rem3A : i32
    %jit3A = arith.constant 8 : i32
    %div3A = arith.divsi %add3A, %jit3A : i32
    %sign3A = arith.constant 0 : i32
    %sign3A_2 = arith.cmpi sgt, %add3A, %sign3A : i32
    %sign3A_3 = arith.extui %sign3A_2 : i1 to i32
    %sign3A_4 = arith.constant 0 : i32
    %sign3A_5 = arith.cmpi slt, %add3A, %sign3A_4 : i32
    %sign3A_6 = arith.extui %sign3A_5 : i1 to i32
    %sign3A_7 = arith.subi %sign3A_3, %sign3A_6 : i32
    %sign3A_8 = arith.constant 0 : i32
    %sign3A_9 = arith.cmpi sgt, %jit3A, %sign3A_8 : i32
    %sign3A_10 = arith.extui %sign3A_9 : i1 to i32
    %sign3A_11 = arith.constant 0 : i32
    %sign3A_12 = arith.cmpi slt, %jit3A, %sign3A_11 : i32
    %sign3A_13 = arith.extui %sign3A_12 : i1 to i32
    %sign3A_14 = arith.subi %sign3A_10, %sign3A_13 : i32
    %ne3A = arith.cmpi ne, %sign3A_7, %sign3A_14 : i32
    %rem3A_15 = arith.remsi %add3A, %jit3A : i32
    %ne3A_16 = arith.constant 0 : i32
    %ne3A_17 = arith.cmpi ne, %rem3A_15, %ne3A_16 : i32
    %and3A = arith.andi %ne3A, %ne3A_17 : i1
    %sub3A = arith.constant 1 : i32
    %sub3A_18 = arith.subi %div3A, %sub3A : i32
    %select_n3A = arith.select %and3A, %sub3A_18, %div3A : i32
    %mul3A_19 = arith.constant 128 : i32
    %mul3A_20 = arith.muli %rem3A_1, %mul3A_19 : i32
    "tpu.region"() ({
      %run_scoped3A = tpu.sem_alloc : memref<!tpu.dma_semaphore, #tpu.memory_space<semaphore_mem>>
      %dma_start3A = arith.constant 0 : i32
      %dma_start3A_84 = tpu.memref_slice %arg2[%dma_start3A, %mul3A_20] : memref<50x1024xf32, #tpu.memory_space<hbm>> -> memref<50x128xf32, #tpu.memory_space<hbm>>
      %dma_start3A_85 = arith.constant 0 : i32
      %dma_start3A_86 = tpu.memref_slice %arg2[%dma_start3A_85, %mul3A_20] : memref<50x1024xf32, #tpu.memory_space<hbm>> -> memref<50x128xf32, #tpu.memory_space<hbm>>
      tpu.enqueue_dma source(%dma_start3A_86 : memref<50x128xf32, #tpu.memory_space<hbm>>) target(%arg7 : memref<50x128xf32, #tpu.memory_space<vmem>>) target_semaphore(%run_scoped3A : memref<!tpu.dma_semaphore, #tpu.memory_space<semaphore_mem>>)
      %dma_wait3A = arith.constant 0 : i32
      %dma_wait3A_87 = tpu.memref_slice %arg2[%dma_wait3A, %mul3A_20] : memref<50x1024xf32, #tpu.memory_space<hbm>> -> memref<50x128xf32, #tpu.memory_space<hbm>>
      %dma_wait3A_88 = arith.constant 0 : i32
      %dma_wait3A_89 = tpu.memref_slice %arg2[%dma_wait3A_88, %mul3A_20] : memref<50x1024xf32, #tpu.memory_space<hbm>> -> memref<50x128xf32, #tpu.memory_space<hbm>>
      tpu.wait_dma2 semaphore(%run_scoped3A : memref<!tpu.dma_semaphore, #tpu.memory_space<semaphore_mem>>) src(%dma_wait3A_89 : memref<50x128xf32, #tpu.memory_space<hbm>>) dst(%arg7 : memref<50x128xf32, #tpu.memory_space<vmem>>)
      tpu.yield
    }) : () -> ()
    "tpu.region"() ({
      %run_scoped3A = tpu.sem_alloc : memref<!tpu.dma_semaphore, #tpu.memory_space<semaphore_mem>>
      %dma_start3A = arith.constant 0 : i32
      %dma_start3A_84 = tpu.memref_slice %arg3[%dma_start3A, %mul3A_20] : memref<50x1024xf32, #tpu.memory_space<hbm>> -> memref<50x128xf32, #tpu.memory_space<hbm>>
      %dma_start3A_85 = arith.constant 0 : i32
      %dma_start3A_86 = tpu.memref_slice %arg3[%dma_start3A_85, %mul3A_20] : memref<50x1024xf32, #tpu.memory_space<hbm>> -> memref<50x128xf32, #tpu.memory_space<hbm>>
      tpu.enqueue_dma source(%dma_start3A_86 : memref<50x128xf32, #tpu.memory_space<hbm>>) target(%arg8 : memref<50x128xf32, #tpu.memory_space<vmem>>) target_semaphore(%run_scoped3A : memref<!tpu.dma_semaphore, #tpu.memory_space<semaphore_mem>>)
      %dma_wait3A = arith.constant 0 : i32
      %dma_wait3A_87 = tpu.memref_slice %arg3[%dma_wait3A, %mul3A_20] : memref<50x1024xf32, #tpu.memory_space<hbm>> -> memref<50x128xf32, #tpu.memory_space<hbm>>
      %dma_wait3A_88 = arith.constant 0 : i32
      %dma_wait3A_89 = tpu.memref_slice %arg3[%dma_wait3A_88, %mul3A_20] : memref<50x1024xf32, #tpu.memory_space<hbm>> -> memref<50x128xf32, #tpu.memory_space<hbm>>
      tpu.wait_dma2 semaphore(%run_scoped3A : memref<!tpu.dma_semaphore, #tpu.memory_space<semaphore_mem>>) src(%dma_wait3A_89 : memref<50x128xf32, #tpu.memory_space<hbm>>) dst(%arg8 : memref<50x128xf32, #tpu.memory_space<vmem>>)
      tpu.yield
    }) : () -> ()
    "tpu.region"() ({
      %run_scoped3A = tpu.sem_alloc : memref<!tpu.dma_semaphore, #tpu.memory_space<semaphore_mem>>
      %dma_start3A = arith.constant 0 : i32
      %dma_start3A_84 = tpu.memref_slice %arg4[%dma_start3A, %mul3A_20] : memref<50x1024xf32, #tpu.memory_space<hbm>> -> memref<50x128xf32, #tpu.memory_space<hbm>>
      %dma_start3A_85 = arith.constant 0 : i32
      %dma_start3A_86 = tpu.memref_slice %arg4[%dma_start3A_85, %mul3A_20] : memref<50x1024xf32, #tpu.memory_space<hbm>> -> memref<50x128xf32, #tpu.memory_space<hbm>>
      tpu.enqueue_dma source(%dma_start3A_86 : memref<50x128xf32, #tpu.memory_space<hbm>>) target(%arg9 : memref<50x128xf32, #tpu.memory_space<vmem>>) target_semaphore(%run_scoped3A : memref<!tpu.dma_semaphore, #tpu.memory_space<semaphore_mem>>)
      %dma_wait3A = arith.constant 0 : i32
      %dma_wait3A_87 = tpu.memref_slice %arg4[%dma_wait3A, %mul3A_20] : memref<50x1024xf32, #tpu.memory_space<hbm>> -> memref<50x128xf32, #tpu.memory_space<hbm>>
      %dma_wait3A_88 = arith.constant 0 : i32
      %dma_wait3A_89 = tpu.memref_slice %arg4[%dma_wait3A_88, %mul3A_20] : memref<50x1024xf32, #tpu.memory_space<hbm>> -> memref<50x128xf32, #tpu.memory_space<hbm>>
      tpu.wait_dma2 semaphore(%run_scoped3A : memref<!tpu.dma_semaphore, #tpu.memory_space<semaphore_mem>>) src(%dma_wait3A_89 : memref<50x128xf32, #tpu.memory_space<hbm>>) dst(%arg9 : memref<50x128xf32, #tpu.memory_space<vmem>>)
      tpu.yield
    }) : () -> ()
    %eq3A = arith.constant 0 : i32
    %eq3A_21 = arith.cmpi eq, %select_n3A, %eq3A : i32
    %jit3A_22 = arith.constant 4 : i32
    %select_n3A_23 = arith.select %eq3A_21, %jit3A_22, %select_n3A : i32
    %sub3A_24 = arith.constant 49 : i32
    %sub3A_25 = arith.subi %sub3A_24, %select_n3A_23 : i32
    %jit3A_26 = arith.constant 4 : i32
    %div3A_27 = arith.divsi %sub3A_25, %jit3A_26 : i32
    %sign3A_28 = arith.constant 0 : i32
    %sign3A_29 = arith.cmpi sgt, %sub3A_25, %sign3A_28 : i32
    %sign3A_30 = arith.extui %sign3A_29 : i1 to i32
    %sign3A_31 = arith.constant 0 : i32
    %sign3A_32 = arith.cmpi slt, %sub3A_25, %sign3A_31 : i32
    %sign3A_33 = arith.extui %sign3A_32 : i1 to i32
    %sign3A_34 = arith.subi %sign3A_30, %sign3A_33 : i32
    %sign3A_35 = arith.constant 0 : i32
    %sign3A_36 = arith.cmpi sgt, %jit3A_26, %sign3A_35 : i32
    %sign3A_37 = arith.extui %sign3A_36 : i1 to i32
    %sign3A_38 = arith.constant 0 : i32
    %sign3A_39 = arith.cmpi slt, %jit3A_26, %sign3A_38 : i32
    %sign3A_40 = arith.extui %sign3A_39 : i1 to i32
    %sign3A_41 = arith.subi %sign3A_37, %sign3A_40 : i32
    %ne3A_42 = arith.cmpi ne, %sign3A_34, %sign3A_41 : i32
    %rem3A_43 = arith.remsi %sub3A_25, %jit3A_26 : i32
    %ne3A_44 = arith.constant 0 : i32
    %ne3A_45 = arith.cmpi ne, %rem3A_43, %ne3A_44 : i32
    %and3A_46 = arith.andi %ne3A_42, %ne3A_45 : i1
    %sub3A_47 = arith.constant 1 : i32
    %sub3A_48 = arith.subi %div3A_27, %sub3A_47 : i32
    %select_n3A_49 = arith.select %and3A_46, %sub3A_48, %div3A_27 : i32
    %add3A_50 = arith.constant 1 : i32
    %add3A_51 = arith.addi %select_n3A_49, %add3A_50 : i32
    %broadcast_in_dim3A = arith.constant 0.000000e+00 : f32
    %broadcast_in_dim3A_52 = vector.broadcast %broadcast_in_dim3A : f32 to vector<16xf32>
    %while3A = arith.constant 0 : i32
    %while3A_53 = arith.subi %add3A_51, %while3A : i32
    %while3A_54 = arith.addi %while3A, %while3A_53 : i32
    %while3A_55 = arith.constant 1 : i32
    %while3A_56 = arith.divsi %while3A_53, %while3A_55 : i32
    %while3A_57 = arith.muli %while3A_56, %while3A_55 : i32
    %while3A_58 = arith.addi %while3A, %while3A_57 : i32
    %while3A_59 = arith.constant 1 : i32
    %while3A_60:16 = scf.for %while3A_84 = %while3A to %while3A_58 step %while3A_59 iter_args(%while3A_85 = %broadcast_in_dim3A_52, %while3A_86 = %broadcast_in_dim3A_52, %while3A_87 = %broadcast_in_dim3A_52, %while3A_88 = %broadcast_in_dim3A_52, %while3A_89 = %broadcast_in_dim3A_52, %while3A_90 = %broadcast_in_dim3A_52, %while3A_91 = %broadcast_in_dim3A_52, %while3A_92 = %broadcast_in_dim3A_52, %while3A_93 = %broadcast_in_dim3A_52, %while3A_94 = %broadcast_in_dim3A_52, %while3A_95 = %broadcast_in_dim3A_52, %while3A_96 = %broadcast_in_dim3A_52, %while3A_97 = %broadcast_in_dim3A_52, %while3A_98 = %broadcast_in_dim3A_52, %while3A_99 = %broadcast_in_dim3A_52, %while3A_100 = %broadcast_in_dim3A_52) -> (vector<16xf32>, vector<16xf32>, vector<16xf32>, vector<16xf32>, vector<16xf32>, vector<16xf32>, vector<16xf32>, vector<16xf32>, vector<16xf32>, vector<16xf32>, vector<16xf32>, vector<16xf32>, vector<16xf32>, vector<16xf32>, vector<16xf32>, vector<16xf32>)  : i32 {
      %mul3A_101 = arith.constant 4 : i32
      %mul3A_102 = arith.muli %mul3A_101, %while3A_84 : i32
      %add3A_103 = arith.addi %select_n3A_23, %mul3A_102 : i32
      %get3A = arith.index_cast %add3A_103 : i32 to index
      %get3A_104 = arith.constant 0 : index
      %get3A_105 = tpu.vector_load %arg7[%get3A, %get3A_104] {strides = array<i32>} : memref<50x128xf32, #tpu.memory_space<vmem>>, vector<1x16xf32>,
      %get3A_106 = vector.shape_cast %get3A_105 : vector<1x16xf32> to vector<16xf32>
      %get3A_107 = arith.index_cast %add3A_103 : i32 to index
      %get3A_108 = arith.constant 16 : index
      %get3A_109 = tpu.vector_load %arg7[%get3A_107, %get3A_108] {strides = array<i32>} : memref<50x128xf32, #tpu.memory_space<vmem>>, vector<1x16xf32>,
      %get3A_110 = vector.shape_cast %get3A_109 : vector<1x16xf32> to vector<16xf32>
      %get3A_111 = arith.index_cast %add3A_103 : i32 to index
      %get3A_112 = arith.constant 32 : index
      %get3A_113 = tpu.vector_load %arg7[%get3A_111, %get3A_112] {strides = array<i32>} : memref<50x128xf32, #tpu.memory_space<vmem>>, vector<1x16xf32>,
      %get3A_114 = vector.shape_cast %get3A_113 : vector<1x16xf32> to vector<16xf32>
      %get3A_115 = arith.index_cast %add3A_103 : i32 to index
      %get3A_116 = arith.constant 48 : index
      %get3A_117 = tpu.vector_load %arg7[%get3A_115, %get3A_116] {strides = array<i32>} : memref<50x128xf32, #tpu.memory_space<vmem>>, vector<1x16xf32>,
      %get3A_118 = vector.shape_cast %get3A_117 : vector<1x16xf32> to vector<16xf32>
      %get3A_119 = arith.index_cast %add3A_103 : i32 to index
      %get3A_120 = arith.constant 64 : index
      %get3A_121 = tpu.vector_load %arg7[%get3A_119, %get3A_120] {strides = array<i32>} : memref<50x128xf32, #tpu.memory_space<vmem>>, vector<1x16xf32>,
      %get3A_122 = vector.shape_cast %get3A_121 : vector<1x16xf32> to vector<16xf32>
      %get3A_123 = arith.index_cast %add3A_103 : i32 to index
      %get3A_124 = arith.constant 80 : index
      %get3A_125 = tpu.vector_load %arg7[%get3A_123, %get3A_124] {strides = array<i32>} : memref<50x128xf32, #tpu.memory_space<vmem>>, vector<1x16xf32>,
      %get3A_126 = vector.shape_cast %get3A_125 : vector<1x16xf32> to vector<16xf32>
      %get3A_127 = arith.index_cast %add3A_103 : i32 to index
      %get3A_128 = arith.constant 96 : index
      %get3A_129 = tpu.vector_load %arg7[%get3A_127, %get3A_128] {strides = array<i32>} : memref<50x128xf32, #tpu.memory_space<vmem>>, vector<1x16xf32>,
      %get3A_130 = vector.shape_cast %get3A_129 : vector<1x16xf32> to vector<16xf32>
      %get3A_131 = arith.index_cast %add3A_103 : i32 to index
      %get3A_132 = arith.constant 112 : index
      %get3A_133 = tpu.vector_load %arg7[%get3A_131, %get3A_132] {strides = array<i32>} : memref<50x128xf32, #tpu.memory_space<vmem>>, vector<1x16xf32>,
      %get3A_134 = vector.shape_cast %get3A_133 : vector<1x16xf32> to vector<16xf32>
      %get3A_135 = arith.index_cast %add3A_103 : i32 to index
      %get3A_136 = arith.constant 0 : index
      %get3A_137 = tpu.vector_load %arg8[%get3A_135, %get3A_136] {strides = array<i32>} : memref<50x128xf32, #tpu.memory_space<vmem>>, vector<1x16xf32>,
      %get3A_138 = vector.shape_cast %get3A_137 : vector<1x16xf32> to vector<16xf32>
      %get3A_139 = arith.index_cast %add3A_103 : i32 to index
      %get3A_140 = arith.constant 16 : index
      %get3A_141 = tpu.vector_load %arg8[%get3A_139, %get3A_140] {strides = array<i32>} : memref<50x128xf32, #tpu.memory_space<vmem>>, vector<1x16xf32>,
      %get3A_142 = vector.shape_cast %get3A_141 : vector<1x16xf32> to vector<16xf32>
      %get3A_143 = arith.index_cast %add3A_103 : i32 to index
      %get3A_144 = arith.constant 32 : index
      %get3A_145 = tpu.vector_load %arg8[%get3A_143, %get3A_144] {strides = array<i32>} : memref<50x128xf32, #tpu.memory_space<vmem>>, vector<1x16xf32>,
      %get3A_146 = vector.shape_cast %get3A_145 : vector<1x16xf32> to vector<16xf32>
      %get3A_147 = arith.index_cast %add3A_103 : i32 to index
      %get3A_148 = arith.constant 48 : index
      %get3A_149 = tpu.vector_load %arg8[%get3A_147, %get3A_148] {strides = array<i32>} : memref<50x128xf32, #tpu.memory_space<vmem>>, vector<1x16xf32>,
      %get3A_150 = vector.shape_cast %get3A_149 : vector<1x16xf32> to vector<16xf32>
      %get3A_151 = arith.index_cast %add3A_103 : i32 to index
      %get3A_152 = arith.constant 64 : index
      %get3A_153 = tpu.vector_load %arg8[%get3A_151, %get3A_152] {strides = array<i32>} : memref<50x128xf32, #tpu.memory_space<vmem>>, vector<1x16xf32>,
      %get3A_154 = vector.shape_cast %get3A_153 : vector<1x16xf32> to vector<16xf32>
      %get3A_155 = arith.index_cast %add3A_103 : i32 to index
      %get3A_156 = arith.constant 80 : index
      %get3A_157 = tpu.vector_load %arg8[%get3A_155, %get3A_156] {strides = array<i32>} : memref<50x128xf32, #tpu.memory_space<vmem>>, vector<1x16xf32>,
      %get3A_158 = vector.shape_cast %get3A_157 : vector<1x16xf32> to vector<16xf32>
      %get3A_159 = arith.index_cast %add3A_103 : i32 to index
      %get3A_160 = arith.constant 96 : index
      %get3A_161 = tpu.vector_load %arg8[%get3A_159, %get3A_160] {strides = array<i32>} : memref<50x128xf32, #tpu.memory_space<vmem>>, vector<1x16xf32>,
      %get3A_162 = vector.shape_cast %get3A_161 : vector<1x16xf32> to vector<16xf32>
      %get3A_163 = arith.index_cast %add3A_103 : i32 to index
      %get3A_164 = arith.constant 112 : index
      %get3A_165 = tpu.vector_load %arg8[%get3A_163, %get3A_164] {strides = array<i32>} : memref<50x128xf32, #tpu.memory_space<vmem>>, vector<1x16xf32>,
      %get3A_166 = vector.shape_cast %get3A_165 : vector<1x16xf32> to vector<16xf32>
      %get3A_167 = arith.index_cast %add3A_103 : i32 to index
      %get3A_168 = arith.constant 0 : index
      %get3A_169 = tpu.vector_load %arg9[%get3A_167, %get3A_168] {strides = array<i32>} : memref<50x128xf32, #tpu.memory_space<vmem>>, vector<1x16xf32>,
      %get3A_170 = vector.shape_cast %get3A_169 : vector<1x16xf32> to vector<16xf32>
      %get3A_171 = arith.index_cast %add3A_103 : i32 to index
      %get3A_172 = arith.constant 16 : index
      %get3A_173 = tpu.vector_load %arg9[%get3A_171, %get3A_172] {strides = array<i32>} : memref<50x128xf32, #tpu.memory_space<vmem>>, vector<1x16xf32>,
      %get3A_174 = vector.shape_cast %get3A_173 : vector<1x16xf32> to vector<16xf32>
      %get3A_175 = arith.index_cast %add3A_103 : i32 to index
      %get3A_176 = arith.constant 32 : index
      %get3A_177 = tpu.vector_load %arg9[%get3A_175, %get3A_176] {strides = array<i32>} : memref<50x128xf32, #tpu.memory_space<vmem>>, vector<1x16xf32>,
      %get3A_178 = vector.shape_cast %get3A_177 : vector<1x16xf32> to vector<16xf32>
      %get3A_179 = arith.index_cast %add3A_103 : i32 to index
      %get3A_180 = arith.constant 48 : index
      %get3A_181 = tpu.vector_load %arg9[%get3A_179, %get3A_180] {strides = array<i32>} : memref<50x128xf32, #tpu.memory_space<vmem>>, vector<1x16xf32>,
      %get3A_182 = vector.shape_cast %get3A_181 : vector<1x16xf32> to vector<16xf32>
      %get3A_183 = arith.index_cast %add3A_103 : i32 to index
      %get3A_184 = arith.constant 64 : index
      %get3A_185 = tpu.vector_load %arg9[%get3A_183, %get3A_184] {strides = array<i32>} : memref<50x128xf32, #tpu.memory_space<vmem>>, vector<1x16xf32>,
      %get3A_186 = vector.shape_cast %get3A_185 : vector<1x16xf32> to vector<16xf32>
      %get3A_187 = arith.index_cast %add3A_103 : i32 to index
      %get3A_188 = arith.constant 80 : index
      %get3A_189 = tpu.vector_load %arg9[%get3A_187, %get3A_188] {strides = array<i32>} : memref<50x128xf32, #tpu.memory_space<vmem>>, vector<1x16xf32>,
      %get3A_190 = vector.shape_cast %get3A_189 : vector<1x16xf32> to vector<16xf32>
      %get3A_191 = arith.index_cast %add3A_103 : i32 to index
      %get3A_192 = arith.constant 96 : index
      %get3A_193 = tpu.vector_load %arg9[%get3A_191, %get3A_192] {strides = array<i32>} : memref<50x128xf32, #tpu.memory_space<vmem>>, vector<1x16xf32>,
      %get3A_194 = vector.shape_cast %get3A_193 : vector<1x16xf32> to vector<16xf32>
      %get3A_195 = arith.index_cast %add3A_103 : i32 to index
      %get3A_196 = arith.constant 112 : index
      %get3A_197 = tpu.vector_load %arg9[%get3A_195, %get3A_196] {strides = array<i32>} : memref<50x128xf32, #tpu.memory_space<vmem>>, vector<1x16xf32>,
      %get3A_198 = vector.shape_cast %get3A_197 : vector<1x16xf32> to vector<16xf32>
      %while3A_199 = arith.constant 0 : i32
      %while3A_200 = arith.subi %add3A_103, %while3A_199 : i32
      %while3A_201 = arith.addi %while3A_199, %while3A_200 : i32
      %while3A_202 = arith.constant 1 : i32
      %while3A_203 = arith.divsi %while3A_200, %while3A_202 : i32
      %while3A_204 = arith.muli %while3A_203, %while3A_202 : i32
      %while3A_205 = arith.addi %while3A_199, %while3A_204 : i32
      %while3A_206 = arith.constant 1 : i32
      %while3A_207:16 = scf.for %while3A_210 = %while3A_199 to %while3A_205 step %while3A_206 iter_args(%while3A_211 = %while3A_85, %while3A_212 = %while3A_86, %while3A_213 = %while3A_87, %while3A_214 = %while3A_88, %while3A_215 = %while3A_89, %while3A_216 = %while3A_90, %while3A_217 = %while3A_91, %while3A_218 = %while3A_92, %while3A_219 = %while3A_93, %while3A_220 = %while3A_94, %while3A_221 = %while3A_95, %while3A_222 = %while3A_96, %while3A_223 = %while3A_97, %while3A_224 = %while3A_98, %while3A_225 = %while3A_99, %while3A_226 = %while3A_100) -> (vector<16xf32>, vector<16xf32>, vector<16xf32>, vector<16xf32>, vector<16xf32>, vector<16xf32>, vector<16xf32>, vector<16xf32>, vector<16xf32>, vector<16xf32>, vector<16xf32>, vector<16xf32>, vector<16xf32>, vector<16xf32>, vector<16xf32>, vector<16xf32>)  : i32 {
        %get3A_227 = arith.index_cast %while3A_210 : i32 to index
        %get3A_228 = arith.constant 0 : index
        %get3A_229 = tpu.vector_load %arg7[%get3A_227, %get3A_228] {strides = array<i32>} : memref<50x128xf32, #tpu.memory_space<vmem>>, vector<1x16xf32>,
        %get3A_230 = vector.shape_cast %get3A_229 : vector<1x16xf32> to vector<16xf32>
        %get3A_231 = arith.index_cast %while3A_210 : i32 to index
        %get3A_232 = arith.constant 0 : index
        %get3A_233 = tpu.vector_load %arg8[%get3A_231, %get3A_232] {strides = array<i32>} : memref<50x128xf32, #tpu.memory_space<vmem>>, vector<1x16xf32>,
        %get3A_234 = vector.shape_cast %get3A_233 : vector<1x16xf32> to vector<16xf32>
        %get3A_235 = arith.index_cast %while3A_210 : i32 to index
        %get3A_236 = arith.constant 0 : index
        %get3A_237 = tpu.vector_load %arg9[%get3A_235, %get3A_236] {strides = array<i32>} : memref<50x128xf32, #tpu.memory_space<vmem>>, vector<1x16xf32>,
        %get3A_238 = vector.shape_cast %get3A_237 : vector<1x16xf32> to vector<16xf32>
        %sub3A_239 = arith.subf %get3A_138, %get3A_234 : vector<16xf32>
        %sub3A_240 = arith.subf %get3A_230, %get3A_106 : vector<16xf32>
        %abs3A = math.absf %sub3A_240 : vector<16xf32>
        %mul3A_241 = arith.mulf %sub3A_240, %sub3A_239 : vector<16xf32>
        %lt3A = arith.constant 0.000000e+00 : f32
        %lt3A_242 = vector.broadcast %lt3A : f32 to vector<16xf32>
        %lt3A_243 = arith.cmpf olt, %mul3A_241, %lt3A_242 : vector<16xf32>
        %jit3A_244 = arith.constant 0.000000e+00 : f32
        %broadcast_in_dim3A_245 = vector.broadcast %jit3A_244 : f32 to vector<16xf32>
        %select_n3A_246 = arith.select %lt3A_243, %abs3A, %broadcast_in_dim3A_245 : vector<16xi1>, vector<16xf32>
        %neg3A = arith.constant 0.000000e+00 : f32
        %neg3A_247 = vector.broadcast %neg3A : f32 to vector<16xf32>
        %neg3A_248 = arith.subf %neg3A_247, %abs3A : vector<16xf32>
        %exp3A = math.exp %neg3A_248 : vector<16xf32>
        %mul3A_249 = arith.constant -0.0174140781 : f32
        %mul3A_250 = vector.broadcast %mul3A_249 : f32 to vector<16xf32>
        %mul3A_251 = arith.mulf %mul3A_250, %exp3A : vector<16xf32>
        %add3A_252 = arith.constant 0.0826912373 : f32
        %add3A_253 = vector.broadcast %add3A_252 : f32 to vector<16xf32>
        %add3A_254 = arith.addf %mul3A_251, %add3A_253 : vector<16xf32>
        %mul3A_255 = arith.mulf %add3A_254, %exp3A : vector<16xf32>
        %add3A_256 = arith.constant -0.190354332 : f32
        %add3A_257 = vector.broadcast %add3A_256 : f32 to vector<16xf32>
        %add3A_258 = arith.addf %mul3A_255, %add3A_257 : vector<16xf32>
        %mul3A_259 = arith.mulf %add3A_258, %exp3A : vector<16xf32>
        %add3A_260 = arith.constant 0.315747321 : f32
        %add3A_261 = vector.broadcast %add3A_260 : f32 to vector<16xf32>
        %add3A_262 = arith.addf %mul3A_259, %add3A_261 : vector<16xf32>
        %mul3A_263 = arith.mulf %add3A_262, %exp3A : vector<16xf32>
        %add3A_264 = arith.constant -0.497373223 : f32
        %add3A_265 = vector.broadcast %add3A_264 : f32 to vector<16xf32>
        %add3A_266 = arith.addf %mul3A_263, %add3A_265 : vector<16xf32>
        %mul3A_267 = arith.mulf %add3A_266, %exp3A : vector<16xf32>
        %add3A_268 = arith.constant 0.99984771 : f32
        %add3A_269 = vector.broadcast %add3A_268 : f32 to vector<16xf32>
        %add3A_270 = arith.addf %mul3A_267, %add3A_269 : vector<16xf32>
        %mul3A_271 = arith.mulf %add3A_270, %exp3A : vector<16xf32>
        %add3A_272 = arith.constant 1.47206504E-6 : f32
        %add3A_273 = vector.broadcast %add3A_272 : f32 to vector<16xf32>
        %add3A_274 = arith.addf %mul3A_271, %add3A_273 : vector<16xf32>
        %add3A_275 = arith.addf %select_n3A_246, %add3A_274 : vector<16xf32>
        %abs3A_276 = math.absf %sub3A_239 : vector<16xf32>
        %gt3A = arith.constant 9.99999997E-7 : f32
        %gt3A_277 = vector.broadcast %gt3A : f32 to vector<16xf32>
        %gt3A_278 = arith.cmpf ogt, %abs3A_276, %gt3A_277 : vector<16xf32>
        %mul3A_279 = arith.mulf %get3A_238, %get3A_170 : vector<16xf32>
        %jit3A_280 = arith.constant 0.000000e+00 : f32
        %broadcast_in_dim3A_281 = vector.broadcast %jit3A_280 : f32 to vector<16xf32>
        %select_n3A_282 = arith.select %gt3A_278, %mul3A_279, %broadcast_in_dim3A_281 : vector<16xi1>, vector<16xf32>
        %mul3A_283 = arith.mulf %add3A_275, %select_n3A_282 : vector<16xf32>
        %add3A_284 = arith.addf %while3A_211, %mul3A_283 : vector<16xf32>
        %add3A_285 = arith.addf %while3A_212, %select_n3A_282 : vector<16xf32>
        %get3A_286 = arith.index_cast %while3A_210 : i32 to index
        %get3A_287 = arith.constant 16 : index
        %get3A_288 = tpu.vector_load %arg7[%get3A_286, %get3A_287] {strides = array<i32>} : memref<50x128xf32, #tpu.memory_space<vmem>>, vector<1x16xf32>,
        %get3A_289 = vector.shape_cast %get3A_288 : vector<1x16xf32> to vector<16xf32>
        %get3A_290 = arith.index_cast %while3A_210 : i32 to index
        %get3A_291 = arith.constant 16 : index
        %get3A_292 = tpu.vector_load %arg8[%get3A_290, %get3A_291] {strides = array<i32>} : memref<50x128xf32, #tpu.memory_space<vmem>>, vector<1x16xf32>,
        %get3A_293 = vector.shape_cast %get3A_292 : vector<1x16xf32> to vector<16xf32>
        %get3A_294 = arith.index_cast %while3A_210 : i32 to index
        %get3A_295 = arith.constant 16 : index
        %get3A_296 = tpu.vector_load %arg9[%get3A_294, %get3A_295] {strides = array<i32>} : memref<50x128xf32, #tpu.memory_space<vmem>>, vector<1x16xf32>,
        %get3A_297 = vector.shape_cast %get3A_296 : vector<1x16xf32> to vector<16xf32>
        %sub3A_298 = arith.subf %get3A_142, %get3A_293 : vector<16xf32>
        %sub3A_299 = arith.subf %get3A_289, %get3A_110 : vector<16xf32>
        %abs3A_300 = math.absf %sub3A_299 : vector<16xf32>
        %mul3A_301 = arith.mulf %sub3A_299, %sub3A_298 : vector<16xf32>
        %lt3A_302 = arith.constant 0.000000e+00 : f32
        %lt3A_303 = vector.broadcast %lt3A_302 : f32 to vector<16xf32>
        %lt3A_304 = arith.cmpf olt, %mul3A_301, %lt3A_303 : vector<16xf32>
        %jit3A_305 = arith.constant 0.000000e+00 : f32
        %broadcast_in_dim3A_306 = vector.broadcast %jit3A_305 : f32 to vector<16xf32>
        %select_n3A_307 = arith.select %lt3A_304, %abs3A_300, %broadcast_in_dim3A_306 : vector<16xi1>, vector<16xf32>
        %neg3A_308 = arith.constant 0.000000e+00 : f32
        %neg3A_309 = vector.broadcast %neg3A_308 : f32 to vector<16xf32>
        %neg3A_310 = arith.subf %neg3A_309, %abs3A_300 : vector<16xf32>
        %exp3A_311 = math.exp %neg3A_310 : vector<16xf32>
        %mul3A_312 = arith.constant -0.0174140781 : f32
        %mul3A_313 = vector.broadcast %mul3A_312 : f32 to vector<16xf32>
        %mul3A_314 = arith.mulf %mul3A_313, %exp3A_311 : vector<16xf32>
        %add3A_315 = arith.constant 0.0826912373 : f32
        %add3A_316 = vector.broadcast %add3A_315 : f32 to vector<16xf32>
        %add3A_317 = arith.addf %mul3A_314, %add3A_316 : vector<16xf32>
        %mul3A_318 = arith.mulf %add3A_317, %exp3A_311 : vector<16xf32>
        %add3A_319 = arith.constant -0.190354332 : f32
        %add3A_320 = vector.broadcast %add3A_319 : f32 to vector<16xf32>
        %add3A_321 = arith.addf %mul3A_318, %add3A_320 : vector<16xf32>
        %mul3A_322 = arith.mulf %add3A_321, %exp3A_311 : vector<16xf32>
        %add3A_323 = arith.constant 0.315747321 : f32
        %add3A_324 = vector.broadcast %add3A_323 : f32 to vector<16xf32>
        %add3A_325 = arith.addf %mul3A_322, %add3A_324 : vector<16xf32>
        %mul3A_326 = arith.mulf %add3A_325, %exp3A_311 : vector<16xf32>
        %add3A_327 = arith.constant -0.497373223 : f32
        %add3A_328 = vector.broadcast %add3A_327 : f32 to vector<16xf32>
        %add3A_329 = arith.addf %mul3A_326, %add3A_328 : vector<16xf32>
        %mul3A_330 = arith.mulf %add3A_329, %exp3A_311 : vector<16xf32>
        %add3A_331 = arith.constant 0.99984771 : f32
        %add3A_332 = vector.broadcast %add3A_331 : f32 to vector<16xf32>
        %add3A_333 = arith.addf %mul3A_330, %add3A_332 : vector<16xf32>
        %mul3A_334 = arith.mulf %add3A_333, %exp3A_311 : vector<16xf32>
        %add3A_335 = arith.constant 1.47206504E-6 : f32
        %add3A_336 = vector.broadcast %add3A_335 : f32 to vector<16xf32>
        %add3A_337 = arith.addf %mul3A_334, %add3A_336 : vector<16xf32>
        %add3A_338 = arith.addf %select_n3A_307, %add3A_337 : vector<16xf32>
        %abs3A_339 = math.absf %sub3A_298 : vector<16xf32>
        %gt3A_340 = arith.constant 9.99999997E-7 : f32
        %gt3A_341 = vector.broadcast %gt3A_340 : f32 to vector<16xf32>
        %gt3A_342 = arith.cmpf ogt, %abs3A_339, %gt3A_341 : vector<16xf32>
        %mul3A_343 = arith.mulf %get3A_297, %get3A_174 : vector<16xf32>
        %jit3A_344 = arith.constant 0.000000e+00 : f32
        %broadcast_in_dim3A_345 = vector.broadcast %jit3A_344 : f32 to vector<16xf32>
        %select_n3A_346 = arith.select %gt3A_342, %mul3A_343, %broadcast_in_dim3A_345 : vector<16xi1>, vector<16xf32>
        %mul3A_347 = arith.mulf %add3A_338, %select_n3A_346 : vector<16xf32>
        %add3A_348 = arith.addf %while3A_213, %mul3A_347 : vector<16xf32>
        %add3A_349 = arith.addf %while3A_214, %select_n3A_346 : vector<16xf32>
        %get3A_350 = arith.index_cast %while3A_210 : i32 to index
        %get3A_351 = arith.constant 32 : index
        %get3A_352 = tpu.vector_load %arg7[%get3A_350, %get3A_351] {strides = array<i32>} : memref<50x128xf32, #tpu.memory_space<vmem>>, vector<1x16xf32>,
        %get3A_353 = vector.shape_cast %get3A_352 : vector<1x16xf32> to vector<16xf32>
        %get3A_354 = arith.index_cast %while3A_210 : i32 to index
        %get3A_355 = arith.constant 32 : index
        %get3A_356 = tpu.vector_load %arg8[%get3A_354, %get3A_355] {strides = array<i32>} : memref<50x128xf32, #tpu.memory_space<vmem>>, vector<1x16xf32>,
        %get3A_357 = vector.shape_cast %get3A_356 : vector<1x16xf32> to vector<16xf32>
        %get3A_358 = arith.index_cast %while3A_210 : i32 to index
        %get3A_359 = arith.constant 32 : index
        %get3A_360 = tpu.vector_load %arg9[%get3A_358, %get3A_359] {strides = array<i32>} : memref<50x128xf32, #tpu.memory_space<vmem>>, vector<1x16xf32>,
        %get3A_361 = vector.shape_cast %get3A_360 : vector<1x16xf32> to vector<16xf32>
        %sub3A_362 = arith.subf %get3A_146, %get3A_357 : vector<16xf32>
        %sub3A_363 = arith.subf %get3A_353, %get3A_114 : vector<16xf32>
        %abs3A_364 = math.absf %sub3A_363 : vector<16xf32>
        %mul3A_365 = arith.mulf %sub3A_363, %sub3A_362 : vector<16xf32>
        %lt3A_366 = arith.constant 0.000000e+00 : f32
        %lt3A_367 = vector.broadcast %lt3A_366 : f32 to vector<16xf32>
        %lt3A_368 = arith.cmpf olt, %mul3A_365, %lt3A_367 : vector<16xf32>
        %jit3A_369 = arith.constant 0.000000e+00 : f32
        %broadcast_in_dim3A_370 = vector.broadcast %jit3A_369 : f32 to vector<16xf32>
        %select_n3A_371 = arith.select %lt3A_368, %abs3A_364, %broadcast_in_dim3A_370 : vector<16xi1>, vector<16xf32>
        %neg3A_372 = arith.constant 0.000000e+00 : f32
        %neg3A_373 = vector.broadcast %neg3A_372 : f32 to vector<16xf32>
        %neg3A_374 = arith.subf %neg3A_373, %abs3A_364 : vector<16xf32>
        %exp3A_375 = math.exp %neg3A_374 : vector<16xf32>
        %mul3A_376 = arith.constant -0.0174140781 : f32
        %mul3A_377 = vector.broadcast %mul3A_376 : f32 to vector<16xf32>
        %mul3A_378 = arith.mulf %mul3A_377, %exp3A_375 : vector<16xf32>
        %add3A_379 = arith.constant 0.0826912373 : f32
        %add3A_380 = vector.broadcast %add3A_379 : f32 to vector<16xf32>
        %add3A_381 = arith.addf %mul3A_378, %add3A_380 : vector<16xf32>
        %mul3A_382 = arith.mulf %add3A_381, %exp3A_375 : vector<16xf32>
        %add3A_383 = arith.constant -0.190354332 : f32
        %add3A_384 = vector.broadcast %add3A_383 : f32 to vector<16xf32>
        %add3A_385 = arith.addf %mul3A_382, %add3A_384 : vector<16xf32>
        %mul3A_386 = arith.mulf %add3A_385, %exp3A_375 : vector<16xf32>
        %add3A_387 = arith.constant 0.315747321 : f32
        %add3A_388 = vector.broadcast %add3A_387 : f32 to vector<16xf32>
        %add3A_389 = arith.addf %mul3A_386, %add3A_388 : vector<16xf32>
        %mul3A_390 = arith.mulf %add3A_389, %exp3A_375 : vector<16xf32>
        %add3A_391 = arith.constant -0.497373223 : f32
        %add3A_392 = vector.broadcast %add3A_391 : f32 to vector<16xf32>
        %add3A_393 = arith.addf %mul3A_390, %add3A_392 : vector<16xf32>
        %mul3A_394 = arith.mulf %add3A_393, %exp3A_375 : vector<16xf32>
        %add3A_395 = arith.constant 0.99984771 : f32
        %add3A_396 = vector.broadcast %add3A_395 : f32 to vector<16xf32>
        %add3A_397 = arith.addf %mul3A_394, %add3A_396 : vector<16xf32>
        %mul3A_398 = arith.mulf %add3A_397, %exp3A_375 : vector<16xf32>
        %add3A_399 = arith.constant 1.47206504E-6 : f32
        %add3A_400 = vector.broadcast %add3A_399 : f32 to vector<16xf32>
        %add3A_401 = arith.addf %mul3A_398, %add3A_400 : vector<16xf32>
        %add3A_402 = arith.addf %select_n3A_371, %add3A_401 : vector<16xf32>
        %abs3A_403 = math.absf %sub3A_362 : vector<16xf32>
        %gt3A_404 = arith.constant 9.99999997E-7 : f32
        %gt3A_405 = vector.broadcast %gt3A_404 : f32 to vector<16xf32>
        %gt3A_406 = arith.cmpf ogt, %abs3A_403, %gt3A_405 : vector<16xf32>
        %mul3A_407 = arith.mulf %get3A_361, %get3A_178 : vector<16xf32>
        %jit3A_408 = arith.constant 0.000000e+00 : f32
        %broadcast_in_dim3A_409 = vector.broadcast %jit3A_408 : f32 to vector<16xf32>
        %select_n3A_410 = arith.select %gt3A_406, %mul3A_407, %broadcast_in_dim3A_409 : vector<16xi1>, vector<16xf32>
        %mul3A_411 = arith.mulf %add3A_402, %select_n3A_410 : vector<16xf32>
        %add3A_412 = arith.addf %while3A_215, %mul3A_411 : vector<16xf32>
        %add3A_413 = arith.addf %while3A_216, %select_n3A_410 : vector<16xf32>
        %get3A_414 = arith.index_cast %while3A_210 : i32 to index
        %get3A_415 = arith.constant 48 : index
        %get3A_416 = tpu.vector_load %arg7[%get3A_414, %get3A_415] {strides = array<i32>} : memref<50x128xf32, #tpu.memory_space<vmem>>, vector<1x16xf32>,
        %get3A_417 = vector.shape_cast %get3A_416 : vector<1x16xf32> to vector<16xf32>
        %get3A_418 = arith.index_cast %while3A_210 : i32 to index
        %get3A_419 = arith.constant 48 : index
        %get3A_420 = tpu.vector_load %arg8[%get3A_418, %get3A_419] {strides = array<i32>} : memref<50x128xf32, #tpu.memory_space<vmem>>, vector<1x16xf32>,
        %get3A_421 = vector.shape_cast %get3A_420 : vector<1x16xf32> to vector<16xf32>
        %get3A_422 = arith.index_cast %while3A_210 : i32 to index
        %get3A_423 = arith.constant 48 : index
        %get3A_424 = tpu.vector_load %arg9[%get3A_422, %get3A_423] {strides = array<i32>} : memref<50x128xf32, #tpu.memory_space<vmem>>, vector<1x16xf32>,
        %get3A_425 = vector.shape_cast %get3A_424 : vector<1x16xf32> to vector<16xf32>
        %sub3A_426 = arith.subf %get3A_150, %get3A_421 : vector<16xf32>
        %sub3A_427 = arith.subf %get3A_417, %get3A_118 : vector<16xf32>
        %abs3A_428 = math.absf %sub3A_427 : vector<16xf32>
        %mul3A_429 = arith.mulf %sub3A_427, %sub3A_426 : vector<16xf32>
        %lt3A_430 = arith.constant 0.000000e+00 : f32
        %lt3A_431 = vector.broadcast %lt3A_430 : f32 to vector<16xf32>
        %lt3A_432 = arith.cmpf olt, %mul3A_429, %lt3A_431 : vector<16xf32>
        %jit3A_433 = arith.constant 0.000000e+00 : f32
        %broadcast_in_dim3A_434 = vector.broadcast %jit3A_433 : f32 to vector<16xf32>
        %select_n3A_435 = arith.select %lt3A_432, %abs3A_428, %broadcast_in_dim3A_434 : vector<16xi1>, vector<16xf32>
        %neg3A_436 = arith.constant 0.000000e+00 : f32
        %neg3A_437 = vector.broadcast %neg3A_436 : f32 to vector<16xf32>
        %neg3A_438 = arith.subf %neg3A_437, %abs3A_428 : vector<16xf32>
        %exp3A_439 = math.exp %neg3A_438 : vector<16xf32>
        %mul3A_440 = arith.constant -0.0174140781 : f32
        %mul3A_441 = vector.broadcast %mul3A_440 : f32 to vector<16xf32>
        %mul3A_442 = arith.mulf %mul3A_441, %exp3A_439 : vector<16xf32>
        %add3A_443 = arith.constant 0.0826912373 : f32
        %add3A_444 = vector.broadcast %add3A_443 : f32 to vector<16xf32>
        %add3A_445 = arith.addf %mul3A_442, %add3A_444 : vector<16xf32>
        %mul3A_446 = arith.mulf %add3A_445, %exp3A_439 : vector<16xf32>
        %add3A_447 = arith.constant -0.190354332 : f32
        %add3A_448 = vector.broadcast %add3A_447 : f32 to vector<16xf32>
        %add3A_449 = arith.addf %mul3A_446, %add3A_448 : vector<16xf32>
        %mul3A_450 = arith.mulf %add3A_449, %exp3A_439 : vector<16xf32>
        %add3A_451 = arith.constant 0.315747321 : f32
        %add3A_452 = vector.broadcast %add3A_451 : f32 to vector<16xf32>
        %add3A_453 = arith.addf %mul3A_450, %add3A_452 : vector<16xf32>
        %mul3A_454 = arith.mulf %add3A_453, %exp3A_439 : vector<16xf32>
        %add3A_455 = arith.constant -0.497373223 : f32
        %add3A_456 = vector.broadcast %add3A_455 : f32 to vector<16xf32>
        %add3A_457 = arith.addf %mul3A_454, %add3A_456 : vector<16xf32>
        %mul3A_458 = arith.mulf %add3A_457, %exp3A_439 : vector<16xf32>
        %add3A_459 = arith.constant 0.99984771 : f32
        %add3A_460 = vector.broadcast %add3A_459 : f32 to vector<16xf32>
        %add3A_461 = arith.addf %mul3A_458, %add3A_460 : vector<16xf32>
        %mul3A_462 = arith.mulf %add3A_461, %exp3A_439 : vector<16xf32>
        %add3A_463 = arith.constant 1.47206504E-6 : f32
        %add3A_464 = vector.broadcast %add3A_463 : f32 to vector<16xf32>
        %add3A_465 = arith.addf %mul3A_462, %add3A_464 : vector<16xf32>
        %add3A_466 = arith.addf %select_n3A_435, %add3A_465 : vector<16xf32>
        %abs3A_467 = math.absf %sub3A_426 : vector<16xf32>
        %gt3A_468 = arith.constant 9.99999997E-7 : f32
        %gt3A_469 = vector.broadcast %gt3A_468 : f32 to vector<16xf32>
        %gt3A_470 = arith.cmpf ogt, %abs3A_467, %gt3A_469 : vector<16xf32>
        %mul3A_471 = arith.mulf %get3A_425, %get3A_182 : vector<16xf32>
        %jit3A_472 = arith.constant 0.000000e+00 : f32
        %broadcast_in_dim3A_473 = vector.broadcast %jit3A_472 : f32 to vector<16xf32>
        %select_n3A_474 = arith.select %gt3A_470, %mul3A_471, %broadcast_in_dim3A_473 : vector<16xi1>, vector<16xf32>
        %mul3A_475 = arith.mulf %add3A_466, %select_n3A_474 : vector<16xf32>
        %add3A_476 = arith.addf %while3A_217, %mul3A_475 : vector<16xf32>
        %add3A_477 = arith.addf %while3A_218, %select_n3A_474 : vector<16xf32>
        %get3A_478 = arith.index_cast %while3A_210 : i32 to index
        %get3A_479 = arith.constant 64 : index
        %get3A_480 = tpu.vector_load %arg7[%get3A_478, %get3A_479] {strides = array<i32>} : memref<50x128xf32, #tpu.memory_space<vmem>>, vector<1x16xf32>,
        %get3A_481 = vector.shape_cast %get3A_480 : vector<1x16xf32> to vector<16xf32>
        %get3A_482 = arith.index_cast %while3A_210 : i32 to index
        %get3A_483 = arith.constant 64 : index
        %get3A_484 = tpu.vector_load %arg8[%get3A_482, %get3A_483] {strides = array<i32>} : memref<50x128xf32, #tpu.memory_space<vmem>>, vector<1x16xf32>,
        %get3A_485 = vector.shape_cast %get3A_484 : vector<1x16xf32> to vector<16xf32>
        %get3A_486 = arith.index_cast %while3A_210 : i32 to index
        %get3A_487 = arith.constant 64 : index
        %get3A_488 = tpu.vector_load %arg9[%get3A_486, %get3A_487] {strides = array<i32>} : memref<50x128xf32, #tpu.memory_space<vmem>>, vector<1x16xf32>,
        %get3A_489 = vector.shape_cast %get3A_488 : vector<1x16xf32> to vector<16xf32>
        %sub3A_490 = arith.subf %get3A_154, %get3A_485 : vector<16xf32>
        %sub3A_491 = arith.subf %get3A_481, %get3A_122 : vector<16xf32>
        %abs3A_492 = math.absf %sub3A_491 : vector<16xf32>
        %mul3A_493 = arith.mulf %sub3A_491, %sub3A_490 : vector<16xf32>
        %lt3A_494 = arith.constant 0.000000e+00 : f32
        %lt3A_495 = vector.broadcast %lt3A_494 : f32 to vector<16xf32>
        %lt3A_496 = arith.cmpf olt, %mul3A_493, %lt3A_495 : vector<16xf32>
        %jit3A_497 = arith.constant 0.000000e+00 : f32
        %broadcast_in_dim3A_498 = vector.broadcast %jit3A_497 : f32 to vector<16xf32>
        %select_n3A_499 = arith.select %lt3A_496, %abs3A_492, %broadcast_in_dim3A_498 : vector<16xi1>, vector<16xf32>
        %neg3A_500 = arith.constant 0.000000e+00 : f32
        %neg3A_501 = vector.broadcast %neg3A_500 : f32 to vector<16xf32>
        %neg3A_502 = arith.subf %neg3A_501, %abs3A_492 : vector<16xf32>
        %exp3A_503 = math.exp %neg3A_502 : vector<16xf32>
        %mul3A_504 = arith.constant -0.0174140781 : f32
        %mul3A_505 = vector.broadcast %mul3A_504 : f32 to vector<16xf32>
        %mul3A_506 = arith.mulf %mul3A_505, %exp3A_503 : vector<16xf32>
        %add3A_507 = arith.constant 0.0826912373 : f32
        %add3A_508 = vector.broadcast %add3A_507 : f32 to vector<16xf32>
        %add3A_509 = arith.addf %mul3A_506, %add3A_508 : vector<16xf32>
        %mul3A_510 = arith.mulf %add3A_509, %exp3A_503 : vector<16xf32>
        %add3A_511 = arith.constant -0.190354332 : f32
        %add3A_512 = vector.broadcast %add3A_511 : f32 to vector<16xf32>
        %add3A_513 = arith.addf %mul3A_510, %add3A_512 : vector<16xf32>
        %mul3A_514 = arith.mulf %add3A_513, %exp3A_503 : vector<16xf32>
        %add3A_515 = arith.constant 0.315747321 : f32
        %add3A_516 = vector.broadcast %add3A_515 : f32 to vector<16xf32>
        %add3A_517 = arith.addf %mul3A_514, %add3A_516 : vector<16xf32>
        %mul3A_518 = arith.mulf %add3A_517, %exp3A_503 : vector<16xf32>
        %add3A_519 = arith.constant -0.497373223 : f32
        %add3A_520 = vector.broadcast %add3A_519 : f32 to vector<16xf32>
        %add3A_521 = arith.addf %mul3A_518, %add3A_520 : vector<16xf32>
        %mul3A_522 = arith.mulf %add3A_521, %exp3A_503 : vector<16xf32>
        %add3A_523 = arith.constant 0.99984771 : f32
        %add3A_524 = vector.broadcast %add3A_523 : f32 to vector<16xf32>
        %add3A_525 = arith.addf %mul3A_522, %add3A_524 : vector<16xf32>
        %mul3A_526 = arith.mulf %add3A_525, %exp3A_503 : vector<16xf32>
        %add3A_527 = arith.constant 1.47206504E-6 : f32
        %add3A_528 = vector.broadcast %add3A_527 : f32 to vector<16xf32>
        %add3A_529 = arith.addf %mul3A_526, %add3A_528 : vector<16xf32>
        %add3A_530 = arith.addf %select_n3A_499, %add3A_529 : vector<16xf32>
        %abs3A_531 = math.absf %sub3A_490 : vector<16xf32>
        %gt3A_532 = arith.constant 9.99999997E-7 : f32
        %gt3A_533 = vector.broadcast %gt3A_532 : f32 to vector<16xf32>
        %gt3A_534 = arith.cmpf ogt, %abs3A_531, %gt3A_533 : vector<16xf32>
        %mul3A_535 = arith.mulf %get3A_489, %get3A_186 : vector<16xf32>
        %jit3A_536 = arith.constant 0.000000e+00 : f32
        %broadcast_in_dim3A_537 = vector.broadcast %jit3A_536 : f32 to vector<16xf32>
        %select_n3A_538 = arith.select %gt3A_534, %mul3A_535, %broadcast_in_dim3A_537 : vector<16xi1>, vector<16xf32>
        %mul3A_539 = arith.mulf %add3A_530, %select_n3A_538 : vector<16xf32>
        %add3A_540 = arith.addf %while3A_219, %mul3A_539 : vector<16xf32>
        %add3A_541 = arith.addf %while3A_220, %select_n3A_538 : vector<16xf32>
        %get3A_542 = arith.index_cast %while3A_210 : i32 to index
        %get3A_543 = arith.constant 80 : index
        %get3A_544 = tpu.vector_load %arg7[%get3A_542, %get3A_543] {strides = array<i32>} : memref<50x128xf32, #tpu.memory_space<vmem>>, vector<1x16xf32>,
        %get3A_545 = vector.shape_cast %get3A_544 : vector<1x16xf32> to vector<16xf32>
        %get3A_546 = arith.index_cast %while3A_210 : i32 to index
        %get3A_547 = arith.constant 80 : index
        %get3A_548 = tpu.vector_load %arg8[%get3A_546, %get3A_547] {strides = array<i32>} : memref<50x128xf32, #tpu.memory_space<vmem>>, vector<1x16xf32>,
        %get3A_549 = vector.shape_cast %get3A_548 : vector<1x16xf32> to vector<16xf32>
        %get3A_550 = arith.index_cast %while3A_210 : i32 to index
        %get3A_551 = arith.constant 80 : index
        %get3A_552 = tpu.vector_load %arg9[%get3A_550, %get3A_551] {strides = array<i32>} : memref<50x128xf32, #tpu.memory_space<vmem>>, vector<1x16xf32>,
        %get3A_553 = vector.shape_cast %get3A_552 : vector<1x16xf32> to vector<16xf32>
        %sub3A_554 = arith.subf %get3A_158, %get3A_549 : vector<16xf32>
        %sub3A_555 = arith.subf %get3A_545, %get3A_126 : vector<16xf32>
        %abs3A_556 = math.absf %sub3A_555 : vector<16xf32>
        %mul3A_557 = arith.mulf %sub3A_555, %sub3A_554 : vector<16xf32>
        %lt3A_558 = arith.constant 0.000000e+00 : f32
        %lt3A_559 = vector.broadcast %lt3A_558 : f32 to vector<16xf32>
        %lt3A_560 = arith.cmpf olt, %mul3A_557, %lt3A_559 : vector<16xf32>
        %jit3A_561 = arith.constant 0.000000e+00 : f32
        %broadcast_in_dim3A_562 = vector.broadcast %jit3A_561 : f32 to vector<16xf32>
        %select_n3A_563 = arith.select %lt3A_560, %abs3A_556, %broadcast_in_dim3A_562 : vector<16xi1>, vector<16xf32>
        %neg3A_564 = arith.constant 0.000000e+00 : f32
        %neg3A_565 = vector.broadcast %neg3A_564 : f32 to vector<16xf32>
        %neg3A_566 = arith.subf %neg3A_565, %abs3A_556 : vector<16xf32>
        %exp3A_567 = math.exp %neg3A_566 : vector<16xf32>
        %mul3A_568 = arith.constant -0.0174140781 : f32
        %mul3A_569 = vector.broadcast %mul3A_568 : f32 to vector<16xf32>
        %mul3A_570 = arith.mulf %mul3A_569, %exp3A_567 : vector<16xf32>
        %add3A_571 = arith.constant 0.0826912373 : f32
        %add3A_572 = vector.broadcast %add3A_571 : f32 to vector<16xf32>
        %add3A_573 = arith.addf %mul3A_570, %add3A_572 : vector<16xf32>
        %mul3A_574 = arith.mulf %add3A_573, %exp3A_567 : vector<16xf32>
        %add3A_575 = arith.constant -0.190354332 : f32
        %add3A_576 = vector.broadcast %add3A_575 : f32 to vector<16xf32>
        %add3A_577 = arith.addf %mul3A_574, %add3A_576 : vector<16xf32>
        %mul3A_578 = arith.mulf %add3A_577, %exp3A_567 : vector<16xf32>
        %add3A_579 = arith.constant 0.315747321 : f32
        %add3A_580 = vector.broadcast %add3A_579 : f32 to vector<16xf32>
        %add3A_581 = arith.addf %mul3A_578, %add3A_580 : vector<16xf32>
        %mul3A_582 = arith.mulf %add3A_581, %exp3A_567 : vector<16xf32>
        %add3A_583 = arith.constant -0.497373223 : f32
        %add3A_584 = vector.broadcast %add3A_583 : f32 to vector<16xf32>
        %add3A_585 = arith.addf %mul3A_582, %add3A_584 : vector<16xf32>
        %mul3A_586 = arith.mulf %add3A_585, %exp3A_567 : vector<16xf32>
        %add3A_587 = arith.constant 0.99984771 : f32
        %add3A_588 = vector.broadcast %add3A_587 : f32 to vector<16xf32>
        %add3A_589 = arith.addf %mul3A_586, %add3A_588 : vector<16xf32>
        %mul3A_590 = arith.mulf %add3A_589, %exp3A_567 : vector<16xf32>
        %add3A_591 = arith.constant 1.47206504E-6 : f32
        %add3A_592 = vector.broadcast %add3A_591 : f32 to vector<16xf32>
        %add3A_593 = arith.addf %mul3A_590, %add3A_592 : vector<16xf32>
        %add3A_594 = arith.addf %select_n3A_563, %add3A_593 : vector<16xf32>
        %abs3A_595 = math.absf %sub3A_554 : vector<16xf32>
        %gt3A_596 = arith.constant 9.99999997E-7 : f32
        %gt3A_597 = vector.broadcast %gt3A_596 : f32 to vector<16xf32>
        %gt3A_598 = arith.cmpf ogt, %abs3A_595, %gt3A_597 : vector<16xf32>
        %mul3A_599 = arith.mulf %get3A_553, %get3A_190 : vector<16xf32>
        %jit3A_600 = arith.constant 0.000000e+00 : f32
        %broadcast_in_dim3A_601 = vector.broadcast %jit3A_600 : f32 to vector<16xf32>
        %select_n3A_602 = arith.select %gt3A_598, %mul3A_599, %broadcast_in_dim3A_601 : vector<16xi1>, vector<16xf32>
        %mul3A_603 = arith.mulf %add3A_594, %select_n3A_602 : vector<16xf32>
        %add3A_604 = arith.addf %while3A_221, %mul3A_603 : vector<16xf32>
        %add3A_605 = arith.addf %while3A_222, %select_n3A_602 : vector<16xf32>
        %get3A_606 = arith.index_cast %while3A_210 : i32 to index
        %get3A_607 = arith.constant 96 : index
        %get3A_608 = tpu.vector_load %arg7[%get3A_606, %get3A_607] {strides = array<i32>} : memref<50x128xf32, #tpu.memory_space<vmem>>, vector<1x16xf32>,
        %get3A_609 = vector.shape_cast %get3A_608 : vector<1x16xf32> to vector<16xf32>
        %get3A_610 = arith.index_cast %while3A_210 : i32 to index
        %get3A_611 = arith.constant 96 : index
        %get3A_612 = tpu.vector_load %arg8[%get3A_610, %get3A_611] {strides = array<i32>} : memref<50x128xf32, #tpu.memory_space<vmem>>, vector<1x16xf32>,
        %get3A_613 = vector.shape_cast %get3A_612 : vector<1x16xf32> to vector<16xf32>
        %get3A_614 = arith.index_cast %while3A_210 : i32 to index
        %get3A_615 = arith.constant 96 : index
        %get3A_616 = tpu.vector_load %arg9[%get3A_614, %get3A_615] {strides = array<i32>} : memref<50x128xf32, #tpu.memory_space<vmem>>, vector<1x16xf32>,
        %get3A_617 = vector.shape_cast %get3A_616 : vector<1x16xf32> to vector<16xf32>
        %sub3A_618 = arith.subf %get3A_162, %get3A_613 : vector<16xf32>
        %sub3A_619 = arith.subf %get3A_609, %get3A_130 : vector<16xf32>
        %abs3A_620 = math.absf %sub3A_619 : vector<16xf32>
        %mul3A_621 = arith.mulf %sub3A_619, %sub3A_618 : vector<16xf32>
        %lt3A_622 = arith.constant 0.000000e+00 : f32
        %lt3A_623 = vector.broadcast %lt3A_622 : f32 to vector<16xf32>
        %lt3A_624 = arith.cmpf olt, %mul3A_621, %lt3A_623 : vector<16xf32>
        %jit3A_625 = arith.constant 0.000000e+00 : f32
        %broadcast_in_dim3A_626 = vector.broadcast %jit3A_625 : f32 to vector<16xf32>
        %select_n3A_627 = arith.select %lt3A_624, %abs3A_620, %broadcast_in_dim3A_626 : vector<16xi1>, vector<16xf32>
        %neg3A_628 = arith.constant 0.000000e+00 : f32
        %neg3A_629 = vector.broadcast %neg3A_628 : f32 to vector<16xf32>
        %neg3A_630 = arith.subf %neg3A_629, %abs3A_620 : vector<16xf32>
        %exp3A_631 = math.exp %neg3A_630 : vector<16xf32>
        %mul3A_632 = arith.constant -0.0174140781 : f32
        %mul3A_633 = vector.broadcast %mul3A_632 : f32 to vector<16xf32>
        %mul3A_634 = arith.mulf %mul3A_633, %exp3A_631 : vector<16xf32>
        %add3A_635 = arith.constant 0.0826912373 : f32
        %add3A_636 = vector.broadcast %add3A_635 : f32 to vector<16xf32>
        %add3A_637 = arith.addf %mul3A_634, %add3A_636 : vector<16xf32>
        %mul3A_638 = arith.mulf %add3A_637, %exp3A_631 : vector<16xf32>
        %add3A_639 = arith.constant -0.190354332 : f32
        %add3A_640 = vector.broadcast %add3A_639 : f32 to vector<16xf32>
        %add3A_641 = arith.addf %mul3A_638, %add3A_640 : vector<16xf32>
        %mul3A_642 = arith.mulf %add3A_641, %exp3A_631 : vector<16xf32>
        %add3A_643 = arith.constant 0.315747321 : f32
        %add3A_644 = vector.broadcast %add3A_643 : f32 to vector<16xf32>
        %add3A_645 = arith.addf %mul3A_642, %add3A_644 : vector<16xf32>
        %mul3A_646 = arith.mulf %add3A_645, %exp3A_631 : vector<16xf32>
        %add3A_647 = arith.constant -0.497373223 : f32
        %add3A_648 = vector.broadcast %add3A_647 : f32 to vector<16xf32>
        %add3A_649 = arith.addf %mul3A_646, %add3A_648 : vector<16xf32>
        %mul3A_650 = arith.mulf %add3A_649, %exp3A_631 : vector<16xf32>
        %add3A_651 = arith.constant 0.99984771 : f32
        %add3A_652 = vector.broadcast %add3A_651 : f32 to vector<16xf32>
        %add3A_653 = arith.addf %mul3A_650, %add3A_652 : vector<16xf32>
        %mul3A_654 = arith.mulf %add3A_653, %exp3A_631 : vector<16xf32>
        %add3A_655 = arith.constant 1.47206504E-6 : f32
        %add3A_656 = vector.broadcast %add3A_655 : f32 to vector<16xf32>
        %add3A_657 = arith.addf %mul3A_654, %add3A_656 : vector<16xf32>
        %add3A_658 = arith.addf %select_n3A_627, %add3A_657 : vector<16xf32>
        %abs3A_659 = math.absf %sub3A_618 : vector<16xf32>
        %gt3A_660 = arith.constant 9.99999997E-7 : f32
        %gt3A_661 = vector.broadcast %gt3A_660 : f32 to vector<16xf32>
        %gt3A_662 = arith.cmpf ogt, %abs3A_659, %gt3A_661 : vector<16xf32>
        %mul3A_663 = arith.mulf %get3A_617, %get3A_194 : vector<16xf32>
        %jit3A_664 = arith.constant 0.000000e+00 : f32
        %broadcast_in_dim3A_665 = vector.broadcast %jit3A_664 : f32 to vector<16xf32>
        %select_n3A_666 = arith.select %gt3A_662, %mul3A_663, %broadcast_in_dim3A_665 : vector<16xi1>, vector<16xf32>
        %mul3A_667 = arith.mulf %add3A_658, %select_n3A_666 : vector<16xf32>
        %add3A_668 = arith.addf %while3A_223, %mul3A_667 : vector<16xf32>
        %add3A_669 = arith.addf %while3A_224, %select_n3A_666 : vector<16xf32>
        %get3A_670 = arith.index_cast %while3A_210 : i32 to index
        %get3A_671 = arith.constant 112 : index
        %get3A_672 = tpu.vector_load %arg7[%get3A_670, %get3A_671] {strides = array<i32>} : memref<50x128xf32, #tpu.memory_space<vmem>>, vector<1x16xf32>,
        %get3A_673 = vector.shape_cast %get3A_672 : vector<1x16xf32> to vector<16xf32>
        %get3A_674 = arith.index_cast %while3A_210 : i32 to index
        %get3A_675 = arith.constant 112 : index
        %get3A_676 = tpu.vector_load %arg8[%get3A_674, %get3A_675] {strides = array<i32>} : memref<50x128xf32, #tpu.memory_space<vmem>>, vector<1x16xf32>,
        %get3A_677 = vector.shape_cast %get3A_676 : vector<1x16xf32> to vector<16xf32>
        %get3A_678 = arith.index_cast %while3A_210 : i32 to index
        %get3A_679 = arith.constant 112 : index
        %get3A_680 = tpu.vector_load %arg9[%get3A_678, %get3A_679] {strides = array<i32>} : memref<50x128xf32, #tpu.memory_space<vmem>>, vector<1x16xf32>,
        %get3A_681 = vector.shape_cast %get3A_680 : vector<1x16xf32> to vector<16xf32>
        %sub3A_682 = arith.subf %get3A_166, %get3A_677 : vector<16xf32>
        %sub3A_683 = arith.subf %get3A_673, %get3A_134 : vector<16xf32>
        %abs3A_684 = math.absf %sub3A_683 : vector<16xf32>
        %mul3A_685 = arith.mulf %sub3A_683, %sub3A_682 : vector<16xf32>
        %lt3A_686 = arith.constant 0.000000e+00 : f32
        %lt3A_687 = vector.broadcast %lt3A_686 : f32 to vector<16xf32>
        %lt3A_688 = arith.cmpf olt, %mul3A_685, %lt3A_687 : vector<16xf32>
        %jit3A_689 = arith.constant 0.000000e+00 : f32
        %broadcast_in_dim3A_690 = vector.broadcast %jit3A_689 : f32 to vector<16xf32>
        %select_n3A_691 = arith.select %lt3A_688, %abs3A_684, %broadcast_in_dim3A_690 : vector<16xi1>, vector<16xf32>
        %neg3A_692 = arith.constant 0.000000e+00 : f32
        %neg3A_693 = vector.broadcast %neg3A_692 : f32 to vector<16xf32>
        %neg3A_694 = arith.subf %neg3A_693, %abs3A_684 : vector<16xf32>
        %exp3A_695 = math.exp %neg3A_694 : vector<16xf32>
        %mul3A_696 = arith.constant -0.0174140781 : f32
        %mul3A_697 = vector.broadcast %mul3A_696 : f32 to vector<16xf32>
        %mul3A_698 = arith.mulf %mul3A_697, %exp3A_695 : vector<16xf32>
        %add3A_699 = arith.constant 0.0826912373 : f32
        %add3A_700 = vector.broadcast %add3A_699 : f32 to vector<16xf32>
        %add3A_701 = arith.addf %mul3A_698, %add3A_700 : vector<16xf32>
        %mul3A_702 = arith.mulf %add3A_701, %exp3A_695 : vector<16xf32>
        %add3A_703 = arith.constant -0.190354332 : f32
        %add3A_704 = vector.broadcast %add3A_703 : f32 to vector<16xf32>
        %add3A_705 = arith.addf %mul3A_702, %add3A_704 : vector<16xf32>
        %mul3A_706 = arith.mulf %add3A_705, %exp3A_695 : vector<16xf32>
        %add3A_707 = arith.constant 0.315747321 : f32
        %add3A_708 = vector.broadcast %add3A_707 : f32 to vector<16xf32>
        %add3A_709 = arith.addf %mul3A_706, %add3A_708 : vector<16xf32>
        %mul3A_710 = arith.mulf %add3A_709, %exp3A_695 : vector<16xf32>
        %add3A_711 = arith.constant -0.497373223 : f32
        %add3A_712 = vector.broadcast %add3A_711 : f32 to vector<16xf32>
        %add3A_713 = arith.addf %mul3A_710, %add3A_712 : vector<16xf32>
        %mul3A_714 = arith.mulf %add3A_713, %exp3A_695 : vector<16xf32>
        %add3A_715 = arith.constant 0.99984771 : f32
        %add3A_716 = vector.broadcast %add3A_715 : f32 to vector<16xf32>
        %add3A_717 = arith.addf %mul3A_714, %add3A_716 : vector<16xf32>
        %mul3A_718 = arith.mulf %add3A_717, %exp3A_695 : vector<16xf32>
        %add3A_719 = arith.constant 1.47206504E-6 : f32
        %add3A_720 = vector.broadcast %add3A_719 : f32 to vector<16xf32>
        %add3A_721 = arith.addf %mul3A_718, %add3A_720 : vector<16xf32>
        %add3A_722 = arith.addf %select_n3A_691, %add3A_721 : vector<16xf32>
        %abs3A_723 = math.absf %sub3A_682 : vector<16xf32>
        %gt3A_724 = arith.constant 9.99999997E-7 : f32
        %gt3A_725 = vector.broadcast %gt3A_724 : f32 to vector<16xf32>
        %gt3A_726 = arith.cmpf ogt, %abs3A_723, %gt3A_725 : vector<16xf32>
        %mul3A_727 = arith.mulf %get3A_681, %get3A_198 : vector<16xf32>
        %jit3A_728 = arith.constant 0.000000e+00 : f32
        %broadcast_in_dim3A_729 = vector.broadcast %jit3A_728 : f32 to vector<16xf32>
        %select_n3A_730 = arith.select %gt3A_726, %mul3A_727, %broadcast_in_dim3A_729 : vector<16xi1>, vector<16xf32>
        %mul3A_731 = arith.mulf %add3A_722, %select_n3A_730 : vector<16xf32>
        %add3A_732 = arith.addf %while3A_225, %mul3A_731 : vector<16xf32>
        %add3A_733 = arith.addf %while3A_226, %select_n3A_730 : vector<16xf32>
        scf.yield %add3A_284, %add3A_285, %add3A_348, %add3A_349, %add3A_412, %add3A_413, %add3A_476, %add3A_477, %add3A_540, %add3A_541, %add3A_604, %add3A_605, %add3A_668, %add3A_669, %add3A_732, %add3A_733 : vector<16xf32>, vector<16xf32>, vector<16xf32>, vector<16xf32>, vector<16xf32>, vector<16xf32>, vector<16xf32>, vector<16xf32>, vector<16xf32>, vector<16xf32>, vector<16xf32>, vector<16xf32>, vector<16xf32>, vector<16xf32>, vector<16xf32>, vector<16xf32>
      }
      %while3A_208 = arith.constant 1 : i32
      %while3A_209:16 = scf.for %while3A_210 = %while3A_205 to %while3A_201 step %while3A_208 iter_args(%while3A_211 = %while3A_207#0, %while3A_212 = %while3A_207#1, %while3A_213 = %while3A_207#2, %while3A_214 = %while3A_207#3, %while3A_215 = %while3A_207#4, %while3A_216 = %while3A_207#5, %while3A_217 = %while3A_207#6, %while3A_218 = %while3A_207#7, %while3A_219 = %while3A_207#8, %while3A_220 = %while3A_207#9, %while3A_221 = %while3A_207#10, %while3A_222 = %while3A_207#11, %while3A_223 = %while3A_207#12, %while3A_224 = %while3A_207#13, %while3A_225 = %while3A_207#14, %while3A_226 = %while3A_207#15) -> (vector<16xf32>, vector<16xf32>, vector<16xf32>, vector<16xf32>, vector<16xf32>, vector<16xf32>, vector<16xf32>, vector<16xf32>, vector<16xf32>, vector<16xf32>, vector<16xf32>, vector<16xf32>, vector<16xf32>, vector<16xf32>, vector<16xf32>, vector<16xf32>)  : i32 {
        %get3A_227 = arith.index_cast %while3A_210 : i32 to index
        %get3A_228 = arith.constant 0 : index
        %get3A_229 = tpu.vector_load %arg7[%get3A_227, %get3A_228] {strides = array<i32>} : memref<50x128xf32, #tpu.memory_space<vmem>>, vector<1x16xf32>,
        %get3A_230 = vector.shape_cast %get3A_229 : vector<1x16xf32> to vector<16xf32>
        %get3A_231 = arith.index_cast %while3A_210 : i32 to index
        %get3A_232 = arith.constant 0 : index
        %get3A_233 = tpu.vector_load %arg8[%get3A_231, %get3A_232] {strides = array<i32>} : memref<50x128xf32, #tpu.memory_space<vmem>>, vector<1x16xf32>,
        %get3A_234 = vector.shape_cast %get3A_233 : vector<1x16xf32> to vector<16xf32>
        %get3A_235 = arith.index_cast %while3A_210 : i32 to index
        %get3A_236 = arith.constant 0 : index
        %get3A_237 = tpu.vector_load %arg9[%get3A_235, %get3A_236] {strides = array<i32>} : memref<50x128xf32, #tpu.memory_space<vmem>>, vector<1x16xf32>,
        %get3A_238 = vector.shape_cast %get3A_237 : vector<1x16xf32> to vector<16xf32>
        %sub3A_239 = arith.subf %get3A_138, %get3A_234 : vector<16xf32>
        %sub3A_240 = arith.subf %get3A_230, %get3A_106 : vector<16xf32>
        %abs3A = math.absf %sub3A_240 : vector<16xf32>
        %mul3A_241 = arith.mulf %sub3A_240, %sub3A_239 : vector<16xf32>
        %lt3A = arith.constant 0.000000e+00 : f32
        %lt3A_242 = vector.broadcast %lt3A : f32 to vector<16xf32>
        %lt3A_243 = arith.cmpf olt, %mul3A_241, %lt3A_242 : vector<16xf32>
        %jit3A_244 = arith.constant 0.000000e+00 : f32
        %broadcast_in_dim3A_245 = vector.broadcast %jit3A_244 : f32 to vector<16xf32>
        %select_n3A_246 = arith.select %lt3A_243, %abs3A, %broadcast_in_dim3A_245 : vector<16xi1>, vector<16xf32>
        %neg3A = arith.constant 0.000000e+00 : f32
        %neg3A_247 = vector.broadcast %neg3A : f32 to vector<16xf32>
        %neg3A_248 = arith.subf %neg3A_247, %abs3A : vector<16xf32>
        %exp3A = math.exp %neg3A_248 : vector<16xf32>
        %mul3A_249 = arith.constant -0.0174140781 : f32
        %mul3A_250 = vector.broadcast %mul3A_249 : f32 to vector<16xf32>
        %mul3A_251 = arith.mulf %mul3A_250, %exp3A : vector<16xf32>
        %add3A_252 = arith.constant 0.0826912373 : f32
        %add3A_253 = vector.broadcast %add3A_252 : f32 to vector<16xf32>
        %add3A_254 = arith.addf %mul3A_251, %add3A_253 : vector<16xf32>
        %mul3A_255 = arith.mulf %add3A_254, %exp3A : vector<16xf32>
        %add3A_256 = arith.constant -0.190354332 : f32
        %add3A_257 = vector.broadcast %add3A_256 : f32 to vector<16xf32>
        %add3A_258 = arith.addf %mul3A_255, %add3A_257 : vector<16xf32>
        %mul3A_259 = arith.mulf %add3A_258, %exp3A : vector<16xf32>
        %add3A_260 = arith.constant 0.315747321 : f32
        %add3A_261 = vector.broadcast %add3A_260 : f32 to vector<16xf32>
        %add3A_262 = arith.addf %mul3A_259, %add3A_261 : vector<16xf32>
        %mul3A_263 = arith.mulf %add3A_262, %exp3A : vector<16xf32>
        %add3A_264 = arith.constant -0.497373223 : f32
        %add3A_265 = vector.broadcast %add3A_264 : f32 to vector<16xf32>
        %add3A_266 = arith.addf %mul3A_263, %add3A_265 : vector<16xf32>
        %mul3A_267 = arith.mulf %add3A_266, %exp3A : vector<16xf32>
        %add3A_268 = arith.constant 0.99984771 : f32
        %add3A_269 = vector.broadcast %add3A_268 : f32 to vector<16xf32>
        %add3A_270 = arith.addf %mul3A_267, %add3A_269 : vector<16xf32>
        %mul3A_271 = arith.mulf %add3A_270, %exp3A : vector<16xf32>
        %add3A_272 = arith.constant 1.47206504E-6 : f32
        %add3A_273 = vector.broadcast %add3A_272 : f32 to vector<16xf32>
        %add3A_274 = arith.addf %mul3A_271, %add3A_273 : vector<16xf32>
        %add3A_275 = arith.addf %select_n3A_246, %add3A_274 : vector<16xf32>
        %abs3A_276 = math.absf %sub3A_239 : vector<16xf32>
        %gt3A = arith.constant 9.99999997E-7 : f32
        %gt3A_277 = vector.broadcast %gt3A : f32 to vector<16xf32>
        %gt3A_278 = arith.cmpf ogt, %abs3A_276, %gt3A_277 : vector<16xf32>
        %mul3A_279 = arith.mulf %get3A_238, %get3A_170 : vector<16xf32>
        %jit3A_280 = arith.constant 0.000000e+00 : f32
        %broadcast_in_dim3A_281 = vector.broadcast %jit3A_280 : f32 to vector<16xf32>
        %select_n3A_282 = arith.select %gt3A_278, %mul3A_279, %broadcast_in_dim3A_281 : vector<16xi1>, vector<16xf32>
        %mul3A_283 = arith.mulf %add3A_275, %select_n3A_282 : vector<16xf32>
        %add3A_284 = arith.addf %while3A_211, %mul3A_283 : vector<16xf32>
        %add3A_285 = arith.addf %while3A_212, %select_n3A_282 : vector<16xf32>
        %get3A_286 = arith.index_cast %while3A_210 : i32 to index
        %get3A_287 = arith.constant 16 : index
        %get3A_288 = tpu.vector_load %arg7[%get3A_286, %get3A_287] {strides = array<i32>} : memref<50x128xf32, #tpu.memory_space<vmem>>, vector<1x16xf32>,
        %get3A_289 = vector.shape_cast %get3A_288 : vector<1x16xf32> to vector<16xf32>
        %get3A_290 = arith.index_cast %while3A_210 : i32 to index
        %get3A_291 = arith.constant 16 : index
        %get3A_292 = tpu.vector_load %arg8[%get3A_290, %get3A_291] {strides = array<i32>} : memref<50x128xf32, #tpu.memory_space<vmem>>, vector<1x16xf32>,
        %get3A_293 = vector.shape_cast %get3A_292 : vector<1x16xf32> to vector<16xf32>
        %get3A_294 = arith.index_cast %while3A_210 : i32 to index
        %get3A_295 = arith.constant 16 : index
        %get3A_296 = tpu.vector_load %arg9[%get3A_294, %get3A_295] {strides = array<i32>} : memref<50x128xf32, #tpu.memory_space<vmem>>, vector<1x16xf32>,
        %get3A_297 = vector.shape_cast %get3A_296 : vector<1x16xf32> to vector<16xf32>
        %sub3A_298 = arith.subf %get3A_142, %get3A_293 : vector<16xf32>
        %sub3A_299 = arith.subf %get3A_289, %get3A_110 : vector<16xf32>
        %abs3A_300 = math.absf %sub3A_299 : vector<16xf32>
        %mul3A_301 = arith.mulf %sub3A_299, %sub3A_298 : vector<16xf32>
        %lt3A_302 = arith.constant 0.000000e+00 : f32
        %lt3A_303 = vector.broadcast %lt3A_302 : f32 to vector<16xf32>
        %lt3A_304 = arith.cmpf olt, %mul3A_301, %lt3A_303 : vector<16xf32>
        %jit3A_305 = arith.constant 0.000000e+00 : f32
        %broadcast_in_dim3A_306 = vector.broadcast %jit3A_305 : f32 to vector<16xf32>
        %select_n3A_307 = arith.select %lt3A_304, %abs3A_300, %broadcast_in_dim3A_306 : vector<16xi1>, vector<16xf32>
        %neg3A_308 = arith.constant 0.000000e+00 : f32
        %neg3A_309 = vector.broadcast %neg3A_308 : f32 to vector<16xf32>
        %neg3A_310 = arith.subf %neg3A_309, %abs3A_300 : vector<16xf32>
        %exp3A_311 = math.exp %neg3A_310 : vector<16xf32>
        %mul3A_312 = arith.constant -0.0174140781 : f32
        %mul3A_313 = vector.broadcast %mul3A_312 : f32 to vector<16xf32>
        %mul3A_314 = arith.mulf %mul3A_313, %exp3A_311 : vector<16xf32>
        %add3A_315 = arith.constant 0.0826912373 : f32
        %add3A_316 = vector.broadcast %add3A_315 : f32 to vector<16xf32>
        %add3A_317 = arith.addf %mul3A_314, %add3A_316 : vector<16xf32>
        %mul3A_318 = arith.mulf %add3A_317, %exp3A_311 : vector<16xf32>
        %add3A_319 = arith.constant -0.190354332 : f32
        %add3A_320 = vector.broadcast %add3A_319 : f32 to vector<16xf32>
        %add3A_321 = arith.addf %mul3A_318, %add3A_320 : vector<16xf32>
        %mul3A_322 = arith.mulf %add3A_321, %exp3A_311 : vector<16xf32>
        %add3A_323 = arith.constant 0.315747321 : f32
        %add3A_324 = vector.broadcast %add3A_323 : f32 to vector<16xf32>
        %add3A_325 = arith.addf %mul3A_322, %add3A_324 : vector<16xf32>
        %mul3A_326 = arith.mulf %add3A_325, %exp3A_311 : vector<16xf32>
        %add3A_327 = arith.constant -0.497373223 : f32
        %add3A_328 = vector.broadcast %add3A_327 : f32 to vector<16xf32>
        %add3A_329 = arith.addf %mul3A_326, %add3A_328 : vector<16xf32>
        %mul3A_330 = arith.mulf %add3A_329, %exp3A_311 : vector<16xf32>
        %add3A_331 = arith.constant 0.99984771 : f32
        %add3A_332 = vector.broadcast %add3A_331 : f32 to vector<16xf32>
        %add3A_333 = arith.addf %mul3A_330, %add3A_332 : vector<16xf32>
        %mul3A_334 = arith.mulf %add3A_333, %exp3A_311 : vector<16xf32>
        %add3A_335 = arith.constant 1.47206504E-6 : f32
        %add3A_336 = vector.broadcast %add3A_335 : f32 to vector<16xf32>
        %add3A_337 = arith.addf %mul3A_334, %add3A_336 : vector<16xf32>
        %add3A_338 = arith.addf %select_n3A_307, %add3A_337 : vector<16xf32>
        %abs3A_339 = math.absf %sub3A_298 : vector<16xf32>
        %gt3A_340 = arith.constant 9.99999997E-7 : f32
        %gt3A_341 = vector.broadcast %gt3A_340 : f32 to vector<16xf32>
        %gt3A_342 = arith.cmpf ogt, %abs3A_339, %gt3A_341 : vector<16xf32>
        %mul3A_343 = arith.mulf %get3A_297, %get3A_174 : vector<16xf32>
        %jit3A_344 = arith.constant 0.000000e+00 : f32
        %broadcast_in_dim3A_345 = vector.broadcast %jit3A_344 : f32 to vector<16xf32>
        %select_n3A_346 = arith.select %gt3A_342, %mul3A_343, %broadcast_in_dim3A_345 : vector<16xi1>, vector<16xf32>
        %mul3A_347 = arith.mulf %add3A_338, %select_n3A_346 : vector<16xf32>
        %add3A_348 = arith.addf %while3A_213, %mul3A_347 : vector<16xf32>
        %add3A_349 = arith.addf %while3A_214, %select_n3A_346 : vector<16xf32>
        %get3A_350 = arith.index_cast %while3A_210 : i32 to index
        %get3A_351 = arith.constant 32 : index
        %get3A_352 = tpu.vector_load %arg7[%get3A_350, %get3A_351] {strides = array<i32>} : memref<50x128xf32, #tpu.memory_space<vmem>>, vector<1x16xf32>,
        %get3A_353 = vector.shape_cast %get3A_352 : vector<1x16xf32> to vector<16xf32>
        %get3A_354 = arith.index_cast %while3A_210 : i32 to index
        %get3A_355 = arith.constant 32 : index
        %get3A_356 = tpu.vector_load %arg8[%get3A_354, %get3A_355] {strides = array<i32>} : memref<50x128xf32, #tpu.memory_space<vmem>>, vector<1x16xf32>,
        %get3A_357 = vector.shape_cast %get3A_356 : vector<1x16xf32> to vector<16xf32>
        %get3A_358 = arith.index_cast %while3A_210 : i32 to index
        %get3A_359 = arith.constant 32 : index
        %get3A_360 = tpu.vector_load %arg9[%get3A_358, %get3A_359] {strides = array<i32>} : memref<50x128xf32, #tpu.memory_space<vmem>>, vector<1x16xf32>,
        %get3A_361 = vector.shape_cast %get3A_360 : vector<1x16xf32> to vector<16xf32>
        %sub3A_362 = arith.subf %get3A_146, %get3A_357 : vector<16xf32>
        %sub3A_363 = arith.subf %get3A_353, %get3A_114 : vector<16xf32>
        %abs3A_364 = math.absf %sub3A_363 : vector<16xf32>
        %mul3A_365 = arith.mulf %sub3A_363, %sub3A_362 : vector<16xf32>
        %lt3A_366 = arith.constant 0.000000e+00 : f32
        %lt3A_367 = vector.broadcast %lt3A_366 : f32 to vector<16xf32>
        %lt3A_368 = arith.cmpf olt, %mul3A_365, %lt3A_367 : vector<16xf32>
        %jit3A_369 = arith.constant 0.000000e+00 : f32
        %broadcast_in_dim3A_370 = vector.broadcast %jit3A_369 : f32 to vector<16xf32>
        %select_n3A_371 = arith.select %lt3A_368, %abs3A_364, %broadcast_in_dim3A_370 : vector<16xi1>, vector<16xf32>
        %neg3A_372 = arith.constant 0.000000e+00 : f32
        %neg3A_373 = vector.broadcast %neg3A_372 : f32 to vector<16xf32>
        %neg3A_374 = arith.subf %neg3A_373, %abs3A_364 : vector<16xf32>
        %exp3A_375 = math.exp %neg3A_374 : vector<16xf32>
        %mul3A_376 = arith.constant -0.0174140781 : f32
        %mul3A_377 = vector.broadcast %mul3A_376 : f32 to vector<16xf32>
        %mul3A_378 = arith.mulf %mul3A_377, %exp3A_375 : vector<16xf32>
        %add3A_379 = arith.constant 0.0826912373 : f32
        %add3A_380 = vector.broadcast %add3A_379 : f32 to vector<16xf32>
        %add3A_381 = arith.addf %mul3A_378, %add3A_380 : vector<16xf32>
        %mul3A_382 = arith.mulf %add3A_381, %exp3A_375 : vector<16xf32>
        %add3A_383 = arith.constant -0.190354332 : f32
        %add3A_384 = vector.broadcast %add3A_383 : f32 to vector<16xf32>
        %add3A_385 = arith.addf %mul3A_382, %add3A_384 : vector<16xf32>
        %mul3A_386 = arith.mulf %add3A_385, %exp3A_375 : vector<16xf32>
        %add3A_387 = arith.constant 0.315747321 : f32
        %add3A_388 = vector.broadcast %add3A_387 : f32 to vector<16xf32>
        %add3A_389 = arith.addf %mul3A_386, %add3A_388 : vector<16xf32>
        %mul3A_390 = arith.mulf %add3A_389, %exp3A_375 : vector<16xf32>
        %add3A_391 = arith.constant -0.497373223 : f32
        %add3A_392 = vector.broadcast %add3A_391 : f32 to vector<16xf32>
        %add3A_393 = arith.addf %mul3A_390, %add3A_392 : vector<16xf32>
        %mul3A_394 = arith.mulf %add3A_393, %exp3A_375 : vector<16xf32>
        %add3A_395 = arith.constant 0.99984771 : f32
        %add3A_396 = vector.broadcast %add3A_395 : f32 to vector<16xf32>
        %add3A_397 = arith.addf %mul3A_394, %add3A_396 : vector<16xf32>
        %mul3A_398 = arith.mulf %add3A_397, %exp3A_375 : vector<16xf32>
        %add3A_399 = arith.constant 1.47206504E-6 : f32
        %add3A_400 = vector.broadcast %add3A_399 : f32 to vector<16xf32>
        %add3A_401 = arith.addf %mul3A_398, %add3A_400 : vector<16xf32>
        %add3A_402 = arith.addf %select_n3A_371, %add3A_401 : vector<16xf32>
        %abs3A_403 = math.absf %sub3A_362 : vector<16xf32>
        %gt3A_404 = arith.constant 9.99999997E-7 : f32
        %gt3A_405 = vector.broadcast %gt3A_404 : f32 to vector<16xf32>
        %gt3A_406 = arith.cmpf ogt, %abs3A_403, %gt3A_405 : vector<16xf32>
        %mul3A_407 = arith.mulf %get3A_361, %get3A_178 : vector<16xf32>
        %jit3A_408 = arith.constant 0.000000e+00 : f32
        %broadcast_in_dim3A_409 = vector.broadcast %jit3A_408 : f32 to vector<16xf32>
        %select_n3A_410 = arith.select %gt3A_406, %mul3A_407, %broadcast_in_dim3A_409 : vector<16xi1>, vector<16xf32>
        %mul3A_411 = arith.mulf %add3A_402, %select_n3A_410 : vector<16xf32>
        %add3A_412 = arith.addf %while3A_215, %mul3A_411 : vector<16xf32>
        %add3A_413 = arith.addf %while3A_216, %select_n3A_410 : vector<16xf32>
        %get3A_414 = arith.index_cast %while3A_210 : i32 to index
        %get3A_415 = arith.constant 48 : index
        %get3A_416 = tpu.vector_load %arg7[%get3A_414, %get3A_415] {strides = array<i32>} : memref<50x128xf32, #tpu.memory_space<vmem>>, vector<1x16xf32>,
        %get3A_417 = vector.shape_cast %get3A_416 : vector<1x16xf32> to vector<16xf32>
        %get3A_418 = arith.index_cast %while3A_210 : i32 to index
        %get3A_419 = arith.constant 48 : index
        %get3A_420 = tpu.vector_load %arg8[%get3A_418, %get3A_419] {strides = array<i32>} : memref<50x128xf32, #tpu.memory_space<vmem>>, vector<1x16xf32>,
        %get3A_421 = vector.shape_cast %get3A_420 : vector<1x16xf32> to vector<16xf32>
        %get3A_422 = arith.index_cast %while3A_210 : i32 to index
        %get3A_423 = arith.constant 48 : index
        %get3A_424 = tpu.vector_load %arg9[%get3A_422, %get3A_423] {strides = array<i32>} : memref<50x128xf32, #tpu.memory_space<vmem>>, vector<1x16xf32>,
        %get3A_425 = vector.shape_cast %get3A_424 : vector<1x16xf32> to vector<16xf32>
        %sub3A_426 = arith.subf %get3A_150, %get3A_421 : vector<16xf32>
        %sub3A_427 = arith.subf %get3A_417, %get3A_118 : vector<16xf32>
        %abs3A_428 = math.absf %sub3A_427 : vector<16xf32>
        %mul3A_429 = arith.mulf %sub3A_427, %sub3A_426 : vector<16xf32>
        %lt3A_430 = arith.constant 0.000000e+00 : f32
        %lt3A_431 = vector.broadcast %lt3A_430 : f32 to vector<16xf32>
        %lt3A_432 = arith.cmpf olt, %mul3A_429, %lt3A_431 : vector<16xf32>
        %jit3A_433 = arith.constant 0.000000e+00 : f32
        %broadcast_in_dim3A_434 = vector.broadcast %jit3A_433 : f32 to vector<16xf32>
        %select_n3A_435 = arith.select %lt3A_432, %abs3A_428, %broadcast_in_dim3A_434 : vector<16xi1>, vector<16xf32>
        %neg3A_436 = arith.constant 0.000000e+00 : f32
        %neg3A_437 = vector.broadcast %neg3A_436 : f32 to vector<16xf32>
        %neg3A_438 = arith.subf %neg3A_437, %abs3A_428 : vector<16xf32>
        %exp3A_439 = math.exp %neg3A_438 : vector<16xf32>
        %mul3A_440 = arith.constant -0.0174140781 : f32
        %mul3A_441 = vector.broadcast %mul3A_440 : f32 to vector<16xf32>
        %mul3A_442 = arith.mulf %mul3A_441, %exp3A_439 : vector<16xf32>
        %add3A_443 = arith.constant 0.0826912373 : f32
        %add3A_444 = vector.broadcast %add3A_443 : f32 to vector<16xf32>
        %add3A_445 = arith.addf %mul3A_442, %add3A_444 : vector<16xf32>
        %mul3A_446 = arith.mulf %add3A_445, %exp3A_439 : vector<16xf32>
        %add3A_447 = arith.constant -0.190354332 : f32
        %add3A_448 = vector.broadcast %add3A_447 : f32 to vector<16xf32>
        %add3A_449 = arith.addf %mul3A_446, %add3A_448 : vector<16xf32>
        %mul3A_450 = arith.mulf %add3A_449, %exp3A_439 : vector<16xf32>
        %add3A_451 = arith.constant 0.315747321 : f32
        %add3A_452 = vector.broadcast %add3A_451 : f32 to vector<16xf32>
        %add3A_453 = arith.addf %mul3A_450, %add3A_452 : vector<16xf32>
        %mul3A_454 = arith.mulf %add3A_453, %exp3A_439 : vector<16xf32>
        %add3A_455 = arith.constant -0.497373223 : f32
        %add3A_456 = vector.broadcast %add3A_455 : f32 to vector<16xf32>
        %add3A_457 = arith.addf %mul3A_454, %add3A_456 : vector<16xf32>
        %mul3A_458 = arith.mulf %add3A_457, %exp3A_439 : vector<16xf32>
        %add3A_459 = arith.constant 0.99984771 : f32
        %add3A_460 = vector.broadcast %add3A_459 : f32 to vector<16xf32>
        %add3A_461 = arith.addf %mul3A_458, %add3A_460 : vector<16xf32>
        %mul3A_462 = arith.mulf %add3A_461, %exp3A_439 : vector<16xf32>
        %add3A_463 = arith.constant 1.47206504E-6 : f32
        %add3A_464 = vector.broadcast %add3A_463 : f32 to vector<16xf32>
        %add3A_465 = arith.addf %mul3A_462, %add3A_464 : vector<16xf32>
        %add3A_466 = arith.addf %select_n3A_435, %add3A_465 : vector<16xf32>
        %abs3A_467 = math.absf %sub3A_426 : vector<16xf32>
        %gt3A_468 = arith.constant 9.99999997E-7 : f32
        %gt3A_469 = vector.broadcast %gt3A_468 : f32 to vector<16xf32>
        %gt3A_470 = arith.cmpf ogt, %abs3A_467, %gt3A_469 : vector<16xf32>
        %mul3A_471 = arith.mulf %get3A_425, %get3A_182 : vector<16xf32>
        %jit3A_472 = arith.constant 0.000000e+00 : f32
        %broadcast_in_dim3A_473 = vector.broadcast %jit3A_472 : f32 to vector<16xf32>
        %select_n3A_474 = arith.select %gt3A_470, %mul3A_471, %broadcast_in_dim3A_473 : vector<16xi1>, vector<16xf32>
        %mul3A_475 = arith.mulf %add3A_466, %select_n3A_474 : vector<16xf32>
        %add3A_476 = arith.addf %while3A_217, %mul3A_475 : vector<16xf32>
        %add3A_477 = arith.addf %while3A_218, %select_n3A_474 : vector<16xf32>
        %get3A_478 = arith.index_cast %while3A_210 : i32 to index
        %get3A_479 = arith.constant 64 : index
        %get3A_480 = tpu.vector_load %arg7[%get3A_478, %get3A_479] {strides = array<i32>} : memref<50x128xf32, #tpu.memory_space<vmem>>, vector<1x16xf32>,
        %get3A_481 = vector.shape_cast %get3A_480 : vector<1x16xf32> to vector<16xf32>
        %get3A_482 = arith.index_cast %while3A_210 : i32 to index
        %get3A_483 = arith.constant 64 : index
        %get3A_484 = tpu.vector_load %arg8[%get3A_482, %get3A_483] {strides = array<i32>} : memref<50x128xf32, #tpu.memory_space<vmem>>, vector<1x16xf32>,
        %get3A_485 = vector.shape_cast %get3A_484 : vector<1x16xf32> to vector<16xf32>
        %get3A_486 = arith.index_cast %while3A_210 : i32 to index
        %get3A_487 = arith.constant 64 : index
        %get3A_488 = tpu.vector_load %arg9[%get3A_486, %get3A_487] {strides = array<i32>} : memref<50x128xf32, #tpu.memory_space<vmem>>, vector<1x16xf32>,
        %get3A_489 = vector.shape_cast %get3A_488 : vector<1x16xf32> to vector<16xf32>
        %sub3A_490 = arith.subf %get3A_154, %get3A_485 : vector<16xf32>
        %sub3A_491 = arith.subf %get3A_481, %get3A_122 : vector<16xf32>
        %abs3A_492 = math.absf %sub3A_491 : vector<16xf32>
        %mul3A_493 = arith.mulf %sub3A_491, %sub3A_490 : vector<16xf32>
        %lt3A_494 = arith.constant 0.000000e+00 : f32
        %lt3A_495 = vector.broadcast %lt3A_494 : f32 to vector<16xf32>
        %lt3A_496 = arith.cmpf olt, %mul3A_493, %lt3A_495 : vector<16xf32>
        %jit3A_497 = arith.constant 0.000000e+00 : f32
        %broadcast_in_dim3A_498 = vector.broadcast %jit3A_497 : f32 to vector<16xf32>
        %select_n3A_499 = arith.select %lt3A_496, %abs3A_492, %broadcast_in_dim3A_498 : vector<16xi1>, vector<16xf32>
        %neg3A_500 = arith.constant 0.000000e+00 : f32
        %neg3A_501 = vector.broadcast %neg3A_500 : f32 to vector<16xf32>
        %neg3A_502 = arith.subf %neg3A_501, %abs3A_492 : vector<16xf32>
        %exp3A_503 = math.exp %neg3A_502 : vector<16xf32>
        %mul3A_504 = arith.constant -0.0174140781 : f32
        %mul3A_505 = vector.broadcast %mul3A_504 : f32 to vector<16xf32>
        %mul3A_506 = arith.mulf %mul3A_505, %exp3A_503 : vector<16xf32>
        %add3A_507 = arith.constant 0.0826912373 : f32
        %add3A_508 = vector.broadcast %add3A_507 : f32 to vector<16xf32>
        %add3A_509 = arith.addf %mul3A_506, %add3A_508 : vector<16xf32>
        %mul3A_510 = arith.mulf %add3A_509, %exp3A_503 : vector<16xf32>
        %add3A_511 = arith.constant -0.190354332 : f32
        %add3A_512 = vector.broadcast %add3A_511 : f32 to vector<16xf32>
        %add3A_513 = arith.addf %mul3A_510, %add3A_512 : vector<16xf32>
        %mul3A_514 = arith.mulf %add3A_513, %exp3A_503 : vector<16xf32>
        %add3A_515 = arith.constant 0.315747321 : f32
        %add3A_516 = vector.broadcast %add3A_515 : f32 to vector<16xf32>
        %add3A_517 = arith.addf %mul3A_514, %add3A_516 : vector<16xf32>
        %mul3A_518 = arith.mulf %add3A_517, %exp3A_503 : vector<16xf32>
        %add3A_519 = arith.constant -0.497373223 : f32
        %add3A_520 = vector.broadcast %add3A_519 : f32 to vector<16xf32>
        %add3A_521 = arith.addf %mul3A_518, %add3A_520 : vector<16xf32>
        %mul3A_522 = arith.mulf %add3A_521, %exp3A_503 : vector<16xf32>
        %add3A_523 = arith.constant 0.99984771 : f32
        %add3A_524 = vector.broadcast %add3A_523 : f32 to vector<16xf32>
        %add3A_525 = arith.addf %mul3A_522, %add3A_524 : vector<16xf32>
        %mul3A_526 = arith.mulf %add3A_525, %exp3A_503 : vector<16xf32>
        %add3A_527 = arith.constant 1.47206504E-6 : f32
        %add3A_528 = vector.broadcast %add3A_527 : f32 to vector<16xf32>
        %add3A_529 = arith.addf %mul3A_526, %add3A_528 : vector<16xf32>
        %add3A_530 = arith.addf %select_n3A_499, %add3A_529 : vector<16xf32>
        %abs3A_531 = math.absf %sub3A_490 : vector<16xf32>
        %gt3A_532 = arith.constant 9.99999997E-7 : f32
        %gt3A_533 = vector.broadcast %gt3A_532 : f32 to vector<16xf32>
        %gt3A_534 = arith.cmpf ogt, %abs3A_531, %gt3A_533 : vector<16xf32>
        %mul3A_535 = arith.mulf %get3A_489, %get3A_186 : vector<16xf32>
        %jit3A_536 = arith.constant 0.000000e+00 : f32
        %broadcast_in_dim3A_537 = vector.broadcast %jit3A_536 : f32 to vector<16xf32>
        %select_n3A_538 = arith.select %gt3A_534, %mul3A_535, %broadcast_in_dim3A_537 : vector<16xi1>, vector<16xf32>
        %mul3A_539 = arith.mulf %add3A_530, %select_n3A_538 : vector<16xf32>
        %add3A_540 = arith.addf %while3A_219, %mul3A_539 : vector<16xf32>
        %add3A_541 = arith.addf %while3A_220, %select_n3A_538 : vector<16xf32>
        %get3A_542 = arith.index_cast %while3A_210 : i32 to index
        %get3A_543 = arith.constant 80 : index
        %get3A_544 = tpu.vector_load %arg7[%get3A_542, %get3A_543] {strides = array<i32>} : memref<50x128xf32, #tpu.memory_space<vmem>>, vector<1x16xf32>,
        %get3A_545 = vector.shape_cast %get3A_544 : vector<1x16xf32> to vector<16xf32>
        %get3A_546 = arith.index_cast %while3A_210 : i32 to index
        %get3A_547 = arith.constant 80 : index
        %get3A_548 = tpu.vector_load %arg8[%get3A_546, %get3A_547] {strides = array<i32>} : memref<50x128xf32, #tpu.memory_space<vmem>>, vector<1x16xf32>,
        %get3A_549 = vector.shape_cast %get3A_548 : vector<1x16xf32> to vector<16xf32>
        %get3A_550 = arith.index_cast %while3A_210 : i32 to index
        %get3A_551 = arith.constant 80 : index
        %get3A_552 = tpu.vector_load %arg9[%get3A_550, %get3A_551] {strides = array<i32>} : memref<50x128xf32, #tpu.memory_space<vmem>>, vector<1x16xf32>,
        %get3A_553 = vector.shape_cast %get3A_552 : vector<1x16xf32> to vector<16xf32>
        %sub3A_554 = arith.subf %get3A_158, %get3A_549 : vector<16xf32>
        %sub3A_555 = arith.subf %get3A_545, %get3A_126 : vector<16xf32>
        %abs3A_556 = math.absf %sub3A_555 : vector<16xf32>
        %mul3A_557 = arith.mulf %sub3A_555, %sub3A_554 : vector<16xf32>
        %lt3A_558 = arith.constant 0.000000e+00 : f32
        %lt3A_559 = vector.broadcast %lt3A_558 : f32 to vector<16xf32>
        %lt3A_560 = arith.cmpf olt, %mul3A_557, %lt3A_559 : vector<16xf32>
        %jit3A_561 = arith.constant 0.000000e+00 : f32
        %broadcast_in_dim3A_562 = vector.broadcast %jit3A_561 : f32 to vector<16xf32>
        %select_n3A_563 = arith.select %lt3A_560, %abs3A_556, %broadcast_in_dim3A_562 : vector<16xi1>, vector<16xf32>
        %neg3A_564 = arith.constant 0.000000e+00 : f32
        %neg3A_565 = vector.broadcast %neg3A_564 : f32 to vector<16xf32>
        %neg3A_566 = arith.subf %neg3A_565, %abs3A_556 : vector<16xf32>
        %exp3A_567 = math.exp %neg3A_566 : vector<16xf32>
        %mul3A_568 = arith.constant -0.0174140781 : f32
        %mul3A_569 = vector.broadcast %mul3A_568 : f32 to vector<16xf32>
        %mul3A_570 = arith.mulf %mul3A_569, %exp3A_567 : vector<16xf32>
        %add3A_571 = arith.constant 0.0826912373 : f32
        %add3A_572 = vector.broadcast %add3A_571 : f32 to vector<16xf32>
        %add3A_573 = arith.addf %mul3A_570, %add3A_572 : vector<16xf32>
        %mul3A_574 = arith.mulf %add3A_573, %exp3A_567 : vector<16xf32>
        %add3A_575 = arith.constant -0.190354332 : f32
        %add3A_576 = vector.broadcast %add3A_575 : f32 to vector<16xf32>
        %add3A_577 = arith.addf %mul3A_574, %add3A_576 : vector<16xf32>
        %mul3A_578 = arith.mulf %add3A_577, %exp3A_567 : vector<16xf32>
        %add3A_579 = arith.constant 0.315747321 : f32
        %add3A_580 = vector.broadcast %add3A_579 : f32 to vector<16xf32>
        %add3A_581 = arith.addf %mul3A_578, %add3A_580 : vector<16xf32>
        %mul3A_582 = arith.mulf %add3A_581, %exp3A_567 : vector<16xf32>
        %add3A_583 = arith.constant -0.497373223 : f32
        %add3A_584 = vector.broadcast %add3A_583 : f32 to vector<16xf32>
        %add3A_585 = arith.addf %mul3A_582, %add3A_584 : vector<16xf32>
        %mul3A_586 = arith.mulf %add3A_585, %exp3A_567 : vector<16xf32>
        %add3A_587 = arith.constant 0.99984771 : f32
        %add3A_588 = vector.broadcast %add3A_587 : f32 to vector<16xf32>
        %add3A_589 = arith.addf %mul3A_586, %add3A_588 : vector<16xf32>
        %mul3A_590 = arith.mulf %add3A_589, %exp3A_567 : vector<16xf32>
        %add3A_591 = arith.constant 1.47206504E-6 : f32
        %add3A_592 = vector.broadcast %add3A_591 : f32 to vector<16xf32>
        %add3A_593 = arith.addf %mul3A_590, %add3A_592 : vector<16xf32>
        %add3A_594 = arith.addf %select_n3A_563, %add3A_593 : vector<16xf32>
        %abs3A_595 = math.absf %sub3A_554 : vector<16xf32>
        %gt3A_596 = arith.constant 9.99999997E-7 : f32
        %gt3A_597 = vector.broadcast %gt3A_596 : f32 to vector<16xf32>
        %gt3A_598 = arith.cmpf ogt, %abs3A_595, %gt3A_597 : vector<16xf32>
        %mul3A_599 = arith.mulf %get3A_553, %get3A_190 : vector<16xf32>
        %jit3A_600 = arith.constant 0.000000e+00 : f32
        %broadcast_in_dim3A_601 = vector.broadcast %jit3A_600 : f32 to vector<16xf32>
        %select_n3A_602 = arith.select %gt3A_598, %mul3A_599, %broadcast_in_dim3A_601 : vector<16xi1>, vector<16xf32>
        %mul3A_603 = arith.mulf %add3A_594, %select_n3A_602 : vector<16xf32>
        %add3A_604 = arith.addf %while3A_221, %mul3A_603 : vector<16xf32>
        %add3A_605 = arith.addf %while3A_222, %select_n3A_602 : vector<16xf32>
        %get3A_606 = arith.index_cast %while3A_210 : i32 to index
        %get3A_607 = arith.constant 96 : index
        %get3A_608 = tpu.vector_load %arg7[%get3A_606, %get3A_607] {strides = array<i32>} : memref<50x128xf32, #tpu.memory_space<vmem>>, vector<1x16xf32>,
        %get3A_609 = vector.shape_cast %get3A_608 : vector<1x16xf32> to vector<16xf32>
        %get3A_610 = arith.index_cast %while3A_210 : i32 to index
        %get3A_611 = arith.constant 96 : index
        %get3A_612 = tpu.vector_load %arg8[%get3A_610, %get3A_611] {strides = array<i32>} : memref<50x128xf32, #tpu.memory_space<vmem>>, vector<1x16xf32>,
        %get3A_613 = vector.shape_cast %get3A_612 : vector<1x16xf32> to vector<16xf32>
        %get3A_614 = arith.index_cast %while3A_210 : i32 to index
        %get3A_615 = arith.constant 96 : index
        %get3A_616 = tpu.vector_load %arg9[%get3A_614, %get3A_615] {strides = array<i32>} : memref<50x128xf32, #tpu.memory_space<vmem>>, vector<1x16xf32>,
        %get3A_617 = vector.shape_cast %get3A_616 : vector<1x16xf32> to vector<16xf32>
        %sub3A_618 = arith.subf %get3A_162, %get3A_613 : vector<16xf32>
        %sub3A_619 = arith.subf %get3A_609, %get3A_130 : vector<16xf32>
        %abs3A_620 = math.absf %sub3A_619 : vector<16xf32>
        %mul3A_621 = arith.mulf %sub3A_619, %sub3A_618 : vector<16xf32>
        %lt3A_622 = arith.constant 0.000000e+00 : f32
        %lt3A_623 = vector.broadcast %lt3A_622 : f32 to vector<16xf32>
        %lt3A_624 = arith.cmpf olt, %mul3A_621, %lt3A_623 : vector<16xf32>
        %jit3A_625 = arith.constant 0.000000e+00 : f32
        %broadcast_in_dim3A_626 = vector.broadcast %jit3A_625 : f32 to vector<16xf32>
        %select_n3A_627 = arith.select %lt3A_624, %abs3A_620, %broadcast_in_dim3A_626 : vector<16xi1>, vector<16xf32>
        %neg3A_628 = arith.constant 0.000000e+00 : f32
        %neg3A_629 = vector.broadcast %neg3A_628 : f32 to vector<16xf32>
        %neg3A_630 = arith.subf %neg3A_629, %abs3A_620 : vector<16xf32>
        %exp3A_631 = math.exp %neg3A_630 : vector<16xf32>
        %mul3A_632 = arith.constant -0.0174140781 : f32
        %mul3A_633 = vector.broadcast %mul3A_632 : f32 to vector<16xf32>
        %mul3A_634 = arith.mulf %mul3A_633, %exp3A_631 : vector<16xf32>
        %add3A_635 = arith.constant 0.0826912373 : f32
        %add3A_636 = vector.broadcast %add3A_635 : f32 to vector<16xf32>
        %add3A_637 = arith.addf %mul3A_634, %add3A_636 : vector<16xf32>
        %mul3A_638 = arith.mulf %add3A_637, %exp3A_631 : vector<16xf32>
        %add3A_639 = arith.constant -0.190354332 : f32
        %add3A_640 = vector.broadcast %add3A_639 : f32 to vector<16xf32>
        %add3A_641 = arith.addf %mul3A_638, %add3A_640 : vector<16xf32>
        %mul3A_642 = arith.mulf %add3A_641, %exp3A_631 : vector<16xf32>
        %add3A_643 = arith.constant 0.315747321 : f32
        %add3A_644 = vector.broadcast %add3A_643 : f32 to vector<16xf32>
        %add3A_645 = arith.addf %mul3A_642, %add3A_644 : vector<16xf32>
        %mul3A_646 = arith.mulf %add3A_645, %exp3A_631 : vector<16xf32>
        %add3A_647 = arith.constant -0.497373223 : f32
        %add3A_648 = vector.broadcast %add3A_647 : f32 to vector<16xf32>
        %add3A_649 = arith.addf %mul3A_646, %add3A_648 : vector<16xf32>
        %mul3A_650 = arith.mulf %add3A_649, %exp3A_631 : vector<16xf32>
        %add3A_651 = arith.constant 0.99984771 : f32
        %add3A_652 = vector.broadcast %add3A_651 : f32 to vector<16xf32>
        %add3A_653 = arith.addf %mul3A_650, %add3A_652 : vector<16xf32>
        %mul3A_654 = arith.mulf %add3A_653, %exp3A_631 : vector<16xf32>
        %add3A_655 = arith.constant 1.47206504E-6 : f32
        %add3A_656 = vector.broadcast %add3A_655 : f32 to vector<16xf32>
        %add3A_657 = arith.addf %mul3A_654, %add3A_656 : vector<16xf32>
        %add3A_658 = arith.addf %select_n3A_627, %add3A_657 : vector<16xf32>
        %abs3A_659 = math.absf %sub3A_618 : vector<16xf32>
        %gt3A_660 = arith.constant 9.99999997E-7 : f32
        %gt3A_661 = vector.broadcast %gt3A_660 : f32 to vector<16xf32>
        %gt3A_662 = arith.cmpf ogt, %abs3A_659, %gt3A_661 : vector<16xf32>
        %mul3A_663 = arith.mulf %get3A_617, %get3A_194 : vector<16xf32>
        %jit3A_664 = arith.constant 0.000000e+00 : f32
        %broadcast_in_dim3A_665 = vector.broadcast %jit3A_664 : f32 to vector<16xf32>
        %select_n3A_666 = arith.select %gt3A_662, %mul3A_663, %broadcast_in_dim3A_665 : vector<16xi1>, vector<16xf32>
        %mul3A_667 = arith.mulf %add3A_658, %select_n3A_666 : vector<16xf32>
        %add3A_668 = arith.addf %while3A_223, %mul3A_667 : vector<16xf32>
        %add3A_669 = arith.addf %while3A_224, %select_n3A_666 : vector<16xf32>
        %get3A_670 = arith.index_cast %while3A_210 : i32 to index
        %get3A_671 = arith.constant 112 : index
        %get3A_672 = tpu.vector_load %arg7[%get3A_670, %get3A_671] {strides = array<i32>} : memref<50x128xf32, #tpu.memory_space<vmem>>, vector<1x16xf32>,
        %get3A_673 = vector.shape_cast %get3A_672 : vector<1x16xf32> to vector<16xf32>
        %get3A_674 = arith.index_cast %while3A_210 : i32 to index
        %get3A_675 = arith.constant 112 : index
        %get3A_676 = tpu.vector_load %arg8[%get3A_674, %get3A_675] {strides = array<i32>} : memref<50x128xf32, #tpu.memory_space<vmem>>, vector<1x16xf32>,
        %get3A_677 = vector.shape_cast %get3A_676 : vector<1x16xf32> to vector<16xf32>
        %get3A_678 = arith.index_cast %while3A_210 : i32 to index
        %get3A_679 = arith.constant 112 : index
        %get3A_680 = tpu.vector_load %arg9[%get3A_678, %get3A_679] {strides = array<i32>} : memref<50x128xf32, #tpu.memory_space<vmem>>, vector<1x16xf32>,
        %get3A_681 = vector.shape_cast %get3A_680 : vector<1x16xf32> to vector<16xf32>
        %sub3A_682 = arith.subf %get3A_166, %get3A_677 : vector<16xf32>
        %sub3A_683 = arith.subf %get3A_673, %get3A_134 : vector<16xf32>
        %abs3A_684 = math.absf %sub3A_683 : vector<16xf32>
        %mul3A_685 = arith.mulf %sub3A_683, %sub3A_682 : vector<16xf32>
        %lt3A_686 = arith.constant 0.000000e+00 : f32
        %lt3A_687 = vector.broadcast %lt3A_686 : f32 to vector<16xf32>
        %lt3A_688 = arith.cmpf olt, %mul3A_685, %lt3A_687 : vector<16xf32>
        %jit3A_689 = arith.constant 0.000000e+00 : f32
        %broadcast_in_dim3A_690 = vector.broadcast %jit3A_689 : f32 to vector<16xf32>
        %select_n3A_691 = arith.select %lt3A_688, %abs3A_684, %broadcast_in_dim3A_690 : vector<16xi1>, vector<16xf32>
        %neg3A_692 = arith.constant 0.000000e+00 : f32
        %neg3A_693 = vector.broadcast %neg3A_692 : f32 to vector<16xf32>
        %neg3A_694 = arith.subf %neg3A_693, %abs3A_684 : vector<16xf32>
        %exp3A_695 = math.exp %neg3A_694 : vector<16xf32>
        %mul3A_696 = arith.constant -0.0174140781 : f32
        %mul3A_697 = vector.broadcast %mul3A_696 : f32 to vector<16xf32>
        %mul3A_698 = arith.mulf %mul3A_697, %exp3A_695 : vector<16xf32>
        %add3A_699 = arith.constant 0.0826912373 : f32
        %add3A_700 = vector.broadcast %add3A_699 : f32 to vector<16xf32>
        %add3A_701 = arith.addf %mul3A_698, %add3A_700 : vector<16xf32>
        %mul3A_702 = arith.mulf %add3A_701, %exp3A_695 : vector<16xf32>
        %add3A_703 = arith.constant -0.190354332 : f32
        %add3A_704 = vector.broadcast %add3A_703 : f32 to vector<16xf32>
        %add3A_705 = arith.addf %mul3A_702, %add3A_704 : vector<16xf32>
        %mul3A_706 = arith.mulf %add3A_705, %exp3A_695 : vector<16xf32>
        %add3A_707 = arith.constant 0.315747321 : f32
        %add3A_708 = vector.broadcast %add3A_707 : f32 to vector<16xf32>
        %add3A_709 = arith.addf %mul3A_706, %add3A_708 : vector<16xf32>
        %mul3A_710 = arith.mulf %add3A_709, %exp3A_695 : vector<16xf32>
        %add3A_711 = arith.constant -0.497373223 : f32
        %add3A_712 = vector.broadcast %add3A_711 : f32 to vector<16xf32>
        %add3A_713 = arith.addf %mul3A_710, %add3A_712 : vector<16xf32>
        %mul3A_714 = arith.mulf %add3A_713, %exp3A_695 : vector<16xf32>
        %add3A_715 = arith.constant 0.99984771 : f32
        %add3A_716 = vector.broadcast %add3A_715 : f32 to vector<16xf32>
        %add3A_717 = arith.addf %mul3A_714, %add3A_716 : vector<16xf32>
        %mul3A_718 = arith.mulf %add3A_717, %exp3A_695 : vector<16xf32>
        %add3A_719 = arith.constant 1.47206504E-6 : f32
        %add3A_720 = vector.broadcast %add3A_719 : f32 to vector<16xf32>
        %add3A_721 = arith.addf %mul3A_718, %add3A_720 : vector<16xf32>
        %add3A_722 = arith.addf %select_n3A_691, %add3A_721 : vector<16xf32>
        %abs3A_723 = math.absf %sub3A_682 : vector<16xf32>
        %gt3A_724 = arith.constant 9.99999997E-7 : f32
        %gt3A_725 = vector.broadcast %gt3A_724 : f32 to vector<16xf32>
        %gt3A_726 = arith.cmpf ogt, %abs3A_723, %gt3A_725 : vector<16xf32>
        %mul3A_727 = arith.mulf %get3A_681, %get3A_198 : vector<16xf32>
        %jit3A_728 = arith.constant 0.000000e+00 : f32
        %broadcast_in_dim3A_729 = vector.broadcast %jit3A_728 : f32 to vector<16xf32>
        %select_n3A_730 = arith.select %gt3A_726, %mul3A_727, %broadcast_in_dim3A_729 : vector<16xi1>, vector<16xf32>
        %mul3A_731 = arith.mulf %add3A_722, %select_n3A_730 : vector<16xf32>
        %add3A_732 = arith.addf %while3A_225, %mul3A_731 : vector<16xf32>
        %add3A_733 = arith.addf %while3A_226, %select_n3A_730 : vector<16xf32>
        scf.yield %add3A_284, %add3A_285, %add3A_348, %add3A_349, %add3A_412, %add3A_413, %add3A_476, %add3A_477, %add3A_540, %add3A_541, %add3A_604, %add3A_605, %add3A_668, %add3A_669, %add3A_732, %add3A_733 : vector<16xf32>, vector<16xf32>, vector<16xf32>, vector<16xf32>, vector<16xf32>, vector<16xf32>, vector<16xf32>, vector<16xf32>, vector<16xf32>, vector<16xf32>, vector<16xf32>, vector<16xf32>, vector<16xf32>, vector<16xf32>, vector<16xf32>, vector<16xf32>
      }
      scf.yield %while3A_209#0, %while3A_209#1, %while3A_209#2, %while3A_209#3, %while3A_209#4, %while3A_209#5, %while3A_209#6, %while3A_209#7, %while3A_209#8, %while3A_209#9, %while3A_209#10, %while3A_209#11, %while3A_209#12, %while3A_209#13, %while3A_209#14, %while3A_209#15 : vector<16xf32>, vector<16xf32>, vector<16xf32>, vector<16xf32>, vector<16xf32>, vector<16xf32>, vector<16xf32>, vector<16xf32>, vector<16xf32>, vector<16xf32>, vector<16xf32>, vector<16xf32>, vector<16xf32>, vector<16xf32>, vector<16xf32>, vector<16xf32>
    }
    %while3A_61 = arith.constant 1 : i32
    %while3A_62:16 = scf.for %while3A_84 = %while3A_58 to %while3A_54 step %while3A_61 iter_args(%while3A_85 = %while3A_60#0, %while3A_86 = %while3A_60#1, %while3A_87 = %while3A_60#2, %while3A_88 = %while3A_60#3, %while3A_89 = %while3A_60#4, %while3A_90 = %while3A_60#5, %while3A_91 = %while3A_60#6, %while3A_92 = %while3A_60#7, %while3A_93 = %while3A_60#8, %while3A_94 = %while3A_60#9, %while3A_95 = %while3A_60#10, %while3A_96 = %while3A_60#11, %while3A_97 = %while3A_60#12, %while3A_98 = %while3A_60#13, %while3A_99 = %while3A_60#14, %while3A_100 = %while3A_60#15) -> (vector<16xf32>, vector<16xf32>, vector<16xf32>, vector<16xf32>, vector<16xf32>, vector<16xf32>, vector<16xf32>, vector<16xf32>, vector<16xf32>, vector<16xf32>, vector<16xf32>, vector<16xf32>, vector<16xf32>, vector<16xf32>, vector<16xf32>, vector<16xf32>)  : i32 {
      %mul3A_101 = arith.constant 4 : i32
      %mul3A_102 = arith.muli %mul3A_101, %while3A_84 : i32
      %add3A_103 = arith.addi %select_n3A_23, %mul3A_102 : i32
      %get3A = arith.index_cast %add3A_103 : i32 to index
      %get3A_104 = arith.constant 0 : index
      %get3A_105 = tpu.vector_load %arg7[%get3A, %get3A_104] {strides = array<i32>} : memref<50x128xf32, #tpu.memory_space<vmem>>, vector<1x16xf32>,
      %get3A_106 = vector.shape_cast %get3A_105 : vector<1x16xf32> to vector<16xf32>
      %get3A_107 = arith.index_cast %add3A_103 : i32 to index
      %get3A_108 = arith.constant 16 : index
      %get3A_109 = tpu.vector_load %arg7[%get3A_107, %get3A_108] {strides = array<i32>} : memref<50x128xf32, #tpu.memory_space<vmem>>, vector<1x16xf32>,
      %get3A_110 = vector.shape_cast %get3A_109 : vector<1x16xf32> to vector<16xf32>
      %get3A_111 = arith.index_cast %add3A_103 : i32 to index
      %get3A_112 = arith.constant 32 : index
      %get3A_113 = tpu.vector_load %arg7[%get3A_111, %get3A_112] {strides = array<i32>} : memref<50x128xf32, #tpu.memory_space<vmem>>, vector<1x16xf32>,
      %get3A_114 = vector.shape_cast %get3A_113 : vector<1x16xf32> to vector<16xf32>
      %get3A_115 = arith.index_cast %add3A_103 : i32 to index
      %get3A_116 = arith.constant 48 : index
      %get3A_117 = tpu.vector_load %arg7[%get3A_115, %get3A_116] {strides = array<i32>} : memref<50x128xf32, #tpu.memory_space<vmem>>, vector<1x16xf32>,
      %get3A_118 = vector.shape_cast %get3A_117 : vector<1x16xf32> to vector<16xf32>
      %get3A_119 = arith.index_cast %add3A_103 : i32 to index
      %get3A_120 = arith.constant 64 : index
      %get3A_121 = tpu.vector_load %arg7[%get3A_119, %get3A_120] {strides = array<i32>} : memref<50x128xf32, #tpu.memory_space<vmem>>, vector<1x16xf32>,
      %get3A_122 = vector.shape_cast %get3A_121 : vector<1x16xf32> to vector<16xf32>
      %get3A_123 = arith.index_cast %add3A_103 : i32 to index
      %get3A_124 = arith.constant 80 : index
      %get3A_125 = tpu.vector_load %arg7[%get3A_123, %get3A_124] {strides = array<i32>} : memref<50x128xf32, #tpu.memory_space<vmem>>, vector<1x16xf32>,
      %get3A_126 = vector.shape_cast %get3A_125 : vector<1x16xf32> to vector<16xf32>
      %get3A_127 = arith.index_cast %add3A_103 : i32 to index
      %get3A_128 = arith.constant 96 : index
      %get3A_129 = tpu.vector_load %arg7[%get3A_127, %get3A_128] {strides = array<i32>} : memref<50x128xf32, #tpu.memory_space<vmem>>, vector<1x16xf32>,
      %get3A_130 = vector.shape_cast %get3A_129 : vector<1x16xf32> to vector<16xf32>
      %get3A_131 = arith.index_cast %add3A_103 : i32 to index
      %get3A_132 = arith.constant 112 : index
      %get3A_133 = tpu.vector_load %arg7[%get3A_131, %get3A_132] {strides = array<i32>} : memref<50x128xf32, #tpu.memory_space<vmem>>, vector<1x16xf32>,
      %get3A_134 = vector.shape_cast %get3A_133 : vector<1x16xf32> to vector<16xf32>
      %get3A_135 = arith.index_cast %add3A_103 : i32 to index
      %get3A_136 = arith.constant 0 : index
      %get3A_137 = tpu.vector_load %arg8[%get3A_135, %get3A_136] {strides = array<i32>} : memref<50x128xf32, #tpu.memory_space<vmem>>, vector<1x16xf32>,
      %get3A_138 = vector.shape_cast %get3A_137 : vector<1x16xf32> to vector<16xf32>
      %get3A_139 = arith.index_cast %add3A_103 : i32 to index
      %get3A_140 = arith.constant 16 : index
      %get3A_141 = tpu.vector_load %arg8[%get3A_139, %get3A_140] {strides = array<i32>} : memref<50x128xf32, #tpu.memory_space<vmem>>, vector<1x16xf32>,
      %get3A_142 = vector.shape_cast %get3A_141 : vector<1x16xf32> to vector<16xf32>
      %get3A_143 = arith.index_cast %add3A_103 : i32 to index
      %get3A_144 = arith.constant 32 : index
      %get3A_145 = tpu.vector_load %arg8[%get3A_143, %get3A_144] {strides = array<i32>} : memref<50x128xf32, #tpu.memory_space<vmem>>, vector<1x16xf32>,
      %get3A_146 = vector.shape_cast %get3A_145 : vector<1x16xf32> to vector<16xf32>
      %get3A_147 = arith.index_cast %add3A_103 : i32 to index
      %get3A_148 = arith.constant 48 : index
      %get3A_149 = tpu.vector_load %arg8[%get3A_147, %get3A_148] {strides = array<i32>} : memref<50x128xf32, #tpu.memory_space<vmem>>, vector<1x16xf32>,
      %get3A_150 = vector.shape_cast %get3A_149 : vector<1x16xf32> to vector<16xf32>
      %get3A_151 = arith.index_cast %add3A_103 : i32 to index
      %get3A_152 = arith.constant 64 : index
      %get3A_153 = tpu.vector_load %arg8[%get3A_151, %get3A_152] {strides = array<i32>} : memref<50x128xf32, #tpu.memory_space<vmem>>, vector<1x16xf32>,
      %get3A_154 = vector.shape_cast %get3A_153 : vector<1x16xf32> to vector<16xf32>
      %get3A_155 = arith.index_cast %add3A_103 : i32 to index
      %get3A_156 = arith.constant 80 : index
      %get3A_157 = tpu.vector_load %arg8[%get3A_155, %get3A_156] {strides = array<i32>} : memref<50x128xf32, #tpu.memory_space<vmem>>, vector<1x16xf32>,
      %get3A_158 = vector.shape_cast %get3A_157 : vector<1x16xf32> to vector<16xf32>
      %get3A_159 = arith.index_cast %add3A_103 : i32 to index
      %get3A_160 = arith.constant 96 : index
      %get3A_161 = tpu.vector_load %arg8[%get3A_159, %get3A_160] {strides = array<i32>} : memref<50x128xf32, #tpu.memory_space<vmem>>, vector<1x16xf32>,
      %get3A_162 = vector.shape_cast %get3A_161 : vector<1x16xf32> to vector<16xf32>
      %get3A_163 = arith.index_cast %add3A_103 : i32 to index
      %get3A_164 = arith.constant 112 : index
      %get3A_165 = tpu.vector_load %arg8[%get3A_163, %get3A_164] {strides = array<i32>} : memref<50x128xf32, #tpu.memory_space<vmem>>, vector<1x16xf32>,
      %get3A_166 = vector.shape_cast %get3A_165 : vector<1x16xf32> to vector<16xf32>
      %get3A_167 = arith.index_cast %add3A_103 : i32 to index
      %get3A_168 = arith.constant 0 : index
      %get3A_169 = tpu.vector_load %arg9[%get3A_167, %get3A_168] {strides = array<i32>} : memref<50x128xf32, #tpu.memory_space<vmem>>, vector<1x16xf32>,
      %get3A_170 = vector.shape_cast %get3A_169 : vector<1x16xf32> to vector<16xf32>
      %get3A_171 = arith.index_cast %add3A_103 : i32 to index
      %get3A_172 = arith.constant 16 : index
      %get3A_173 = tpu.vector_load %arg9[%get3A_171, %get3A_172] {strides = array<i32>} : memref<50x128xf32, #tpu.memory_space<vmem>>, vector<1x16xf32>,
      %get3A_174 = vector.shape_cast %get3A_173 : vector<1x16xf32> to vector<16xf32>
      %get3A_175 = arith.index_cast %add3A_103 : i32 to index
      %get3A_176 = arith.constant 32 : index
      %get3A_177 = tpu.vector_load %arg9[%get3A_175, %get3A_176] {strides = array<i32>} : memref<50x128xf32, #tpu.memory_space<vmem>>, vector<1x16xf32>,
      %get3A_178 = vector.shape_cast %get3A_177 : vector<1x16xf32> to vector<16xf32>
      %get3A_179 = arith.index_cast %add3A_103 : i32 to index
      %get3A_180 = arith.constant 48 : index
      %get3A_181 = tpu.vector_load %arg9[%get3A_179, %get3A_180] {strides = array<i32>} : memref<50x128xf32, #tpu.memory_space<vmem>>, vector<1x16xf32>,
      %get3A_182 = vector.shape_cast %get3A_181 : vector<1x16xf32> to vector<16xf32>
      %get3A_183 = arith.index_cast %add3A_103 : i32 to index
      %get3A_184 = arith.constant 64 : index
      %get3A_185 = tpu.vector_load %arg9[%get3A_183, %get3A_184] {strides = array<i32>} : memref<50x128xf32, #tpu.memory_space<vmem>>, vector<1x16xf32>,
      %get3A_186 = vector.shape_cast %get3A_185 : vector<1x16xf32> to vector<16xf32>
      %get3A_187 = arith.index_cast %add3A_103 : i32 to index
      %get3A_188 = arith.constant 80 : index
      %get3A_189 = tpu.vector_load %arg9[%get3A_187, %get3A_188] {strides = array<i32>} : memref<50x128xf32, #tpu.memory_space<vmem>>, vector<1x16xf32>,
      %get3A_190 = vector.shape_cast %get3A_189 : vector<1x16xf32> to vector<16xf32>
      %get3A_191 = arith.index_cast %add3A_103 : i32 to index
      %get3A_192 = arith.constant 96 : index
      %get3A_193 = tpu.vector_load %arg9[%get3A_191, %get3A_192] {strides = array<i32>} : memref<50x128xf32, #tpu.memory_space<vmem>>, vector<1x16xf32>,
      %get3A_194 = vector.shape_cast %get3A_193 : vector<1x16xf32> to vector<16xf32>
      %get3A_195 = arith.index_cast %add3A_103 : i32 to index
      %get3A_196 = arith.constant 112 : index
      %get3A_197 = tpu.vector_load %arg9[%get3A_195, %get3A_196] {strides = array<i32>} : memref<50x128xf32, #tpu.memory_space<vmem>>, vector<1x16xf32>,
      %get3A_198 = vector.shape_cast %get3A_197 : vector<1x16xf32> to vector<16xf32>
      %while3A_199 = arith.constant 0 : i32
      %while3A_200 = arith.subi %add3A_103, %while3A_199 : i32
      %while3A_201 = arith.addi %while3A_199, %while3A_200 : i32
      %while3A_202 = arith.constant 1 : i32
      %while3A_203 = arith.divsi %while3A_200, %while3A_202 : i32
      %while3A_204 = arith.muli %while3A_203, %while3A_202 : i32
      %while3A_205 = arith.addi %while3A_199, %while3A_204 : i32
      %while3A_206 = arith.constant 1 : i32
      %while3A_207:16 = scf.for %while3A_210 = %while3A_199 to %while3A_205 step %while3A_206 iter_args(%while3A_211 = %while3A_85, %while3A_212 = %while3A_86, %while3A_213 = %while3A_87, %while3A_214 = %while3A_88, %while3A_215 = %while3A_89, %while3A_216 = %while3A_90, %while3A_217 = %while3A_91, %while3A_218 = %while3A_92, %while3A_219 = %while3A_93, %while3A_220 = %while3A_94, %while3A_221 = %while3A_95, %while3A_222 = %while3A_96, %while3A_223 = %while3A_97, %while3A_224 = %while3A_98, %while3A_225 = %while3A_99, %while3A_226 = %while3A_100) -> (vector<16xf32>, vector<16xf32>, vector<16xf32>, vector<16xf32>, vector<16xf32>, vector<16xf32>, vector<16xf32>, vector<16xf32>, vector<16xf32>, vector<16xf32>, vector<16xf32>, vector<16xf32>, vector<16xf32>, vector<16xf32>, vector<16xf32>, vector<16xf32>)  : i32 {
        %get3A_227 = arith.index_cast %while3A_210 : i32 to index
        %get3A_228 = arith.constant 0 : index
        %get3A_229 = tpu.vector_load %arg7[%get3A_227, %get3A_228] {strides = array<i32>} : memref<50x128xf32, #tpu.memory_space<vmem>>, vector<1x16xf32>,
        %get3A_230 = vector.shape_cast %get3A_229 : vector<1x16xf32> to vector<16xf32>
        %get3A_231 = arith.index_cast %while3A_210 : i32 to index
        %get3A_232 = arith.constant 0 : index
        %get3A_233 = tpu.vector_load %arg8[%get3A_231, %get3A_232] {strides = array<i32>} : memref<50x128xf32, #tpu.memory_space<vmem>>, vector<1x16xf32>,
        %get3A_234 = vector.shape_cast %get3A_233 : vector<1x16xf32> to vector<16xf32>
        %get3A_235 = arith.index_cast %while3A_210 : i32 to index
        %get3A_236 = arith.constant 0 : index
        %get3A_237 = tpu.vector_load %arg9[%get3A_235, %get3A_236] {strides = array<i32>} : memref<50x128xf32, #tpu.memory_space<vmem>>, vector<1x16xf32>,
        %get3A_238 = vector.shape_cast %get3A_237 : vector<1x16xf32> to vector<16xf32>
        %sub3A_239 = arith.subf %get3A_138, %get3A_234 : vector<16xf32>
        %sub3A_240 = arith.subf %get3A_230, %get3A_106 : vector<16xf32>
        %abs3A = math.absf %sub3A_240 : vector<16xf32>
        %mul3A_241 = arith.mulf %sub3A_240, %sub3A_239 : vector<16xf32>
        %lt3A = arith.constant 0.000000e+00 : f32
        %lt3A_242 = vector.broadcast %lt3A : f32 to vector<16xf32>
        %lt3A_243 = arith.cmpf olt, %mul3A_241, %lt3A_242 : vector<16xf32>
        %jit3A_244 = arith.constant 0.000000e+00 : f32
        %broadcast_in_dim3A_245 = vector.broadcast %jit3A_244 : f32 to vector<16xf32>
        %select_n3A_246 = arith.select %lt3A_243, %abs3A, %broadcast_in_dim3A_245 : vector<16xi1>, vector<16xf32>
        %neg3A = arith.constant 0.000000e+00 : f32
        %neg3A_247 = vector.broadcast %neg3A : f32 to vector<16xf32>
        %neg3A_248 = arith.subf %neg3A_247, %abs3A : vector<16xf32>
        %exp3A = math.exp %neg3A_248 : vector<16xf32>
        %mul3A_249 = arith.constant -0.0174140781 : f32
        %mul3A_250 = vector.broadcast %mul3A_249 : f32 to vector<16xf32>
        %mul3A_251 = arith.mulf %mul3A_250, %exp3A : vector<16xf32>
        %add3A_252 = arith.constant 0.0826912373 : f32
        %add3A_253 = vector.broadcast %add3A_252 : f32 to vector<16xf32>
        %add3A_254 = arith.addf %mul3A_251, %add3A_253 : vector<16xf32>
        %mul3A_255 = arith.mulf %add3A_254, %exp3A : vector<16xf32>
        %add3A_256 = arith.constant -0.190354332 : f32
        %add3A_257 = vector.broadcast %add3A_256 : f32 to vector<16xf32>
        %add3A_258 = arith.addf %mul3A_255, %add3A_257 : vector<16xf32>
        %mul3A_259 = arith.mulf %add3A_258, %exp3A : vector<16xf32>
        %add3A_260 = arith.constant 0.315747321 : f32
        %add3A_261 = vector.broadcast %add3A_260 : f32 to vector<16xf32>
        %add3A_262 = arith.addf %mul3A_259, %add3A_261 : vector<16xf32>
        %mul3A_263 = arith.mulf %add3A_262, %exp3A : vector<16xf32>
        %add3A_264 = arith.constant -0.497373223 : f32
        %add3A_265 = vector.broadcast %add3A_264 : f32 to vector<16xf32>
        %add3A_266 = arith.addf %mul3A_263, %add3A_265 : vector<16xf32>
        %mul3A_267 = arith.mulf %add3A_266, %exp3A : vector<16xf32>
        %add3A_268 = arith.constant 0.99984771 : f32
        %add3A_269 = vector.broadcast %add3A_268 : f32 to vector<16xf32>
        %add3A_270 = arith.addf %mul3A_267, %add3A_269 : vector<16xf32>
        %mul3A_271 = arith.mulf %add3A_270, %exp3A : vector<16xf32>
        %add3A_272 = arith.constant 1.47206504E-6 : f32
        %add3A_273 = vector.broadcast %add3A_272 : f32 to vector<16xf32>
        %add3A_274 = arith.addf %mul3A_271, %add3A_273 : vector<16xf32>
        %add3A_275 = arith.addf %select_n3A_246, %add3A_274 : vector<16xf32>
        %abs3A_276 = math.absf %sub3A_239 : vector<16xf32>
        %gt3A = arith.constant 9.99999997E-7 : f32
        %gt3A_277 = vector.broadcast %gt3A : f32 to vector<16xf32>
        %gt3A_278 = arith.cmpf ogt, %abs3A_276, %gt3A_277 : vector<16xf32>
        %mul3A_279 = arith.mulf %get3A_238, %get3A_170 : vector<16xf32>
        %jit3A_280 = arith.constant 0.000000e+00 : f32
        %broadcast_in_dim3A_281 = vector.broadcast %jit3A_280 : f32 to vector<16xf32>
        %select_n3A_282 = arith.select %gt3A_278, %mul3A_279, %broadcast_in_dim3A_281 : vector<16xi1>, vector<16xf32>
        %mul3A_283 = arith.mulf %add3A_275, %select_n3A_282 : vector<16xf32>
        %add3A_284 = arith.addf %while3A_211, %mul3A_283 : vector<16xf32>
        %add3A_285 = arith.addf %while3A_212, %select_n3A_282 : vector<16xf32>
        %get3A_286 = arith.index_cast %while3A_210 : i32 to index
        %get3A_287 = arith.constant 16 : index
        %get3A_288 = tpu.vector_load %arg7[%get3A_286, %get3A_287] {strides = array<i32>} : memref<50x128xf32, #tpu.memory_space<vmem>>, vector<1x16xf32>,
        %get3A_289 = vector.shape_cast %get3A_288 : vector<1x16xf32> to vector<16xf32>
        %get3A_290 = arith.index_cast %while3A_210 : i32 to index
        %get3A_291 = arith.constant 16 : index
        %get3A_292 = tpu.vector_load %arg8[%get3A_290, %get3A_291] {strides = array<i32>} : memref<50x128xf32, #tpu.memory_space<vmem>>, vector<1x16xf32>,
        %get3A_293 = vector.shape_cast %get3A_292 : vector<1x16xf32> to vector<16xf32>
        %get3A_294 = arith.index_cast %while3A_210 : i32 to index
        %get3A_295 = arith.constant 16 : index
        %get3A_296 = tpu.vector_load %arg9[%get3A_294, %get3A_295] {strides = array<i32>} : memref<50x128xf32, #tpu.memory_space<vmem>>, vector<1x16xf32>,
        %get3A_297 = vector.shape_cast %get3A_296 : vector<1x16xf32> to vector<16xf32>
        %sub3A_298 = arith.subf %get3A_142, %get3A_293 : vector<16xf32>
        %sub3A_299 = arith.subf %get3A_289, %get3A_110 : vector<16xf32>
        %abs3A_300 = math.absf %sub3A_299 : vector<16xf32>
        %mul3A_301 = arith.mulf %sub3A_299, %sub3A_298 : vector<16xf32>
        %lt3A_302 = arith.constant 0.000000e+00 : f32
        %lt3A_303 = vector.broadcast %lt3A_302 : f32 to vector<16xf32>
        %lt3A_304 = arith.cmpf olt, %mul3A_301, %lt3A_303 : vector<16xf32>
        %jit3A_305 = arith.constant 0.000000e+00 : f32
        %broadcast_in_dim3A_306 = vector.broadcast %jit3A_305 : f32 to vector<16xf32>
        %select_n3A_307 = arith.select %lt3A_304, %abs3A_300, %broadcast_in_dim3A_306 : vector<16xi1>, vector<16xf32>
        %neg3A_308 = arith.constant 0.000000e+00 : f32
        %neg3A_309 = vector.broadcast %neg3A_308 : f32 to vector<16xf32>
        %neg3A_310 = arith.subf %neg3A_309, %abs3A_300 : vector<16xf32>
        %exp3A_311 = math.exp %neg3A_310 : vector<16xf32>
        %mul3A_312 = arith.constant -0.0174140781 : f32
        %mul3A_313 = vector.broadcast %mul3A_312 : f32 to vector<16xf32>
        %mul3A_314 = arith.mulf %mul3A_313, %exp3A_311 : vector<16xf32>
        %add3A_315 = arith.constant 0.0826912373 : f32
        %add3A_316 = vector.broadcast %add3A_315 : f32 to vector<16xf32>
        %add3A_317 = arith.addf %mul3A_314, %add3A_316 : vector<16xf32>
        %mul3A_318 = arith.mulf %add3A_317, %exp3A_311 : vector<16xf32>
        %add3A_319 = arith.constant -0.190354332 : f32
        %add3A_320 = vector.broadcast %add3A_319 : f32 to vector<16xf32>
        %add3A_321 = arith.addf %mul3A_318, %add3A_320 : vector<16xf32>
        %mul3A_322 = arith.mulf %add3A_321, %exp3A_311 : vector<16xf32>
        %add3A_323 = arith.constant 0.315747321 : f32
        %add3A_324 = vector.broadcast %add3A_323 : f32 to vector<16xf32>
        %add3A_325 = arith.addf %mul3A_322, %add3A_324 : vector<16xf32>
        %mul3A_326 = arith.mulf %add3A_325, %exp3A_311 : vector<16xf32>
        %add3A_327 = arith.constant -0.497373223 : f32
        %add3A_328 = vector.broadcast %add3A_327 : f32 to vector<16xf32>
        %add3A_329 = arith.addf %mul3A_326, %add3A_328 : vector<16xf32>
        %mul3A_330 = arith.mulf %add3A_329, %exp3A_311 : vector<16xf32>
        %add3A_331 = arith.constant 0.99984771 : f32
        %add3A_332 = vector.broadcast %add3A_331 : f32 to vector<16xf32>
        %add3A_333 = arith.addf %mul3A_330, %add3A_332 : vector<16xf32>
        %mul3A_334 = arith.mulf %add3A_333, %exp3A_311 : vector<16xf32>
        %add3A_335 = arith.constant 1.47206504E-6 : f32
        %add3A_336 = vector.broadcast %add3A_335 : f32 to vector<16xf32>
        %add3A_337 = arith.addf %mul3A_334, %add3A_336 : vector<16xf32>
        %add3A_338 = arith.addf %select_n3A_307, %add3A_337 : vector<16xf32>
        %abs3A_339 = math.absf %sub3A_298 : vector<16xf32>
        %gt3A_340 = arith.constant 9.99999997E-7 : f32
        %gt3A_341 = vector.broadcast %gt3A_340 : f32 to vector<16xf32>
        %gt3A_342 = arith.cmpf ogt, %abs3A_339, %gt3A_341 : vector<16xf32>
        %mul3A_343 = arith.mulf %get3A_297, %get3A_174 : vector<16xf32>
        %jit3A_344 = arith.constant 0.000000e+00 : f32
        %broadcast_in_dim3A_345 = vector.broadcast %jit3A_344 : f32 to vector<16xf32>
        %select_n3A_346 = arith.select %gt3A_342, %mul3A_343, %broadcast_in_dim3A_345 : vector<16xi1>, vector<16xf32>
        %mul3A_347 = arith.mulf %add3A_338, %select_n3A_346 : vector<16xf32>
        %add3A_348 = arith.addf %while3A_213, %mul3A_347 : vector<16xf32>
        %add3A_349 = arith.addf %while3A_214, %select_n3A_346 : vector<16xf32>
        %get3A_350 = arith.index_cast %while3A_210 : i32 to index
        %get3A_351 = arith.constant 32 : index
        %get3A_352 = tpu.vector_load %arg7[%get3A_350, %get3A_351] {strides = array<i32>} : memref<50x128xf32, #tpu.memory_space<vmem>>, vector<1x16xf32>,
        %get3A_353 = vector.shape_cast %get3A_352 : vector<1x16xf32> to vector<16xf32>
        %get3A_354 = arith.index_cast %while3A_210 : i32 to index
        %get3A_355 = arith.constant 32 : index
        %get3A_356 = tpu.vector_load %arg8[%get3A_354, %get3A_355] {strides = array<i32>} : memref<50x128xf32, #tpu.memory_space<vmem>>, vector<1x16xf32>,
        %get3A_357 = vector.shape_cast %get3A_356 : vector<1x16xf32> to vector<16xf32>
        %get3A_358 = arith.index_cast %while3A_210 : i32 to index
        %get3A_359 = arith.constant 32 : index
        %get3A_360 = tpu.vector_load %arg9[%get3A_358, %get3A_359] {strides = array<i32>} : memref<50x128xf32, #tpu.memory_space<vmem>>, vector<1x16xf32>,
        %get3A_361 = vector.shape_cast %get3A_360 : vector<1x16xf32> to vector<16xf32>
        %sub3A_362 = arith.subf %get3A_146, %get3A_357 : vector<16xf32>
        %sub3A_363 = arith.subf %get3A_353, %get3A_114 : vector<16xf32>
        %abs3A_364 = math.absf %sub3A_363 : vector<16xf32>
        %mul3A_365 = arith.mulf %sub3A_363, %sub3A_362 : vector<16xf32>
        %lt3A_366 = arith.constant 0.000000e+00 : f32
        %lt3A_367 = vector.broadcast %lt3A_366 : f32 to vector<16xf32>
        %lt3A_368 = arith.cmpf olt, %mul3A_365, %lt3A_367 : vector<16xf32>
        %jit3A_369 = arith.constant 0.000000e+00 : f32
        %broadcast_in_dim3A_370 = vector.broadcast %jit3A_369 : f32 to vector<16xf32>
        %select_n3A_371 = arith.select %lt3A_368, %abs3A_364, %broadcast_in_dim3A_370 : vector<16xi1>, vector<16xf32>
        %neg3A_372 = arith.constant 0.000000e+00 : f32
        %neg3A_373 = vector.broadcast %neg3A_372 : f32 to vector<16xf32>
        %neg3A_374 = arith.subf %neg3A_373, %abs3A_364 : vector<16xf32>
        %exp3A_375 = math.exp %neg3A_374 : vector<16xf32>
        %mul3A_376 = arith.constant -0.0174140781 : f32
        %mul3A_377 = vector.broadcast %mul3A_376 : f32 to vector<16xf32>
        %mul3A_378 = arith.mulf %mul3A_377, %exp3A_375 : vector<16xf32>
        %add3A_379 = arith.constant 0.0826912373 : f32
        %add3A_380 = vector.broadcast %add3A_379 : f32 to vector<16xf32>
        %add3A_381 = arith.addf %mul3A_378, %add3A_380 : vector<16xf32>
        %mul3A_382 = arith.mulf %add3A_381, %exp3A_375 : vector<16xf32>
        %add3A_383 = arith.constant -0.190354332 : f32
        %add3A_384 = vector.broadcast %add3A_383 : f32 to vector<16xf32>
        %add3A_385 = arith.addf %mul3A_382, %add3A_384 : vector<16xf32>
        %mul3A_386 = arith.mulf %add3A_385, %exp3A_375 : vector<16xf32>
        %add3A_387 = arith.constant 0.315747321 : f32
        %add3A_388 = vector.broadcast %add3A_387 : f32 to vector<16xf32>
        %add3A_389 = arith.addf %mul3A_386, %add3A_388 : vector<16xf32>
        %mul3A_390 = arith.mulf %add3A_389, %exp3A_375 : vector<16xf32>
        %add3A_391 = arith.constant -0.497373223 : f32
        %add3A_392 = vector.broadcast %add3A_391 : f32 to vector<16xf32>
        %add3A_393 = arith.addf %mul3A_390, %add3A_392 : vector<16xf32>
        %mul3A_394 = arith.mulf %add3A_393, %exp3A_375 : vector<16xf32>
        %add3A_395 = arith.constant 0.99984771 : f32
        %add3A_396 = vector.broadcast %add3A_395 : f32 to vector<16xf32>
        %add3A_397 = arith.addf %mul3A_394, %add3A_396 : vector<16xf32>
        %mul3A_398 = arith.mulf %add3A_397, %exp3A_375 : vector<16xf32>
        %add3A_399 = arith.constant 1.47206504E-6 : f32
        %add3A_400 = vector.broadcast %add3A_399 : f32 to vector<16xf32>
        %add3A_401 = arith.addf %mul3A_398, %add3A_400 : vector<16xf32>
        %add3A_402 = arith.addf %select_n3A_371, %add3A_401 : vector<16xf32>
        %abs3A_403 = math.absf %sub3A_362 : vector<16xf32>
        %gt3A_404 = arith.constant 9.99999997E-7 : f32
        %gt3A_405 = vector.broadcast %gt3A_404 : f32 to vector<16xf32>
        %gt3A_406 = arith.cmpf ogt, %abs3A_403, %gt3A_405 : vector<16xf32>
        %mul3A_407 = arith.mulf %get3A_361, %get3A_178 : vector<16xf32>
        %jit3A_408 = arith.constant 0.000000e+00 : f32
        %broadcast_in_dim3A_409 = vector.broadcast %jit3A_408 : f32 to vector<16xf32>
        %select_n3A_410 = arith.select %gt3A_406, %mul3A_407, %broadcast_in_dim3A_409 : vector<16xi1>, vector<16xf32>
        %mul3A_411 = arith.mulf %add3A_402, %select_n3A_410 : vector<16xf32>
        %add3A_412 = arith.addf %while3A_215, %mul3A_411 : vector<16xf32>
        %add3A_413 = arith.addf %while3A_216, %select_n3A_410 : vector<16xf32>
        %get3A_414 = arith.index_cast %while3A_210 : i32 to index
        %get3A_415 = arith.constant 48 : index
        %get3A_416 = tpu.vector_load %arg7[%get3A_414, %get3A_415] {strides = array<i32>} : memref<50x128xf32, #tpu.memory_space<vmem>>, vector<1x16xf32>,
        %get3A_417 = vector.shape_cast %get3A_416 : vector<1x16xf32> to vector<16xf32>
        %get3A_418 = arith.index_cast %while3A_210 : i32 to index
        %get3A_419 = arith.constant 48 : index
        %get3A_420 = tpu.vector_load %arg8[%get3A_418, %get3A_419] {strides = array<i32>} : memref<50x128xf32, #tpu.memory_space<vmem>>, vector<1x16xf32>,
        %get3A_421 = vector.shape_cast %get3A_420 : vector<1x16xf32> to vector<16xf32>
        %get3A_422 = arith.index_cast %while3A_210 : i32 to index
        %get3A_423 = arith.constant 48 : index
        %get3A_424 = tpu.vector_load %arg9[%get3A_422, %get3A_423] {strides = array<i32>} : memref<50x128xf32, #tpu.memory_space<vmem>>, vector<1x16xf32>,
        %get3A_425 = vector.shape_cast %get3A_424 : vector<1x16xf32> to vector<16xf32>
        %sub3A_426 = arith.subf %get3A_150, %get3A_421 : vector<16xf32>
        %sub3A_427 = arith.subf %get3A_417, %get3A_118 : vector<16xf32>
        %abs3A_428 = math.absf %sub3A_427 : vector<16xf32>
        %mul3A_429 = arith.mulf %sub3A_427, %sub3A_426 : vector<16xf32>
        %lt3A_430 = arith.constant 0.000000e+00 : f32
        %lt3A_431 = vector.broadcast %lt3A_430 : f32 to vector<16xf32>
        %lt3A_432 = arith.cmpf olt, %mul3A_429, %lt3A_431 : vector<16xf32>
        %jit3A_433 = arith.constant 0.000000e+00 : f32
        %broadcast_in_dim3A_434 = vector.broadcast %jit3A_433 : f32 to vector<16xf32>
        %select_n3A_435 = arith.select %lt3A_432, %abs3A_428, %broadcast_in_dim3A_434 : vector<16xi1>, vector<16xf32>
        %neg3A_436 = arith.constant 0.000000e+00 : f32
        %neg3A_437 = vector.broadcast %neg3A_436 : f32 to vector<16xf32>
        %neg3A_438 = arith.subf %neg3A_437, %abs3A_428 : vector<16xf32>
        %exp3A_439 = math.exp %neg3A_438 : vector<16xf32>
        %mul3A_440 = arith.constant -0.0174140781 : f32
        %mul3A_441 = vector.broadcast %mul3A_440 : f32 to vector<16xf32>
        %mul3A_442 = arith.mulf %mul3A_441, %exp3A_439 : vector<16xf32>
        %add3A_443 = arith.constant 0.0826912373 : f32
        %add3A_444 = vector.broadcast %add3A_443 : f32 to vector<16xf32>
        %add3A_445 = arith.addf %mul3A_442, %add3A_444 : vector<16xf32>
        %mul3A_446 = arith.mulf %add3A_445, %exp3A_439 : vector<16xf32>
        %add3A_447 = arith.constant -0.190354332 : f32
        %add3A_448 = vector.broadcast %add3A_447 : f32 to vector<16xf32>
        %add3A_449 = arith.addf %mul3A_446, %add3A_448 : vector<16xf32>
        %mul3A_450 = arith.mulf %add3A_449, %exp3A_439 : vector<16xf32>
        %add3A_451 = arith.constant 0.315747321 : f32
        %add3A_452 = vector.broadcast %add3A_451 : f32 to vector<16xf32>
        %add3A_453 = arith.addf %mul3A_450, %add3A_452 : vector<16xf32>
        %mul3A_454 = arith.mulf %add3A_453, %exp3A_439 : vector<16xf32>
        %add3A_455 = arith.constant -0.497373223 : f32
        %add3A_456 = vector.broadcast %add3A_455 : f32 to vector<16xf32>
        %add3A_457 = arith.addf %mul3A_454, %add3A_456 : vector<16xf32>
        %mul3A_458 = arith.mulf %add3A_457, %exp3A_439 : vector<16xf32>
        %add3A_459 = arith.constant 0.99984771 : f32
        %add3A_460 = vector.broadcast %add3A_459 : f32 to vector<16xf32>
        %add3A_461 = arith.addf %mul3A_458, %add3A_460 : vector<16xf32>
        %mul3A_462 = arith.mulf %add3A_461, %exp3A_439 : vector<16xf32>
        %add3A_463 = arith.constant 1.47206504E-6 : f32
        %add3A_464 = vector.broadcast %add3A_463 : f32 to vector<16xf32>
        %add3A_465 = arith.addf %mul3A_462, %add3A_464 : vector<16xf32>
        %add3A_466 = arith.addf %select_n3A_435, %add3A_465 : vector<16xf32>
        %abs3A_467 = math.absf %sub3A_426 : vector<16xf32>
        %gt3A_468 = arith.constant 9.99999997E-7 : f32
        %gt3A_469 = vector.broadcast %gt3A_468 : f32 to vector<16xf32>
        %gt3A_470 = arith.cmpf ogt, %abs3A_467, %gt3A_469 : vector<16xf32>
        %mul3A_471 = arith.mulf %get3A_425, %get3A_182 : vector<16xf32>
        %jit3A_472 = arith.constant 0.000000e+00 : f32
        %broadcast_in_dim3A_473 = vector.broadcast %jit3A_472 : f32 to vector<16xf32>
        %select_n3A_474 = arith.select %gt3A_470, %mul3A_471, %broadcast_in_dim3A_473 : vector<16xi1>, vector<16xf32>
        %mul3A_475 = arith.mulf %add3A_466, %select_n3A_474 : vector<16xf32>
        %add3A_476 = arith.addf %while3A_217, %mul3A_475 : vector<16xf32>
        %add3A_477 = arith.addf %while3A_218, %select_n3A_474 : vector<16xf32>
        %get3A_478 = arith.index_cast %while3A_210 : i32 to index
        %get3A_479 = arith.constant 64 : index
        %get3A_480 = tpu.vector_load %arg7[%get3A_478, %get3A_479] {strides = array<i32>} : memref<50x128xf32, #tpu.memory_space<vmem>>, vector<1x16xf32>,
        %get3A_481 = vector.shape_cast %get3A_480 : vector<1x16xf32> to vector<16xf32>
        %get3A_482 = arith.index_cast %while3A_210 : i32 to index
        %get3A_483 = arith.constant 64 : index
        %get3A_484 = tpu.vector_load %arg8[%get3A_482, %get3A_483] {strides = array<i32>} : memref<50x128xf32, #tpu.memory_space<vmem>>, vector<1x16xf32>,
        %get3A_485 = vector.shape_cast %get3A_484 : vector<1x16xf32> to vector<16xf32>
        %get3A_486 = arith.index_cast %while3A_210 : i32 to index
        %get3A_487 = arith.constant 64 : index
        %get3A_488 = tpu.vector_load %arg9[%get3A_486, %get3A_487] {strides = array<i32>} : memref<50x128xf32, #tpu.memory_space<vmem>>, vector<1x16xf32>,
        %get3A_489 = vector.shape_cast %get3A_488 : vector<1x16xf32> to vector<16xf32>
        %sub3A_490 = arith.subf %get3A_154, %get3A_485 : vector<16xf32>
        %sub3A_491 = arith.subf %get3A_481, %get3A_122 : vector<16xf32>
        %abs3A_492 = math.absf %sub3A_491 : vector<16xf32>
        %mul3A_493 = arith.mulf %sub3A_491, %sub3A_490 : vector<16xf32>
        %lt3A_494 = arith.constant 0.000000e+00 : f32
        %lt3A_495 = vector.broadcast %lt3A_494 : f32 to vector<16xf32>
        %lt3A_496 = arith.cmpf olt, %mul3A_493, %lt3A_495 : vector<16xf32>
        %jit3A_497 = arith.constant 0.000000e+00 : f32
        %broadcast_in_dim3A_498 = vector.broadcast %jit3A_497 : f32 to vector<16xf32>
        %select_n3A_499 = arith.select %lt3A_496, %abs3A_492, %broadcast_in_dim3A_498 : vector<16xi1>, vector<16xf32>
        %neg3A_500 = arith.constant 0.000000e+00 : f32
        %neg3A_501 = vector.broadcast %neg3A_500 : f32 to vector<16xf32>
        %neg3A_502 = arith.subf %neg3A_501, %abs3A_492 : vector<16xf32>
        %exp3A_503 = math.exp %neg3A_502 : vector<16xf32>
        %mul3A_504 = arith.constant -0.0174140781 : f32
        %mul3A_505 = vector.broadcast %mul3A_504 : f32 to vector<16xf32>
        %mul3A_506 = arith.mulf %mul3A_505, %exp3A_503 : vector<16xf32>
        %add3A_507 = arith.constant 0.0826912373 : f32
        %add3A_508 = vector.broadcast %add3A_507 : f32 to vector<16xf32>
        %add3A_509 = arith.addf %mul3A_506, %add3A_508 : vector<16xf32>
        %mul3A_510 = arith.mulf %add3A_509, %exp3A_503 : vector<16xf32>
        %add3A_511 = arith.constant -0.190354332 : f32
        %add3A_512 = vector.broadcast %add3A_511 : f32 to vector<16xf32>
        %add3A_513 = arith.addf %mul3A_510, %add3A_512 : vector<16xf32>
        %mul3A_514 = arith.mulf %add3A_513, %exp3A_503 : vector<16xf32>
        %add3A_515 = arith.constant 0.315747321 : f32
        %add3A_516 = vector.broadcast %add3A_515 : f32 to vector<16xf32>
        %add3A_517 = arith.addf %mul3A_514, %add3A_516 : vector<16xf32>
        %mul3A_518 = arith.mulf %add3A_517, %exp3A_503 : vector<16xf32>
        %add3A_519 = arith.constant -0.497373223 : f32
        %add3A_520 = vector.broadcast %add3A_519 : f32 to vector<16xf32>
        %add3A_521 = arith.addf %mul3A_518, %add3A_520 : vector<16xf32>
        %mul3A_522 = arith.mulf %add3A_521, %exp3A_503 : vector<16xf32>
        %add3A_523 = arith.constant 0.99984771 : f32
        %add3A_524 = vector.broadcast %add3A_523 : f32 to vector<16xf32>
        %add3A_525 = arith.addf %mul3A_522, %add3A_524 : vector<16xf32>
        %mul3A_526 = arith.mulf %add3A_525, %exp3A_503 : vector<16xf32>
        %add3A_527 = arith.constant 1.47206504E-6 : f32
        %add3A_528 = vector.broadcast %add3A_527 : f32 to vector<16xf32>
        %add3A_529 = arith.addf %mul3A_526, %add3A_528 : vector<16xf32>
        %add3A_530 = arith.addf %select_n3A_499, %add3A_529 : vector<16xf32>
        %abs3A_531 = math.absf %sub3A_490 : vector<16xf32>
        %gt3A_532 = arith.constant 9.99999997E-7 : f32
        %gt3A_533 = vector.broadcast %gt3A_532 : f32 to vector<16xf32>
        %gt3A_534 = arith.cmpf ogt, %abs3A_531, %gt3A_533 : vector<16xf32>
        %mul3A_535 = arith.mulf %get3A_489, %get3A_186 : vector<16xf32>
        %jit3A_536 = arith.constant 0.000000e+00 : f32
        %broadcast_in_dim3A_537 = vector.broadcast %jit3A_536 : f32 to vector<16xf32>
        %select_n3A_538 = arith.select %gt3A_534, %mul3A_535, %broadcast_in_dim3A_537 : vector<16xi1>, vector<16xf32>
        %mul3A_539 = arith.mulf %add3A_530, %select_n3A_538 : vector<16xf32>
        %add3A_540 = arith.addf %while3A_219, %mul3A_539 : vector<16xf32>
        %add3A_541 = arith.addf %while3A_220, %select_n3A_538 : vector<16xf32>
        %get3A_542 = arith.index_cast %while3A_210 : i32 to index
        %get3A_543 = arith.constant 80 : index
        %get3A_544 = tpu.vector_load %arg7[%get3A_542, %get3A_543] {strides = array<i32>} : memref<50x128xf32, #tpu.memory_space<vmem>>, vector<1x16xf32>,
        %get3A_545 = vector.shape_cast %get3A_544 : vector<1x16xf32> to vector<16xf32>
        %get3A_546 = arith.index_cast %while3A_210 : i32 to index
        %get3A_547 = arith.constant 80 : index
        %get3A_548 = tpu.vector_load %arg8[%get3A_546, %get3A_547] {strides = array<i32>} : memref<50x128xf32, #tpu.memory_space<vmem>>, vector<1x16xf32>,
        %get3A_549 = vector.shape_cast %get3A_548 : vector<1x16xf32> to vector<16xf32>
        %get3A_550 = arith.index_cast %while3A_210 : i32 to index
        %get3A_551 = arith.constant 80 : index
        %get3A_552 = tpu.vector_load %arg9[%get3A_550, %get3A_551] {strides = array<i32>} : memref<50x128xf32, #tpu.memory_space<vmem>>, vector<1x16xf32>,
        %get3A_553 = vector.shape_cast %get3A_552 : vector<1x16xf32> to vector<16xf32>
        %sub3A_554 = arith.subf %get3A_158, %get3A_549 : vector<16xf32>
        %sub3A_555 = arith.subf %get3A_545, %get3A_126 : vector<16xf32>
        %abs3A_556 = math.absf %sub3A_555 : vector<16xf32>
        %mul3A_557 = arith.mulf %sub3A_555, %sub3A_554 : vector<16xf32>
        %lt3A_558 = arith.constant 0.000000e+00 : f32
        %lt3A_559 = vector.broadcast %lt3A_558 : f32 to vector<16xf32>
        %lt3A_560 = arith.cmpf olt, %mul3A_557, %lt3A_559 : vector<16xf32>
        %jit3A_561 = arith.constant 0.000000e+00 : f32
        %broadcast_in_dim3A_562 = vector.broadcast %jit3A_561 : f32 to vector<16xf32>
        %select_n3A_563 = arith.select %lt3A_560, %abs3A_556, %broadcast_in_dim3A_562 : vector<16xi1>, vector<16xf32>
        %neg3A_564 = arith.constant 0.000000e+00 : f32
        %neg3A_565 = vector.broadcast %neg3A_564 : f32 to vector<16xf32>
        %neg3A_566 = arith.subf %neg3A_565, %abs3A_556 : vector<16xf32>
        %exp3A_567 = math.exp %neg3A_566 : vector<16xf32>
        %mul3A_568 = arith.constant -0.0174140781 : f32
        %mul3A_569 = vector.broadcast %mul3A_568 : f32 to vector<16xf32>
        %mul3A_570 = arith.mulf %mul3A_569, %exp3A_567 : vector<16xf32>
        %add3A_571 = arith.constant 0.0826912373 : f32
        %add3A_572 = vector.broadcast %add3A_571 : f32 to vector<16xf32>
        %add3A_573 = arith.addf %mul3A_570, %add3A_572 : vector<16xf32>
        %mul3A_574 = arith.mulf %add3A_573, %exp3A_567 : vector<16xf32>
        %add3A_575 = arith.constant -0.190354332 : f32
        %add3A_576 = vector.broadcast %add3A_575 : f32 to vector<16xf32>
        %add3A_577 = arith.addf %mul3A_574, %add3A_576 : vector<16xf32>
        %mul3A_578 = arith.mulf %add3A_577, %exp3A_567 : vector<16xf32>
        %add3A_579 = arith.constant 0.315747321 : f32
        %add3A_580 = vector.broadcast %add3A_579 : f32 to vector<16xf32>
        %add3A_581 = arith.addf %mul3A_578, %add3A_580 : vector<16xf32>
        %mul3A_582 = arith.mulf %add3A_581, %exp3A_567 : vector<16xf32>
        %add3A_583 = arith.constant -0.497373223 : f32
        %add3A_584 = vector.broadcast %add3A_583 : f32 to vector<16xf32>
        %add3A_585 = arith.addf %mul3A_582, %add3A_584 : vector<16xf32>
        %mul3A_586 = arith.mulf %add3A_585, %exp3A_567 : vector<16xf32>
        %add3A_587 = arith.constant 0.99984771 : f32
        %add3A_588 = vector.broadcast %add3A_587 : f32 to vector<16xf32>
        %add3A_589 = arith.addf %mul3A_586, %add3A_588 : vector<16xf32>
        %mul3A_590 = arith.mulf %add3A_589, %exp3A_567 : vector<16xf32>
        %add3A_591 = arith.constant 1.47206504E-6 : f32
        %add3A_592 = vector.broadcast %add3A_591 : f32 to vector<16xf32>
        %add3A_593 = arith.addf %mul3A_590, %add3A_592 : vector<16xf32>
        %add3A_594 = arith.addf %select_n3A_563, %add3A_593 : vector<16xf32>
        %abs3A_595 = math.absf %sub3A_554 : vector<16xf32>
        %gt3A_596 = arith.constant 9.99999997E-7 : f32
        %gt3A_597 = vector.broadcast %gt3A_596 : f32 to vector<16xf32>
        %gt3A_598 = arith.cmpf ogt, %abs3A_595, %gt3A_597 : vector<16xf32>
        %mul3A_599 = arith.mulf %get3A_553, %get3A_190 : vector<16xf32>
        %jit3A_600 = arith.constant 0.000000e+00 : f32
        %broadcast_in_dim3A_601 = vector.broadcast %jit3A_600 : f32 to vector<16xf32>
        %select_n3A_602 = arith.select %gt3A_598, %mul3A_599, %broadcast_in_dim3A_601 : vector<16xi1>, vector<16xf32>
        %mul3A_603 = arith.mulf %add3A_594, %select_n3A_602 : vector<16xf32>
        %add3A_604 = arith.addf %while3A_221, %mul3A_603 : vector<16xf32>
        %add3A_605 = arith.addf %while3A_222, %select_n3A_602 : vector<16xf32>
        %get3A_606 = arith.index_cast %while3A_210 : i32 to index
        %get3A_607 = arith.constant 96 : index
        %get3A_608 = tpu.vector_load %arg7[%get3A_606, %get3A_607] {strides = array<i32>} : memref<50x128xf32, #tpu.memory_space<vmem>>, vector<1x16xf32>,
        %get3A_609 = vector.shape_cast %get3A_608 : vector<1x16xf32> to vector<16xf32>
        %get3A_610 = arith.index_cast %while3A_210 : i32 to index
        %get3A_611 = arith.constant 96 : index
        %get3A_612 = tpu.vector_load %arg8[%get3A_610, %get3A_611] {strides = array<i32>} : memref<50x128xf32, #tpu.memory_space<vmem>>, vector<1x16xf32>,
        %get3A_613 = vector.shape_cast %get3A_612 : vector<1x16xf32> to vector<16xf32>
        %get3A_614 = arith.index_cast %while3A_210 : i32 to index
        %get3A_615 = arith.constant 96 : index
        %get3A_616 = tpu.vector_load %arg9[%get3A_614, %get3A_615] {strides = array<i32>} : memref<50x128xf32, #tpu.memory_space<vmem>>, vector<1x16xf32>,
        %get3A_617 = vector.shape_cast %get3A_616 : vector<1x16xf32> to vector<16xf32>
        %sub3A_618 = arith.subf %get3A_162, %get3A_613 : vector<16xf32>
        %sub3A_619 = arith.subf %get3A_609, %get3A_130 : vector<16xf32>
        %abs3A_620 = math.absf %sub3A_619 : vector<16xf32>
        %mul3A_621 = arith.mulf %sub3A_619, %sub3A_618 : vector<16xf32>
        %lt3A_622 = arith.constant 0.000000e+00 : f32
        %lt3A_623 = vector.broadcast %lt3A_622 : f32 to vector<16xf32>
        %lt3A_624 = arith.cmpf olt, %mul3A_621, %lt3A_623 : vector<16xf32>
        %jit3A_625 = arith.constant 0.000000e+00 : f32
        %broadcast_in_dim3A_626 = vector.broadcast %jit3A_625 : f32 to vector<16xf32>
        %select_n3A_627 = arith.select %lt3A_624, %abs3A_620, %broadcast_in_dim3A_626 : vector<16xi1>, vector<16xf32>
        %neg3A_628 = arith.constant 0.000000e+00 : f32
        %neg3A_629 = vector.broadcast %neg3A_628 : f32 to vector<16xf32>
        %neg3A_630 = arith.subf %neg3A_629, %abs3A_620 : vector<16xf32>
        %exp3A_631 = math.exp %neg3A_630 : vector<16xf32>
        %mul3A_632 = arith.constant -0.0174140781 : f32
        %mul3A_633 = vector.broadcast %mul3A_632 : f32 to vector<16xf32>
        %mul3A_634 = arith.mulf %mul3A_633, %exp3A_631 : vector<16xf32>
        %add3A_635 = arith.constant 0.0826912373 : f32
        %add3A_636 = vector.broadcast %add3A_635 : f32 to vector<16xf32>
        %add3A_637 = arith.addf %mul3A_634, %add3A_636 : vector<16xf32>
        %mul3A_638 = arith.mulf %add3A_637, %exp3A_631 : vector<16xf32>
        %add3A_639 = arith.constant -0.190354332 : f32
        %add3A_640 = vector.broadcast %add3A_639 : f32 to vector<16xf32>
        %add3A_641 = arith.addf %mul3A_638, %add3A_640 : vector<16xf32>
        %mul3A_642 = arith.mulf %add3A_641, %exp3A_631 : vector<16xf32>
        %add3A_643 = arith.constant 0.315747321 : f32
        %add3A_644 = vector.broadcast %add3A_643 : f32 to vector<16xf32>
        %add3A_645 = arith.addf %mul3A_642, %add3A_644 : vector<16xf32>
        %mul3A_646 = arith.mulf %add3A_645, %exp3A_631 : vector<16xf32>
        %add3A_647 = arith.constant -0.497373223 : f32
        %add3A_648 = vector.broadcast %add3A_647 : f32 to vector<16xf32>
        %add3A_649 = arith.addf %mul3A_646, %add3A_648 : vector<16xf32>
        %mul3A_650 = arith.mulf %add3A_649, %exp3A_631 : vector<16xf32>
        %add3A_651 = arith.constant 0.99984771 : f32
        %add3A_652 = vector.broadcast %add3A_651 : f32 to vector<16xf32>
        %add3A_653 = arith.addf %mul3A_650, %add3A_652 : vector<16xf32>
        %mul3A_654 = arith.mulf %add3A_653, %exp3A_631 : vector<16xf32>
        %add3A_655 = arith.constant 1.47206504E-6 : f32
        %add3A_656 = vector.broadcast %add3A_655 : f32 to vector<16xf32>
        %add3A_657 = arith.addf %mul3A_654, %add3A_656 : vector<16xf32>
        %add3A_658 = arith.addf %select_n3A_627, %add3A_657 : vector<16xf32>
        %abs3A_659 = math.absf %sub3A_618 : vector<16xf32>
        %gt3A_660 = arith.constant 9.99999997E-7 : f32
        %gt3A_661 = vector.broadcast %gt3A_660 : f32 to vector<16xf32>
        %gt3A_662 = arith.cmpf ogt, %abs3A_659, %gt3A_661 : vector<16xf32>
        %mul3A_663 = arith.mulf %get3A_617, %get3A_194 : vector<16xf32>
        %jit3A_664 = arith.constant 0.000000e+00 : f32
        %broadcast_in_dim3A_665 = vector.broadcast %jit3A_664 : f32 to vector<16xf32>
        %select_n3A_666 = arith.select %gt3A_662, %mul3A_663, %broadcast_in_dim3A_665 : vector<16xi1>, vector<16xf32>
        %mul3A_667 = arith.mulf %add3A_658, %select_n3A_666 : vector<16xf32>
        %add3A_668 = arith.addf %while3A_223, %mul3A_667 : vector<16xf32>
        %add3A_669 = arith.addf %while3A_224, %select_n3A_666 : vector<16xf32>
        %get3A_670 = arith.index_cast %while3A_210 : i32 to index
        %get3A_671 = arith.constant 112 : index
        %get3A_672 = tpu.vector_load %arg7[%get3A_670, %get3A_671] {strides = array<i32>} : memref<50x128xf32, #tpu.memory_space<vmem>>, vector<1x16xf32>,
        %get3A_673 = vector.shape_cast %get3A_672 : vector<1x16xf32> to vector<16xf32>
        %get3A_674 = arith.index_cast %while3A_210 : i32 to index
        %get3A_675 = arith.constant 112 : index
        %get3A_676 = tpu.vector_load %arg8[%get3A_674, %get3A_675] {strides = array<i32>} : memref<50x128xf32, #tpu.memory_space<vmem>>, vector<1x16xf32>,
        %get3A_677 = vector.shape_cast %get3A_676 : vector<1x16xf32> to vector<16xf32>
        %get3A_678 = arith.index_cast %while3A_210 : i32 to index
        %get3A_679 = arith.constant 112 : index
        %get3A_680 = tpu.vector_load %arg9[%get3A_678, %get3A_679] {strides = array<i32>} : memref<50x128xf32, #tpu.memory_space<vmem>>, vector<1x16xf32>,
        %get3A_681 = vector.shape_cast %get3A_680 : vector<1x16xf32> to vector<16xf32>
        %sub3A_682 = arith.subf %get3A_166, %get3A_677 : vector<16xf32>
        %sub3A_683 = arith.subf %get3A_673, %get3A_134 : vector<16xf32>
        %abs3A_684 = math.absf %sub3A_683 : vector<16xf32>
        %mul3A_685 = arith.mulf %sub3A_683, %sub3A_682 : vector<16xf32>
        %lt3A_686 = arith.constant 0.000000e+00 : f32
        %lt3A_687 = vector.broadcast %lt3A_686 : f32 to vector<16xf32>
        %lt3A_688 = arith.cmpf olt, %mul3A_685, %lt3A_687 : vector<16xf32>
        %jit3A_689 = arith.constant 0.000000e+00 : f32
        %broadcast_in_dim3A_690 = vector.broadcast %jit3A_689 : f32 to vector<16xf32>
        %select_n3A_691 = arith.select %lt3A_688, %abs3A_684, %broadcast_in_dim3A_690 : vector<16xi1>, vector<16xf32>
        %neg3A_692 = arith.constant 0.000000e+00 : f32
        %neg3A_693 = vector.broadcast %neg3A_692 : f32 to vector<16xf32>
        %neg3A_694 = arith.subf %neg3A_693, %abs3A_684 : vector<16xf32>
        %exp3A_695 = math.exp %neg3A_694 : vector<16xf32>
        %mul3A_696 = arith.constant -0.0174140781 : f32
        %mul3A_697 = vector.broadcast %mul3A_696 : f32 to vector<16xf32>
        %mul3A_698 = arith.mulf %mul3A_697, %exp3A_695 : vector<16xf32>
        %add3A_699 = arith.constant 0.0826912373 : f32
        %add3A_700 = vector.broadcast %add3A_699 : f32 to vector<16xf32>
        %add3A_701 = arith.addf %mul3A_698, %add3A_700 : vector<16xf32>
        %mul3A_702 = arith.mulf %add3A_701, %exp3A_695 : vector<16xf32>
        %add3A_703 = arith.constant -0.190354332 : f32
        %add3A_704 = vector.broadcast %add3A_703 : f32 to vector<16xf32>
        %add3A_705 = arith.addf %mul3A_702, %add3A_704 : vector<16xf32>
        %mul3A_706 = arith.mulf %add3A_705, %exp3A_695 : vector<16xf32>
        %add3A_707 = arith.constant 0.315747321 : f32
        %add3A_708 = vector.broadcast %add3A_707 : f32 to vector<16xf32>
        %add3A_709 = arith.addf %mul3A_706, %add3A_708 : vector<16xf32>
        %mul3A_710 = arith.mulf %add3A_709, %exp3A_695 : vector<16xf32>
        %add3A_711 = arith.constant -0.497373223 : f32
        %add3A_712 = vector.broadcast %add3A_711 : f32 to vector<16xf32>
        %add3A_713 = arith.addf %mul3A_710, %add3A_712 : vector<16xf32>
        %mul3A_714 = arith.mulf %add3A_713, %exp3A_695 : vector<16xf32>
        %add3A_715 = arith.constant 0.99984771 : f32
        %add3A_716 = vector.broadcast %add3A_715 : f32 to vector<16xf32>
        %add3A_717 = arith.addf %mul3A_714, %add3A_716 : vector<16xf32>
        %mul3A_718 = arith.mulf %add3A_717, %exp3A_695 : vector<16xf32>
        %add3A_719 = arith.constant 1.47206504E-6 : f32
        %add3A_720 = vector.broadcast %add3A_719 : f32 to vector<16xf32>
        %add3A_721 = arith.addf %mul3A_718, %add3A_720 : vector<16xf32>
        %add3A_722 = arith.addf %select_n3A_691, %add3A_721 : vector<16xf32>
        %abs3A_723 = math.absf %sub3A_682 : vector<16xf32>
        %gt3A_724 = arith.constant 9.99999997E-7 : f32
        %gt3A_725 = vector.broadcast %gt3A_724 : f32 to vector<16xf32>
        %gt3A_726 = arith.cmpf ogt, %abs3A_723, %gt3A_725 : vector<16xf32>
        %mul3A_727 = arith.mulf %get3A_681, %get3A_198 : vector<16xf32>
        %jit3A_728 = arith.constant 0.000000e+00 : f32
        %broadcast_in_dim3A_729 = vector.broadcast %jit3A_728 : f32 to vector<16xf32>
        %select_n3A_730 = arith.select %gt3A_726, %mul3A_727, %broadcast_in_dim3A_729 : vector<16xi1>, vector<16xf32>
        %mul3A_731 = arith.mulf %add3A_722, %select_n3A_730 : vector<16xf32>
        %add3A_732 = arith.addf %while3A_225, %mul3A_731 : vector<16xf32>
        %add3A_733 = arith.addf %while3A_226, %select_n3A_730 : vector<16xf32>
        scf.yield %add3A_284, %add3A_285, %add3A_348, %add3A_349, %add3A_412, %add3A_413, %add3A_476, %add3A_477, %add3A_540, %add3A_541, %add3A_604, %add3A_605, %add3A_668, %add3A_669, %add3A_732, %add3A_733 : vector<16xf32>, vector<16xf32>, vector<16xf32>, vector<16xf32>, vector<16xf32>, vector<16xf32>, vector<16xf32>, vector<16xf32>, vector<16xf32>, vector<16xf32>, vector<16xf32>, vector<16xf32>, vector<16xf32>, vector<16xf32>, vector<16xf32>, vector<16xf32>
      }
      %while3A_208 = arith.constant 1 : i32
      %while3A_209:16 = scf.for %while3A_210 = %while3A_205 to %while3A_201 step %while3A_208 iter_args(%while3A_211 = %while3A_207#0, %while3A_212 = %while3A_207#1, %while3A_213 = %while3A_207#2, %while3A_214 = %while3A_207#3, %while3A_215 = %while3A_207#4, %while3A_216 = %while3A_207#5, %while3A_217 = %while3A_207#6, %while3A_218 = %while3A_207#7, %while3A_219 = %while3A_207#8, %while3A_220 = %while3A_207#9, %while3A_221 = %while3A_207#10, %while3A_222 = %while3A_207#11, %while3A_223 = %while3A_207#12, %while3A_224 = %while3A_207#13, %while3A_225 = %while3A_207#14, %while3A_226 = %while3A_207#15) -> (vector<16xf32>, vector<16xf32>, vector<16xf32>, vector<16xf32>, vector<16xf32>, vector<16xf32>, vector<16xf32>, vector<16xf32>, vector<16xf32>, vector<16xf32>, vector<16xf32>, vector<16xf32>, vector<16xf32>, vector<16xf32>, vector<16xf32>, vector<16xf32>)  : i32 {
        %get3A_227 = arith.index_cast %while3A_210 : i32 to index
        %get3A_228 = arith.constant 0 : index
        %get3A_229 = tpu.vector_load %arg7[%get3A_227, %get3A_228] {strides = array<i32>} : memref<50x128xf32, #tpu.memory_space<vmem>>, vector<1x16xf32>,
        %get3A_230 = vector.shape_cast %get3A_229 : vector<1x16xf32> to vector<16xf32>
        %get3A_231 = arith.index_cast %while3A_210 : i32 to index
        %get3A_232 = arith.constant 0 : index
        %get3A_233 = tpu.vector_load %arg8[%get3A_231, %get3A_232] {strides = array<i32>} : memref<50x128xf32, #tpu.memory_space<vmem>>, vector<1x16xf32>,
        %get3A_234 = vector.shape_cast %get3A_233 : vector<1x16xf32> to vector<16xf32>
        %get3A_235 = arith.index_cast %while3A_210 : i32 to index
        %get3A_236 = arith.constant 0 : index
        %get3A_237 = tpu.vector_load %arg9[%get3A_235, %get3A_236] {strides = array<i32>} : memref<50x128xf32, #tpu.memory_space<vmem>>, vector<1x16xf32>,
        %get3A_238 = vector.shape_cast %get3A_237 : vector<1x16xf32> to vector<16xf32>
        %sub3A_239 = arith.subf %get3A_138, %get3A_234 : vector<16xf32>
        %sub3A_240 = arith.subf %get3A_230, %get3A_106 : vector<16xf32>
        %abs3A = math.absf %sub3A_240 : vector<16xf32>
        %mul3A_241 = arith.mulf %sub3A_240, %sub3A_239 : vector<16xf32>
        %lt3A = arith.constant 0.000000e+00 : f32
        %lt3A_242 = vector.broadcast %lt3A : f32 to vector<16xf32>
        %lt3A_243 = arith.cmpf olt, %mul3A_241, %lt3A_242 : vector<16xf32>
        %jit3A_244 = arith.constant 0.000000e+00 : f32
        %broadcast_in_dim3A_245 = vector.broadcast %jit3A_244 : f32 to vector<16xf32>
        %select_n3A_246 = arith.select %lt3A_243, %abs3A, %broadcast_in_dim3A_245 : vector<16xi1>, vector<16xf32>
        %neg3A = arith.constant 0.000000e+00 : f32
        %neg3A_247 = vector.broadcast %neg3A : f32 to vector<16xf32>
        %neg3A_248 = arith.subf %neg3A_247, %abs3A : vector<16xf32>
        %exp3A = math.exp %neg3A_248 : vector<16xf32>
        %mul3A_249 = arith.constant -0.0174140781 : f32
        %mul3A_250 = vector.broadcast %mul3A_249 : f32 to vector<16xf32>
        %mul3A_251 = arith.mulf %mul3A_250, %exp3A : vector<16xf32>
        %add3A_252 = arith.constant 0.0826912373 : f32
        %add3A_253 = vector.broadcast %add3A_252 : f32 to vector<16xf32>
        %add3A_254 = arith.addf %mul3A_251, %add3A_253 : vector<16xf32>
        %mul3A_255 = arith.mulf %add3A_254, %exp3A : vector<16xf32>
        %add3A_256 = arith.constant -0.190354332 : f32
        %add3A_257 = vector.broadcast %add3A_256 : f32 to vector<16xf32>
        %add3A_258 = arith.addf %mul3A_255, %add3A_257 : vector<16xf32>
        %mul3A_259 = arith.mulf %add3A_258, %exp3A : vector<16xf32>
        %add3A_260 = arith.constant 0.315747321 : f32
        %add3A_261 = vector.broadcast %add3A_260 : f32 to vector<16xf32>
        %add3A_262 = arith.addf %mul3A_259, %add3A_261 : vector<16xf32>
        %mul3A_263 = arith.mulf %add3A_262, %exp3A : vector<16xf32>
        %add3A_264 = arith.constant -0.497373223 : f32
        %add3A_265 = vector.broadcast %add3A_264 : f32 to vector<16xf32>
        %add3A_266 = arith.addf %mul3A_263, %add3A_265 : vector<16xf32>
        %mul3A_267 = arith.mulf %add3A_266, %exp3A : vector<16xf32>
        %add3A_268 = arith.constant 0.99984771 : f32
        %add3A_269 = vector.broadcast %add3A_268 : f32 to vector<16xf32>
        %add3A_270 = arith.addf %mul3A_267, %add3A_269 : vector<16xf32>
        %mul3A_271 = arith.mulf %add3A_270, %exp3A : vector<16xf32>
        %add3A_272 = arith.constant 1.47206504E-6 : f32
        %add3A_273 = vector.broadcast %add3A_272 : f32 to vector<16xf32>
        %add3A_274 = arith.addf %mul3A_271, %add3A_273 : vector<16xf32>
        %add3A_275 = arith.addf %select_n3A_246, %add3A_274 : vector<16xf32>
        %abs3A_276 = math.absf %sub3A_239 : vector<16xf32>
        %gt3A = arith.constant 9.99999997E-7 : f32
        %gt3A_277 = vector.broadcast %gt3A : f32 to vector<16xf32>
        %gt3A_278 = arith.cmpf ogt, %abs3A_276, %gt3A_277 : vector<16xf32>
        %mul3A_279 = arith.mulf %get3A_238, %get3A_170 : vector<16xf32>
        %jit3A_280 = arith.constant 0.000000e+00 : f32
        %broadcast_in_dim3A_281 = vector.broadcast %jit3A_280 : f32 to vector<16xf32>
        %select_n3A_282 = arith.select %gt3A_278, %mul3A_279, %broadcast_in_dim3A_281 : vector<16xi1>, vector<16xf32>
        %mul3A_283 = arith.mulf %add3A_275, %select_n3A_282 : vector<16xf32>
        %add3A_284 = arith.addf %while3A_211, %mul3A_283 : vector<16xf32>
        %add3A_285 = arith.addf %while3A_212, %select_n3A_282 : vector<16xf32>
        %get3A_286 = arith.index_cast %while3A_210 : i32 to index
        %get3A_287 = arith.constant 16 : index
        %get3A_288 = tpu.vector_load %arg7[%get3A_286, %get3A_287] {strides = array<i32>} : memref<50x128xf32, #tpu.memory_space<vmem>>, vector<1x16xf32>,
        %get3A_289 = vector.shape_cast %get3A_288 : vector<1x16xf32> to vector<16xf32>
        %get3A_290 = arith.index_cast %while3A_210 : i32 to index
        %get3A_291 = arith.constant 16 : index
        %get3A_292 = tpu.vector_load %arg8[%get3A_290, %get3A_291] {strides = array<i32>} : memref<50x128xf32, #tpu.memory_space<vmem>>, vector<1x16xf32>,
        %get3A_293 = vector.shape_cast %get3A_292 : vector<1x16xf32> to vector<16xf32>
        %get3A_294 = arith.index_cast %while3A_210 : i32 to index
        %get3A_295 = arith.constant 16 : index
        %get3A_296 = tpu.vector_load %arg9[%get3A_294, %get3A_295] {strides = array<i32>} : memref<50x128xf32, #tpu.memory_space<vmem>>, vector<1x16xf32>,
        %get3A_297 = vector.shape_cast %get3A_296 : vector<1x16xf32> to vector<16xf32>
        %sub3A_298 = arith.subf %get3A_142, %get3A_293 : vector<16xf32>
        %sub3A_299 = arith.subf %get3A_289, %get3A_110 : vector<16xf32>
        %abs3A_300 = math.absf %sub3A_299 : vector<16xf32>
        %mul3A_301 = arith.mulf %sub3A_299, %sub3A_298 : vector<16xf32>
        %lt3A_302 = arith.constant 0.000000e+00 : f32
        %lt3A_303 = vector.broadcast %lt3A_302 : f32 to vector<16xf32>
        %lt3A_304 = arith.cmpf olt, %mul3A_301, %lt3A_303 : vector<16xf32>
        %jit3A_305 = arith.constant 0.000000e+00 : f32
        %broadcast_in_dim3A_306 = vector.broadcast %jit3A_305 : f32 to vector<16xf32>
        %select_n3A_307 = arith.select %lt3A_304, %abs3A_300, %broadcast_in_dim3A_306 : vector<16xi1>, vector<16xf32>
        %neg3A_308 = arith.constant 0.000000e+00 : f32
        %neg3A_309 = vector.broadcast %neg3A_308 : f32 to vector<16xf32>
        %neg3A_310 = arith.subf %neg3A_309, %abs3A_300 : vector<16xf32>
        %exp3A_311 = math.exp %neg3A_310 : vector<16xf32>
        %mul3A_312 = arith.constant -0.0174140781 : f32
        %mul3A_313 = vector.broadcast %mul3A_312 : f32 to vector<16xf32>
        %mul3A_314 = arith.mulf %mul3A_313, %exp3A_311 : vector<16xf32>
        %add3A_315 = arith.constant 0.0826912373 : f32
        %add3A_316 = vector.broadcast %add3A_315 : f32 to vector<16xf32>
        %add3A_317 = arith.addf %mul3A_314, %add3A_316 : vector<16xf32>
        %mul3A_318 = arith.mulf %add3A_317, %exp3A_311 : vector<16xf32>
        %add3A_319 = arith.constant -0.190354332 : f32
        %add3A_320 = vector.broadcast %add3A_319 : f32 to vector<16xf32>
        %add3A_321 = arith.addf %mul3A_318, %add3A_320 : vector<16xf32>
        %mul3A_322 = arith.mulf %add3A_321, %exp3A_311 : vector<16xf32>
        %add3A_323 = arith.constant 0.315747321 : f32
        %add3A_324 = vector.broadcast %add3A_323 : f32 to vector<16xf32>
        %add3A_325 = arith.addf %mul3A_322, %add3A_324 : vector<16xf32>
        %mul3A_326 = arith.mulf %add3A_325, %exp3A_311 : vector<16xf32>
        %add3A_327 = arith.constant -0.497373223 : f32
        %add3A_328 = vector.broadcast %add3A_327 : f32 to vector<16xf32>
        %add3A_329 = arith.addf %mul3A_326, %add3A_328 : vector<16xf32>
        %mul3A_330 = arith.mulf %add3A_329, %exp3A_311 : vector<16xf32>
        %add3A_331 = arith.constant 0.99984771 : f32
        %add3A_332 = vector.broadcast %add3A_331 : f32 to vector<16xf32>
        %add3A_333 = arith.addf %mul3A_330, %add3A_332 : vector<16xf32>
        %mul3A_334 = arith.mulf %add3A_333, %exp3A_311 : vector<16xf32>
        %add3A_335 = arith.constant 1.47206504E-6 : f32
        %add3A_336 = vector.broadcast %add3A_335 : f32 to vector<16xf32>
        %add3A_337 = arith.addf %mul3A_334, %add3A_336 : vector<16xf32>
        %add3A_338 = arith.addf %select_n3A_307, %add3A_337 : vector<16xf32>
        %abs3A_339 = math.absf %sub3A_298 : vector<16xf32>
        %gt3A_340 = arith.constant 9.99999997E-7 : f32
        %gt3A_341 = vector.broadcast %gt3A_340 : f32 to vector<16xf32>
        %gt3A_342 = arith.cmpf ogt, %abs3A_339, %gt3A_341 : vector<16xf32>
        %mul3A_343 = arith.mulf %get3A_297, %get3A_174 : vector<16xf32>
        %jit3A_344 = arith.constant 0.000000e+00 : f32
        %broadcast_in_dim3A_345 = vector.broadcast %jit3A_344 : f32 to vector<16xf32>
        %select_n3A_346 = arith.select %gt3A_342, %mul3A_343, %broadcast_in_dim3A_345 : vector<16xi1>, vector<16xf32>
        %mul3A_347 = arith.mulf %add3A_338, %select_n3A_346 : vector<16xf32>
        %add3A_348 = arith.addf %while3A_213, %mul3A_347 : vector<16xf32>
        %add3A_349 = arith.addf %while3A_214, %select_n3A_346 : vector<16xf32>
        %get3A_350 = arith.index_cast %while3A_210 : i32 to index
        %get3A_351 = arith.constant 32 : index
        %get3A_352 = tpu.vector_load %arg7[%get3A_350, %get3A_351] {strides = array<i32>} : memref<50x128xf32, #tpu.memory_space<vmem>>, vector<1x16xf32>,
        %get3A_353 = vector.shape_cast %get3A_352 : vector<1x16xf32> to vector<16xf32>
        %get3A_354 = arith.index_cast %while3A_210 : i32 to index
        %get3A_355 = arith.constant 32 : index
        %get3A_356 = tpu.vector_load %arg8[%get3A_354, %get3A_355] {strides = array<i32>} : memref<50x128xf32, #tpu.memory_space<vmem>>, vector<1x16xf32>,
        %get3A_357 = vector.shape_cast %get3A_356 : vector<1x16xf32> to vector<16xf32>
        %get3A_358 = arith.index_cast %while3A_210 : i32 to index
        %get3A_359 = arith.constant 32 : index
        %get3A_360 = tpu.vector_load %arg9[%get3A_358, %get3A_359] {strides = array<i32>} : memref<50x128xf32, #tpu.memory_space<vmem>>, vector<1x16xf32>,
        %get3A_361 = vector.shape_cast %get3A_360 : vector<1x16xf32> to vector<16xf32>
        %sub3A_362 = arith.subf %get3A_146, %get3A_357 : vector<16xf32>
        %sub3A_363 = arith.subf %get3A_353, %get3A_114 : vector<16xf32>
        %abs3A_364 = math.absf %sub3A_363 : vector<16xf32>
        %mul3A_365 = arith.mulf %sub3A_363, %sub3A_362 : vector<16xf32>
        %lt3A_366 = arith.constant 0.000000e+00 : f32
        %lt3A_367 = vector.broadcast %lt3A_366 : f32 to vector<16xf32>
        %lt3A_368 = arith.cmpf olt, %mul3A_365, %lt3A_367 : vector<16xf32>
        %jit3A_369 = arith.constant 0.000000e+00 : f32
        %broadcast_in_dim3A_370 = vector.broadcast %jit3A_369 : f32 to vector<16xf32>
        %select_n3A_371 = arith.select %lt3A_368, %abs3A_364, %broadcast_in_dim3A_370 : vector<16xi1>, vector<16xf32>
        %neg3A_372 = arith.constant 0.000000e+00 : f32
        %neg3A_373 = vector.broadcast %neg3A_372 : f32 to vector<16xf32>
        %neg3A_374 = arith.subf %neg3A_373, %abs3A_364 : vector<16xf32>
        %exp3A_375 = math.exp %neg3A_374 : vector<16xf32>
        %mul3A_376 = arith.constant -0.0174140781 : f32
        %mul3A_377 = vector.broadcast %mul3A_376 : f32 to vector<16xf32>
        %mul3A_378 = arith.mulf %mul3A_377, %exp3A_375 : vector<16xf32>
        %add3A_379 = arith.constant 0.0826912373 : f32
        %add3A_380 = vector.broadcast %add3A_379 : f32 to vector<16xf32>
        %add3A_381 = arith.addf %mul3A_378, %add3A_380 : vector<16xf32>
        %mul3A_382 = arith.mulf %add3A_381, %exp3A_375 : vector<16xf32>
        %add3A_383 = arith.constant -0.190354332 : f32
        %add3A_384 = vector.broadcast %add3A_383 : f32 to vector<16xf32>
        %add3A_385 = arith.addf %mul3A_382, %add3A_384 : vector<16xf32>
        %mul3A_386 = arith.mulf %add3A_385, %exp3A_375 : vector<16xf32>
        %add3A_387 = arith.constant 0.315747321 : f32
        %add3A_388 = vector.broadcast %add3A_387 : f32 to vector<16xf32>
        %add3A_389 = arith.addf %mul3A_386, %add3A_388 : vector<16xf32>
        %mul3A_390 = arith.mulf %add3A_389, %exp3A_375 : vector<16xf32>
        %add3A_391 = arith.constant -0.497373223 : f32
        %add3A_392 = vector.broadcast %add3A_391 : f32 to vector<16xf32>
        %add3A_393 = arith.addf %mul3A_390, %add3A_392 : vector<16xf32>
        %mul3A_394 = arith.mulf %add3A_393, %exp3A_375 : vector<16xf32>
        %add3A_395 = arith.constant 0.99984771 : f32
        %add3A_396 = vector.broadcast %add3A_395 : f32 to vector<16xf32>
        %add3A_397 = arith.addf %mul3A_394, %add3A_396 : vector<16xf32>
        %mul3A_398 = arith.mulf %add3A_397, %exp3A_375 : vector<16xf32>
        %add3A_399 = arith.constant 1.47206504E-6 : f32
        %add3A_400 = vector.broadcast %add3A_399 : f32 to vector<16xf32>
        %add3A_401 = arith.addf %mul3A_398, %add3A_400 : vector<16xf32>
        %add3A_402 = arith.addf %select_n3A_371, %add3A_401 : vector<16xf32>
        %abs3A_403 = math.absf %sub3A_362 : vector<16xf32>
        %gt3A_404 = arith.constant 9.99999997E-7 : f32
        %gt3A_405 = vector.broadcast %gt3A_404 : f32 to vector<16xf32>
        %gt3A_406 = arith.cmpf ogt, %abs3A_403, %gt3A_405 : vector<16xf32>
        %mul3A_407 = arith.mulf %get3A_361, %get3A_178 : vector<16xf32>
        %jit3A_408 = arith.constant 0.000000e+00 : f32
        %broadcast_in_dim3A_409 = vector.broadcast %jit3A_408 : f32 to vector<16xf32>
        %select_n3A_410 = arith.select %gt3A_406, %mul3A_407, %broadcast_in_dim3A_409 : vector<16xi1>, vector<16xf32>
        %mul3A_411 = arith.mulf %add3A_402, %select_n3A_410 : vector<16xf32>
        %add3A_412 = arith.addf %while3A_215, %mul3A_411 : vector<16xf32>
        %add3A_413 = arith.addf %while3A_216, %select_n3A_410 : vector<16xf32>
        %get3A_414 = arith.index_cast %while3A_210 : i32 to index
        %get3A_415 = arith.constant 48 : index
        %get3A_416 = tpu.vector_load %arg7[%get3A_414, %get3A_415] {strides = array<i32>} : memref<50x128xf32, #tpu.memory_space<vmem>>, vector<1x16xf32>,
        %get3A_417 = vector.shape_cast %get3A_416 : vector<1x16xf32> to vector<16xf32>
        %get3A_418 = arith.index_cast %while3A_210 : i32 to index
        %get3A_419 = arith.constant 48 : index
        %get3A_420 = tpu.vector_load %arg8[%get3A_418, %get3A_419] {strides = array<i32>} : memref<50x128xf32, #tpu.memory_space<vmem>>, vector<1x16xf32>,
        %get3A_421 = vector.shape_cast %get3A_420 : vector<1x16xf32> to vector<16xf32>
        %get3A_422 = arith.index_cast %while3A_210 : i32 to index
        %get3A_423 = arith.constant 48 : index
        %get3A_424 = tpu.vector_load %arg9[%get3A_422, %get3A_423] {strides = array<i32>} : memref<50x128xf32, #tpu.memory_space<vmem>>, vector<1x16xf32>,
        %get3A_425 = vector.shape_cast %get3A_424 : vector<1x16xf32> to vector<16xf32>
        %sub3A_426 = arith.subf %get3A_150, %get3A_421 : vector<16xf32>
        %sub3A_427 = arith.subf %get3A_417, %get3A_118 : vector<16xf32>
        %abs3A_428 = math.absf %sub3A_427 : vector<16xf32>
        %mul3A_429 = arith.mulf %sub3A_427, %sub3A_426 : vector<16xf32>
        %lt3A_430 = arith.constant 0.000000e+00 : f32
        %lt3A_431 = vector.broadcast %lt3A_430 : f32 to vector<16xf32>
        %lt3A_432 = arith.cmpf olt, %mul3A_429, %lt3A_431 : vector<16xf32>
        %jit3A_433 = arith.constant 0.000000e+00 : f32
        %broadcast_in_dim3A_434 = vector.broadcast %jit3A_433 : f32 to vector<16xf32>
        %select_n3A_435 = arith.select %lt3A_432, %abs3A_428, %broadcast_in_dim3A_434 : vector<16xi1>, vector<16xf32>
        %neg3A_436 = arith.constant 0.000000e+00 : f32
        %neg3A_437 = vector.broadcast %neg3A_436 : f32 to vector<16xf32>
        %neg3A_438 = arith.subf %neg3A_437, %abs3A_428 : vector<16xf32>
        %exp3A_439 = math.exp %neg3A_438 : vector<16xf32>
        %mul3A_440 = arith.constant -0.0174140781 : f32
        %mul3A_441 = vector.broadcast %mul3A_440 : f32 to vector<16xf32>
        %mul3A_442 = arith.mulf %mul3A_441, %exp3A_439 : vector<16xf32>
        %add3A_443 = arith.constant 0.0826912373 : f32
        %add3A_444 = vector.broadcast %add3A_443 : f32 to vector<16xf32>
        %add3A_445 = arith.addf %mul3A_442, %add3A_444 : vector<16xf32>
        %mul3A_446 = arith.mulf %add3A_445, %exp3A_439 : vector<16xf32>
        %add3A_447 = arith.constant -0.190354332 : f32
        %add3A_448 = vector.broadcast %add3A_447 : f32 to vector<16xf32>
        %add3A_449 = arith.addf %mul3A_446, %add3A_448 : vector<16xf32>
        %mul3A_450 = arith.mulf %add3A_449, %exp3A_439 : vector<16xf32>
        %add3A_451 = arith.constant 0.315747321 : f32
        %add3A_452 = vector.broadcast %add3A_451 : f32 to vector<16xf32>
        %add3A_453 = arith.addf %mul3A_450, %add3A_452 : vector<16xf32>
        %mul3A_454 = arith.mulf %add3A_453, %exp3A_439 : vector<16xf32>
        %add3A_455 = arith.constant -0.497373223 : f32
        %add3A_456 = vector.broadcast %add3A_455 : f32 to vector<16xf32>
        %add3A_457 = arith.addf %mul3A_454, %add3A_456 : vector<16xf32>
        %mul3A_458 = arith.mulf %add3A_457, %exp3A_439 : vector<16xf32>
        %add3A_459 = arith.constant 0.99984771 : f32
        %add3A_460 = vector.broadcast %add3A_459 : f32 to vector<16xf32>
        %add3A_461 = arith.addf %mul3A_458, %add3A_460 : vector<16xf32>
        %mul3A_462 = arith.mulf %add3A_461, %exp3A_439 : vector<16xf32>
        %add3A_463 = arith.constant 1.47206504E-6 : f32
        %add3A_464 = vector.broadcast %add3A_463 : f32 to vector<16xf32>
        %add3A_465 = arith.addf %mul3A_462, %add3A_464 : vector<16xf32>
        %add3A_466 = arith.addf %select_n3A_435, %add3A_465 : vector<16xf32>
        %abs3A_467 = math.absf %sub3A_426 : vector<16xf32>
        %gt3A_468 = arith.constant 9.99999997E-7 : f32
        %gt3A_469 = vector.broadcast %gt3A_468 : f32 to vector<16xf32>
        %gt3A_470 = arith.cmpf ogt, %abs3A_467, %gt3A_469 : vector<16xf32>
        %mul3A_471 = arith.mulf %get3A_425, %get3A_182 : vector<16xf32>
        %jit3A_472 = arith.constant 0.000000e+00 : f32
        %broadcast_in_dim3A_473 = vector.broadcast %jit3A_472 : f32 to vector<16xf32>
        %select_n3A_474 = arith.select %gt3A_470, %mul3A_471, %broadcast_in_dim3A_473 : vector<16xi1>, vector<16xf32>
        %mul3A_475 = arith.mulf %add3A_466, %select_n3A_474 : vector<16xf32>
        %add3A_476 = arith.addf %while3A_217, %mul3A_475 : vector<16xf32>
        %add3A_477 = arith.addf %while3A_218, %select_n3A_474 : vector<16xf32>
        %get3A_478 = arith.index_cast %while3A_210 : i32 to index
        %get3A_479 = arith.constant 64 : index
        %get3A_480 = tpu.vector_load %arg7[%get3A_478, %get3A_479] {strides = array<i32>} : memref<50x128xf32, #tpu.memory_space<vmem>>, vector<1x16xf32>,
        %get3A_481 = vector.shape_cast %get3A_480 : vector<1x16xf32> to vector<16xf32>
        %get3A_482 = arith.index_cast %while3A_210 : i32 to index
        %get3A_483 = arith.constant 64 : index
        %get3A_484 = tpu.vector_load %arg8[%get3A_482, %get3A_483] {strides = array<i32>} : memref<50x128xf32, #tpu.memory_space<vmem>>, vector<1x16xf32>,
        %get3A_485 = vector.shape_cast %get3A_484 : vector<1x16xf32> to vector<16xf32>
        %get3A_486 = arith.index_cast %while3A_210 : i32 to index
        %get3A_487 = arith.constant 64 : index
        %get3A_488 = tpu.vector_load %arg9[%get3A_486, %get3A_487] {strides = array<i32>} : memref<50x128xf32, #tpu.memory_space<vmem>>, vector<1x16xf32>,
        %get3A_489 = vector.shape_cast %get3A_488 : vector<1x16xf32> to vector<16xf32>
        %sub3A_490 = arith.subf %get3A_154, %get3A_485 : vector<16xf32>
        %sub3A_491 = arith.subf %get3A_481, %get3A_122 : vector<16xf32>
        %abs3A_492 = math.absf %sub3A_491 : vector<16xf32>
        %mul3A_493 = arith.mulf %sub3A_491, %sub3A_490 : vector<16xf32>
        %lt3A_494 = arith.constant 0.000000e+00 : f32
        %lt3A_495 = vector.broadcast %lt3A_494 : f32 to vector<16xf32>
        %lt3A_496 = arith.cmpf olt, %mul3A_493, %lt3A_495 : vector<16xf32>
        %jit3A_497 = arith.constant 0.000000e+00 : f32
        %broadcast_in_dim3A_498 = vector.broadcast %jit3A_497 : f32 to vector<16xf32>
        %select_n3A_499 = arith.select %lt3A_496, %abs3A_492, %broadcast_in_dim3A_498 : vector<16xi1>, vector<16xf32>
        %neg3A_500 = arith.constant 0.000000e+00 : f32
        %neg3A_501 = vector.broadcast %neg3A_500 : f32 to vector<16xf32>
        %neg3A_502 = arith.subf %neg3A_501, %abs3A_492 : vector<16xf32>
        %exp3A_503 = math.exp %neg3A_502 : vector<16xf32>
        %mul3A_504 = arith.constant -0.0174140781 : f32
        %mul3A_505 = vector.broadcast %mul3A_504 : f32 to vector<16xf32>
        %mul3A_506 = arith.mulf %mul3A_505, %exp3A_503 : vector<16xf32>
        %add3A_507 = arith.constant 0.0826912373 : f32
        %add3A_508 = vector.broadcast %add3A_507 : f32 to vector<16xf32>
        %add3A_509 = arith.addf %mul3A_506, %add3A_508 : vector<16xf32>
        %mul3A_510 = arith.mulf %add3A_509, %exp3A_503 : vector<16xf32>
        %add3A_511 = arith.constant -0.190354332 : f32
        %add3A_512 = vector.broadcast %add3A_511 : f32 to vector<16xf32>
        %add3A_513 = arith.addf %mul3A_510, %add3A_512 : vector<16xf32>
        %mul3A_514 = arith.mulf %add3A_513, %exp3A_503 : vector<16xf32>
        %add3A_515 = arith.constant 0.315747321 : f32
        %add3A_516 = vector.broadcast %add3A_515 : f32 to vector<16xf32>
        %add3A_517 = arith.addf %mul3A_514, %add3A_516 : vector<16xf32>
        %mul3A_518 = arith.mulf %add3A_517, %exp3A_503 : vector<16xf32>
        %add3A_519 = arith.constant -0.497373223 : f32
        %add3A_520 = vector.broadcast %add3A_519 : f32 to vector<16xf32>
        %add3A_521 = arith.addf %mul3A_518, %add3A_520 : vector<16xf32>
        %mul3A_522 = arith.mulf %add3A_521, %exp3A_503 : vector<16xf32>
        %add3A_523 = arith.constant 0.99984771 : f32
        %add3A_524 = vector.broadcast %add3A_523 : f32 to vector<16xf32>
        %add3A_525 = arith.addf %mul3A_522, %add3A_524 : vector<16xf32>
        %mul3A_526 = arith.mulf %add3A_525, %exp3A_503 : vector<16xf32>
        %add3A_527 = arith.constant 1.47206504E-6 : f32
        %add3A_528 = vector.broadcast %add3A_527 : f32 to vector<16xf32>
        %add3A_529 = arith.addf %mul3A_526, %add3A_528 : vector<16xf32>
        %add3A_530 = arith.addf %select_n3A_499, %add3A_529 : vector<16xf32>
        %abs3A_531 = math.absf %sub3A_490 : vector<16xf32>
        %gt3A_532 = arith.constant 9.99999997E-7 : f32
        %gt3A_533 = vector.broadcast %gt3A_532 : f32 to vector<16xf32>
        %gt3A_534 = arith.cmpf ogt, %abs3A_531, %gt3A_533 : vector<16xf32>
        %mul3A_535 = arith.mulf %get3A_489, %get3A_186 : vector<16xf32>
        %jit3A_536 = arith.constant 0.000000e+00 : f32
        %broadcast_in_dim3A_537 = vector.broadcast %jit3A_536 : f32 to vector<16xf32>
        %select_n3A_538 = arith.select %gt3A_534, %mul3A_535, %broadcast_in_dim3A_537 : vector<16xi1>, vector<16xf32>
        %mul3A_539 = arith.mulf %add3A_530, %select_n3A_538 : vector<16xf32>
        %add3A_540 = arith.addf %while3A_219, %mul3A_539 : vector<16xf32>
        %add3A_541 = arith.addf %while3A_220, %select_n3A_538 : vector<16xf32>
        %get3A_542 = arith.index_cast %while3A_210 : i32 to index
        %get3A_543 = arith.constant 80 : index
        %get3A_544 = tpu.vector_load %arg7[%get3A_542, %get3A_543] {strides = array<i32>} : memref<50x128xf32, #tpu.memory_space<vmem>>, vector<1x16xf32>,
        %get3A_545 = vector.shape_cast %get3A_544 : vector<1x16xf32> to vector<16xf32>
        %get3A_546 = arith.index_cast %while3A_210 : i32 to index
        %get3A_547 = arith.constant 80 : index
        %get3A_548 = tpu.vector_load %arg8[%get3A_546, %get3A_547] {strides = array<i32>} : memref<50x128xf32, #tpu.memory_space<vmem>>, vector<1x16xf32>,
        %get3A_549 = vector.shape_cast %get3A_548 : vector<1x16xf32> to vector<16xf32>
        %get3A_550 = arith.index_cast %while3A_210 : i32 to index
        %get3A_551 = arith.constant 80 : index
        %get3A_552 = tpu.vector_load %arg9[%get3A_550, %get3A_551] {strides = array<i32>} : memref<50x128xf32, #tpu.memory_space<vmem>>, vector<1x16xf32>,
        %get3A_553 = vector.shape_cast %get3A_552 : vector<1x16xf32> to vector<16xf32>
        %sub3A_554 = arith.subf %get3A_158, %get3A_549 : vector<16xf32>
        %sub3A_555 = arith.subf %get3A_545, %get3A_126 : vector<16xf32>
        %abs3A_556 = math.absf %sub3A_555 : vector<16xf32>
        %mul3A_557 = arith.mulf %sub3A_555, %sub3A_554 : vector<16xf32>
        %lt3A_558 = arith.constant 0.000000e+00 : f32
        %lt3A_559 = vector.broadcast %lt3A_558 : f32 to vector<16xf32>
        %lt3A_560 = arith.cmpf olt, %mul3A_557, %lt3A_559 : vector<16xf32>
        %jit3A_561 = arith.constant 0.000000e+00 : f32
        %broadcast_in_dim3A_562 = vector.broadcast %jit3A_561 : f32 to vector<16xf32>
        %select_n3A_563 = arith.select %lt3A_560, %abs3A_556, %broadcast_in_dim3A_562 : vector<16xi1>, vector<16xf32>
        %neg3A_564 = arith.constant 0.000000e+00 : f32
        %neg3A_565 = vector.broadcast %neg3A_564 : f32 to vector<16xf32>
        %neg3A_566 = arith.subf %neg3A_565, %abs3A_556 : vector<16xf32>
        %exp3A_567 = math.exp %neg3A_566 : vector<16xf32>
        %mul3A_568 = arith.constant -0.0174140781 : f32
        %mul3A_569 = vector.broadcast %mul3A_568 : f32 to vector<16xf32>
        %mul3A_570 = arith.mulf %mul3A_569, %exp3A_567 : vector<16xf32>
        %add3A_571 = arith.constant 0.0826912373 : f32
        %add3A_572 = vector.broadcast %add3A_571 : f32 to vector<16xf32>
        %add3A_573 = arith.addf %mul3A_570, %add3A_572 : vector<16xf32>
        %mul3A_574 = arith.mulf %add3A_573, %exp3A_567 : vector<16xf32>
        %add3A_575 = arith.constant -0.190354332 : f32
        %add3A_576 = vector.broadcast %add3A_575 : f32 to vector<16xf32>
        %add3A_577 = arith.addf %mul3A_574, %add3A_576 : vector<16xf32>
        %mul3A_578 = arith.mulf %add3A_577, %exp3A_567 : vector<16xf32>
        %add3A_579 = arith.constant 0.315747321 : f32
        %add3A_580 = vector.broadcast %add3A_579 : f32 to vector<16xf32>
        %add3A_581 = arith.addf %mul3A_578, %add3A_580 : vector<16xf32>
        %mul3A_582 = arith.mulf %add3A_581, %exp3A_567 : vector<16xf32>
        %add3A_583 = arith.constant -0.497373223 : f32
        %add3A_584 = vector.broadcast %add3A_583 : f32 to vector<16xf32>
        %add3A_585 = arith.addf %mul3A_582, %add3A_584 : vector<16xf32>
        %mul3A_586 = arith.mulf %add3A_585, %exp3A_567 : vector<16xf32>
        %add3A_587 = arith.constant 0.99984771 : f32
        %add3A_588 = vector.broadcast %add3A_587 : f32 to vector<16xf32>
        %add3A_589 = arith.addf %mul3A_586, %add3A_588 : vector<16xf32>
        %mul3A_590 = arith.mulf %add3A_589, %exp3A_567 : vector<16xf32>
        %add3A_591 = arith.constant 1.47206504E-6 : f32
        %add3A_592 = vector.broadcast %add3A_591 : f32 to vector<16xf32>
        %add3A_593 = arith.addf %mul3A_590, %add3A_592 : vector<16xf32>
        %add3A_594 = arith.addf %select_n3A_563, %add3A_593 : vector<16xf32>
        %abs3A_595 = math.absf %sub3A_554 : vector<16xf32>
        %gt3A_596 = arith.constant 9.99999997E-7 : f32
        %gt3A_597 = vector.broadcast %gt3A_596 : f32 to vector<16xf32>
        %gt3A_598 = arith.cmpf ogt, %abs3A_595, %gt3A_597 : vector<16xf32>
        %mul3A_599 = arith.mulf %get3A_553, %get3A_190 : vector<16xf32>
        %jit3A_600 = arith.constant 0.000000e+00 : f32
        %broadcast_in_dim3A_601 = vector.broadcast %jit3A_600 : f32 to vector<16xf32>
        %select_n3A_602 = arith.select %gt3A_598, %mul3A_599, %broadcast_in_dim3A_601 : vector<16xi1>, vector<16xf32>
        %mul3A_603 = arith.mulf %add3A_594, %select_n3A_602 : vector<16xf32>
        %add3A_604 = arith.addf %while3A_221, %mul3A_603 : vector<16xf32>
        %add3A_605 = arith.addf %while3A_222, %select_n3A_602 : vector<16xf32>
        %get3A_606 = arith.index_cast %while3A_210 : i32 to index
        %get3A_607 = arith.constant 96 : index
        %get3A_608 = tpu.vector_load %arg7[%get3A_606, %get3A_607] {strides = array<i32>} : memref<50x128xf32, #tpu.memory_space<vmem>>, vector<1x16xf32>,
        %get3A_609 = vector.shape_cast %get3A_608 : vector<1x16xf32> to vector<16xf32>
        %get3A_610 = arith.index_cast %while3A_210 : i32 to index
        %get3A_611 = arith.constant 96 : index
        %get3A_612 = tpu.vector_load %arg8[%get3A_610, %get3A_611] {strides = array<i32>} : memref<50x128xf32, #tpu.memory_space<vmem>>, vector<1x16xf32>,
        %get3A_613 = vector.shape_cast %get3A_612 : vector<1x16xf32> to vector<16xf32>
        %get3A_614 = arith.index_cast %while3A_210 : i32 to index
        %get3A_615 = arith.constant 96 : index
        %get3A_616 = tpu.vector_load %arg9[%get3A_614, %get3A_615] {strides = array<i32>} : memref<50x128xf32, #tpu.memory_space<vmem>>, vector<1x16xf32>,
        %get3A_617 = vector.shape_cast %get3A_616 : vector<1x16xf32> to vector<16xf32>
        %sub3A_618 = arith.subf %get3A_162, %get3A_613 : vector<16xf32>
        %sub3A_619 = arith.subf %get3A_609, %get3A_130 : vector<16xf32>
        %abs3A_620 = math.absf %sub3A_619 : vector<16xf32>
        %mul3A_621 = arith.mulf %sub3A_619, %sub3A_618 : vector<16xf32>
        %lt3A_622 = arith.constant 0.000000e+00 : f32
        %lt3A_623 = vector.broadcast %lt3A_622 : f32 to vector<16xf32>
        %lt3A_624 = arith.cmpf olt, %mul3A_621, %lt3A_623 : vector<16xf32>
        %jit3A_625 = arith.constant 0.000000e+00 : f32
        %broadcast_in_dim3A_626 = vector.broadcast %jit3A_625 : f32 to vector<16xf32>
        %select_n3A_627 = arith.select %lt3A_624, %abs3A_620, %broadcast_in_dim3A_626 : vector<16xi1>, vector<16xf32>
        %neg3A_628 = arith.constant 0.000000e+00 : f32
        %neg3A_629 = vector.broadcast %neg3A_628 : f32 to vector<16xf32>
        %neg3A_630 = arith.subf %neg3A_629, %abs3A_620 : vector<16xf32>
        %exp3A_631 = math.exp %neg3A_630 : vector<16xf32>
        %mul3A_632 = arith.constant -0.0174140781 : f32
        %mul3A_633 = vector.broadcast %mul3A_632 : f32 to vector<16xf32>
        %mul3A_634 = arith.mulf %mul3A_633, %exp3A_631 : vector<16xf32>
        %add3A_635 = arith.constant 0.0826912373 : f32
        %add3A_636 = vector.broadcast %add3A_635 : f32 to vector<16xf32>
        %add3A_637 = arith.addf %mul3A_634, %add3A_636 : vector<16xf32>
        %mul3A_638 = arith.mulf %add3A_637, %exp3A_631 : vector<16xf32>
        %add3A_639 = arith.constant -0.190354332 : f32
        %add3A_640 = vector.broadcast %add3A_639 : f32 to vector<16xf32>
        %add3A_641 = arith.addf %mul3A_638, %add3A_640 : vector<16xf32>
        %mul3A_642 = arith.mulf %add3A_641, %exp3A_631 : vector<16xf32>
        %add3A_643 = arith.constant 0.315747321 : f32
        %add3A_644 = vector.broadcast %add3A_643 : f32 to vector<16xf32>
        %add3A_645 = arith.addf %mul3A_642, %add3A_644 : vector<16xf32>
        %mul3A_646 = arith.mulf %add3A_645, %exp3A_631 : vector<16xf32>
        %add3A_647 = arith.constant -0.497373223 : f32
        %add3A_648 = vector.broadcast %add3A_647 : f32 to vector<16xf32>
        %add3A_649 = arith.addf %mul3A_646, %add3A_648 : vector<16xf32>
        %mul3A_650 = arith.mulf %add3A_649, %exp3A_631 : vector<16xf32>
        %add3A_651 = arith.constant 0.99984771 : f32
        %add3A_652 = vector.broadcast %add3A_651 : f32 to vector<16xf32>
        %add3A_653 = arith.addf %mul3A_650, %add3A_652 : vector<16xf32>
        %mul3A_654 = arith.mulf %add3A_653, %exp3A_631 : vector<16xf32>
        %add3A_655 = arith.constant 1.47206504E-6 : f32
        %add3A_656 = vector.broadcast %add3A_655 : f32 to vector<16xf32>
        %add3A_657 = arith.addf %mul3A_654, %add3A_656 : vector<16xf32>
        %add3A_658 = arith.addf %select_n3A_627, %add3A_657 : vector<16xf32>
        %abs3A_659 = math.absf %sub3A_618 : vector<16xf32>
        %gt3A_660 = arith.constant 9.99999997E-7 : f32
        %gt3A_661 = vector.broadcast %gt3A_660 : f32 to vector<16xf32>
        %gt3A_662 = arith.cmpf ogt, %abs3A_659, %gt3A_661 : vector<16xf32>
        %mul3A_663 = arith.mulf %get3A_617, %get3A_194 : vector<16xf32>
        %jit3A_664 = arith.constant 0.000000e+00 : f32
        %broadcast_in_dim3A_665 = vector.broadcast %jit3A_664 : f32 to vector<16xf32>
        %select_n3A_666 = arith.select %gt3A_662, %mul3A_663, %broadcast_in_dim3A_665 : vector<16xi1>, vector<16xf32>
        %mul3A_667 = arith.mulf %add3A_658, %select_n3A_666 : vector<16xf32>
        %add3A_668 = arith.addf %while3A_223, %mul3A_667 : vector<16xf32>
        %add3A_669 = arith.addf %while3A_224, %select_n3A_666 : vector<16xf32>
        %get3A_670 = arith.index_cast %while3A_210 : i32 to index
        %get3A_671 = arith.constant 112 : index
        %get3A_672 = tpu.vector_load %arg7[%get3A_670, %get3A_671] {strides = array<i32>} : memref<50x128xf32, #tpu.memory_space<vmem>>, vector<1x16xf32>,
        %get3A_673 = vector.shape_cast %get3A_672 : vector<1x16xf32> to vector<16xf32>
        %get3A_674 = arith.index_cast %while3A_210 : i32 to index
        %get3A_675 = arith.constant 112 : index
        %get3A_676 = tpu.vector_load %arg8[%get3A_674, %get3A_675] {strides = array<i32>} : memref<50x128xf32, #tpu.memory_space<vmem>>, vector<1x16xf32>,
        %get3A_677 = vector.shape_cast %get3A_676 : vector<1x16xf32> to vector<16xf32>
        %get3A_678 = arith.index_cast %while3A_210 : i32 to index
        %get3A_679 = arith.constant 112 : index
        %get3A_680 = tpu.vector_load %arg9[%get3A_678, %get3A_679] {strides = array<i32>} : memref<50x128xf32, #tpu.memory_space<vmem>>, vector<1x16xf32>,
        %get3A_681 = vector.shape_cast %get3A_680 : vector<1x16xf32> to vector<16xf32>
        %sub3A_682 = arith.subf %get3A_166, %get3A_677 : vector<16xf32>
        %sub3A_683 = arith.subf %get3A_673, %get3A_134 : vector<16xf32>
        %abs3A_684 = math.absf %sub3A_683 : vector<16xf32>
        %mul3A_685 = arith.mulf %sub3A_683, %sub3A_682 : vector<16xf32>
        %lt3A_686 = arith.constant 0.000000e+00 : f32
        %lt3A_687 = vector.broadcast %lt3A_686 : f32 to vector<16xf32>
        %lt3A_688 = arith.cmpf olt, %mul3A_685, %lt3A_687 : vector<16xf32>
        %jit3A_689 = arith.constant 0.000000e+00 : f32
        %broadcast_in_dim3A_690 = vector.broadcast %jit3A_689 : f32 to vector<16xf32>
        %select_n3A_691 = arith.select %lt3A_688, %abs3A_684, %broadcast_in_dim3A_690 : vector<16xi1>, vector<16xf32>
        %neg3A_692 = arith.constant 0.000000e+00 : f32
        %neg3A_693 = vector.broadcast %neg3A_692 : f32 to vector<16xf32>
        %neg3A_694 = arith.subf %neg3A_693, %abs3A_684 : vector<16xf32>
        %exp3A_695 = math.exp %neg3A_694 : vector<16xf32>
        %mul3A_696 = arith.constant -0.0174140781 : f32
        %mul3A_697 = vector.broadcast %mul3A_696 : f32 to vector<16xf32>
        %mul3A_698 = arith.mulf %mul3A_697, %exp3A_695 : vector<16xf32>
        %add3A_699 = arith.constant 0.0826912373 : f32
        %add3A_700 = vector.broadcast %add3A_699 : f32 to vector<16xf32>
        %add3A_701 = arith.addf %mul3A_698, %add3A_700 : vector<16xf32>
        %mul3A_702 = arith.mulf %add3A_701, %exp3A_695 : vector<16xf32>
        %add3A_703 = arith.constant -0.190354332 : f32
        %add3A_704 = vector.broadcast %add3A_703 : f32 to vector<16xf32>
        %add3A_705 = arith.addf %mul3A_702, %add3A_704 : vector<16xf32>
        %mul3A_706 = arith.mulf %add3A_705, %exp3A_695 : vector<16xf32>
        %add3A_707 = arith.constant 0.315747321 : f32
        %add3A_708 = vector.broadcast %add3A_707 : f32 to vector<16xf32>
        %add3A_709 = arith.addf %mul3A_706, %add3A_708 : vector<16xf32>
        %mul3A_710 = arith.mulf %add3A_709, %exp3A_695 : vector<16xf32>
        %add3A_711 = arith.constant -0.497373223 : f32
        %add3A_712 = vector.broadcast %add3A_711 : f32 to vector<16xf32>
        %add3A_713 = arith.addf %mul3A_710, %add3A_712 : vector<16xf32>
        %mul3A_714 = arith.mulf %add3A_713, %exp3A_695 : vector<16xf32>
        %add3A_715 = arith.constant 0.99984771 : f32
        %add3A_716 = vector.broadcast %add3A_715 : f32 to vector<16xf32>
        %add3A_717 = arith.addf %mul3A_714, %add3A_716 : vector<16xf32>
        %mul3A_718 = arith.mulf %add3A_717, %exp3A_695 : vector<16xf32>
        %add3A_719 = arith.constant 1.47206504E-6 : f32
        %add3A_720 = vector.broadcast %add3A_719 : f32 to vector<16xf32>
        %add3A_721 = arith.addf %mul3A_718, %add3A_720 : vector<16xf32>
        %add3A_722 = arith.addf %select_n3A_691, %add3A_721 : vector<16xf32>
        %abs3A_723 = math.absf %sub3A_682 : vector<16xf32>
        %gt3A_724 = arith.constant 9.99999997E-7 : f32
        %gt3A_725 = vector.broadcast %gt3A_724 : f32 to vector<16xf32>
        %gt3A_726 = arith.cmpf ogt, %abs3A_723, %gt3A_725 : vector<16xf32>
        %mul3A_727 = arith.mulf %get3A_681, %get3A_198 : vector<16xf32>
        %jit3A_728 = arith.constant 0.000000e+00 : f32
        %broadcast_in_dim3A_729 = vector.broadcast %jit3A_728 : f32 to vector<16xf32>
        %select_n3A_730 = arith.select %gt3A_726, %mul3A_727, %broadcast_in_dim3A_729 : vector<16xi1>, vector<16xf32>
        %mul3A_731 = arith.mulf %add3A_722, %select_n3A_730 : vector<16xf32>
        %add3A_732 = arith.addf %while3A_225, %mul3A_731 : vector<16xf32>
        %add3A_733 = arith.addf %while3A_226, %select_n3A_730 : vector<16xf32>
        scf.yield %add3A_284, %add3A_285, %add3A_348, %add3A_349, %add3A_412, %add3A_413, %add3A_476, %add3A_477, %add3A_540, %add3A_541, %add3A_604, %add3A_605, %add3A_668, %add3A_669, %add3A_732, %add3A_733 : vector<16xf32>, vector<16xf32>, vector<16xf32>, vector<16xf32>, vector<16xf32>, vector<16xf32>, vector<16xf32>, vector<16xf32>, vector<16xf32>, vector<16xf32>, vector<16xf32>, vector<16xf32>, vector<16xf32>, vector<16xf32>, vector<16xf32>, vector<16xf32>
      }
      scf.yield %while3A_209#0, %while3A_209#1, %while3A_209#2, %while3A_209#3, %while3A_209#4, %while3A_209#5, %while3A_209#6, %while3A_209#7, %while3A_209#8, %while3A_209#9, %while3A_209#10, %while3A_209#11, %while3A_209#12, %while3A_209#13, %while3A_209#14, %while3A_209#15 : vector<16xf32>, vector<16xf32>, vector<16xf32>, vector<16xf32>, vector<16xf32>, vector<16xf32>, vector<16xf32>, vector<16xf32>, vector<16xf32>, vector<16xf32>, vector<16xf32>, vector<16xf32>, vector<16xf32>, vector<16xf32>, vector<16xf32>, vector<16xf32>
    }
    %add3A_63 = arith.addf %while3A_62#0, %while3A_62#2 : vector<16xf32>
    %add3A_64 = arith.addf %while3A_62#1, %while3A_62#3 : vector<16xf32>
    %add3A_65 = arith.addf %add3A_63, %while3A_62#4 : vector<16xf32>
    %add3A_66 = arith.addf %add3A_64, %while3A_62#5 : vector<16xf32>
    %add3A_67 = arith.addf %add3A_65, %while3A_62#6 : vector<16xf32>
    %add3A_68 = arith.addf %add3A_66, %while3A_62#7 : vector<16xf32>
    %add3A_69 = arith.addf %add3A_67, %while3A_62#8 : vector<16xf32>
    %add3A_70 = arith.addf %add3A_68, %while3A_62#9 : vector<16xf32>
    %add3A_71 = arith.addf %add3A_69, %while3A_62#10 : vector<16xf32>
    %add3A_72 = arith.addf %add3A_70, %while3A_62#11 : vector<16xf32>
    %add3A_73 = arith.addf %add3A_71, %while3A_62#12 : vector<16xf32>
    %add3A_74 = arith.addf %add3A_72, %while3A_62#13 : vector<16xf32>
    %add3A_75 = arith.addf %add3A_73, %while3A_62#14 : vector<16xf32>
    %add3A_76 = arith.addf %add3A_74, %while3A_62#15 : vector<16xf32>
    %swap3A = arith.constant 0 : index
    %swap3A_77 = tpu.vector_load %arg10[%swap3A] {strides = array<i32>} : memref<16xf32, #tpu.memory_space<vmem>>, vector<16xf32>,
    %swap3A_78 = vector.shape_cast %swap3A_77 : vector<16xf32> to vector<16xf32>
    %swap3A_79 = vector.shape_cast %add3A_75 : vector<16xf32> to vector<16xf32>
    tpu.vector_store %arg10[%swap3A], %swap3A_79 {strides = array<i32>} : memref<16xf32, #tpu.memory_space<vmem>>, vector<16xf32>,
    %swap3A_80 = arith.constant 0 : index
    %swap3A_81 = tpu.vector_load %arg11[%swap3A_80] {strides = array<i32>} : memref<16xf32, #tpu.memory_space<vmem>>, vector<16xf32>,
    %swap3A_82 = vector.shape_cast %swap3A_81 : vector<16xf32> to vector<16xf32>
    %swap3A_83 = vector.shape_cast %add3A_76 : vector<16xf32> to vector<16xf32>
    tpu.vector_store %arg11[%swap3A_80], %swap3A_83 {strides = array<i32>} : memref<16xf32, #tpu.memory_space<vmem>>, vector<16xf32>,
    "tpu.region"() ({
      %run_scoped3A = tpu.sem_alloc : memref<!tpu.dma_semaphore, #tpu.memory_space<semaphore_mem>>
      %dma_start3A = arith.constant 0 : i32
      %dma_start3A_84 = tpu.memref_slice %arg5[%add3A, %dma_start3A] : memref<32x16xf32, #tpu.memory_space<hbm>> -> memref<1x16xf32, #tpu.memory_space<hbm>>
      %dma_start3A_85 = tpu.memref_squeeze %dma_start3A_84 : memref<1x16xf32, #tpu.memory_space<hbm>> -> memref<16xf32, #tpu.memory_space<hbm>>
      %dma_start3A_86 = arith.constant 0 : i32
      %dma_start3A_87 = tpu.memref_slice %arg5[%add3A, %dma_start3A_86] : memref<32x16xf32, #tpu.memory_space<hbm>> -> memref<1x16xf32, #tpu.memory_space<hbm>>
      %dma_start3A_88 = tpu.memref_squeeze %dma_start3A_87 : memref<1x16xf32, #tpu.memory_space<hbm>> -> memref<16xf32, #tpu.memory_space<hbm>>
      tpu.enqueue_dma source(%arg10 : memref<16xf32, #tpu.memory_space<vmem>>) target(%dma_start3A_88 : memref<16xf32, #tpu.memory_space<hbm>>) target_semaphore(%run_scoped3A : memref<!tpu.dma_semaphore, #tpu.memory_space<semaphore_mem>>)
      %dma_wait3A = arith.constant 0 : i32
      %dma_wait3A_89 = tpu.memref_slice %arg5[%add3A, %dma_wait3A] : memref<32x16xf32, #tpu.memory_space<hbm>> -> memref<1x16xf32, #tpu.memory_space<hbm>>
      %dma_wait3A_90 = tpu.memref_squeeze %dma_wait3A_89 : memref<1x16xf32, #tpu.memory_space<hbm>> -> memref<16xf32, #tpu.memory_space<hbm>>
      %dma_wait3A_91 = arith.constant 0 : i32
      %dma_wait3A_92 = tpu.memref_slice %arg5[%add3A, %dma_wait3A_91] : memref<32x16xf32, #tpu.memory_space<hbm>> -> memref<1x16xf32, #tpu.memory_space<hbm>>
      %dma_wait3A_93 = tpu.memref_squeeze %dma_wait3A_92 : memref<1x16xf32, #tpu.memory_space<hbm>> -> memref<16xf32, #tpu.memory_space<hbm>>
      tpu.wait_dma2 semaphore(%run_scoped3A : memref<!tpu.dma_semaphore, #tpu.memory_space<semaphore_mem>>) src(%arg10 : memref<16xf32, #tpu.memory_space<vmem>>) dst(%dma_wait3A_93 : memref<16xf32, #tpu.memory_space<hbm>>)
      tpu.yield
    }) : () -> ()
    "tpu.region"() ({
      %run_scoped3A = tpu.sem_alloc : memref<!tpu.dma_semaphore, #tpu.memory_space<semaphore_mem>>
      %dma_start3A = arith.constant 0 : i32
      %dma_start3A_84 = tpu.memref_slice %arg6[%add3A, %dma_start3A] : memref<32x16xf32, #tpu.memory_space<hbm>> -> memref<1x16xf32, #tpu.memory_space<hbm>>
      %dma_start3A_85 = tpu.memref_squeeze %dma_start3A_84 : memref<1x16xf32, #tpu.memory_space<hbm>> -> memref<16xf32, #tpu.memory_space<hbm>>
      %dma_start3A_86 = arith.constant 0 : i32
      %dma_start3A_87 = tpu.memref_slice %arg6[%add3A, %dma_start3A_86] : memref<32x16xf32, #tpu.memory_space<hbm>> -> memref<1x16xf32, #tpu.memory_space<hbm>>
      %dma_start3A_88 = tpu.memref_squeeze %dma_start3A_87 : memref<1x16xf32, #tpu.memory_space<hbm>> -> memref<16xf32, #tpu.memory_space<hbm>>
      tpu.enqueue_dma source(%arg11 : memref<16xf32, #tpu.memory_space<vmem>>) target(%dma_start3A_88 : memref<16xf32, #tpu.memory_space<hbm>>) target_semaphore(%run_scoped3A : memref<!tpu.dma_semaphore, #tpu.memory_space<semaphore_mem>>)
      %dma_wait3A = arith.constant 0 : i32
      %dma_wait3A_89 = tpu.memref_slice %arg6[%add3A, %dma_wait3A] : memref<32x16xf32, #tpu.memory_space<hbm>> -> memref<1x16xf32, #tpu.memory_space<hbm>>
      %dma_wait3A_90 = tpu.memref_squeeze %dma_wait3A_89 : memref<1x16xf32, #tpu.memory_space<hbm>> -> memref<16xf32, #tpu.memory_space<hbm>>
      %dma_wait3A_91 = arith.constant 0 : i32
      %dma_wait3A_92 = tpu.memref_slice %arg6[%add3A, %dma_wait3A_91] : memref<32x16xf32, #tpu.memory_space<hbm>> -> memref<1x16xf32, #tpu.memory_space<hbm>>
      %dma_wait3A_93 = tpu.memref_squeeze %dma_wait3A_92 : memref<1x16xf32, #tpu.memory_space<hbm>> -> memref<16xf32, #tpu.memory_space<hbm>>
      tpu.wait_dma2 semaphore(%run_scoped3A : memref<!tpu.dma_semaphore, #tpu.memory_space<semaphore_mem>>) src(%arg11 : memref<16xf32, #tpu.memory_space<vmem>>) dst(%dma_wait3A_93 : memref<16xf32, #tpu.memory_space<hbm>>)
      tpu.yield
    }) : () -> ()
    return
  }
}

module attributes {stable_mosaic.version = 14 : i64} {
  func.func @_tc_kernel(%arg0: memref<50x3072xf32, #tpu.memory_space<vmem>>, %arg1: memref<50x3072xf32, #tpu.memory_space<vmem>>, %arg2: memref<50x3072xf32, #tpu.memory_space<vmem>>, %arg3: memref<1x1xf32, #tpu.memory_space<vmem>>, %arg4: memref<1x1xf32, #tpu.memory_space<vmem>>) attributes {dimension_semantics = [], scalar_prefetch = 0 : i64, scratch_operands = 0 : i64, tpu.core_type = #tpu.core_type<tc>} {
    %get3A = arith.constant 0 : index
    %get3A_0 = arith.constant 0 : index
    %get3A_1 = vector.load %arg0[%get3A, %get3A_0] : memref<50x3072xf32, #tpu.memory_space<vmem>>, vector<50x3072xf32>
    %get3A_2 = arith.constant 0 : index
    %get3A_3 = arith.constant 0 : index
    %get3A_4 = vector.load %arg1[%get3A_2, %get3A_3] : memref<50x3072xf32, #tpu.memory_space<vmem>>, vector<50x3072xf32>
    %get3A_5 = arith.constant 0 : index
    %get3A_6 = arith.constant 0 : index
    %get3A_7 = vector.load %arg2[%get3A_5, %get3A_6] : memref<50x3072xf32, #tpu.memory_space<vmem>>, vector<50x3072xf32>
    %broadcast_in_dim3A = arith.constant 0.000000e+00 : f32
    %broadcast_in_dim3A_8 = vector.broadcast %broadcast_in_dim3A : f32 to vector<1x3072xf32>
    %broadcast_in_dim3A_9 = arith.constant 0.000000e+00 : f32
    %broadcast_in_dim3A_10 = vector.broadcast %broadcast_in_dim3A_9 : f32 to vector<1x3072xf32>
    %slice3A = vector.extract_strided_slice %get3A_1 {offsets = [1, 0], sizes = [1, 3072], strides = [1, 1]} : vector<50x3072xf32> to vector<1x3072xf32>
    %slice3A_11 = vector.extract_strided_slice %get3A_4 {offsets = [1, 0], sizes = [1, 3072], strides = [1, 1]} : vector<50x3072xf32> to vector<1x3072xf32>
    %slice3A_12 = vector.extract_strided_slice %get3A_7 {offsets = [1, 0], sizes = [1, 3072], strides = [1, 1]} : vector<50x3072xf32> to vector<1x3072xf32>
    %slice3A_13 = vector.extract_strided_slice %get3A_4 {offsets = [0, 0], sizes = [1, 3072], strides = [1, 1]} : vector<50x3072xf32> to vector<1x3072xf32>
    %sub3A = arith.subf %slice3A_11, %slice3A_13 : vector<1x3072xf32>
    %slice3A_14 = vector.extract_strided_slice %get3A_1 {offsets = [0, 0], sizes = [1, 3072], strides = [1, 1]} : vector<50x3072xf32> to vector<1x3072xf32>
    %sub3A_15 = arith.subf %slice3A_14, %slice3A : vector<1x3072xf32>
    %abs3A = math.absf %sub3A_15 : vector<1x3072xf32>
    %mul3A = arith.mulf %sub3A_15, %sub3A : vector<1x3072xf32>
    %lt3A = arith.constant 0.000000e+00 : f32
    %lt3A_16 = vector.broadcast %lt3A : f32 to vector<1x3072xf32>
    %lt3A_17 = arith.cmpf olt, %mul3A, %lt3A_16 : vector<1x3072xf32>
    %jit3A = arith.constant 0.000000e+00 : f32
    %broadcast_in_dim3A_18 = vector.broadcast %jit3A : f32 to vector<1x3072xf32>
    %select_n3A = arith.select %lt3A_17, %abs3A, %broadcast_in_dim3A_18 : vector<1x3072xi1>, vector<1x3072xf32>
    %neg3A = arith.constant 0.000000e+00 : f32
    %neg3A_19 = vector.broadcast %neg3A : f32 to vector<1x3072xf32>
    %neg3A_20 = arith.subf %neg3A_19, %abs3A : vector<1x3072xf32>
    %exp3A = math.exp %neg3A_20 : vector<1x3072xf32>
    %log1p3A = math.log1p %exp3A : vector<1x3072xf32>
    %add3A = arith.addf %select_n3A, %log1p3A : vector<1x3072xf32>
    %abs3A_21 = math.absf %sub3A : vector<1x3072xf32>
    %gt3A = arith.constant 9.99999997E-7 : f32
    %gt3A_22 = vector.broadcast %gt3A : f32 to vector<1x3072xf32>
    %gt3A_23 = arith.cmpf ogt, %abs3A_21, %gt3A_22 : vector<1x3072xf32>
    %slice3A_24 = vector.extract_strided_slice %get3A_7 {offsets = [0, 0], sizes = [1, 3072], strides = [1, 1]} : vector<50x3072xf32> to vector<1x3072xf32>
    %mul3A_25 = arith.mulf %slice3A_24, %slice3A_12 : vector<1x3072xf32>
    %jit3A_26 = arith.constant 0.000000e+00 : f32
    %broadcast_in_dim3A_27 = vector.broadcast %jit3A_26 : f32 to vector<1x3072xf32>
    %select_n3A_28 = arith.select %gt3A_23, %mul3A_25, %broadcast_in_dim3A_27 : vector<1x3072xi1>, vector<1x3072xf32>
    %mul3A_29 = arith.mulf %add3A, %select_n3A_28 : vector<1x3072xf32>
    %reduce_sum3A = arith.constant dense<0.000000e+00> : vector<3072xf32>
    %reduce_sum3A_30 = vector.multi_reduction <add>, %mul3A_29, %reduce_sum3A [0] : vector<1x3072xf32> to vector<3072xf32>
    %broadcast_in_dim3A_31 = vector.shape_cast %reduce_sum3A_30 : vector<3072xf32> to vector<1x3072xf32>
    %add3A_32 = arith.addf %broadcast_in_dim3A_8, %broadcast_in_dim3A_31 : vector<1x3072xf32>
    %reduce_sum3A_33 = arith.constant dense<0.000000e+00> : vector<3072xf32>
    %reduce_sum3A_34 = vector.multi_reduction <add>, %select_n3A_28, %reduce_sum3A_33 [0] : vector<1x3072xf32> to vector<3072xf32>
    %broadcast_in_dim3A_35 = vector.shape_cast %reduce_sum3A_34 : vector<3072xf32> to vector<1x3072xf32>
    %add3A_36 = arith.addf %broadcast_in_dim3A_10, %broadcast_in_dim3A_35 : vector<1x3072xf32>
    %slice3A_37 = vector.extract_strided_slice %get3A_1 {offsets = [2, 0], sizes = [1, 3072], strides = [1, 1]} : vector<50x3072xf32> to vector<1x3072xf32>
    %slice3A_38 = vector.extract_strided_slice %get3A_4 {offsets = [2, 0], sizes = [1, 3072], strides = [1, 1]} : vector<50x3072xf32> to vector<1x3072xf32>
    %slice3A_39 = vector.extract_strided_slice %get3A_7 {offsets = [2, 0], sizes = [1, 3072], strides = [1, 1]} : vector<50x3072xf32> to vector<1x3072xf32>
    %slice3A_40 = vector.extract_strided_slice %get3A_4 {offsets = [0, 0], sizes = [2, 3072], strides = [1, 1]} : vector<50x3072xf32> to vector<2x3072xf32>
    %sub3A_41 = vector.broadcast %slice3A_38 : vector<1x3072xf32> to vector<2x3072xf32>
    %sub3A_42 = arith.subf %sub3A_41, %slice3A_40 : vector<2x3072xf32>
    %slice3A_43 = vector.extract_strided_slice %get3A_1 {offsets = [0, 0], sizes = [2, 3072], strides = [1, 1]} : vector<50x3072xf32> to vector<2x3072xf32>
    %sub3A_44 = vector.broadcast %slice3A_37 : vector<1x3072xf32> to vector<2x3072xf32>
    %sub3A_45 = arith.subf %slice3A_43, %sub3A_44 : vector<2x3072xf32>
    %abs3A_46 = math.absf %sub3A_45 : vector<2x3072xf32>
    %mul3A_47 = arith.mulf %sub3A_45, %sub3A_42 : vector<2x3072xf32>
    %lt3A_48 = arith.constant 0.000000e+00 : f32
    %lt3A_49 = vector.broadcast %lt3A_48 : f32 to vector<2x3072xf32>
    %lt3A_50 = arith.cmpf olt, %mul3A_47, %lt3A_49 : vector<2x3072xf32>
    %jit3A_51 = arith.constant 0.000000e+00 : f32
    %broadcast_in_dim3A_52 = vector.broadcast %jit3A_51 : f32 to vector<2x3072xf32>
    %select_n3A_53 = arith.select %lt3A_50, %abs3A_46, %broadcast_in_dim3A_52 : vector<2x3072xi1>, vector<2x3072xf32>
    %neg3A_54 = arith.constant 0.000000e+00 : f32
    %neg3A_55 = vector.broadcast %neg3A_54 : f32 to vector<2x3072xf32>
    %neg3A_56 = arith.subf %neg3A_55, %abs3A_46 : vector<2x3072xf32>
    %exp3A_57 = math.exp %neg3A_56 : vector<2x3072xf32>
    %log1p3A_58 = math.log1p %exp3A_57 : vector<2x3072xf32>
    %add3A_59 = arith.addf %select_n3A_53, %log1p3A_58 : vector<2x3072xf32>
    %abs3A_60 = math.absf %sub3A_42 : vector<2x3072xf32>
    %gt3A_61 = arith.constant 9.99999997E-7 : f32
    %gt3A_62 = vector.broadcast %gt3A_61 : f32 to vector<2x3072xf32>
    %gt3A_63 = arith.cmpf ogt, %abs3A_60, %gt3A_62 : vector<2x3072xf32>
    %slice3A_64 = vector.extract_strided_slice %get3A_7 {offsets = [0, 0], sizes = [2, 3072], strides = [1, 1]} : vector<50x3072xf32> to vector<2x3072xf32>
    %mul3A_65 = vector.broadcast %slice3A_39 : vector<1x3072xf32> to vector<2x3072xf32>
    %mul3A_66 = arith.mulf %slice3A_64, %mul3A_65 : vector<2x3072xf32>
    %jit3A_67 = arith.constant 0.000000e+00 : f32
    %broadcast_in_dim3A_68 = vector.broadcast %jit3A_67 : f32 to vector<2x3072xf32>
    %select_n3A_69 = arith.select %gt3A_63, %mul3A_66, %broadcast_in_dim3A_68 : vector<2x3072xi1>, vector<2x3072xf32>
    %mul3A_70 = arith.mulf %add3A_59, %select_n3A_69 : vector<2x3072xf32>
    %reduce_sum3A_71 = arith.constant dense<0.000000e+00> : vector<3072xf32>
    %reduce_sum3A_72 = vector.multi_reduction <add>, %mul3A_70, %reduce_sum3A_71 [0] : vector<2x3072xf32> to vector<3072xf32>
    %broadcast_in_dim3A_73 = vector.shape_cast %reduce_sum3A_72 : vector<3072xf32> to vector<1x3072xf32>
    %add3A_74 = arith.addf %add3A_32, %broadcast_in_dim3A_73 : vector<1x3072xf32>
    %reduce_sum3A_75 = arith.constant dense<0.000000e+00> : vector<3072xf32>
    %reduce_sum3A_76 = vector.multi_reduction <add>, %select_n3A_69, %reduce_sum3A_75 [0] : vector<2x3072xf32> to vector<3072xf32>
    %broadcast_in_dim3A_77 = vector.shape_cast %reduce_sum3A_76 : vector<3072xf32> to vector<1x3072xf32>
    %add3A_78 = arith.addf %add3A_36, %broadcast_in_dim3A_77 : vector<1x3072xf32>
    %slice3A_79 = vector.extract_strided_slice %get3A_1 {offsets = [3, 0], sizes = [1, 3072], strides = [1, 1]} : vector<50x3072xf32> to vector<1x3072xf32>
    %slice3A_80 = vector.extract_strided_slice %get3A_4 {offsets = [3, 0], sizes = [1, 3072], strides = [1, 1]} : vector<50x3072xf32> to vector<1x3072xf32>
    %slice3A_81 = vector.extract_strided_slice %get3A_7 {offsets = [3, 0], sizes = [1, 3072], strides = [1, 1]} : vector<50x3072xf32> to vector<1x3072xf32>
    %slice3A_82 = vector.extract_strided_slice %get3A_4 {offsets = [0, 0], sizes = [3, 3072], strides = [1, 1]} : vector<50x3072xf32> to vector<3x3072xf32>
    %sub3A_83 = vector.broadcast %slice3A_80 : vector<1x3072xf32> to vector<3x3072xf32>
    %sub3A_84 = arith.subf %sub3A_83, %slice3A_82 : vector<3x3072xf32>
    %slice3A_85 = vector.extract_strided_slice %get3A_1 {offsets = [0, 0], sizes = [3, 3072], strides = [1, 1]} : vector<50x3072xf32> to vector<3x3072xf32>
    %sub3A_86 = vector.broadcast %slice3A_79 : vector<1x3072xf32> to vector<3x3072xf32>
    %sub3A_87 = arith.subf %slice3A_85, %sub3A_86 : vector<3x3072xf32>
    %abs3A_88 = math.absf %sub3A_87 : vector<3x3072xf32>
    %mul3A_89 = arith.mulf %sub3A_87, %sub3A_84 : vector<3x3072xf32>
    %lt3A_90 = arith.constant 0.000000e+00 : f32
    %lt3A_91 = vector.broadcast %lt3A_90 : f32 to vector<3x3072xf32>
    %lt3A_92 = arith.cmpf olt, %mul3A_89, %lt3A_91 : vector<3x3072xf32>
    %jit3A_93 = arith.constant 0.000000e+00 : f32
    %broadcast_in_dim3A_94 = vector.broadcast %jit3A_93 : f32 to vector<3x3072xf32>
    %select_n3A_95 = arith.select %lt3A_92, %abs3A_88, %broadcast_in_dim3A_94 : vector<3x3072xi1>, vector<3x3072xf32>
    %neg3A_96 = arith.constant 0.000000e+00 : f32
    %neg3A_97 = vector.broadcast %neg3A_96 : f32 to vector<3x3072xf32>
    %neg3A_98 = arith.subf %neg3A_97, %abs3A_88 : vector<3x3072xf32>
    %exp3A_99 = math.exp %neg3A_98 : vector<3x3072xf32>
    %log1p3A_100 = math.log1p %exp3A_99 : vector<3x3072xf32>
    %add3A_101 = arith.addf %select_n3A_95, %log1p3A_100 : vector<3x3072xf32>
    %abs3A_102 = math.absf %sub3A_84 : vector<3x3072xf32>
    %gt3A_103 = arith.constant 9.99999997E-7 : f32
    %gt3A_104 = vector.broadcast %gt3A_103 : f32 to vector<3x3072xf32>
    %gt3A_105 = arith.cmpf ogt, %abs3A_102, %gt3A_104 : vector<3x3072xf32>
    %slice3A_106 = vector.extract_strided_slice %get3A_7 {offsets = [0, 0], sizes = [3, 3072], strides = [1, 1]} : vector<50x3072xf32> to vector<3x3072xf32>
    %mul3A_107 = vector.broadcast %slice3A_81 : vector<1x3072xf32> to vector<3x3072xf32>
    %mul3A_108 = arith.mulf %slice3A_106, %mul3A_107 : vector<3x3072xf32>
    %jit3A_109 = arith.constant 0.000000e+00 : f32
    %broadcast_in_dim3A_110 = vector.broadcast %jit3A_109 : f32 to vector<3x3072xf32>
    %select_n3A_111 = arith.select %gt3A_105, %mul3A_108, %broadcast_in_dim3A_110 : vector<3x3072xi1>, vector<3x3072xf32>
    %mul3A_112 = arith.mulf %add3A_101, %select_n3A_111 : vector<3x3072xf32>
    %reduce_sum3A_113 = arith.constant dense<0.000000e+00> : vector<3072xf32>
    %reduce_sum3A_114 = vector.multi_reduction <add>, %mul3A_112, %reduce_sum3A_113 [0] : vector<3x3072xf32> to vector<3072xf32>
    %broadcast_in_dim3A_115 = vector.shape_cast %reduce_sum3A_114 : vector<3072xf32> to vector<1x3072xf32>
    %add3A_116 = arith.addf %add3A_74, %broadcast_in_dim3A_115 : vector<1x3072xf32>
    %reduce_sum3A_117 = arith.constant dense<0.000000e+00> : vector<3072xf32>
    %reduce_sum3A_118 = vector.multi_reduction <add>, %select_n3A_111, %reduce_sum3A_117 [0] : vector<3x3072xf32> to vector<3072xf32>
    %broadcast_in_dim3A_119 = vector.shape_cast %reduce_sum3A_118 : vector<3072xf32> to vector<1x3072xf32>
    %add3A_120 = arith.addf %add3A_78, %broadcast_in_dim3A_119 : vector<1x3072xf32>
    %slice3A_121 = vector.extract_strided_slice %get3A_1 {offsets = [4, 0], sizes = [1, 3072], strides = [1, 1]} : vector<50x3072xf32> to vector<1x3072xf32>
    %slice3A_122 = vector.extract_strided_slice %get3A_4 {offsets = [4, 0], sizes = [1, 3072], strides = [1, 1]} : vector<50x3072xf32> to vector<1x3072xf32>
    %slice3A_123 = vector.extract_strided_slice %get3A_7 {offsets = [4, 0], sizes = [1, 3072], strides = [1, 1]} : vector<50x3072xf32> to vector<1x3072xf32>
    %slice3A_124 = vector.extract_strided_slice %get3A_4 {offsets = [0, 0], sizes = [4, 3072], strides = [1, 1]} : vector<50x3072xf32> to vector<4x3072xf32>
    %sub3A_125 = vector.broadcast %slice3A_122 : vector<1x3072xf32> to vector<4x3072xf32>
    %sub3A_126 = arith.subf %sub3A_125, %slice3A_124 : vector<4x3072xf32>
    %slice3A_127 = vector.extract_strided_slice %get3A_1 {offsets = [0, 0], sizes = [4, 3072], strides = [1, 1]} : vector<50x3072xf32> to vector<4x3072xf32>
    %sub3A_128 = vector.broadcast %slice3A_121 : vector<1x3072xf32> to vector<4x3072xf32>
    %sub3A_129 = arith.subf %slice3A_127, %sub3A_128 : vector<4x3072xf32>
    %abs3A_130 = math.absf %sub3A_129 : vector<4x3072xf32>
    %mul3A_131 = arith.mulf %sub3A_129, %sub3A_126 : vector<4x3072xf32>
    %lt3A_132 = arith.constant 0.000000e+00 : f32
    %lt3A_133 = vector.broadcast %lt3A_132 : f32 to vector<4x3072xf32>
    %lt3A_134 = arith.cmpf olt, %mul3A_131, %lt3A_133 : vector<4x3072xf32>
    %jit3A_135 = arith.constant 0.000000e+00 : f32
    %broadcast_in_dim3A_136 = vector.broadcast %jit3A_135 : f32 to vector<4x3072xf32>
    %select_n3A_137 = arith.select %lt3A_134, %abs3A_130, %broadcast_in_dim3A_136 : vector<4x3072xi1>, vector<4x3072xf32>
    %neg3A_138 = arith.constant 0.000000e+00 : f32
    %neg3A_139 = vector.broadcast %neg3A_138 : f32 to vector<4x3072xf32>
    %neg3A_140 = arith.subf %neg3A_139, %abs3A_130 : vector<4x3072xf32>
    %exp3A_141 = math.exp %neg3A_140 : vector<4x3072xf32>
    %log1p3A_142 = math.log1p %exp3A_141 : vector<4x3072xf32>
    %add3A_143 = arith.addf %select_n3A_137, %log1p3A_142 : vector<4x3072xf32>
    %abs3A_144 = math.absf %sub3A_126 : vector<4x3072xf32>
    %gt3A_145 = arith.constant 9.99999997E-7 : f32
    %gt3A_146 = vector.broadcast %gt3A_145 : f32 to vector<4x3072xf32>
    %gt3A_147 = arith.cmpf ogt, %abs3A_144, %gt3A_146 : vector<4x3072xf32>
    %slice3A_148 = vector.extract_strided_slice %get3A_7 {offsets = [0, 0], sizes = [4, 3072], strides = [1, 1]} : vector<50x3072xf32> to vector<4x3072xf32>
    %mul3A_149 = vector.broadcast %slice3A_123 : vector<1x3072xf32> to vector<4x3072xf32>
    %mul3A_150 = arith.mulf %slice3A_148, %mul3A_149 : vector<4x3072xf32>
    %jit3A_151 = arith.constant 0.000000e+00 : f32
    %broadcast_in_dim3A_152 = vector.broadcast %jit3A_151 : f32 to vector<4x3072xf32>
    %select_n3A_153 = arith.select %gt3A_147, %mul3A_150, %broadcast_in_dim3A_152 : vector<4x3072xi1>, vector<4x3072xf32>
    %mul3A_154 = arith.mulf %add3A_143, %select_n3A_153 : vector<4x3072xf32>
    %reduce_sum3A_155 = arith.constant dense<0.000000e+00> : vector<3072xf32>
    %reduce_sum3A_156 = vector.multi_reduction <add>, %mul3A_154, %reduce_sum3A_155 [0] : vector<4x3072xf32> to vector<3072xf32>
    %broadcast_in_dim3A_157 = vector.shape_cast %reduce_sum3A_156 : vector<3072xf32> to vector<1x3072xf32>
    %add3A_158 = arith.addf %add3A_116, %broadcast_in_dim3A_157 : vector<1x3072xf32>
    %reduce_sum3A_159 = arith.constant dense<0.000000e+00> : vector<3072xf32>
    %reduce_sum3A_160 = vector.multi_reduction <add>, %select_n3A_153, %reduce_sum3A_159 [0] : vector<4x3072xf32> to vector<3072xf32>
    %broadcast_in_dim3A_161 = vector.shape_cast %reduce_sum3A_160 : vector<3072xf32> to vector<1x3072xf32>
    %add3A_162 = arith.addf %add3A_120, %broadcast_in_dim3A_161 : vector<1x3072xf32>
    %slice3A_163 = vector.extract_strided_slice %get3A_1 {offsets = [5, 0], sizes = [1, 3072], strides = [1, 1]} : vector<50x3072xf32> to vector<1x3072xf32>
    %slice3A_164 = vector.extract_strided_slice %get3A_4 {offsets = [5, 0], sizes = [1, 3072], strides = [1, 1]} : vector<50x3072xf32> to vector<1x3072xf32>
    %slice3A_165 = vector.extract_strided_slice %get3A_7 {offsets = [5, 0], sizes = [1, 3072], strides = [1, 1]} : vector<50x3072xf32> to vector<1x3072xf32>
    %slice3A_166 = vector.extract_strided_slice %get3A_4 {offsets = [0, 0], sizes = [5, 3072], strides = [1, 1]} : vector<50x3072xf32> to vector<5x3072xf32>
    %sub3A_167 = vector.broadcast %slice3A_164 : vector<1x3072xf32> to vector<5x3072xf32>
    %sub3A_168 = arith.subf %sub3A_167, %slice3A_166 : vector<5x3072xf32>
    %slice3A_169 = vector.extract_strided_slice %get3A_1 {offsets = [0, 0], sizes = [5, 3072], strides = [1, 1]} : vector<50x3072xf32> to vector<5x3072xf32>
    %sub3A_170 = vector.broadcast %slice3A_163 : vector<1x3072xf32> to vector<5x3072xf32>
    %sub3A_171 = arith.subf %slice3A_169, %sub3A_170 : vector<5x3072xf32>
    %abs3A_172 = math.absf %sub3A_171 : vector<5x3072xf32>
    %mul3A_173 = arith.mulf %sub3A_171, %sub3A_168 : vector<5x3072xf32>
    %lt3A_174 = arith.constant 0.000000e+00 : f32
    %lt3A_175 = vector.broadcast %lt3A_174 : f32 to vector<5x3072xf32>
    %lt3A_176 = arith.cmpf olt, %mul3A_173, %lt3A_175 : vector<5x3072xf32>
    %jit3A_177 = arith.constant 0.000000e+00 : f32
    %broadcast_in_dim3A_178 = vector.broadcast %jit3A_177 : f32 to vector<5x3072xf32>
    %select_n3A_179 = arith.select %lt3A_176, %abs3A_172, %broadcast_in_dim3A_178 : vector<5x3072xi1>, vector<5x3072xf32>
    %neg3A_180 = arith.constant 0.000000e+00 : f32
    %neg3A_181 = vector.broadcast %neg3A_180 : f32 to vector<5x3072xf32>
    %neg3A_182 = arith.subf %neg3A_181, %abs3A_172 : vector<5x3072xf32>
    %exp3A_183 = math.exp %neg3A_182 : vector<5x3072xf32>
    %log1p3A_184 = math.log1p %exp3A_183 : vector<5x3072xf32>
    %add3A_185 = arith.addf %select_n3A_179, %log1p3A_184 : vector<5x3072xf32>
    %abs3A_186 = math.absf %sub3A_168 : vector<5x3072xf32>
    %gt3A_187 = arith.constant 9.99999997E-7 : f32
    %gt3A_188 = vector.broadcast %gt3A_187 : f32 to vector<5x3072xf32>
    %gt3A_189 = arith.cmpf ogt, %abs3A_186, %gt3A_188 : vector<5x3072xf32>
    %slice3A_190 = vector.extract_strided_slice %get3A_7 {offsets = [0, 0], sizes = [5, 3072], strides = [1, 1]} : vector<50x3072xf32> to vector<5x3072xf32>
    %mul3A_191 = vector.broadcast %slice3A_165 : vector<1x3072xf32> to vector<5x3072xf32>
    %mul3A_192 = arith.mulf %slice3A_190, %mul3A_191 : vector<5x3072xf32>
    %jit3A_193 = arith.constant 0.000000e+00 : f32
    %broadcast_in_dim3A_194 = vector.broadcast %jit3A_193 : f32 to vector<5x3072xf32>
    %select_n3A_195 = arith.select %gt3A_189, %mul3A_192, %broadcast_in_dim3A_194 : vector<5x3072xi1>, vector<5x3072xf32>
    %mul3A_196 = arith.mulf %add3A_185, %select_n3A_195 : vector<5x3072xf32>
    %reduce_sum3A_197 = arith.constant dense<0.000000e+00> : vector<3072xf32>
    %reduce_sum3A_198 = vector.multi_reduction <add>, %mul3A_196, %reduce_sum3A_197 [0] : vector<5x3072xf32> to vector<3072xf32>
    %broadcast_in_dim3A_199 = vector.shape_cast %reduce_sum3A_198 : vector<3072xf32> to vector<1x3072xf32>
    %add3A_200 = arith.addf %add3A_158, %broadcast_in_dim3A_199 : vector<1x3072xf32>
    %reduce_sum3A_201 = arith.constant dense<0.000000e+00> : vector<3072xf32>
    %reduce_sum3A_202 = vector.multi_reduction <add>, %select_n3A_195, %reduce_sum3A_201 [0] : vector<5x3072xf32> to vector<3072xf32>
    %broadcast_in_dim3A_203 = vector.shape_cast %reduce_sum3A_202 : vector<3072xf32> to vector<1x3072xf32>
    %add3A_204 = arith.addf %add3A_162, %broadcast_in_dim3A_203 : vector<1x3072xf32>
    %slice3A_205 = vector.extract_strided_slice %get3A_1 {offsets = [6, 0], sizes = [1, 3072], strides = [1, 1]} : vector<50x3072xf32> to vector<1x3072xf32>
    %slice3A_206 = vector.extract_strided_slice %get3A_4 {offsets = [6, 0], sizes = [1, 3072], strides = [1, 1]} : vector<50x3072xf32> to vector<1x3072xf32>
    %slice3A_207 = vector.extract_strided_slice %get3A_7 {offsets = [6, 0], sizes = [1, 3072], strides = [1, 1]} : vector<50x3072xf32> to vector<1x3072xf32>
    %slice3A_208 = vector.extract_strided_slice %get3A_4 {offsets = [0, 0], sizes = [6, 3072], strides = [1, 1]} : vector<50x3072xf32> to vector<6x3072xf32>
    %sub3A_209 = vector.broadcast %slice3A_206 : vector<1x3072xf32> to vector<6x3072xf32>
    %sub3A_210 = arith.subf %sub3A_209, %slice3A_208 : vector<6x3072xf32>
    %slice3A_211 = vector.extract_strided_slice %get3A_1 {offsets = [0, 0], sizes = [6, 3072], strides = [1, 1]} : vector<50x3072xf32> to vector<6x3072xf32>
    %sub3A_212 = vector.broadcast %slice3A_205 : vector<1x3072xf32> to vector<6x3072xf32>
    %sub3A_213 = arith.subf %slice3A_211, %sub3A_212 : vector<6x3072xf32>
    %abs3A_214 = math.absf %sub3A_213 : vector<6x3072xf32>
    %mul3A_215 = arith.mulf %sub3A_213, %sub3A_210 : vector<6x3072xf32>
    %lt3A_216 = arith.constant 0.000000e+00 : f32
    %lt3A_217 = vector.broadcast %lt3A_216 : f32 to vector<6x3072xf32>
    %lt3A_218 = arith.cmpf olt, %mul3A_215, %lt3A_217 : vector<6x3072xf32>
    %jit3A_219 = arith.constant 0.000000e+00 : f32
    %broadcast_in_dim3A_220 = vector.broadcast %jit3A_219 : f32 to vector<6x3072xf32>
    %select_n3A_221 = arith.select %lt3A_218, %abs3A_214, %broadcast_in_dim3A_220 : vector<6x3072xi1>, vector<6x3072xf32>
    %neg3A_222 = arith.constant 0.000000e+00 : f32
    %neg3A_223 = vector.broadcast %neg3A_222 : f32 to vector<6x3072xf32>
    %neg3A_224 = arith.subf %neg3A_223, %abs3A_214 : vector<6x3072xf32>
    %exp3A_225 = math.exp %neg3A_224 : vector<6x3072xf32>
    %log1p3A_226 = math.log1p %exp3A_225 : vector<6x3072xf32>
    %add3A_227 = arith.addf %select_n3A_221, %log1p3A_226 : vector<6x3072xf32>
    %abs3A_228 = math.absf %sub3A_210 : vector<6x3072xf32>
    %gt3A_229 = arith.constant 9.99999997E-7 : f32
    %gt3A_230 = vector.broadcast %gt3A_229 : f32 to vector<6x3072xf32>
    %gt3A_231 = arith.cmpf ogt, %abs3A_228, %gt3A_230 : vector<6x3072xf32>
    %slice3A_232 = vector.extract_strided_slice %get3A_7 {offsets = [0, 0], sizes = [6, 3072], strides = [1, 1]} : vector<50x3072xf32> to vector<6x3072xf32>
    %mul3A_233 = vector.broadcast %slice3A_207 : vector<1x3072xf32> to vector<6x3072xf32>
    %mul3A_234 = arith.mulf %slice3A_232, %mul3A_233 : vector<6x3072xf32>
    %jit3A_235 = arith.constant 0.000000e+00 : f32
    %broadcast_in_dim3A_236 = vector.broadcast %jit3A_235 : f32 to vector<6x3072xf32>
    %select_n3A_237 = arith.select %gt3A_231, %mul3A_234, %broadcast_in_dim3A_236 : vector<6x3072xi1>, vector<6x3072xf32>
    %mul3A_238 = arith.mulf %add3A_227, %select_n3A_237 : vector<6x3072xf32>
    %reduce_sum3A_239 = arith.constant dense<0.000000e+00> : vector<3072xf32>
    %reduce_sum3A_240 = vector.multi_reduction <add>, %mul3A_238, %reduce_sum3A_239 [0] : vector<6x3072xf32> to vector<3072xf32>
    %broadcast_in_dim3A_241 = vector.shape_cast %reduce_sum3A_240 : vector<3072xf32> to vector<1x3072xf32>
    %add3A_242 = arith.addf %add3A_200, %broadcast_in_dim3A_241 : vector<1x3072xf32>
    %reduce_sum3A_243 = arith.constant dense<0.000000e+00> : vector<3072xf32>
    %reduce_sum3A_244 = vector.multi_reduction <add>, %select_n3A_237, %reduce_sum3A_243 [0] : vector<6x3072xf32> to vector<3072xf32>
    %broadcast_in_dim3A_245 = vector.shape_cast %reduce_sum3A_244 : vector<3072xf32> to vector<1x3072xf32>
    %add3A_246 = arith.addf %add3A_204, %broadcast_in_dim3A_245 : vector<1x3072xf32>
    %slice3A_247 = vector.extract_strided_slice %get3A_1 {offsets = [7, 0], sizes = [1, 3072], strides = [1, 1]} : vector<50x3072xf32> to vector<1x3072xf32>
    %slice3A_248 = vector.extract_strided_slice %get3A_4 {offsets = [7, 0], sizes = [1, 3072], strides = [1, 1]} : vector<50x3072xf32> to vector<1x3072xf32>
    %slice3A_249 = vector.extract_strided_slice %get3A_7 {offsets = [7, 0], sizes = [1, 3072], strides = [1, 1]} : vector<50x3072xf32> to vector<1x3072xf32>
    %slice3A_250 = vector.extract_strided_slice %get3A_4 {offsets = [0, 0], sizes = [7, 3072], strides = [1, 1]} : vector<50x3072xf32> to vector<7x3072xf32>
    %sub3A_251 = vector.broadcast %slice3A_248 : vector<1x3072xf32> to vector<7x3072xf32>
    %sub3A_252 = arith.subf %sub3A_251, %slice3A_250 : vector<7x3072xf32>
    %slice3A_253 = vector.extract_strided_slice %get3A_1 {offsets = [0, 0], sizes = [7, 3072], strides = [1, 1]} : vector<50x3072xf32> to vector<7x3072xf32>
    %sub3A_254 = vector.broadcast %slice3A_247 : vector<1x3072xf32> to vector<7x3072xf32>
    %sub3A_255 = arith.subf %slice3A_253, %sub3A_254 : vector<7x3072xf32>
    %abs3A_256 = math.absf %sub3A_255 : vector<7x3072xf32>
    %mul3A_257 = arith.mulf %sub3A_255, %sub3A_252 : vector<7x3072xf32>
    %lt3A_258 = arith.constant 0.000000e+00 : f32
    %lt3A_259 = vector.broadcast %lt3A_258 : f32 to vector<7x3072xf32>
    %lt3A_260 = arith.cmpf olt, %mul3A_257, %lt3A_259 : vector<7x3072xf32>
    %jit3A_261 = arith.constant 0.000000e+00 : f32
    %broadcast_in_dim3A_262 = vector.broadcast %jit3A_261 : f32 to vector<7x3072xf32>
    %select_n3A_263 = arith.select %lt3A_260, %abs3A_256, %broadcast_in_dim3A_262 : vector<7x3072xi1>, vector<7x3072xf32>
    %neg3A_264 = arith.constant 0.000000e+00 : f32
    %neg3A_265 = vector.broadcast %neg3A_264 : f32 to vector<7x3072xf32>
    %neg3A_266 = arith.subf %neg3A_265, %abs3A_256 : vector<7x3072xf32>
    %exp3A_267 = math.exp %neg3A_266 : vector<7x3072xf32>
    %log1p3A_268 = math.log1p %exp3A_267 : vector<7x3072xf32>
    %add3A_269 = arith.addf %select_n3A_263, %log1p3A_268 : vector<7x3072xf32>
    %abs3A_270 = math.absf %sub3A_252 : vector<7x3072xf32>
    %gt3A_271 = arith.constant 9.99999997E-7 : f32
    %gt3A_272 = vector.broadcast %gt3A_271 : f32 to vector<7x3072xf32>
    %gt3A_273 = arith.cmpf ogt, %abs3A_270, %gt3A_272 : vector<7x3072xf32>
    %slice3A_274 = vector.extract_strided_slice %get3A_7 {offsets = [0, 0], sizes = [7, 3072], strides = [1, 1]} : vector<50x3072xf32> to vector<7x3072xf32>
    %mul3A_275 = vector.broadcast %slice3A_249 : vector<1x3072xf32> to vector<7x3072xf32>
    %mul3A_276 = arith.mulf %slice3A_274, %mul3A_275 : vector<7x3072xf32>
    %jit3A_277 = arith.constant 0.000000e+00 : f32
    %broadcast_in_dim3A_278 = vector.broadcast %jit3A_277 : f32 to vector<7x3072xf32>
    %select_n3A_279 = arith.select %gt3A_273, %mul3A_276, %broadcast_in_dim3A_278 : vector<7x3072xi1>, vector<7x3072xf32>
    %mul3A_280 = arith.mulf %add3A_269, %select_n3A_279 : vector<7x3072xf32>
    %reduce_sum3A_281 = arith.constant dense<0.000000e+00> : vector<3072xf32>
    %reduce_sum3A_282 = vector.multi_reduction <add>, %mul3A_280, %reduce_sum3A_281 [0] : vector<7x3072xf32> to vector<3072xf32>
    %broadcast_in_dim3A_283 = vector.shape_cast %reduce_sum3A_282 : vector<3072xf32> to vector<1x3072xf32>
    %add3A_284 = arith.addf %add3A_242, %broadcast_in_dim3A_283 : vector<1x3072xf32>
    %reduce_sum3A_285 = arith.constant dense<0.000000e+00> : vector<3072xf32>
    %reduce_sum3A_286 = vector.multi_reduction <add>, %select_n3A_279, %reduce_sum3A_285 [0] : vector<7x3072xf32> to vector<3072xf32>
    %broadcast_in_dim3A_287 = vector.shape_cast %reduce_sum3A_286 : vector<3072xf32> to vector<1x3072xf32>
    %add3A_288 = arith.addf %add3A_246, %broadcast_in_dim3A_287 : vector<1x3072xf32>
    %slice3A_289 = vector.extract_strided_slice %get3A_1 {offsets = [8, 0], sizes = [1, 3072], strides = [1, 1]} : vector<50x3072xf32> to vector<1x3072xf32>
    %slice3A_290 = vector.extract_strided_slice %get3A_4 {offsets = [8, 0], sizes = [1, 3072], strides = [1, 1]} : vector<50x3072xf32> to vector<1x3072xf32>
    %slice3A_291 = vector.extract_strided_slice %get3A_7 {offsets = [8, 0], sizes = [1, 3072], strides = [1, 1]} : vector<50x3072xf32> to vector<1x3072xf32>
    %slice3A_292 = vector.extract_strided_slice %get3A_4 {offsets = [0, 0], sizes = [8, 3072], strides = [1, 1]} : vector<50x3072xf32> to vector<8x3072xf32>
    %sub3A_293 = vector.broadcast %slice3A_290 : vector<1x3072xf32> to vector<8x3072xf32>
    %sub3A_294 = arith.subf %sub3A_293, %slice3A_292 : vector<8x3072xf32>
    %slice3A_295 = vector.extract_strided_slice %get3A_1 {offsets = [0, 0], sizes = [8, 3072], strides = [1, 1]} : vector<50x3072xf32> to vector<8x3072xf32>
    %sub3A_296 = vector.broadcast %slice3A_289 : vector<1x3072xf32> to vector<8x3072xf32>
    %sub3A_297 = arith.subf %slice3A_295, %sub3A_296 : vector<8x3072xf32>
    %abs3A_298 = math.absf %sub3A_297 : vector<8x3072xf32>
    %mul3A_299 = arith.mulf %sub3A_297, %sub3A_294 : vector<8x3072xf32>
    %lt3A_300 = arith.constant 0.000000e+00 : f32
    %lt3A_301 = vector.broadcast %lt3A_300 : f32 to vector<8x3072xf32>
    %lt3A_302 = arith.cmpf olt, %mul3A_299, %lt3A_301 : vector<8x3072xf32>
    %jit3A_303 = arith.constant 0.000000e+00 : f32
    %broadcast_in_dim3A_304 = vector.broadcast %jit3A_303 : f32 to vector<8x3072xf32>
    %select_n3A_305 = arith.select %lt3A_302, %abs3A_298, %broadcast_in_dim3A_304 : vector<8x3072xi1>, vector<8x3072xf32>
    %neg3A_306 = arith.constant 0.000000e+00 : f32
    %neg3A_307 = vector.broadcast %neg3A_306 : f32 to vector<8x3072xf32>
    %neg3A_308 = arith.subf %neg3A_307, %abs3A_298 : vector<8x3072xf32>
    %exp3A_309 = math.exp %neg3A_308 : vector<8x3072xf32>
    %log1p3A_310 = math.log1p %exp3A_309 : vector<8x3072xf32>
    %add3A_311 = arith.addf %select_n3A_305, %log1p3A_310 : vector<8x3072xf32>
    %abs3A_312 = math.absf %sub3A_294 : vector<8x3072xf32>
    %gt3A_313 = arith.constant 9.99999997E-7 : f32
    %gt3A_314 = vector.broadcast %gt3A_313 : f32 to vector<8x3072xf32>
    %gt3A_315 = arith.cmpf ogt, %abs3A_312, %gt3A_314 : vector<8x3072xf32>
    %slice3A_316 = vector.extract_strided_slice %get3A_7 {offsets = [0, 0], sizes = [8, 3072], strides = [1, 1]} : vector<50x3072xf32> to vector<8x3072xf32>
    %mul3A_317 = vector.broadcast %slice3A_291 : vector<1x3072xf32> to vector<8x3072xf32>
    %mul3A_318 = arith.mulf %slice3A_316, %mul3A_317 : vector<8x3072xf32>
    %jit3A_319 = arith.constant 0.000000e+00 : f32
    %broadcast_in_dim3A_320 = vector.broadcast %jit3A_319 : f32 to vector<8x3072xf32>
    %select_n3A_321 = arith.select %gt3A_315, %mul3A_318, %broadcast_in_dim3A_320 : vector<8x3072xi1>, vector<8x3072xf32>
    %mul3A_322 = arith.mulf %add3A_311, %select_n3A_321 : vector<8x3072xf32>
    %reduce_sum3A_323 = arith.constant dense<0.000000e+00> : vector<3072xf32>
    %reduce_sum3A_324 = vector.multi_reduction <add>, %mul3A_322, %reduce_sum3A_323 [0] : vector<8x3072xf32> to vector<3072xf32>
    %broadcast_in_dim3A_325 = vector.shape_cast %reduce_sum3A_324 : vector<3072xf32> to vector<1x3072xf32>
    %add3A_326 = arith.addf %add3A_284, %broadcast_in_dim3A_325 : vector<1x3072xf32>
    %reduce_sum3A_327 = arith.constant dense<0.000000e+00> : vector<3072xf32>
    %reduce_sum3A_328 = vector.multi_reduction <add>, %select_n3A_321, %reduce_sum3A_327 [0] : vector<8x3072xf32> to vector<3072xf32>
    %broadcast_in_dim3A_329 = vector.shape_cast %reduce_sum3A_328 : vector<3072xf32> to vector<1x3072xf32>
    %add3A_330 = arith.addf %add3A_288, %broadcast_in_dim3A_329 : vector<1x3072xf32>
    %slice3A_331 = vector.extract_strided_slice %get3A_1 {offsets = [9, 0], sizes = [1, 3072], strides = [1, 1]} : vector<50x3072xf32> to vector<1x3072xf32>
    %slice3A_332 = vector.extract_strided_slice %get3A_4 {offsets = [9, 0], sizes = [1, 3072], strides = [1, 1]} : vector<50x3072xf32> to vector<1x3072xf32>
    %slice3A_333 = vector.extract_strided_slice %get3A_7 {offsets = [9, 0], sizes = [1, 3072], strides = [1, 1]} : vector<50x3072xf32> to vector<1x3072xf32>
    %slice3A_334 = vector.extract_strided_slice %get3A_4 {offsets = [0, 0], sizes = [9, 3072], strides = [1, 1]} : vector<50x3072xf32> to vector<9x3072xf32>
    %sub3A_335 = vector.broadcast %slice3A_332 : vector<1x3072xf32> to vector<9x3072xf32>
    %sub3A_336 = arith.subf %sub3A_335, %slice3A_334 : vector<9x3072xf32>
    %slice3A_337 = vector.extract_strided_slice %get3A_1 {offsets = [0, 0], sizes = [9, 3072], strides = [1, 1]} : vector<50x3072xf32> to vector<9x3072xf32>
    %sub3A_338 = vector.broadcast %slice3A_331 : vector<1x3072xf32> to vector<9x3072xf32>
    %sub3A_339 = arith.subf %slice3A_337, %sub3A_338 : vector<9x3072xf32>
    %abs3A_340 = math.absf %sub3A_339 : vector<9x3072xf32>
    %mul3A_341 = arith.mulf %sub3A_339, %sub3A_336 : vector<9x3072xf32>
    %lt3A_342 = arith.constant 0.000000e+00 : f32
    %lt3A_343 = vector.broadcast %lt3A_342 : f32 to vector<9x3072xf32>
    %lt3A_344 = arith.cmpf olt, %mul3A_341, %lt3A_343 : vector<9x3072xf32>
    %jit3A_345 = arith.constant 0.000000e+00 : f32
    %broadcast_in_dim3A_346 = vector.broadcast %jit3A_345 : f32 to vector<9x3072xf32>
    %select_n3A_347 = arith.select %lt3A_344, %abs3A_340, %broadcast_in_dim3A_346 : vector<9x3072xi1>, vector<9x3072xf32>
    %neg3A_348 = arith.constant 0.000000e+00 : f32
    %neg3A_349 = vector.broadcast %neg3A_348 : f32 to vector<9x3072xf32>
    %neg3A_350 = arith.subf %neg3A_349, %abs3A_340 : vector<9x3072xf32>
    %exp3A_351 = math.exp %neg3A_350 : vector<9x3072xf32>
    %log1p3A_352 = math.log1p %exp3A_351 : vector<9x3072xf32>
    %add3A_353 = arith.addf %select_n3A_347, %log1p3A_352 : vector<9x3072xf32>
    %abs3A_354 = math.absf %sub3A_336 : vector<9x3072xf32>
    %gt3A_355 = arith.constant 9.99999997E-7 : f32
    %gt3A_356 = vector.broadcast %gt3A_355 : f32 to vector<9x3072xf32>
    %gt3A_357 = arith.cmpf ogt, %abs3A_354, %gt3A_356 : vector<9x3072xf32>
    %slice3A_358 = vector.extract_strided_slice %get3A_7 {offsets = [0, 0], sizes = [9, 3072], strides = [1, 1]} : vector<50x3072xf32> to vector<9x3072xf32>
    %mul3A_359 = vector.broadcast %slice3A_333 : vector<1x3072xf32> to vector<9x3072xf32>
    %mul3A_360 = arith.mulf %slice3A_358, %mul3A_359 : vector<9x3072xf32>
    %jit3A_361 = arith.constant 0.000000e+00 : f32
    %broadcast_in_dim3A_362 = vector.broadcast %jit3A_361 : f32 to vector<9x3072xf32>
    %select_n3A_363 = arith.select %gt3A_357, %mul3A_360, %broadcast_in_dim3A_362 : vector<9x3072xi1>, vector<9x3072xf32>
    %mul3A_364 = arith.mulf %add3A_353, %select_n3A_363 : vector<9x3072xf32>
    %reduce_sum3A_365 = arith.constant dense<0.000000e+00> : vector<3072xf32>
    %reduce_sum3A_366 = vector.multi_reduction <add>, %mul3A_364, %reduce_sum3A_365 [0] : vector<9x3072xf32> to vector<3072xf32>
    %broadcast_in_dim3A_367 = vector.shape_cast %reduce_sum3A_366 : vector<3072xf32> to vector<1x3072xf32>
    %add3A_368 = arith.addf %add3A_326, %broadcast_in_dim3A_367 : vector<1x3072xf32>
    %reduce_sum3A_369 = arith.constant dense<0.000000e+00> : vector<3072xf32>
    %reduce_sum3A_370 = vector.multi_reduction <add>, %select_n3A_363, %reduce_sum3A_369 [0] : vector<9x3072xf32> to vector<3072xf32>
    %broadcast_in_dim3A_371 = vector.shape_cast %reduce_sum3A_370 : vector<3072xf32> to vector<1x3072xf32>
    %add3A_372 = arith.addf %add3A_330, %broadcast_in_dim3A_371 : vector<1x3072xf32>
    %slice3A_373 = vector.extract_strided_slice %get3A_1 {offsets = [10, 0], sizes = [1, 3072], strides = [1, 1]} : vector<50x3072xf32> to vector<1x3072xf32>
    %slice3A_374 = vector.extract_strided_slice %get3A_4 {offsets = [10, 0], sizes = [1, 3072], strides = [1, 1]} : vector<50x3072xf32> to vector<1x3072xf32>
    %slice3A_375 = vector.extract_strided_slice %get3A_7 {offsets = [10, 0], sizes = [1, 3072], strides = [1, 1]} : vector<50x3072xf32> to vector<1x3072xf32>
    %slice3A_376 = vector.extract_strided_slice %get3A_4 {offsets = [0, 0], sizes = [10, 3072], strides = [1, 1]} : vector<50x3072xf32> to vector<10x3072xf32>
    %sub3A_377 = vector.broadcast %slice3A_374 : vector<1x3072xf32> to vector<10x3072xf32>
    %sub3A_378 = arith.subf %sub3A_377, %slice3A_376 : vector<10x3072xf32>
    %slice3A_379 = vector.extract_strided_slice %get3A_1 {offsets = [0, 0], sizes = [10, 3072], strides = [1, 1]} : vector<50x3072xf32> to vector<10x3072xf32>
    %sub3A_380 = vector.broadcast %slice3A_373 : vector<1x3072xf32> to vector<10x3072xf32>
    %sub3A_381 = arith.subf %slice3A_379, %sub3A_380 : vector<10x3072xf32>
    %abs3A_382 = math.absf %sub3A_381 : vector<10x3072xf32>
    %mul3A_383 = arith.mulf %sub3A_381, %sub3A_378 : vector<10x3072xf32>
    %lt3A_384 = arith.constant 0.000000e+00 : f32
    %lt3A_385 = vector.broadcast %lt3A_384 : f32 to vector<10x3072xf32>
    %lt3A_386 = arith.cmpf olt, %mul3A_383, %lt3A_385 : vector<10x3072xf32>
    %jit3A_387 = arith.constant 0.000000e+00 : f32
    %broadcast_in_dim3A_388 = vector.broadcast %jit3A_387 : f32 to vector<10x3072xf32>
    %select_n3A_389 = arith.select %lt3A_386, %abs3A_382, %broadcast_in_dim3A_388 : vector<10x3072xi1>, vector<10x3072xf32>
    %neg3A_390 = arith.constant 0.000000e+00 : f32
    %neg3A_391 = vector.broadcast %neg3A_390 : f32 to vector<10x3072xf32>
    %neg3A_392 = arith.subf %neg3A_391, %abs3A_382 : vector<10x3072xf32>
    %exp3A_393 = math.exp %neg3A_392 : vector<10x3072xf32>
    %log1p3A_394 = math.log1p %exp3A_393 : vector<10x3072xf32>
    %add3A_395 = arith.addf %select_n3A_389, %log1p3A_394 : vector<10x3072xf32>
    %abs3A_396 = math.absf %sub3A_378 : vector<10x3072xf32>
    %gt3A_397 = arith.constant 9.99999997E-7 : f32
    %gt3A_398 = vector.broadcast %gt3A_397 : f32 to vector<10x3072xf32>
    %gt3A_399 = arith.cmpf ogt, %abs3A_396, %gt3A_398 : vector<10x3072xf32>
    %slice3A_400 = vector.extract_strided_slice %get3A_7 {offsets = [0, 0], sizes = [10, 3072], strides = [1, 1]} : vector<50x3072xf32> to vector<10x3072xf32>
    %mul3A_401 = vector.broadcast %slice3A_375 : vector<1x3072xf32> to vector<10x3072xf32>
    %mul3A_402 = arith.mulf %slice3A_400, %mul3A_401 : vector<10x3072xf32>
    %jit3A_403 = arith.constant 0.000000e+00 : f32
    %broadcast_in_dim3A_404 = vector.broadcast %jit3A_403 : f32 to vector<10x3072xf32>
    %select_n3A_405 = arith.select %gt3A_399, %mul3A_402, %broadcast_in_dim3A_404 : vector<10x3072xi1>, vector<10x3072xf32>
    %mul3A_406 = arith.mulf %add3A_395, %select_n3A_405 : vector<10x3072xf32>
    %reduce_sum3A_407 = arith.constant dense<0.000000e+00> : vector<3072xf32>
    %reduce_sum3A_408 = vector.multi_reduction <add>, %mul3A_406, %reduce_sum3A_407 [0] : vector<10x3072xf32> to vector<3072xf32>
    %broadcast_in_dim3A_409 = vector.shape_cast %reduce_sum3A_408 : vector<3072xf32> to vector<1x3072xf32>
    %add3A_410 = arith.addf %add3A_368, %broadcast_in_dim3A_409 : vector<1x3072xf32>
    %reduce_sum3A_411 = arith.constant dense<0.000000e+00> : vector<3072xf32>
    %reduce_sum3A_412 = vector.multi_reduction <add>, %select_n3A_405, %reduce_sum3A_411 [0] : vector<10x3072xf32> to vector<3072xf32>
    %broadcast_in_dim3A_413 = vector.shape_cast %reduce_sum3A_412 : vector<3072xf32> to vector<1x3072xf32>
    %add3A_414 = arith.addf %add3A_372, %broadcast_in_dim3A_413 : vector<1x3072xf32>
    %slice3A_415 = vector.extract_strided_slice %get3A_1 {offsets = [11, 0], sizes = [1, 3072], strides = [1, 1]} : vector<50x3072xf32> to vector<1x3072xf32>
    %slice3A_416 = vector.extract_strided_slice %get3A_4 {offsets = [11, 0], sizes = [1, 3072], strides = [1, 1]} : vector<50x3072xf32> to vector<1x3072xf32>
    %slice3A_417 = vector.extract_strided_slice %get3A_7 {offsets = [11, 0], sizes = [1, 3072], strides = [1, 1]} : vector<50x3072xf32> to vector<1x3072xf32>
    %slice3A_418 = vector.extract_strided_slice %get3A_4 {offsets = [0, 0], sizes = [11, 3072], strides = [1, 1]} : vector<50x3072xf32> to vector<11x3072xf32>
    %sub3A_419 = vector.broadcast %slice3A_416 : vector<1x3072xf32> to vector<11x3072xf32>
    %sub3A_420 = arith.subf %sub3A_419, %slice3A_418 : vector<11x3072xf32>
    %slice3A_421 = vector.extract_strided_slice %get3A_1 {offsets = [0, 0], sizes = [11, 3072], strides = [1, 1]} : vector<50x3072xf32> to vector<11x3072xf32>
    %sub3A_422 = vector.broadcast %slice3A_415 : vector<1x3072xf32> to vector<11x3072xf32>
    %sub3A_423 = arith.subf %slice3A_421, %sub3A_422 : vector<11x3072xf32>
    %abs3A_424 = math.absf %sub3A_423 : vector<11x3072xf32>
    %mul3A_425 = arith.mulf %sub3A_423, %sub3A_420 : vector<11x3072xf32>
    %lt3A_426 = arith.constant 0.000000e+00 : f32
    %lt3A_427 = vector.broadcast %lt3A_426 : f32 to vector<11x3072xf32>
    %lt3A_428 = arith.cmpf olt, %mul3A_425, %lt3A_427 : vector<11x3072xf32>
    %jit3A_429 = arith.constant 0.000000e+00 : f32
    %broadcast_in_dim3A_430 = vector.broadcast %jit3A_429 : f32 to vector<11x3072xf32>
    %select_n3A_431 = arith.select %lt3A_428, %abs3A_424, %broadcast_in_dim3A_430 : vector<11x3072xi1>, vector<11x3072xf32>
    %neg3A_432 = arith.constant 0.000000e+00 : f32
    %neg3A_433 = vector.broadcast %neg3A_432 : f32 to vector<11x3072xf32>
    %neg3A_434 = arith.subf %neg3A_433, %abs3A_424 : vector<11x3072xf32>
    %exp3A_435 = math.exp %neg3A_434 : vector<11x3072xf32>
    %log1p3A_436 = math.log1p %exp3A_435 : vector<11x3072xf32>
    %add3A_437 = arith.addf %select_n3A_431, %log1p3A_436 : vector<11x3072xf32>
    %abs3A_438 = math.absf %sub3A_420 : vector<11x3072xf32>
    %gt3A_439 = arith.constant 9.99999997E-7 : f32
    %gt3A_440 = vector.broadcast %gt3A_439 : f32 to vector<11x3072xf32>
    %gt3A_441 = arith.cmpf ogt, %abs3A_438, %gt3A_440 : vector<11x3072xf32>
    %slice3A_442 = vector.extract_strided_slice %get3A_7 {offsets = [0, 0], sizes = [11, 3072], strides = [1, 1]} : vector<50x3072xf32> to vector<11x3072xf32>
    %mul3A_443 = vector.broadcast %slice3A_417 : vector<1x3072xf32> to vector<11x3072xf32>
    %mul3A_444 = arith.mulf %slice3A_442, %mul3A_443 : vector<11x3072xf32>
    %jit3A_445 = arith.constant 0.000000e+00 : f32
    %broadcast_in_dim3A_446 = vector.broadcast %jit3A_445 : f32 to vector<11x3072xf32>
    %select_n3A_447 = arith.select %gt3A_441, %mul3A_444, %broadcast_in_dim3A_446 : vector<11x3072xi1>, vector<11x3072xf32>
    %mul3A_448 = arith.mulf %add3A_437, %select_n3A_447 : vector<11x3072xf32>
    %reduce_sum3A_449 = arith.constant dense<0.000000e+00> : vector<3072xf32>
    %reduce_sum3A_450 = vector.multi_reduction <add>, %mul3A_448, %reduce_sum3A_449 [0] : vector<11x3072xf32> to vector<3072xf32>
    %broadcast_in_dim3A_451 = vector.shape_cast %reduce_sum3A_450 : vector<3072xf32> to vector<1x3072xf32>
    %add3A_452 = arith.addf %add3A_410, %broadcast_in_dim3A_451 : vector<1x3072xf32>
    %reduce_sum3A_453 = arith.constant dense<0.000000e+00> : vector<3072xf32>
    %reduce_sum3A_454 = vector.multi_reduction <add>, %select_n3A_447, %reduce_sum3A_453 [0] : vector<11x3072xf32> to vector<3072xf32>
    %broadcast_in_dim3A_455 = vector.shape_cast %reduce_sum3A_454 : vector<3072xf32> to vector<1x3072xf32>
    %add3A_456 = arith.addf %add3A_414, %broadcast_in_dim3A_455 : vector<1x3072xf32>
    %slice3A_457 = vector.extract_strided_slice %get3A_1 {offsets = [12, 0], sizes = [1, 3072], strides = [1, 1]} : vector<50x3072xf32> to vector<1x3072xf32>
    %slice3A_458 = vector.extract_strided_slice %get3A_4 {offsets = [12, 0], sizes = [1, 3072], strides = [1, 1]} : vector<50x3072xf32> to vector<1x3072xf32>
    %slice3A_459 = vector.extract_strided_slice %get3A_7 {offsets = [12, 0], sizes = [1, 3072], strides = [1, 1]} : vector<50x3072xf32> to vector<1x3072xf32>
    %slice3A_460 = vector.extract_strided_slice %get3A_4 {offsets = [0, 0], sizes = [12, 3072], strides = [1, 1]} : vector<50x3072xf32> to vector<12x3072xf32>
    %sub3A_461 = vector.broadcast %slice3A_458 : vector<1x3072xf32> to vector<12x3072xf32>
    %sub3A_462 = arith.subf %sub3A_461, %slice3A_460 : vector<12x3072xf32>
    %slice3A_463 = vector.extract_strided_slice %get3A_1 {offsets = [0, 0], sizes = [12, 3072], strides = [1, 1]} : vector<50x3072xf32> to vector<12x3072xf32>
    %sub3A_464 = vector.broadcast %slice3A_457 : vector<1x3072xf32> to vector<12x3072xf32>
    %sub3A_465 = arith.subf %slice3A_463, %sub3A_464 : vector<12x3072xf32>
    %abs3A_466 = math.absf %sub3A_465 : vector<12x3072xf32>
    %mul3A_467 = arith.mulf %sub3A_465, %sub3A_462 : vector<12x3072xf32>
    %lt3A_468 = arith.constant 0.000000e+00 : f32
    %lt3A_469 = vector.broadcast %lt3A_468 : f32 to vector<12x3072xf32>
    %lt3A_470 = arith.cmpf olt, %mul3A_467, %lt3A_469 : vector<12x3072xf32>
    %jit3A_471 = arith.constant 0.000000e+00 : f32
    %broadcast_in_dim3A_472 = vector.broadcast %jit3A_471 : f32 to vector<12x3072xf32>
    %select_n3A_473 = arith.select %lt3A_470, %abs3A_466, %broadcast_in_dim3A_472 : vector<12x3072xi1>, vector<12x3072xf32>
    %neg3A_474 = arith.constant 0.000000e+00 : f32
    %neg3A_475 = vector.broadcast %neg3A_474 : f32 to vector<12x3072xf32>
    %neg3A_476 = arith.subf %neg3A_475, %abs3A_466 : vector<12x3072xf32>
    %exp3A_477 = math.exp %neg3A_476 : vector<12x3072xf32>
    %log1p3A_478 = math.log1p %exp3A_477 : vector<12x3072xf32>
    %add3A_479 = arith.addf %select_n3A_473, %log1p3A_478 : vector<12x3072xf32>
    %abs3A_480 = math.absf %sub3A_462 : vector<12x3072xf32>
    %gt3A_481 = arith.constant 9.99999997E-7 : f32
    %gt3A_482 = vector.broadcast %gt3A_481 : f32 to vector<12x3072xf32>
    %gt3A_483 = arith.cmpf ogt, %abs3A_480, %gt3A_482 : vector<12x3072xf32>
    %slice3A_484 = vector.extract_strided_slice %get3A_7 {offsets = [0, 0], sizes = [12, 3072], strides = [1, 1]} : vector<50x3072xf32> to vector<12x3072xf32>
    %mul3A_485 = vector.broadcast %slice3A_459 : vector<1x3072xf32> to vector<12x3072xf32>
    %mul3A_486 = arith.mulf %slice3A_484, %mul3A_485 : vector<12x3072xf32>
    %jit3A_487 = arith.constant 0.000000e+00 : f32
    %broadcast_in_dim3A_488 = vector.broadcast %jit3A_487 : f32 to vector<12x3072xf32>
    %select_n3A_489 = arith.select %gt3A_483, %mul3A_486, %broadcast_in_dim3A_488 : vector<12x3072xi1>, vector<12x3072xf32>
    %mul3A_490 = arith.mulf %add3A_479, %select_n3A_489 : vector<12x3072xf32>
    %reduce_sum3A_491 = arith.constant dense<0.000000e+00> : vector<3072xf32>
    %reduce_sum3A_492 = vector.multi_reduction <add>, %mul3A_490, %reduce_sum3A_491 [0] : vector<12x3072xf32> to vector<3072xf32>
    %broadcast_in_dim3A_493 = vector.shape_cast %reduce_sum3A_492 : vector<3072xf32> to vector<1x3072xf32>
    %add3A_494 = arith.addf %add3A_452, %broadcast_in_dim3A_493 : vector<1x3072xf32>
    %reduce_sum3A_495 = arith.constant dense<0.000000e+00> : vector<3072xf32>
    %reduce_sum3A_496 = vector.multi_reduction <add>, %select_n3A_489, %reduce_sum3A_495 [0] : vector<12x3072xf32> to vector<3072xf32>
    %broadcast_in_dim3A_497 = vector.shape_cast %reduce_sum3A_496 : vector<3072xf32> to vector<1x3072xf32>
    %add3A_498 = arith.addf %add3A_456, %broadcast_in_dim3A_497 : vector<1x3072xf32>
    %slice3A_499 = vector.extract_strided_slice %get3A_1 {offsets = [13, 0], sizes = [1, 3072], strides = [1, 1]} : vector<50x3072xf32> to vector<1x3072xf32>
    %slice3A_500 = vector.extract_strided_slice %get3A_4 {offsets = [13, 0], sizes = [1, 3072], strides = [1, 1]} : vector<50x3072xf32> to vector<1x3072xf32>
    %slice3A_501 = vector.extract_strided_slice %get3A_7 {offsets = [13, 0], sizes = [1, 3072], strides = [1, 1]} : vector<50x3072xf32> to vector<1x3072xf32>
    %slice3A_502 = vector.extract_strided_slice %get3A_4 {offsets = [0, 0], sizes = [13, 3072], strides = [1, 1]} : vector<50x3072xf32> to vector<13x3072xf32>
    %sub3A_503 = vector.broadcast %slice3A_500 : vector<1x3072xf32> to vector<13x3072xf32>
    %sub3A_504 = arith.subf %sub3A_503, %slice3A_502 : vector<13x3072xf32>
    %slice3A_505 = vector.extract_strided_slice %get3A_1 {offsets = [0, 0], sizes = [13, 3072], strides = [1, 1]} : vector<50x3072xf32> to vector<13x3072xf32>
    %sub3A_506 = vector.broadcast %slice3A_499 : vector<1x3072xf32> to vector<13x3072xf32>
    %sub3A_507 = arith.subf %slice3A_505, %sub3A_506 : vector<13x3072xf32>
    %abs3A_508 = math.absf %sub3A_507 : vector<13x3072xf32>
    %mul3A_509 = arith.mulf %sub3A_507, %sub3A_504 : vector<13x3072xf32>
    %lt3A_510 = arith.constant 0.000000e+00 : f32
    %lt3A_511 = vector.broadcast %lt3A_510 : f32 to vector<13x3072xf32>
    %lt3A_512 = arith.cmpf olt, %mul3A_509, %lt3A_511 : vector<13x3072xf32>
    %jit3A_513 = arith.constant 0.000000e+00 : f32
    %broadcast_in_dim3A_514 = vector.broadcast %jit3A_513 : f32 to vector<13x3072xf32>
    %select_n3A_515 = arith.select %lt3A_512, %abs3A_508, %broadcast_in_dim3A_514 : vector<13x3072xi1>, vector<13x3072xf32>
    %neg3A_516 = arith.constant 0.000000e+00 : f32
    %neg3A_517 = vector.broadcast %neg3A_516 : f32 to vector<13x3072xf32>
    %neg3A_518 = arith.subf %neg3A_517, %abs3A_508 : vector<13x3072xf32>
    %exp3A_519 = math.exp %neg3A_518 : vector<13x3072xf32>
    %log1p3A_520 = math.log1p %exp3A_519 : vector<13x3072xf32>
    %add3A_521 = arith.addf %select_n3A_515, %log1p3A_520 : vector<13x3072xf32>
    %abs3A_522 = math.absf %sub3A_504 : vector<13x3072xf32>
    %gt3A_523 = arith.constant 9.99999997E-7 : f32
    %gt3A_524 = vector.broadcast %gt3A_523 : f32 to vector<13x3072xf32>
    %gt3A_525 = arith.cmpf ogt, %abs3A_522, %gt3A_524 : vector<13x3072xf32>
    %slice3A_526 = vector.extract_strided_slice %get3A_7 {offsets = [0, 0], sizes = [13, 3072], strides = [1, 1]} : vector<50x3072xf32> to vector<13x3072xf32>
    %mul3A_527 = vector.broadcast %slice3A_501 : vector<1x3072xf32> to vector<13x3072xf32>
    %mul3A_528 = arith.mulf %slice3A_526, %mul3A_527 : vector<13x3072xf32>
    %jit3A_529 = arith.constant 0.000000e+00 : f32
    %broadcast_in_dim3A_530 = vector.broadcast %jit3A_529 : f32 to vector<13x3072xf32>
    %select_n3A_531 = arith.select %gt3A_525, %mul3A_528, %broadcast_in_dim3A_530 : vector<13x3072xi1>, vector<13x3072xf32>
    %mul3A_532 = arith.mulf %add3A_521, %select_n3A_531 : vector<13x3072xf32>
    %reduce_sum3A_533 = arith.constant dense<0.000000e+00> : vector<3072xf32>
    %reduce_sum3A_534 = vector.multi_reduction <add>, %mul3A_532, %reduce_sum3A_533 [0] : vector<13x3072xf32> to vector<3072xf32>
    %broadcast_in_dim3A_535 = vector.shape_cast %reduce_sum3A_534 : vector<3072xf32> to vector<1x3072xf32>
    %add3A_536 = arith.addf %add3A_494, %broadcast_in_dim3A_535 : vector<1x3072xf32>
    %reduce_sum3A_537 = arith.constant dense<0.000000e+00> : vector<3072xf32>
    %reduce_sum3A_538 = vector.multi_reduction <add>, %select_n3A_531, %reduce_sum3A_537 [0] : vector<13x3072xf32> to vector<3072xf32>
    %broadcast_in_dim3A_539 = vector.shape_cast %reduce_sum3A_538 : vector<3072xf32> to vector<1x3072xf32>
    %add3A_540 = arith.addf %add3A_498, %broadcast_in_dim3A_539 : vector<1x3072xf32>
    %slice3A_541 = vector.extract_strided_slice %get3A_1 {offsets = [14, 0], sizes = [1, 3072], strides = [1, 1]} : vector<50x3072xf32> to vector<1x3072xf32>
    %slice3A_542 = vector.extract_strided_slice %get3A_4 {offsets = [14, 0], sizes = [1, 3072], strides = [1, 1]} : vector<50x3072xf32> to vector<1x3072xf32>
    %slice3A_543 = vector.extract_strided_slice %get3A_7 {offsets = [14, 0], sizes = [1, 3072], strides = [1, 1]} : vector<50x3072xf32> to vector<1x3072xf32>
    %slice3A_544 = vector.extract_strided_slice %get3A_4 {offsets = [0, 0], sizes = [14, 3072], strides = [1, 1]} : vector<50x3072xf32> to vector<14x3072xf32>
    %sub3A_545 = vector.broadcast %slice3A_542 : vector<1x3072xf32> to vector<14x3072xf32>
    %sub3A_546 = arith.subf %sub3A_545, %slice3A_544 : vector<14x3072xf32>
    %slice3A_547 = vector.extract_strided_slice %get3A_1 {offsets = [0, 0], sizes = [14, 3072], strides = [1, 1]} : vector<50x3072xf32> to vector<14x3072xf32>
    %sub3A_548 = vector.broadcast %slice3A_541 : vector<1x3072xf32> to vector<14x3072xf32>
    %sub3A_549 = arith.subf %slice3A_547, %sub3A_548 : vector<14x3072xf32>
    %abs3A_550 = math.absf %sub3A_549 : vector<14x3072xf32>
    %mul3A_551 = arith.mulf %sub3A_549, %sub3A_546 : vector<14x3072xf32>
    %lt3A_552 = arith.constant 0.000000e+00 : f32
    %lt3A_553 = vector.broadcast %lt3A_552 : f32 to vector<14x3072xf32>
    %lt3A_554 = arith.cmpf olt, %mul3A_551, %lt3A_553 : vector<14x3072xf32>
    %jit3A_555 = arith.constant 0.000000e+00 : f32
    %broadcast_in_dim3A_556 = vector.broadcast %jit3A_555 : f32 to vector<14x3072xf32>
    %select_n3A_557 = arith.select %lt3A_554, %abs3A_550, %broadcast_in_dim3A_556 : vector<14x3072xi1>, vector<14x3072xf32>
    %neg3A_558 = arith.constant 0.000000e+00 : f32
    %neg3A_559 = vector.broadcast %neg3A_558 : f32 to vector<14x3072xf32>
    %neg3A_560 = arith.subf %neg3A_559, %abs3A_550 : vector<14x3072xf32>
    %exp3A_561 = math.exp %neg3A_560 : vector<14x3072xf32>
    %log1p3A_562 = math.log1p %exp3A_561 : vector<14x3072xf32>
    %add3A_563 = arith.addf %select_n3A_557, %log1p3A_562 : vector<14x3072xf32>
    %abs3A_564 = math.absf %sub3A_546 : vector<14x3072xf32>
    %gt3A_565 = arith.constant 9.99999997E-7 : f32
    %gt3A_566 = vector.broadcast %gt3A_565 : f32 to vector<14x3072xf32>
    %gt3A_567 = arith.cmpf ogt, %abs3A_564, %gt3A_566 : vector<14x3072xf32>
    %slice3A_568 = vector.extract_strided_slice %get3A_7 {offsets = [0, 0], sizes = [14, 3072], strides = [1, 1]} : vector<50x3072xf32> to vector<14x3072xf32>
    %mul3A_569 = vector.broadcast %slice3A_543 : vector<1x3072xf32> to vector<14x3072xf32>
    %mul3A_570 = arith.mulf %slice3A_568, %mul3A_569 : vector<14x3072xf32>
    %jit3A_571 = arith.constant 0.000000e+00 : f32
    %broadcast_in_dim3A_572 = vector.broadcast %jit3A_571 : f32 to vector<14x3072xf32>
    %select_n3A_573 = arith.select %gt3A_567, %mul3A_570, %broadcast_in_dim3A_572 : vector<14x3072xi1>, vector<14x3072xf32>
    %mul3A_574 = arith.mulf %add3A_563, %select_n3A_573 : vector<14x3072xf32>
    %reduce_sum3A_575 = arith.constant dense<0.000000e+00> : vector<3072xf32>
    %reduce_sum3A_576 = vector.multi_reduction <add>, %mul3A_574, %reduce_sum3A_575 [0] : vector<14x3072xf32> to vector<3072xf32>
    %broadcast_in_dim3A_577 = vector.shape_cast %reduce_sum3A_576 : vector<3072xf32> to vector<1x3072xf32>
    %add3A_578 = arith.addf %add3A_536, %broadcast_in_dim3A_577 : vector<1x3072xf32>
    %reduce_sum3A_579 = arith.constant dense<0.000000e+00> : vector<3072xf32>
    %reduce_sum3A_580 = vector.multi_reduction <add>, %select_n3A_573, %reduce_sum3A_579 [0] : vector<14x3072xf32> to vector<3072xf32>
    %broadcast_in_dim3A_581 = vector.shape_cast %reduce_sum3A_580 : vector<3072xf32> to vector<1x3072xf32>
    %add3A_582 = arith.addf %add3A_540, %broadcast_in_dim3A_581 : vector<1x3072xf32>
    %slice3A_583 = vector.extract_strided_slice %get3A_1 {offsets = [15, 0], sizes = [1, 3072], strides = [1, 1]} : vector<50x3072xf32> to vector<1x3072xf32>
    %slice3A_584 = vector.extract_strided_slice %get3A_4 {offsets = [15, 0], sizes = [1, 3072], strides = [1, 1]} : vector<50x3072xf32> to vector<1x3072xf32>
    %slice3A_585 = vector.extract_strided_slice %get3A_7 {offsets = [15, 0], sizes = [1, 3072], strides = [1, 1]} : vector<50x3072xf32> to vector<1x3072xf32>
    %slice3A_586 = vector.extract_strided_slice %get3A_4 {offsets = [0, 0], sizes = [15, 3072], strides = [1, 1]} : vector<50x3072xf32> to vector<15x3072xf32>
    %sub3A_587 = vector.broadcast %slice3A_584 : vector<1x3072xf32> to vector<15x3072xf32>
    %sub3A_588 = arith.subf %sub3A_587, %slice3A_586 : vector<15x3072xf32>
    %slice3A_589 = vector.extract_strided_slice %get3A_1 {offsets = [0, 0], sizes = [15, 3072], strides = [1, 1]} : vector<50x3072xf32> to vector<15x3072xf32>
    %sub3A_590 = vector.broadcast %slice3A_583 : vector<1x3072xf32> to vector<15x3072xf32>
    %sub3A_591 = arith.subf %slice3A_589, %sub3A_590 : vector<15x3072xf32>
    %abs3A_592 = math.absf %sub3A_591 : vector<15x3072xf32>
    %mul3A_593 = arith.mulf %sub3A_591, %sub3A_588 : vector<15x3072xf32>
    %lt3A_594 = arith.constant 0.000000e+00 : f32
    %lt3A_595 = vector.broadcast %lt3A_594 : f32 to vector<15x3072xf32>
    %lt3A_596 = arith.cmpf olt, %mul3A_593, %lt3A_595 : vector<15x3072xf32>
    %jit3A_597 = arith.constant 0.000000e+00 : f32
    %broadcast_in_dim3A_598 = vector.broadcast %jit3A_597 : f32 to vector<15x3072xf32>
    %select_n3A_599 = arith.select %lt3A_596, %abs3A_592, %broadcast_in_dim3A_598 : vector<15x3072xi1>, vector<15x3072xf32>
    %neg3A_600 = arith.constant 0.000000e+00 : f32
    %neg3A_601 = vector.broadcast %neg3A_600 : f32 to vector<15x3072xf32>
    %neg3A_602 = arith.subf %neg3A_601, %abs3A_592 : vector<15x3072xf32>
    %exp3A_603 = math.exp %neg3A_602 : vector<15x3072xf32>
    %log1p3A_604 = math.log1p %exp3A_603 : vector<15x3072xf32>
    %add3A_605 = arith.addf %select_n3A_599, %log1p3A_604 : vector<15x3072xf32>
    %abs3A_606 = math.absf %sub3A_588 : vector<15x3072xf32>
    %gt3A_607 = arith.constant 9.99999997E-7 : f32
    %gt3A_608 = vector.broadcast %gt3A_607 : f32 to vector<15x3072xf32>
    %gt3A_609 = arith.cmpf ogt, %abs3A_606, %gt3A_608 : vector<15x3072xf32>
    %slice3A_610 = vector.extract_strided_slice %get3A_7 {offsets = [0, 0], sizes = [15, 3072], strides = [1, 1]} : vector<50x3072xf32> to vector<15x3072xf32>
    %mul3A_611 = vector.broadcast %slice3A_585 : vector<1x3072xf32> to vector<15x3072xf32>
    %mul3A_612 = arith.mulf %slice3A_610, %mul3A_611 : vector<15x3072xf32>
    %jit3A_613 = arith.constant 0.000000e+00 : f32
    %broadcast_in_dim3A_614 = vector.broadcast %jit3A_613 : f32 to vector<15x3072xf32>
    %select_n3A_615 = arith.select %gt3A_609, %mul3A_612, %broadcast_in_dim3A_614 : vector<15x3072xi1>, vector<15x3072xf32>
    %mul3A_616 = arith.mulf %add3A_605, %select_n3A_615 : vector<15x3072xf32>
    %reduce_sum3A_617 = arith.constant dense<0.000000e+00> : vector<3072xf32>
    %reduce_sum3A_618 = vector.multi_reduction <add>, %mul3A_616, %reduce_sum3A_617 [0] : vector<15x3072xf32> to vector<3072xf32>
    %broadcast_in_dim3A_619 = vector.shape_cast %reduce_sum3A_618 : vector<3072xf32> to vector<1x3072xf32>
    %add3A_620 = arith.addf %add3A_578, %broadcast_in_dim3A_619 : vector<1x3072xf32>
    %reduce_sum3A_621 = arith.constant dense<0.000000e+00> : vector<3072xf32>
    %reduce_sum3A_622 = vector.multi_reduction <add>, %select_n3A_615, %reduce_sum3A_621 [0] : vector<15x3072xf32> to vector<3072xf32>
    %broadcast_in_dim3A_623 = vector.shape_cast %reduce_sum3A_622 : vector<3072xf32> to vector<1x3072xf32>
    %add3A_624 = arith.addf %add3A_582, %broadcast_in_dim3A_623 : vector<1x3072xf32>
    %slice3A_625 = vector.extract_strided_slice %get3A_1 {offsets = [16, 0], sizes = [1, 3072], strides = [1, 1]} : vector<50x3072xf32> to vector<1x3072xf32>
    %slice3A_626 = vector.extract_strided_slice %get3A_4 {offsets = [16, 0], sizes = [1, 3072], strides = [1, 1]} : vector<50x3072xf32> to vector<1x3072xf32>
    %slice3A_627 = vector.extract_strided_slice %get3A_7 {offsets = [16, 0], sizes = [1, 3072], strides = [1, 1]} : vector<50x3072xf32> to vector<1x3072xf32>
    %slice3A_628 = vector.extract_strided_slice %get3A_4 {offsets = [0, 0], sizes = [16, 3072], strides = [1, 1]} : vector<50x3072xf32> to vector<16x3072xf32>
    %sub3A_629 = vector.broadcast %slice3A_626 : vector<1x3072xf32> to vector<16x3072xf32>
    %sub3A_630 = arith.subf %sub3A_629, %slice3A_628 : vector<16x3072xf32>
    %slice3A_631 = vector.extract_strided_slice %get3A_1 {offsets = [0, 0], sizes = [16, 3072], strides = [1, 1]} : vector<50x3072xf32> to vector<16x3072xf32>
    %sub3A_632 = vector.broadcast %slice3A_625 : vector<1x3072xf32> to vector<16x3072xf32>
    %sub3A_633 = arith.subf %slice3A_631, %sub3A_632 : vector<16x3072xf32>
    %abs3A_634 = math.absf %sub3A_633 : vector<16x3072xf32>
    %mul3A_635 = arith.mulf %sub3A_633, %sub3A_630 : vector<16x3072xf32>
    %lt3A_636 = arith.constant 0.000000e+00 : f32
    %lt3A_637 = vector.broadcast %lt3A_636 : f32 to vector<16x3072xf32>
    %lt3A_638 = arith.cmpf olt, %mul3A_635, %lt3A_637 : vector<16x3072xf32>
    %jit3A_639 = arith.constant 0.000000e+00 : f32
    %broadcast_in_dim3A_640 = vector.broadcast %jit3A_639 : f32 to vector<16x3072xf32>
    %select_n3A_641 = arith.select %lt3A_638, %abs3A_634, %broadcast_in_dim3A_640 : vector<16x3072xi1>, vector<16x3072xf32>
    %neg3A_642 = arith.constant 0.000000e+00 : f32
    %neg3A_643 = vector.broadcast %neg3A_642 : f32 to vector<16x3072xf32>
    %neg3A_644 = arith.subf %neg3A_643, %abs3A_634 : vector<16x3072xf32>
    %exp3A_645 = math.exp %neg3A_644 : vector<16x3072xf32>
    %log1p3A_646 = math.log1p %exp3A_645 : vector<16x3072xf32>
    %add3A_647 = arith.addf %select_n3A_641, %log1p3A_646 : vector<16x3072xf32>
    %abs3A_648 = math.absf %sub3A_630 : vector<16x3072xf32>
    %gt3A_649 = arith.constant 9.99999997E-7 : f32
    %gt3A_650 = vector.broadcast %gt3A_649 : f32 to vector<16x3072xf32>
    %gt3A_651 = arith.cmpf ogt, %abs3A_648, %gt3A_650 : vector<16x3072xf32>
    %slice3A_652 = vector.extract_strided_slice %get3A_7 {offsets = [0, 0], sizes = [16, 3072], strides = [1, 1]} : vector<50x3072xf32> to vector<16x3072xf32>
    %mul3A_653 = vector.broadcast %slice3A_627 : vector<1x3072xf32> to vector<16x3072xf32>
    %mul3A_654 = arith.mulf %slice3A_652, %mul3A_653 : vector<16x3072xf32>
    %jit3A_655 = arith.constant 0.000000e+00 : f32
    %broadcast_in_dim3A_656 = vector.broadcast %jit3A_655 : f32 to vector<16x3072xf32>
    %select_n3A_657 = arith.select %gt3A_651, %mul3A_654, %broadcast_in_dim3A_656 : vector<16x3072xi1>, vector<16x3072xf32>
    %mul3A_658 = arith.mulf %add3A_647, %select_n3A_657 : vector<16x3072xf32>
    %reduce_sum3A_659 = arith.constant dense<0.000000e+00> : vector<3072xf32>
    %reduce_sum3A_660 = vector.multi_reduction <add>, %mul3A_658, %reduce_sum3A_659 [0] : vector<16x3072xf32> to vector<3072xf32>
    %broadcast_in_dim3A_661 = vector.shape_cast %reduce_sum3A_660 : vector<3072xf32> to vector<1x3072xf32>
    %add3A_662 = arith.addf %add3A_620, %broadcast_in_dim3A_661 : vector<1x3072xf32>
    %reduce_sum3A_663 = arith.constant dense<0.000000e+00> : vector<3072xf32>
    %reduce_sum3A_664 = vector.multi_reduction <add>, %select_n3A_657, %reduce_sum3A_663 [0] : vector<16x3072xf32> to vector<3072xf32>
    %broadcast_in_dim3A_665 = vector.shape_cast %reduce_sum3A_664 : vector<3072xf32> to vector<1x3072xf32>
    %add3A_666 = arith.addf %add3A_624, %broadcast_in_dim3A_665 : vector<1x3072xf32>
    %slice3A_667 = vector.extract_strided_slice %get3A_1 {offsets = [17, 0], sizes = [1, 3072], strides = [1, 1]} : vector<50x3072xf32> to vector<1x3072xf32>
    %slice3A_668 = vector.extract_strided_slice %get3A_4 {offsets = [17, 0], sizes = [1, 3072], strides = [1, 1]} : vector<50x3072xf32> to vector<1x3072xf32>
    %slice3A_669 = vector.extract_strided_slice %get3A_7 {offsets = [17, 0], sizes = [1, 3072], strides = [1, 1]} : vector<50x3072xf32> to vector<1x3072xf32>
    %slice3A_670 = vector.extract_strided_slice %get3A_4 {offsets = [0, 0], sizes = [17, 3072], strides = [1, 1]} : vector<50x3072xf32> to vector<17x3072xf32>
    %sub3A_671 = vector.broadcast %slice3A_668 : vector<1x3072xf32> to vector<17x3072xf32>
    %sub3A_672 = arith.subf %sub3A_671, %slice3A_670 : vector<17x3072xf32>
    %slice3A_673 = vector.extract_strided_slice %get3A_1 {offsets = [0, 0], sizes = [17, 3072], strides = [1, 1]} : vector<50x3072xf32> to vector<17x3072xf32>
    %sub3A_674 = vector.broadcast %slice3A_667 : vector<1x3072xf32> to vector<17x3072xf32>
    %sub3A_675 = arith.subf %slice3A_673, %sub3A_674 : vector<17x3072xf32>
    %abs3A_676 = math.absf %sub3A_675 : vector<17x3072xf32>
    %mul3A_677 = arith.mulf %sub3A_675, %sub3A_672 : vector<17x3072xf32>
    %lt3A_678 = arith.constant 0.000000e+00 : f32
    %lt3A_679 = vector.broadcast %lt3A_678 : f32 to vector<17x3072xf32>
    %lt3A_680 = arith.cmpf olt, %mul3A_677, %lt3A_679 : vector<17x3072xf32>
    %jit3A_681 = arith.constant 0.000000e+00 : f32
    %broadcast_in_dim3A_682 = vector.broadcast %jit3A_681 : f32 to vector<17x3072xf32>
    %select_n3A_683 = arith.select %lt3A_680, %abs3A_676, %broadcast_in_dim3A_682 : vector<17x3072xi1>, vector<17x3072xf32>
    %neg3A_684 = arith.constant 0.000000e+00 : f32
    %neg3A_685 = vector.broadcast %neg3A_684 : f32 to vector<17x3072xf32>
    %neg3A_686 = arith.subf %neg3A_685, %abs3A_676 : vector<17x3072xf32>
    %exp3A_687 = math.exp %neg3A_686 : vector<17x3072xf32>
    %log1p3A_688 = math.log1p %exp3A_687 : vector<17x3072xf32>
    %add3A_689 = arith.addf %select_n3A_683, %log1p3A_688 : vector<17x3072xf32>
    %abs3A_690 = math.absf %sub3A_672 : vector<17x3072xf32>
    %gt3A_691 = arith.constant 9.99999997E-7 : f32
    %gt3A_692 = vector.broadcast %gt3A_691 : f32 to vector<17x3072xf32>
    %gt3A_693 = arith.cmpf ogt, %abs3A_690, %gt3A_692 : vector<17x3072xf32>
    %slice3A_694 = vector.extract_strided_slice %get3A_7 {offsets = [0, 0], sizes = [17, 3072], strides = [1, 1]} : vector<50x3072xf32> to vector<17x3072xf32>
    %mul3A_695 = vector.broadcast %slice3A_669 : vector<1x3072xf32> to vector<17x3072xf32>
    %mul3A_696 = arith.mulf %slice3A_694, %mul3A_695 : vector<17x3072xf32>
    %jit3A_697 = arith.constant 0.000000e+00 : f32
    %broadcast_in_dim3A_698 = vector.broadcast %jit3A_697 : f32 to vector<17x3072xf32>
    %select_n3A_699 = arith.select %gt3A_693, %mul3A_696, %broadcast_in_dim3A_698 : vector<17x3072xi1>, vector<17x3072xf32>
    %mul3A_700 = arith.mulf %add3A_689, %select_n3A_699 : vector<17x3072xf32>
    %reduce_sum3A_701 = arith.constant dense<0.000000e+00> : vector<3072xf32>
    %reduce_sum3A_702 = vector.multi_reduction <add>, %mul3A_700, %reduce_sum3A_701 [0] : vector<17x3072xf32> to vector<3072xf32>
    %broadcast_in_dim3A_703 = vector.shape_cast %reduce_sum3A_702 : vector<3072xf32> to vector<1x3072xf32>
    %add3A_704 = arith.addf %add3A_662, %broadcast_in_dim3A_703 : vector<1x3072xf32>
    %reduce_sum3A_705 = arith.constant dense<0.000000e+00> : vector<3072xf32>
    %reduce_sum3A_706 = vector.multi_reduction <add>, %select_n3A_699, %reduce_sum3A_705 [0] : vector<17x3072xf32> to vector<3072xf32>
    %broadcast_in_dim3A_707 = vector.shape_cast %reduce_sum3A_706 : vector<3072xf32> to vector<1x3072xf32>
    %add3A_708 = arith.addf %add3A_666, %broadcast_in_dim3A_707 : vector<1x3072xf32>
    %slice3A_709 = vector.extract_strided_slice %get3A_1 {offsets = [18, 0], sizes = [1, 3072], strides = [1, 1]} : vector<50x3072xf32> to vector<1x3072xf32>
    %slice3A_710 = vector.extract_strided_slice %get3A_4 {offsets = [18, 0], sizes = [1, 3072], strides = [1, 1]} : vector<50x3072xf32> to vector<1x3072xf32>
    %slice3A_711 = vector.extract_strided_slice %get3A_7 {offsets = [18, 0], sizes = [1, 3072], strides = [1, 1]} : vector<50x3072xf32> to vector<1x3072xf32>
    %slice3A_712 = vector.extract_strided_slice %get3A_4 {offsets = [0, 0], sizes = [18, 3072], strides = [1, 1]} : vector<50x3072xf32> to vector<18x3072xf32>
    %sub3A_713 = vector.broadcast %slice3A_710 : vector<1x3072xf32> to vector<18x3072xf32>
    %sub3A_714 = arith.subf %sub3A_713, %slice3A_712 : vector<18x3072xf32>
    %slice3A_715 = vector.extract_strided_slice %get3A_1 {offsets = [0, 0], sizes = [18, 3072], strides = [1, 1]} : vector<50x3072xf32> to vector<18x3072xf32>
    %sub3A_716 = vector.broadcast %slice3A_709 : vector<1x3072xf32> to vector<18x3072xf32>
    %sub3A_717 = arith.subf %slice3A_715, %sub3A_716 : vector<18x3072xf32>
    %abs3A_718 = math.absf %sub3A_717 : vector<18x3072xf32>
    %mul3A_719 = arith.mulf %sub3A_717, %sub3A_714 : vector<18x3072xf32>
    %lt3A_720 = arith.constant 0.000000e+00 : f32
    %lt3A_721 = vector.broadcast %lt3A_720 : f32 to vector<18x3072xf32>
    %lt3A_722 = arith.cmpf olt, %mul3A_719, %lt3A_721 : vector<18x3072xf32>
    %jit3A_723 = arith.constant 0.000000e+00 : f32
    %broadcast_in_dim3A_724 = vector.broadcast %jit3A_723 : f32 to vector<18x3072xf32>
    %select_n3A_725 = arith.select %lt3A_722, %abs3A_718, %broadcast_in_dim3A_724 : vector<18x3072xi1>, vector<18x3072xf32>
    %neg3A_726 = arith.constant 0.000000e+00 : f32
    %neg3A_727 = vector.broadcast %neg3A_726 : f32 to vector<18x3072xf32>
    %neg3A_728 = arith.subf %neg3A_727, %abs3A_718 : vector<18x3072xf32>
    %exp3A_729 = math.exp %neg3A_728 : vector<18x3072xf32>
    %log1p3A_730 = math.log1p %exp3A_729 : vector<18x3072xf32>
    %add3A_731 = arith.addf %select_n3A_725, %log1p3A_730 : vector<18x3072xf32>
    %abs3A_732 = math.absf %sub3A_714 : vector<18x3072xf32>
    %gt3A_733 = arith.constant 9.99999997E-7 : f32
    %gt3A_734 = vector.broadcast %gt3A_733 : f32 to vector<18x3072xf32>
    %gt3A_735 = arith.cmpf ogt, %abs3A_732, %gt3A_734 : vector<18x3072xf32>
    %slice3A_736 = vector.extract_strided_slice %get3A_7 {offsets = [0, 0], sizes = [18, 3072], strides = [1, 1]} : vector<50x3072xf32> to vector<18x3072xf32>
    %mul3A_737 = vector.broadcast %slice3A_711 : vector<1x3072xf32> to vector<18x3072xf32>
    %mul3A_738 = arith.mulf %slice3A_736, %mul3A_737 : vector<18x3072xf32>
    %jit3A_739 = arith.constant 0.000000e+00 : f32
    %broadcast_in_dim3A_740 = vector.broadcast %jit3A_739 : f32 to vector<18x3072xf32>
    %select_n3A_741 = arith.select %gt3A_735, %mul3A_738, %broadcast_in_dim3A_740 : vector<18x3072xi1>, vector<18x3072xf32>
    %mul3A_742 = arith.mulf %add3A_731, %select_n3A_741 : vector<18x3072xf32>
    %reduce_sum3A_743 = arith.constant dense<0.000000e+00> : vector<3072xf32>
    %reduce_sum3A_744 = vector.multi_reduction <add>, %mul3A_742, %reduce_sum3A_743 [0] : vector<18x3072xf32> to vector<3072xf32>
    %broadcast_in_dim3A_745 = vector.shape_cast %reduce_sum3A_744 : vector<3072xf32> to vector<1x3072xf32>
    %add3A_746 = arith.addf %add3A_704, %broadcast_in_dim3A_745 : vector<1x3072xf32>
    %reduce_sum3A_747 = arith.constant dense<0.000000e+00> : vector<3072xf32>
    %reduce_sum3A_748 = vector.multi_reduction <add>, %select_n3A_741, %reduce_sum3A_747 [0] : vector<18x3072xf32> to vector<3072xf32>
    %broadcast_in_dim3A_749 = vector.shape_cast %reduce_sum3A_748 : vector<3072xf32> to vector<1x3072xf32>
    %add3A_750 = arith.addf %add3A_708, %broadcast_in_dim3A_749 : vector<1x3072xf32>
    %slice3A_751 = vector.extract_strided_slice %get3A_1 {offsets = [19, 0], sizes = [1, 3072], strides = [1, 1]} : vector<50x3072xf32> to vector<1x3072xf32>
    %slice3A_752 = vector.extract_strided_slice %get3A_4 {offsets = [19, 0], sizes = [1, 3072], strides = [1, 1]} : vector<50x3072xf32> to vector<1x3072xf32>
    %slice3A_753 = vector.extract_strided_slice %get3A_7 {offsets = [19, 0], sizes = [1, 3072], strides = [1, 1]} : vector<50x3072xf32> to vector<1x3072xf32>
    %slice3A_754 = vector.extract_strided_slice %get3A_4 {offsets = [0, 0], sizes = [19, 3072], strides = [1, 1]} : vector<50x3072xf32> to vector<19x3072xf32>
    %sub3A_755 = vector.broadcast %slice3A_752 : vector<1x3072xf32> to vector<19x3072xf32>
    %sub3A_756 = arith.subf %sub3A_755, %slice3A_754 : vector<19x3072xf32>
    %slice3A_757 = vector.extract_strided_slice %get3A_1 {offsets = [0, 0], sizes = [19, 3072], strides = [1, 1]} : vector<50x3072xf32> to vector<19x3072xf32>
    %sub3A_758 = vector.broadcast %slice3A_751 : vector<1x3072xf32> to vector<19x3072xf32>
    %sub3A_759 = arith.subf %slice3A_757, %sub3A_758 : vector<19x3072xf32>
    %abs3A_760 = math.absf %sub3A_759 : vector<19x3072xf32>
    %mul3A_761 = arith.mulf %sub3A_759, %sub3A_756 : vector<19x3072xf32>
    %lt3A_762 = arith.constant 0.000000e+00 : f32
    %lt3A_763 = vector.broadcast %lt3A_762 : f32 to vector<19x3072xf32>
    %lt3A_764 = arith.cmpf olt, %mul3A_761, %lt3A_763 : vector<19x3072xf32>
    %jit3A_765 = arith.constant 0.000000e+00 : f32
    %broadcast_in_dim3A_766 = vector.broadcast %jit3A_765 : f32 to vector<19x3072xf32>
    %select_n3A_767 = arith.select %lt3A_764, %abs3A_760, %broadcast_in_dim3A_766 : vector<19x3072xi1>, vector<19x3072xf32>
    %neg3A_768 = arith.constant 0.000000e+00 : f32
    %neg3A_769 = vector.broadcast %neg3A_768 : f32 to vector<19x3072xf32>
    %neg3A_770 = arith.subf %neg3A_769, %abs3A_760 : vector<19x3072xf32>
    %exp3A_771 = math.exp %neg3A_770 : vector<19x3072xf32>
    %log1p3A_772 = math.log1p %exp3A_771 : vector<19x3072xf32>
    %add3A_773 = arith.addf %select_n3A_767, %log1p3A_772 : vector<19x3072xf32>
    %abs3A_774 = math.absf %sub3A_756 : vector<19x3072xf32>
    %gt3A_775 = arith.constant 9.99999997E-7 : f32
    %gt3A_776 = vector.broadcast %gt3A_775 : f32 to vector<19x3072xf32>
    %gt3A_777 = arith.cmpf ogt, %abs3A_774, %gt3A_776 : vector<19x3072xf32>
    %slice3A_778 = vector.extract_strided_slice %get3A_7 {offsets = [0, 0], sizes = [19, 3072], strides = [1, 1]} : vector<50x3072xf32> to vector<19x3072xf32>
    %mul3A_779 = vector.broadcast %slice3A_753 : vector<1x3072xf32> to vector<19x3072xf32>
    %mul3A_780 = arith.mulf %slice3A_778, %mul3A_779 : vector<19x3072xf32>
    %jit3A_781 = arith.constant 0.000000e+00 : f32
    %broadcast_in_dim3A_782 = vector.broadcast %jit3A_781 : f32 to vector<19x3072xf32>
    %select_n3A_783 = arith.select %gt3A_777, %mul3A_780, %broadcast_in_dim3A_782 : vector<19x3072xi1>, vector<19x3072xf32>
    %mul3A_784 = arith.mulf %add3A_773, %select_n3A_783 : vector<19x3072xf32>
    %reduce_sum3A_785 = arith.constant dense<0.000000e+00> : vector<3072xf32>
    %reduce_sum3A_786 = vector.multi_reduction <add>, %mul3A_784, %reduce_sum3A_785 [0] : vector<19x3072xf32> to vector<3072xf32>
    %broadcast_in_dim3A_787 = vector.shape_cast %reduce_sum3A_786 : vector<3072xf32> to vector<1x3072xf32>
    %add3A_788 = arith.addf %add3A_746, %broadcast_in_dim3A_787 : vector<1x3072xf32>
    %reduce_sum3A_789 = arith.constant dense<0.000000e+00> : vector<3072xf32>
    %reduce_sum3A_790 = vector.multi_reduction <add>, %select_n3A_783, %reduce_sum3A_789 [0] : vector<19x3072xf32> to vector<3072xf32>
    %broadcast_in_dim3A_791 = vector.shape_cast %reduce_sum3A_790 : vector<3072xf32> to vector<1x3072xf32>
    %add3A_792 = arith.addf %add3A_750, %broadcast_in_dim3A_791 : vector<1x3072xf32>
    %slice3A_793 = vector.extract_strided_slice %get3A_1 {offsets = [20, 0], sizes = [1, 3072], strides = [1, 1]} : vector<50x3072xf32> to vector<1x3072xf32>
    %slice3A_794 = vector.extract_strided_slice %get3A_4 {offsets = [20, 0], sizes = [1, 3072], strides = [1, 1]} : vector<50x3072xf32> to vector<1x3072xf32>
    %slice3A_795 = vector.extract_strided_slice %get3A_7 {offsets = [20, 0], sizes = [1, 3072], strides = [1, 1]} : vector<50x3072xf32> to vector<1x3072xf32>
    %slice3A_796 = vector.extract_strided_slice %get3A_4 {offsets = [0, 0], sizes = [20, 3072], strides = [1, 1]} : vector<50x3072xf32> to vector<20x3072xf32>
    %sub3A_797 = vector.broadcast %slice3A_794 : vector<1x3072xf32> to vector<20x3072xf32>
    %sub3A_798 = arith.subf %sub3A_797, %slice3A_796 : vector<20x3072xf32>
    %slice3A_799 = vector.extract_strided_slice %get3A_1 {offsets = [0, 0], sizes = [20, 3072], strides = [1, 1]} : vector<50x3072xf32> to vector<20x3072xf32>
    %sub3A_800 = vector.broadcast %slice3A_793 : vector<1x3072xf32> to vector<20x3072xf32>
    %sub3A_801 = arith.subf %slice3A_799, %sub3A_800 : vector<20x3072xf32>
    %abs3A_802 = math.absf %sub3A_801 : vector<20x3072xf32>
    %mul3A_803 = arith.mulf %sub3A_801, %sub3A_798 : vector<20x3072xf32>
    %lt3A_804 = arith.constant 0.000000e+00 : f32
    %lt3A_805 = vector.broadcast %lt3A_804 : f32 to vector<20x3072xf32>
    %lt3A_806 = arith.cmpf olt, %mul3A_803, %lt3A_805 : vector<20x3072xf32>
    %jit3A_807 = arith.constant 0.000000e+00 : f32
    %broadcast_in_dim3A_808 = vector.broadcast %jit3A_807 : f32 to vector<20x3072xf32>
    %select_n3A_809 = arith.select %lt3A_806, %abs3A_802, %broadcast_in_dim3A_808 : vector<20x3072xi1>, vector<20x3072xf32>
    %neg3A_810 = arith.constant 0.000000e+00 : f32
    %neg3A_811 = vector.broadcast %neg3A_810 : f32 to vector<20x3072xf32>
    %neg3A_812 = arith.subf %neg3A_811, %abs3A_802 : vector<20x3072xf32>
    %exp3A_813 = math.exp %neg3A_812 : vector<20x3072xf32>
    %log1p3A_814 = math.log1p %exp3A_813 : vector<20x3072xf32>
    %add3A_815 = arith.addf %select_n3A_809, %log1p3A_814 : vector<20x3072xf32>
    %abs3A_816 = math.absf %sub3A_798 : vector<20x3072xf32>
    %gt3A_817 = arith.constant 9.99999997E-7 : f32
    %gt3A_818 = vector.broadcast %gt3A_817 : f32 to vector<20x3072xf32>
    %gt3A_819 = arith.cmpf ogt, %abs3A_816, %gt3A_818 : vector<20x3072xf32>
    %slice3A_820 = vector.extract_strided_slice %get3A_7 {offsets = [0, 0], sizes = [20, 3072], strides = [1, 1]} : vector<50x3072xf32> to vector<20x3072xf32>
    %mul3A_821 = vector.broadcast %slice3A_795 : vector<1x3072xf32> to vector<20x3072xf32>
    %mul3A_822 = arith.mulf %slice3A_820, %mul3A_821 : vector<20x3072xf32>
    %jit3A_823 = arith.constant 0.000000e+00 : f32
    %broadcast_in_dim3A_824 = vector.broadcast %jit3A_823 : f32 to vector<20x3072xf32>
    %select_n3A_825 = arith.select %gt3A_819, %mul3A_822, %broadcast_in_dim3A_824 : vector<20x3072xi1>, vector<20x3072xf32>
    %mul3A_826 = arith.mulf %add3A_815, %select_n3A_825 : vector<20x3072xf32>
    %reduce_sum3A_827 = arith.constant dense<0.000000e+00> : vector<3072xf32>
    %reduce_sum3A_828 = vector.multi_reduction <add>, %mul3A_826, %reduce_sum3A_827 [0] : vector<20x3072xf32> to vector<3072xf32>
    %broadcast_in_dim3A_829 = vector.shape_cast %reduce_sum3A_828 : vector<3072xf32> to vector<1x3072xf32>
    %add3A_830 = arith.addf %add3A_788, %broadcast_in_dim3A_829 : vector<1x3072xf32>
    %reduce_sum3A_831 = arith.constant dense<0.000000e+00> : vector<3072xf32>
    %reduce_sum3A_832 = vector.multi_reduction <add>, %select_n3A_825, %reduce_sum3A_831 [0] : vector<20x3072xf32> to vector<3072xf32>
    %broadcast_in_dim3A_833 = vector.shape_cast %reduce_sum3A_832 : vector<3072xf32> to vector<1x3072xf32>
    %add3A_834 = arith.addf %add3A_792, %broadcast_in_dim3A_833 : vector<1x3072xf32>
    %slice3A_835 = vector.extract_strided_slice %get3A_1 {offsets = [21, 0], sizes = [1, 3072], strides = [1, 1]} : vector<50x3072xf32> to vector<1x3072xf32>
    %slice3A_836 = vector.extract_strided_slice %get3A_4 {offsets = [21, 0], sizes = [1, 3072], strides = [1, 1]} : vector<50x3072xf32> to vector<1x3072xf32>
    %slice3A_837 = vector.extract_strided_slice %get3A_7 {offsets = [21, 0], sizes = [1, 3072], strides = [1, 1]} : vector<50x3072xf32> to vector<1x3072xf32>
    %slice3A_838 = vector.extract_strided_slice %get3A_4 {offsets = [0, 0], sizes = [21, 3072], strides = [1, 1]} : vector<50x3072xf32> to vector<21x3072xf32>
    %sub3A_839 = vector.broadcast %slice3A_836 : vector<1x3072xf32> to vector<21x3072xf32>
    %sub3A_840 = arith.subf %sub3A_839, %slice3A_838 : vector<21x3072xf32>
    %slice3A_841 = vector.extract_strided_slice %get3A_1 {offsets = [0, 0], sizes = [21, 3072], strides = [1, 1]} : vector<50x3072xf32> to vector<21x3072xf32>
    %sub3A_842 = vector.broadcast %slice3A_835 : vector<1x3072xf32> to vector<21x3072xf32>
    %sub3A_843 = arith.subf %slice3A_841, %sub3A_842 : vector<21x3072xf32>
    %abs3A_844 = math.absf %sub3A_843 : vector<21x3072xf32>
    %mul3A_845 = arith.mulf %sub3A_843, %sub3A_840 : vector<21x3072xf32>
    %lt3A_846 = arith.constant 0.000000e+00 : f32
    %lt3A_847 = vector.broadcast %lt3A_846 : f32 to vector<21x3072xf32>
    %lt3A_848 = arith.cmpf olt, %mul3A_845, %lt3A_847 : vector<21x3072xf32>
    %jit3A_849 = arith.constant 0.000000e+00 : f32
    %broadcast_in_dim3A_850 = vector.broadcast %jit3A_849 : f32 to vector<21x3072xf32>
    %select_n3A_851 = arith.select %lt3A_848, %abs3A_844, %broadcast_in_dim3A_850 : vector<21x3072xi1>, vector<21x3072xf32>
    %neg3A_852 = arith.constant 0.000000e+00 : f32
    %neg3A_853 = vector.broadcast %neg3A_852 : f32 to vector<21x3072xf32>
    %neg3A_854 = arith.subf %neg3A_853, %abs3A_844 : vector<21x3072xf32>
    %exp3A_855 = math.exp %neg3A_854 : vector<21x3072xf32>
    %log1p3A_856 = math.log1p %exp3A_855 : vector<21x3072xf32>
    %add3A_857 = arith.addf %select_n3A_851, %log1p3A_856 : vector<21x3072xf32>
    %abs3A_858 = math.absf %sub3A_840 : vector<21x3072xf32>
    %gt3A_859 = arith.constant 9.99999997E-7 : f32
    %gt3A_860 = vector.broadcast %gt3A_859 : f32 to vector<21x3072xf32>
    %gt3A_861 = arith.cmpf ogt, %abs3A_858, %gt3A_860 : vector<21x3072xf32>
    %slice3A_862 = vector.extract_strided_slice %get3A_7 {offsets = [0, 0], sizes = [21, 3072], strides = [1, 1]} : vector<50x3072xf32> to vector<21x3072xf32>
    %mul3A_863 = vector.broadcast %slice3A_837 : vector<1x3072xf32> to vector<21x3072xf32>
    %mul3A_864 = arith.mulf %slice3A_862, %mul3A_863 : vector<21x3072xf32>
    %jit3A_865 = arith.constant 0.000000e+00 : f32
    %broadcast_in_dim3A_866 = vector.broadcast %jit3A_865 : f32 to vector<21x3072xf32>
    %select_n3A_867 = arith.select %gt3A_861, %mul3A_864, %broadcast_in_dim3A_866 : vector<21x3072xi1>, vector<21x3072xf32>
    %mul3A_868 = arith.mulf %add3A_857, %select_n3A_867 : vector<21x3072xf32>
    %reduce_sum3A_869 = arith.constant dense<0.000000e+00> : vector<3072xf32>
    %reduce_sum3A_870 = vector.multi_reduction <add>, %mul3A_868, %reduce_sum3A_869 [0] : vector<21x3072xf32> to vector<3072xf32>
    %broadcast_in_dim3A_871 = vector.shape_cast %reduce_sum3A_870 : vector<3072xf32> to vector<1x3072xf32>
    %add3A_872 = arith.addf %add3A_830, %broadcast_in_dim3A_871 : vector<1x3072xf32>
    %reduce_sum3A_873 = arith.constant dense<0.000000e+00> : vector<3072xf32>
    %reduce_sum3A_874 = vector.multi_reduction <add>, %select_n3A_867, %reduce_sum3A_873 [0] : vector<21x3072xf32> to vector<3072xf32>
    %broadcast_in_dim3A_875 = vector.shape_cast %reduce_sum3A_874 : vector<3072xf32> to vector<1x3072xf32>
    %add3A_876 = arith.addf %add3A_834, %broadcast_in_dim3A_875 : vector<1x3072xf32>
    %slice3A_877 = vector.extract_strided_slice %get3A_1 {offsets = [22, 0], sizes = [1, 3072], strides = [1, 1]} : vector<50x3072xf32> to vector<1x3072xf32>
    %slice3A_878 = vector.extract_strided_slice %get3A_4 {offsets = [22, 0], sizes = [1, 3072], strides = [1, 1]} : vector<50x3072xf32> to vector<1x3072xf32>
    %slice3A_879 = vector.extract_strided_slice %get3A_7 {offsets = [22, 0], sizes = [1, 3072], strides = [1, 1]} : vector<50x3072xf32> to vector<1x3072xf32>
    %slice3A_880 = vector.extract_strided_slice %get3A_4 {offsets = [0, 0], sizes = [22, 3072], strides = [1, 1]} : vector<50x3072xf32> to vector<22x3072xf32>
    %sub3A_881 = vector.broadcast %slice3A_878 : vector<1x3072xf32> to vector<22x3072xf32>
    %sub3A_882 = arith.subf %sub3A_881, %slice3A_880 : vector<22x3072xf32>
    %slice3A_883 = vector.extract_strided_slice %get3A_1 {offsets = [0, 0], sizes = [22, 3072], strides = [1, 1]} : vector<50x3072xf32> to vector<22x3072xf32>
    %sub3A_884 = vector.broadcast %slice3A_877 : vector<1x3072xf32> to vector<22x3072xf32>
    %sub3A_885 = arith.subf %slice3A_883, %sub3A_884 : vector<22x3072xf32>
    %abs3A_886 = math.absf %sub3A_885 : vector<22x3072xf32>
    %mul3A_887 = arith.mulf %sub3A_885, %sub3A_882 : vector<22x3072xf32>
    %lt3A_888 = arith.constant 0.000000e+00 : f32
    %lt3A_889 = vector.broadcast %lt3A_888 : f32 to vector<22x3072xf32>
    %lt3A_890 = arith.cmpf olt, %mul3A_887, %lt3A_889 : vector<22x3072xf32>
    %jit3A_891 = arith.constant 0.000000e+00 : f32
    %broadcast_in_dim3A_892 = vector.broadcast %jit3A_891 : f32 to vector<22x3072xf32>
    %select_n3A_893 = arith.select %lt3A_890, %abs3A_886, %broadcast_in_dim3A_892 : vector<22x3072xi1>, vector<22x3072xf32>
    %neg3A_894 = arith.constant 0.000000e+00 : f32
    %neg3A_895 = vector.broadcast %neg3A_894 : f32 to vector<22x3072xf32>
    %neg3A_896 = arith.subf %neg3A_895, %abs3A_886 : vector<22x3072xf32>
    %exp3A_897 = math.exp %neg3A_896 : vector<22x3072xf32>
    %log1p3A_898 = math.log1p %exp3A_897 : vector<22x3072xf32>
    %add3A_899 = arith.addf %select_n3A_893, %log1p3A_898 : vector<22x3072xf32>
    %abs3A_900 = math.absf %sub3A_882 : vector<22x3072xf32>
    %gt3A_901 = arith.constant 9.99999997E-7 : f32
    %gt3A_902 = vector.broadcast %gt3A_901 : f32 to vector<22x3072xf32>
    %gt3A_903 = arith.cmpf ogt, %abs3A_900, %gt3A_902 : vector<22x3072xf32>
    %slice3A_904 = vector.extract_strided_slice %get3A_7 {offsets = [0, 0], sizes = [22, 3072], strides = [1, 1]} : vector<50x3072xf32> to vector<22x3072xf32>
    %mul3A_905 = vector.broadcast %slice3A_879 : vector<1x3072xf32> to vector<22x3072xf32>
    %mul3A_906 = arith.mulf %slice3A_904, %mul3A_905 : vector<22x3072xf32>
    %jit3A_907 = arith.constant 0.000000e+00 : f32
    %broadcast_in_dim3A_908 = vector.broadcast %jit3A_907 : f32 to vector<22x3072xf32>
    %select_n3A_909 = arith.select %gt3A_903, %mul3A_906, %broadcast_in_dim3A_908 : vector<22x3072xi1>, vector<22x3072xf32>
    %mul3A_910 = arith.mulf %add3A_899, %select_n3A_909 : vector<22x3072xf32>
    %reduce_sum3A_911 = arith.constant dense<0.000000e+00> : vector<3072xf32>
    %reduce_sum3A_912 = vector.multi_reduction <add>, %mul3A_910, %reduce_sum3A_911 [0] : vector<22x3072xf32> to vector<3072xf32>
    %broadcast_in_dim3A_913 = vector.shape_cast %reduce_sum3A_912 : vector<3072xf32> to vector<1x3072xf32>
    %add3A_914 = arith.addf %add3A_872, %broadcast_in_dim3A_913 : vector<1x3072xf32>
    %reduce_sum3A_915 = arith.constant dense<0.000000e+00> : vector<3072xf32>
    %reduce_sum3A_916 = vector.multi_reduction <add>, %select_n3A_909, %reduce_sum3A_915 [0] : vector<22x3072xf32> to vector<3072xf32>
    %broadcast_in_dim3A_917 = vector.shape_cast %reduce_sum3A_916 : vector<3072xf32> to vector<1x3072xf32>
    %add3A_918 = arith.addf %add3A_876, %broadcast_in_dim3A_917 : vector<1x3072xf32>
    %slice3A_919 = vector.extract_strided_slice %get3A_1 {offsets = [23, 0], sizes = [1, 3072], strides = [1, 1]} : vector<50x3072xf32> to vector<1x3072xf32>
    %slice3A_920 = vector.extract_strided_slice %get3A_4 {offsets = [23, 0], sizes = [1, 3072], strides = [1, 1]} : vector<50x3072xf32> to vector<1x3072xf32>
    %slice3A_921 = vector.extract_strided_slice %get3A_7 {offsets = [23, 0], sizes = [1, 3072], strides = [1, 1]} : vector<50x3072xf32> to vector<1x3072xf32>
    %slice3A_922 = vector.extract_strided_slice %get3A_4 {offsets = [0, 0], sizes = [23, 3072], strides = [1, 1]} : vector<50x3072xf32> to vector<23x3072xf32>
    %sub3A_923 = vector.broadcast %slice3A_920 : vector<1x3072xf32> to vector<23x3072xf32>
    %sub3A_924 = arith.subf %sub3A_923, %slice3A_922 : vector<23x3072xf32>
    %slice3A_925 = vector.extract_strided_slice %get3A_1 {offsets = [0, 0], sizes = [23, 3072], strides = [1, 1]} : vector<50x3072xf32> to vector<23x3072xf32>
    %sub3A_926 = vector.broadcast %slice3A_919 : vector<1x3072xf32> to vector<23x3072xf32>
    %sub3A_927 = arith.subf %slice3A_925, %sub3A_926 : vector<23x3072xf32>
    %abs3A_928 = math.absf %sub3A_927 : vector<23x3072xf32>
    %mul3A_929 = arith.mulf %sub3A_927, %sub3A_924 : vector<23x3072xf32>
    %lt3A_930 = arith.constant 0.000000e+00 : f32
    %lt3A_931 = vector.broadcast %lt3A_930 : f32 to vector<23x3072xf32>
    %lt3A_932 = arith.cmpf olt, %mul3A_929, %lt3A_931 : vector<23x3072xf32>
    %jit3A_933 = arith.constant 0.000000e+00 : f32
    %broadcast_in_dim3A_934 = vector.broadcast %jit3A_933 : f32 to vector<23x3072xf32>
    %select_n3A_935 = arith.select %lt3A_932, %abs3A_928, %broadcast_in_dim3A_934 : vector<23x3072xi1>, vector<23x3072xf32>
    %neg3A_936 = arith.constant 0.000000e+00 : f32
    %neg3A_937 = vector.broadcast %neg3A_936 : f32 to vector<23x3072xf32>
    %neg3A_938 = arith.subf %neg3A_937, %abs3A_928 : vector<23x3072xf32>
    %exp3A_939 = math.exp %neg3A_938 : vector<23x3072xf32>
    %log1p3A_940 = math.log1p %exp3A_939 : vector<23x3072xf32>
    %add3A_941 = arith.addf %select_n3A_935, %log1p3A_940 : vector<23x3072xf32>
    %abs3A_942 = math.absf %sub3A_924 : vector<23x3072xf32>
    %gt3A_943 = arith.constant 9.99999997E-7 : f32
    %gt3A_944 = vector.broadcast %gt3A_943 : f32 to vector<23x3072xf32>
    %gt3A_945 = arith.cmpf ogt, %abs3A_942, %gt3A_944 : vector<23x3072xf32>
    %slice3A_946 = vector.extract_strided_slice %get3A_7 {offsets = [0, 0], sizes = [23, 3072], strides = [1, 1]} : vector<50x3072xf32> to vector<23x3072xf32>
    %mul3A_947 = vector.broadcast %slice3A_921 : vector<1x3072xf32> to vector<23x3072xf32>
    %mul3A_948 = arith.mulf %slice3A_946, %mul3A_947 : vector<23x3072xf32>
    %jit3A_949 = arith.constant 0.000000e+00 : f32
    %broadcast_in_dim3A_950 = vector.broadcast %jit3A_949 : f32 to vector<23x3072xf32>
    %select_n3A_951 = arith.select %gt3A_945, %mul3A_948, %broadcast_in_dim3A_950 : vector<23x3072xi1>, vector<23x3072xf32>
    %mul3A_952 = arith.mulf %add3A_941, %select_n3A_951 : vector<23x3072xf32>
    %reduce_sum3A_953 = arith.constant dense<0.000000e+00> : vector<3072xf32>
    %reduce_sum3A_954 = vector.multi_reduction <add>, %mul3A_952, %reduce_sum3A_953 [0] : vector<23x3072xf32> to vector<3072xf32>
    %broadcast_in_dim3A_955 = vector.shape_cast %reduce_sum3A_954 : vector<3072xf32> to vector<1x3072xf32>
    %add3A_956 = arith.addf %add3A_914, %broadcast_in_dim3A_955 : vector<1x3072xf32>
    %reduce_sum3A_957 = arith.constant dense<0.000000e+00> : vector<3072xf32>
    %reduce_sum3A_958 = vector.multi_reduction <add>, %select_n3A_951, %reduce_sum3A_957 [0] : vector<23x3072xf32> to vector<3072xf32>
    %broadcast_in_dim3A_959 = vector.shape_cast %reduce_sum3A_958 : vector<3072xf32> to vector<1x3072xf32>
    %add3A_960 = arith.addf %add3A_918, %broadcast_in_dim3A_959 : vector<1x3072xf32>
    %slice3A_961 = vector.extract_strided_slice %get3A_1 {offsets = [24, 0], sizes = [1, 3072], strides = [1, 1]} : vector<50x3072xf32> to vector<1x3072xf32>
    %slice3A_962 = vector.extract_strided_slice %get3A_4 {offsets = [24, 0], sizes = [1, 3072], strides = [1, 1]} : vector<50x3072xf32> to vector<1x3072xf32>
    %slice3A_963 = vector.extract_strided_slice %get3A_7 {offsets = [24, 0], sizes = [1, 3072], strides = [1, 1]} : vector<50x3072xf32> to vector<1x3072xf32>
    %slice3A_964 = vector.extract_strided_slice %get3A_4 {offsets = [0, 0], sizes = [24, 3072], strides = [1, 1]} : vector<50x3072xf32> to vector<24x3072xf32>
    %sub3A_965 = vector.broadcast %slice3A_962 : vector<1x3072xf32> to vector<24x3072xf32>
    %sub3A_966 = arith.subf %sub3A_965, %slice3A_964 : vector<24x3072xf32>
    %slice3A_967 = vector.extract_strided_slice %get3A_1 {offsets = [0, 0], sizes = [24, 3072], strides = [1, 1]} : vector<50x3072xf32> to vector<24x3072xf32>
    %sub3A_968 = vector.broadcast %slice3A_961 : vector<1x3072xf32> to vector<24x3072xf32>
    %sub3A_969 = arith.subf %slice3A_967, %sub3A_968 : vector<24x3072xf32>
    %abs3A_970 = math.absf %sub3A_969 : vector<24x3072xf32>
    %mul3A_971 = arith.mulf %sub3A_969, %sub3A_966 : vector<24x3072xf32>
    %lt3A_972 = arith.constant 0.000000e+00 : f32
    %lt3A_973 = vector.broadcast %lt3A_972 : f32 to vector<24x3072xf32>
    %lt3A_974 = arith.cmpf olt, %mul3A_971, %lt3A_973 : vector<24x3072xf32>
    %jit3A_975 = arith.constant 0.000000e+00 : f32
    %broadcast_in_dim3A_976 = vector.broadcast %jit3A_975 : f32 to vector<24x3072xf32>
    %select_n3A_977 = arith.select %lt3A_974, %abs3A_970, %broadcast_in_dim3A_976 : vector<24x3072xi1>, vector<24x3072xf32>
    %neg3A_978 = arith.constant 0.000000e+00 : f32
    %neg3A_979 = vector.broadcast %neg3A_978 : f32 to vector<24x3072xf32>
    %neg3A_980 = arith.subf %neg3A_979, %abs3A_970 : vector<24x3072xf32>
    %exp3A_981 = math.exp %neg3A_980 : vector<24x3072xf32>
    %log1p3A_982 = math.log1p %exp3A_981 : vector<24x3072xf32>
    %add3A_983 = arith.addf %select_n3A_977, %log1p3A_982 : vector<24x3072xf32>
    %abs3A_984 = math.absf %sub3A_966 : vector<24x3072xf32>
    %gt3A_985 = arith.constant 9.99999997E-7 : f32
    %gt3A_986 = vector.broadcast %gt3A_985 : f32 to vector<24x3072xf32>
    %gt3A_987 = arith.cmpf ogt, %abs3A_984, %gt3A_986 : vector<24x3072xf32>
    %slice3A_988 = vector.extract_strided_slice %get3A_7 {offsets = [0, 0], sizes = [24, 3072], strides = [1, 1]} : vector<50x3072xf32> to vector<24x3072xf32>
    %mul3A_989 = vector.broadcast %slice3A_963 : vector<1x3072xf32> to vector<24x3072xf32>
    %mul3A_990 = arith.mulf %slice3A_988, %mul3A_989 : vector<24x3072xf32>
    %jit3A_991 = arith.constant 0.000000e+00 : f32
    %broadcast_in_dim3A_992 = vector.broadcast %jit3A_991 : f32 to vector<24x3072xf32>
    %select_n3A_993 = arith.select %gt3A_987, %mul3A_990, %broadcast_in_dim3A_992 : vector<24x3072xi1>, vector<24x3072xf32>
    %mul3A_994 = arith.mulf %add3A_983, %select_n3A_993 : vector<24x3072xf32>
    %reduce_sum3A_995 = arith.constant dense<0.000000e+00> : vector<3072xf32>
    %reduce_sum3A_996 = vector.multi_reduction <add>, %mul3A_994, %reduce_sum3A_995 [0] : vector<24x3072xf32> to vector<3072xf32>
    %broadcast_in_dim3A_997 = vector.shape_cast %reduce_sum3A_996 : vector<3072xf32> to vector<1x3072xf32>
    %add3A_998 = arith.addf %add3A_956, %broadcast_in_dim3A_997 : vector<1x3072xf32>
    %reduce_sum3A_999 = arith.constant dense<0.000000e+00> : vector<3072xf32>
    %reduce_sum3A_1000 = vector.multi_reduction <add>, %select_n3A_993, %reduce_sum3A_999 [0] : vector<24x3072xf32> to vector<3072xf32>
    %broadcast_in_dim3A_1001 = vector.shape_cast %reduce_sum3A_1000 : vector<3072xf32> to vector<1x3072xf32>
    %add3A_1002 = arith.addf %add3A_960, %broadcast_in_dim3A_1001 : vector<1x3072xf32>
    %slice3A_1003 = vector.extract_strided_slice %get3A_1 {offsets = [25, 0], sizes = [1, 3072], strides = [1, 1]} : vector<50x3072xf32> to vector<1x3072xf32>
    %slice3A_1004 = vector.extract_strided_slice %get3A_4 {offsets = [25, 0], sizes = [1, 3072], strides = [1, 1]} : vector<50x3072xf32> to vector<1x3072xf32>
    %slice3A_1005 = vector.extract_strided_slice %get3A_7 {offsets = [25, 0], sizes = [1, 3072], strides = [1, 1]} : vector<50x3072xf32> to vector<1x3072xf32>
    %slice3A_1006 = vector.extract_strided_slice %get3A_4 {offsets = [0, 0], sizes = [25, 3072], strides = [1, 1]} : vector<50x3072xf32> to vector<25x3072xf32>
    %sub3A_1007 = vector.broadcast %slice3A_1004 : vector<1x3072xf32> to vector<25x3072xf32>
    %sub3A_1008 = arith.subf %sub3A_1007, %slice3A_1006 : vector<25x3072xf32>
    %slice3A_1009 = vector.extract_strided_slice %get3A_1 {offsets = [0, 0], sizes = [25, 3072], strides = [1, 1]} : vector<50x3072xf32> to vector<25x3072xf32>
    %sub3A_1010 = vector.broadcast %slice3A_1003 : vector<1x3072xf32> to vector<25x3072xf32>
    %sub3A_1011 = arith.subf %slice3A_1009, %sub3A_1010 : vector<25x3072xf32>
    %abs3A_1012 = math.absf %sub3A_1011 : vector<25x3072xf32>
    %mul3A_1013 = arith.mulf %sub3A_1011, %sub3A_1008 : vector<25x3072xf32>
    %lt3A_1014 = arith.constant 0.000000e+00 : f32
    %lt3A_1015 = vector.broadcast %lt3A_1014 : f32 to vector<25x3072xf32>
    %lt3A_1016 = arith.cmpf olt, %mul3A_1013, %lt3A_1015 : vector<25x3072xf32>
    %jit3A_1017 = arith.constant 0.000000e+00 : f32
    %broadcast_in_dim3A_1018 = vector.broadcast %jit3A_1017 : f32 to vector<25x3072xf32>
    %select_n3A_1019 = arith.select %lt3A_1016, %abs3A_1012, %broadcast_in_dim3A_1018 : vector<25x3072xi1>, vector<25x3072xf32>
    %neg3A_1020 = arith.constant 0.000000e+00 : f32
    %neg3A_1021 = vector.broadcast %neg3A_1020 : f32 to vector<25x3072xf32>
    %neg3A_1022 = arith.subf %neg3A_1021, %abs3A_1012 : vector<25x3072xf32>
    %exp3A_1023 = math.exp %neg3A_1022 : vector<25x3072xf32>
    %log1p3A_1024 = math.log1p %exp3A_1023 : vector<25x3072xf32>
    %add3A_1025 = arith.addf %select_n3A_1019, %log1p3A_1024 : vector<25x3072xf32>
    %abs3A_1026 = math.absf %sub3A_1008 : vector<25x3072xf32>
    %gt3A_1027 = arith.constant 9.99999997E-7 : f32
    %gt3A_1028 = vector.broadcast %gt3A_1027 : f32 to vector<25x3072xf32>
    %gt3A_1029 = arith.cmpf ogt, %abs3A_1026, %gt3A_1028 : vector<25x3072xf32>
    %slice3A_1030 = vector.extract_strided_slice %get3A_7 {offsets = [0, 0], sizes = [25, 3072], strides = [1, 1]} : vector<50x3072xf32> to vector<25x3072xf32>
    %mul3A_1031 = vector.broadcast %slice3A_1005 : vector<1x3072xf32> to vector<25x3072xf32>
    %mul3A_1032 = arith.mulf %slice3A_1030, %mul3A_1031 : vector<25x3072xf32>
    %jit3A_1033 = arith.constant 0.000000e+00 : f32
    %broadcast_in_dim3A_1034 = vector.broadcast %jit3A_1033 : f32 to vector<25x3072xf32>
    %select_n3A_1035 = arith.select %gt3A_1029, %mul3A_1032, %broadcast_in_dim3A_1034 : vector<25x3072xi1>, vector<25x3072xf32>
    %mul3A_1036 = arith.mulf %add3A_1025, %select_n3A_1035 : vector<25x3072xf32>
    %reduce_sum3A_1037 = arith.constant dense<0.000000e+00> : vector<3072xf32>
    %reduce_sum3A_1038 = vector.multi_reduction <add>, %mul3A_1036, %reduce_sum3A_1037 [0] : vector<25x3072xf32> to vector<3072xf32>
    %broadcast_in_dim3A_1039 = vector.shape_cast %reduce_sum3A_1038 : vector<3072xf32> to vector<1x3072xf32>
    %add3A_1040 = arith.addf %add3A_998, %broadcast_in_dim3A_1039 : vector<1x3072xf32>
    %reduce_sum3A_1041 = arith.constant dense<0.000000e+00> : vector<3072xf32>
    %reduce_sum3A_1042 = vector.multi_reduction <add>, %select_n3A_1035, %reduce_sum3A_1041 [0] : vector<25x3072xf32> to vector<3072xf32>
    %broadcast_in_dim3A_1043 = vector.shape_cast %reduce_sum3A_1042 : vector<3072xf32> to vector<1x3072xf32>
    %add3A_1044 = arith.addf %add3A_1002, %broadcast_in_dim3A_1043 : vector<1x3072xf32>
    %slice3A_1045 = vector.extract_strided_slice %get3A_1 {offsets = [26, 0], sizes = [1, 3072], strides = [1, 1]} : vector<50x3072xf32> to vector<1x3072xf32>
    %slice3A_1046 = vector.extract_strided_slice %get3A_4 {offsets = [26, 0], sizes = [1, 3072], strides = [1, 1]} : vector<50x3072xf32> to vector<1x3072xf32>
    %slice3A_1047 = vector.extract_strided_slice %get3A_7 {offsets = [26, 0], sizes = [1, 3072], strides = [1, 1]} : vector<50x3072xf32> to vector<1x3072xf32>
    %slice3A_1048 = vector.extract_strided_slice %get3A_4 {offsets = [0, 0], sizes = [26, 3072], strides = [1, 1]} : vector<50x3072xf32> to vector<26x3072xf32>
    %sub3A_1049 = vector.broadcast %slice3A_1046 : vector<1x3072xf32> to vector<26x3072xf32>
    %sub3A_1050 = arith.subf %sub3A_1049, %slice3A_1048 : vector<26x3072xf32>
    %slice3A_1051 = vector.extract_strided_slice %get3A_1 {offsets = [0, 0], sizes = [26, 3072], strides = [1, 1]} : vector<50x3072xf32> to vector<26x3072xf32>
    %sub3A_1052 = vector.broadcast %slice3A_1045 : vector<1x3072xf32> to vector<26x3072xf32>
    %sub3A_1053 = arith.subf %slice3A_1051, %sub3A_1052 : vector<26x3072xf32>
    %abs3A_1054 = math.absf %sub3A_1053 : vector<26x3072xf32>
    %mul3A_1055 = arith.mulf %sub3A_1053, %sub3A_1050 : vector<26x3072xf32>
    %lt3A_1056 = arith.constant 0.000000e+00 : f32
    %lt3A_1057 = vector.broadcast %lt3A_1056 : f32 to vector<26x3072xf32>
    %lt3A_1058 = arith.cmpf olt, %mul3A_1055, %lt3A_1057 : vector<26x3072xf32>
    %jit3A_1059 = arith.constant 0.000000e+00 : f32
    %broadcast_in_dim3A_1060 = vector.broadcast %jit3A_1059 : f32 to vector<26x3072xf32>
    %select_n3A_1061 = arith.select %lt3A_1058, %abs3A_1054, %broadcast_in_dim3A_1060 : vector<26x3072xi1>, vector<26x3072xf32>
    %neg3A_1062 = arith.constant 0.000000e+00 : f32
    %neg3A_1063 = vector.broadcast %neg3A_1062 : f32 to vector<26x3072xf32>
    %neg3A_1064 = arith.subf %neg3A_1063, %abs3A_1054 : vector<26x3072xf32>
    %exp3A_1065 = math.exp %neg3A_1064 : vector<26x3072xf32>
    %log1p3A_1066 = math.log1p %exp3A_1065 : vector<26x3072xf32>
    %add3A_1067 = arith.addf %select_n3A_1061, %log1p3A_1066 : vector<26x3072xf32>
    %abs3A_1068 = math.absf %sub3A_1050 : vector<26x3072xf32>
    %gt3A_1069 = arith.constant 9.99999997E-7 : f32
    %gt3A_1070 = vector.broadcast %gt3A_1069 : f32 to vector<26x3072xf32>
    %gt3A_1071 = arith.cmpf ogt, %abs3A_1068, %gt3A_1070 : vector<26x3072xf32>
    %slice3A_1072 = vector.extract_strided_slice %get3A_7 {offsets = [0, 0], sizes = [26, 3072], strides = [1, 1]} : vector<50x3072xf32> to vector<26x3072xf32>
    %mul3A_1073 = vector.broadcast %slice3A_1047 : vector<1x3072xf32> to vector<26x3072xf32>
    %mul3A_1074 = arith.mulf %slice3A_1072, %mul3A_1073 : vector<26x3072xf32>
    %jit3A_1075 = arith.constant 0.000000e+00 : f32
    %broadcast_in_dim3A_1076 = vector.broadcast %jit3A_1075 : f32 to vector<26x3072xf32>
    %select_n3A_1077 = arith.select %gt3A_1071, %mul3A_1074, %broadcast_in_dim3A_1076 : vector<26x3072xi1>, vector<26x3072xf32>
    %mul3A_1078 = arith.mulf %add3A_1067, %select_n3A_1077 : vector<26x3072xf32>
    %reduce_sum3A_1079 = arith.constant dense<0.000000e+00> : vector<3072xf32>
    %reduce_sum3A_1080 = vector.multi_reduction <add>, %mul3A_1078, %reduce_sum3A_1079 [0] : vector<26x3072xf32> to vector<3072xf32>
    %broadcast_in_dim3A_1081 = vector.shape_cast %reduce_sum3A_1080 : vector<3072xf32> to vector<1x3072xf32>
    %add3A_1082 = arith.addf %add3A_1040, %broadcast_in_dim3A_1081 : vector<1x3072xf32>
    %reduce_sum3A_1083 = arith.constant dense<0.000000e+00> : vector<3072xf32>
    %reduce_sum3A_1084 = vector.multi_reduction <add>, %select_n3A_1077, %reduce_sum3A_1083 [0] : vector<26x3072xf32> to vector<3072xf32>
    %broadcast_in_dim3A_1085 = vector.shape_cast %reduce_sum3A_1084 : vector<3072xf32> to vector<1x3072xf32>
    %add3A_1086 = arith.addf %add3A_1044, %broadcast_in_dim3A_1085 : vector<1x3072xf32>
    %slice3A_1087 = vector.extract_strided_slice %get3A_1 {offsets = [27, 0], sizes = [1, 3072], strides = [1, 1]} : vector<50x3072xf32> to vector<1x3072xf32>
    %slice3A_1088 = vector.extract_strided_slice %get3A_4 {offsets = [27, 0], sizes = [1, 3072], strides = [1, 1]} : vector<50x3072xf32> to vector<1x3072xf32>
    %slice3A_1089 = vector.extract_strided_slice %get3A_7 {offsets = [27, 0], sizes = [1, 3072], strides = [1, 1]} : vector<50x3072xf32> to vector<1x3072xf32>
    %slice3A_1090 = vector.extract_strided_slice %get3A_4 {offsets = [0, 0], sizes = [27, 3072], strides = [1, 1]} : vector<50x3072xf32> to vector<27x3072xf32>
    %sub3A_1091 = vector.broadcast %slice3A_1088 : vector<1x3072xf32> to vector<27x3072xf32>
    %sub3A_1092 = arith.subf %sub3A_1091, %slice3A_1090 : vector<27x3072xf32>
    %slice3A_1093 = vector.extract_strided_slice %get3A_1 {offsets = [0, 0], sizes = [27, 3072], strides = [1, 1]} : vector<50x3072xf32> to vector<27x3072xf32>
    %sub3A_1094 = vector.broadcast %slice3A_1087 : vector<1x3072xf32> to vector<27x3072xf32>
    %sub3A_1095 = arith.subf %slice3A_1093, %sub3A_1094 : vector<27x3072xf32>
    %abs3A_1096 = math.absf %sub3A_1095 : vector<27x3072xf32>
    %mul3A_1097 = arith.mulf %sub3A_1095, %sub3A_1092 : vector<27x3072xf32>
    %lt3A_1098 = arith.constant 0.000000e+00 : f32
    %lt3A_1099 = vector.broadcast %lt3A_1098 : f32 to vector<27x3072xf32>
    %lt3A_1100 = arith.cmpf olt, %mul3A_1097, %lt3A_1099 : vector<27x3072xf32>
    %jit3A_1101 = arith.constant 0.000000e+00 : f32
    %broadcast_in_dim3A_1102 = vector.broadcast %jit3A_1101 : f32 to vector<27x3072xf32>
    %select_n3A_1103 = arith.select %lt3A_1100, %abs3A_1096, %broadcast_in_dim3A_1102 : vector<27x3072xi1>, vector<27x3072xf32>
    %neg3A_1104 = arith.constant 0.000000e+00 : f32
    %neg3A_1105 = vector.broadcast %neg3A_1104 : f32 to vector<27x3072xf32>
    %neg3A_1106 = arith.subf %neg3A_1105, %abs3A_1096 : vector<27x3072xf32>
    %exp3A_1107 = math.exp %neg3A_1106 : vector<27x3072xf32>
    %log1p3A_1108 = math.log1p %exp3A_1107 : vector<27x3072xf32>
    %add3A_1109 = arith.addf %select_n3A_1103, %log1p3A_1108 : vector<27x3072xf32>
    %abs3A_1110 = math.absf %sub3A_1092 : vector<27x3072xf32>
    %gt3A_1111 = arith.constant 9.99999997E-7 : f32
    %gt3A_1112 = vector.broadcast %gt3A_1111 : f32 to vector<27x3072xf32>
    %gt3A_1113 = arith.cmpf ogt, %abs3A_1110, %gt3A_1112 : vector<27x3072xf32>
    %slice3A_1114 = vector.extract_strided_slice %get3A_7 {offsets = [0, 0], sizes = [27, 3072], strides = [1, 1]} : vector<50x3072xf32> to vector<27x3072xf32>
    %mul3A_1115 = vector.broadcast %slice3A_1089 : vector<1x3072xf32> to vector<27x3072xf32>
    %mul3A_1116 = arith.mulf %slice3A_1114, %mul3A_1115 : vector<27x3072xf32>
    %jit3A_1117 = arith.constant 0.000000e+00 : f32
    %broadcast_in_dim3A_1118 = vector.broadcast %jit3A_1117 : f32 to vector<27x3072xf32>
    %select_n3A_1119 = arith.select %gt3A_1113, %mul3A_1116, %broadcast_in_dim3A_1118 : vector<27x3072xi1>, vector<27x3072xf32>
    %mul3A_1120 = arith.mulf %add3A_1109, %select_n3A_1119 : vector<27x3072xf32>
    %reduce_sum3A_1121 = arith.constant dense<0.000000e+00> : vector<3072xf32>
    %reduce_sum3A_1122 = vector.multi_reduction <add>, %mul3A_1120, %reduce_sum3A_1121 [0] : vector<27x3072xf32> to vector<3072xf32>
    %broadcast_in_dim3A_1123 = vector.shape_cast %reduce_sum3A_1122 : vector<3072xf32> to vector<1x3072xf32>
    %add3A_1124 = arith.addf %add3A_1082, %broadcast_in_dim3A_1123 : vector<1x3072xf32>
    %reduce_sum3A_1125 = arith.constant dense<0.000000e+00> : vector<3072xf32>
    %reduce_sum3A_1126 = vector.multi_reduction <add>, %select_n3A_1119, %reduce_sum3A_1125 [0] : vector<27x3072xf32> to vector<3072xf32>
    %broadcast_in_dim3A_1127 = vector.shape_cast %reduce_sum3A_1126 : vector<3072xf32> to vector<1x3072xf32>
    %add3A_1128 = arith.addf %add3A_1086, %broadcast_in_dim3A_1127 : vector<1x3072xf32>
    %slice3A_1129 = vector.extract_strided_slice %get3A_1 {offsets = [28, 0], sizes = [1, 3072], strides = [1, 1]} : vector<50x3072xf32> to vector<1x3072xf32>
    %slice3A_1130 = vector.extract_strided_slice %get3A_4 {offsets = [28, 0], sizes = [1, 3072], strides = [1, 1]} : vector<50x3072xf32> to vector<1x3072xf32>
    %slice3A_1131 = vector.extract_strided_slice %get3A_7 {offsets = [28, 0], sizes = [1, 3072], strides = [1, 1]} : vector<50x3072xf32> to vector<1x3072xf32>
    %slice3A_1132 = vector.extract_strided_slice %get3A_4 {offsets = [0, 0], sizes = [28, 3072], strides = [1, 1]} : vector<50x3072xf32> to vector<28x3072xf32>
    %sub3A_1133 = vector.broadcast %slice3A_1130 : vector<1x3072xf32> to vector<28x3072xf32>
    %sub3A_1134 = arith.subf %sub3A_1133, %slice3A_1132 : vector<28x3072xf32>
    %slice3A_1135 = vector.extract_strided_slice %get3A_1 {offsets = [0, 0], sizes = [28, 3072], strides = [1, 1]} : vector<50x3072xf32> to vector<28x3072xf32>
    %sub3A_1136 = vector.broadcast %slice3A_1129 : vector<1x3072xf32> to vector<28x3072xf32>
    %sub3A_1137 = arith.subf %slice3A_1135, %sub3A_1136 : vector<28x3072xf32>
    %abs3A_1138 = math.absf %sub3A_1137 : vector<28x3072xf32>
    %mul3A_1139 = arith.mulf %sub3A_1137, %sub3A_1134 : vector<28x3072xf32>
    %lt3A_1140 = arith.constant 0.000000e+00 : f32
    %lt3A_1141 = vector.broadcast %lt3A_1140 : f32 to vector<28x3072xf32>
    %lt3A_1142 = arith.cmpf olt, %mul3A_1139, %lt3A_1141 : vector<28x3072xf32>
    %jit3A_1143 = arith.constant 0.000000e+00 : f32
    %broadcast_in_dim3A_1144 = vector.broadcast %jit3A_1143 : f32 to vector<28x3072xf32>
    %select_n3A_1145 = arith.select %lt3A_1142, %abs3A_1138, %broadcast_in_dim3A_1144 : vector<28x3072xi1>, vector<28x3072xf32>
    %neg3A_1146 = arith.constant 0.000000e+00 : f32
    %neg3A_1147 = vector.broadcast %neg3A_1146 : f32 to vector<28x3072xf32>
    %neg3A_1148 = arith.subf %neg3A_1147, %abs3A_1138 : vector<28x3072xf32>
    %exp3A_1149 = math.exp %neg3A_1148 : vector<28x3072xf32>
    %log1p3A_1150 = math.log1p %exp3A_1149 : vector<28x3072xf32>
    %add3A_1151 = arith.addf %select_n3A_1145, %log1p3A_1150 : vector<28x3072xf32>
    %abs3A_1152 = math.absf %sub3A_1134 : vector<28x3072xf32>
    %gt3A_1153 = arith.constant 9.99999997E-7 : f32
    %gt3A_1154 = vector.broadcast %gt3A_1153 : f32 to vector<28x3072xf32>
    %gt3A_1155 = arith.cmpf ogt, %abs3A_1152, %gt3A_1154 : vector<28x3072xf32>
    %slice3A_1156 = vector.extract_strided_slice %get3A_7 {offsets = [0, 0], sizes = [28, 3072], strides = [1, 1]} : vector<50x3072xf32> to vector<28x3072xf32>
    %mul3A_1157 = vector.broadcast %slice3A_1131 : vector<1x3072xf32> to vector<28x3072xf32>
    %mul3A_1158 = arith.mulf %slice3A_1156, %mul3A_1157 : vector<28x3072xf32>
    %jit3A_1159 = arith.constant 0.000000e+00 : f32
    %broadcast_in_dim3A_1160 = vector.broadcast %jit3A_1159 : f32 to vector<28x3072xf32>
    %select_n3A_1161 = arith.select %gt3A_1155, %mul3A_1158, %broadcast_in_dim3A_1160 : vector<28x3072xi1>, vector<28x3072xf32>
    %mul3A_1162 = arith.mulf %add3A_1151, %select_n3A_1161 : vector<28x3072xf32>
    %reduce_sum3A_1163 = arith.constant dense<0.000000e+00> : vector<3072xf32>
    %reduce_sum3A_1164 = vector.multi_reduction <add>, %mul3A_1162, %reduce_sum3A_1163 [0] : vector<28x3072xf32> to vector<3072xf32>
    %broadcast_in_dim3A_1165 = vector.shape_cast %reduce_sum3A_1164 : vector<3072xf32> to vector<1x3072xf32>
    %add3A_1166 = arith.addf %add3A_1124, %broadcast_in_dim3A_1165 : vector<1x3072xf32>
    %reduce_sum3A_1167 = arith.constant dense<0.000000e+00> : vector<3072xf32>
    %reduce_sum3A_1168 = vector.multi_reduction <add>, %select_n3A_1161, %reduce_sum3A_1167 [0] : vector<28x3072xf32> to vector<3072xf32>
    %broadcast_in_dim3A_1169 = vector.shape_cast %reduce_sum3A_1168 : vector<3072xf32> to vector<1x3072xf32>
    %add3A_1170 = arith.addf %add3A_1128, %broadcast_in_dim3A_1169 : vector<1x3072xf32>
    %slice3A_1171 = vector.extract_strided_slice %get3A_1 {offsets = [29, 0], sizes = [1, 3072], strides = [1, 1]} : vector<50x3072xf32> to vector<1x3072xf32>
    %slice3A_1172 = vector.extract_strided_slice %get3A_4 {offsets = [29, 0], sizes = [1, 3072], strides = [1, 1]} : vector<50x3072xf32> to vector<1x3072xf32>
    %slice3A_1173 = vector.extract_strided_slice %get3A_7 {offsets = [29, 0], sizes = [1, 3072], strides = [1, 1]} : vector<50x3072xf32> to vector<1x3072xf32>
    %slice3A_1174 = vector.extract_strided_slice %get3A_4 {offsets = [0, 0], sizes = [29, 3072], strides = [1, 1]} : vector<50x3072xf32> to vector<29x3072xf32>
    %sub3A_1175 = vector.broadcast %slice3A_1172 : vector<1x3072xf32> to vector<29x3072xf32>
    %sub3A_1176 = arith.subf %sub3A_1175, %slice3A_1174 : vector<29x3072xf32>
    %slice3A_1177 = vector.extract_strided_slice %get3A_1 {offsets = [0, 0], sizes = [29, 3072], strides = [1, 1]} : vector<50x3072xf32> to vector<29x3072xf32>
    %sub3A_1178 = vector.broadcast %slice3A_1171 : vector<1x3072xf32> to vector<29x3072xf32>
    %sub3A_1179 = arith.subf %slice3A_1177, %sub3A_1178 : vector<29x3072xf32>
    %abs3A_1180 = math.absf %sub3A_1179 : vector<29x3072xf32>
    %mul3A_1181 = arith.mulf %sub3A_1179, %sub3A_1176 : vector<29x3072xf32>
    %lt3A_1182 = arith.constant 0.000000e+00 : f32
    %lt3A_1183 = vector.broadcast %lt3A_1182 : f32 to vector<29x3072xf32>
    %lt3A_1184 = arith.cmpf olt, %mul3A_1181, %lt3A_1183 : vector<29x3072xf32>
    %jit3A_1185 = arith.constant 0.000000e+00 : f32
    %broadcast_in_dim3A_1186 = vector.broadcast %jit3A_1185 : f32 to vector<29x3072xf32>
    %select_n3A_1187 = arith.select %lt3A_1184, %abs3A_1180, %broadcast_in_dim3A_1186 : vector<29x3072xi1>, vector<29x3072xf32>
    %neg3A_1188 = arith.constant 0.000000e+00 : f32
    %neg3A_1189 = vector.broadcast %neg3A_1188 : f32 to vector<29x3072xf32>
    %neg3A_1190 = arith.subf %neg3A_1189, %abs3A_1180 : vector<29x3072xf32>
    %exp3A_1191 = math.exp %neg3A_1190 : vector<29x3072xf32>
    %log1p3A_1192 = math.log1p %exp3A_1191 : vector<29x3072xf32>
    %add3A_1193 = arith.addf %select_n3A_1187, %log1p3A_1192 : vector<29x3072xf32>
    %abs3A_1194 = math.absf %sub3A_1176 : vector<29x3072xf32>
    %gt3A_1195 = arith.constant 9.99999997E-7 : f32
    %gt3A_1196 = vector.broadcast %gt3A_1195 : f32 to vector<29x3072xf32>
    %gt3A_1197 = arith.cmpf ogt, %abs3A_1194, %gt3A_1196 : vector<29x3072xf32>
    %slice3A_1198 = vector.extract_strided_slice %get3A_7 {offsets = [0, 0], sizes = [29, 3072], strides = [1, 1]} : vector<50x3072xf32> to vector<29x3072xf32>
    %mul3A_1199 = vector.broadcast %slice3A_1173 : vector<1x3072xf32> to vector<29x3072xf32>
    %mul3A_1200 = arith.mulf %slice3A_1198, %mul3A_1199 : vector<29x3072xf32>
    %jit3A_1201 = arith.constant 0.000000e+00 : f32
    %broadcast_in_dim3A_1202 = vector.broadcast %jit3A_1201 : f32 to vector<29x3072xf32>
    %select_n3A_1203 = arith.select %gt3A_1197, %mul3A_1200, %broadcast_in_dim3A_1202 : vector<29x3072xi1>, vector<29x3072xf32>
    %mul3A_1204 = arith.mulf %add3A_1193, %select_n3A_1203 : vector<29x3072xf32>
    %reduce_sum3A_1205 = arith.constant dense<0.000000e+00> : vector<3072xf32>
    %reduce_sum3A_1206 = vector.multi_reduction <add>, %mul3A_1204, %reduce_sum3A_1205 [0] : vector<29x3072xf32> to vector<3072xf32>
    %broadcast_in_dim3A_1207 = vector.shape_cast %reduce_sum3A_1206 : vector<3072xf32> to vector<1x3072xf32>
    %add3A_1208 = arith.addf %add3A_1166, %broadcast_in_dim3A_1207 : vector<1x3072xf32>
    %reduce_sum3A_1209 = arith.constant dense<0.000000e+00> : vector<3072xf32>
    %reduce_sum3A_1210 = vector.multi_reduction <add>, %select_n3A_1203, %reduce_sum3A_1209 [0] : vector<29x3072xf32> to vector<3072xf32>
    %broadcast_in_dim3A_1211 = vector.shape_cast %reduce_sum3A_1210 : vector<3072xf32> to vector<1x3072xf32>
    %add3A_1212 = arith.addf %add3A_1170, %broadcast_in_dim3A_1211 : vector<1x3072xf32>
    %slice3A_1213 = vector.extract_strided_slice %get3A_1 {offsets = [30, 0], sizes = [1, 3072], strides = [1, 1]} : vector<50x3072xf32> to vector<1x3072xf32>
    %slice3A_1214 = vector.extract_strided_slice %get3A_4 {offsets = [30, 0], sizes = [1, 3072], strides = [1, 1]} : vector<50x3072xf32> to vector<1x3072xf32>
    %slice3A_1215 = vector.extract_strided_slice %get3A_7 {offsets = [30, 0], sizes = [1, 3072], strides = [1, 1]} : vector<50x3072xf32> to vector<1x3072xf32>
    %slice3A_1216 = vector.extract_strided_slice %get3A_4 {offsets = [0, 0], sizes = [30, 3072], strides = [1, 1]} : vector<50x3072xf32> to vector<30x3072xf32>
    %sub3A_1217 = vector.broadcast %slice3A_1214 : vector<1x3072xf32> to vector<30x3072xf32>
    %sub3A_1218 = arith.subf %sub3A_1217, %slice3A_1216 : vector<30x3072xf32>
    %slice3A_1219 = vector.extract_strided_slice %get3A_1 {offsets = [0, 0], sizes = [30, 3072], strides = [1, 1]} : vector<50x3072xf32> to vector<30x3072xf32>
    %sub3A_1220 = vector.broadcast %slice3A_1213 : vector<1x3072xf32> to vector<30x3072xf32>
    %sub3A_1221 = arith.subf %slice3A_1219, %sub3A_1220 : vector<30x3072xf32>
    %abs3A_1222 = math.absf %sub3A_1221 : vector<30x3072xf32>
    %mul3A_1223 = arith.mulf %sub3A_1221, %sub3A_1218 : vector<30x3072xf32>
    %lt3A_1224 = arith.constant 0.000000e+00 : f32
    %lt3A_1225 = vector.broadcast %lt3A_1224 : f32 to vector<30x3072xf32>
    %lt3A_1226 = arith.cmpf olt, %mul3A_1223, %lt3A_1225 : vector<30x3072xf32>
    %jit3A_1227 = arith.constant 0.000000e+00 : f32
    %broadcast_in_dim3A_1228 = vector.broadcast %jit3A_1227 : f32 to vector<30x3072xf32>
    %select_n3A_1229 = arith.select %lt3A_1226, %abs3A_1222, %broadcast_in_dim3A_1228 : vector<30x3072xi1>, vector<30x3072xf32>
    %neg3A_1230 = arith.constant 0.000000e+00 : f32
    %neg3A_1231 = vector.broadcast %neg3A_1230 : f32 to vector<30x3072xf32>
    %neg3A_1232 = arith.subf %neg3A_1231, %abs3A_1222 : vector<30x3072xf32>
    %exp3A_1233 = math.exp %neg3A_1232 : vector<30x3072xf32>
    %log1p3A_1234 = math.log1p %exp3A_1233 : vector<30x3072xf32>
    %add3A_1235 = arith.addf %select_n3A_1229, %log1p3A_1234 : vector<30x3072xf32>
    %abs3A_1236 = math.absf %sub3A_1218 : vector<30x3072xf32>
    %gt3A_1237 = arith.constant 9.99999997E-7 : f32
    %gt3A_1238 = vector.broadcast %gt3A_1237 : f32 to vector<30x3072xf32>
    %gt3A_1239 = arith.cmpf ogt, %abs3A_1236, %gt3A_1238 : vector<30x3072xf32>
    %slice3A_1240 = vector.extract_strided_slice %get3A_7 {offsets = [0, 0], sizes = [30, 3072], strides = [1, 1]} : vector<50x3072xf32> to vector<30x3072xf32>
    %mul3A_1241 = vector.broadcast %slice3A_1215 : vector<1x3072xf32> to vector<30x3072xf32>
    %mul3A_1242 = arith.mulf %slice3A_1240, %mul3A_1241 : vector<30x3072xf32>
    %jit3A_1243 = arith.constant 0.000000e+00 : f32
    %broadcast_in_dim3A_1244 = vector.broadcast %jit3A_1243 : f32 to vector<30x3072xf32>
    %select_n3A_1245 = arith.select %gt3A_1239, %mul3A_1242, %broadcast_in_dim3A_1244 : vector<30x3072xi1>, vector<30x3072xf32>
    %mul3A_1246 = arith.mulf %add3A_1235, %select_n3A_1245 : vector<30x3072xf32>
    %reduce_sum3A_1247 = arith.constant dense<0.000000e+00> : vector<3072xf32>
    %reduce_sum3A_1248 = vector.multi_reduction <add>, %mul3A_1246, %reduce_sum3A_1247 [0] : vector<30x3072xf32> to vector<3072xf32>
    %broadcast_in_dim3A_1249 = vector.shape_cast %reduce_sum3A_1248 : vector<3072xf32> to vector<1x3072xf32>
    %add3A_1250 = arith.addf %add3A_1208, %broadcast_in_dim3A_1249 : vector<1x3072xf32>
    %reduce_sum3A_1251 = arith.constant dense<0.000000e+00> : vector<3072xf32>
    %reduce_sum3A_1252 = vector.multi_reduction <add>, %select_n3A_1245, %reduce_sum3A_1251 [0] : vector<30x3072xf32> to vector<3072xf32>
    %broadcast_in_dim3A_1253 = vector.shape_cast %reduce_sum3A_1252 : vector<3072xf32> to vector<1x3072xf32>
    %add3A_1254 = arith.addf %add3A_1212, %broadcast_in_dim3A_1253 : vector<1x3072xf32>
    %slice3A_1255 = vector.extract_strided_slice %get3A_1 {offsets = [31, 0], sizes = [1, 3072], strides = [1, 1]} : vector<50x3072xf32> to vector<1x3072xf32>
    %slice3A_1256 = vector.extract_strided_slice %get3A_4 {offsets = [31, 0], sizes = [1, 3072], strides = [1, 1]} : vector<50x3072xf32> to vector<1x3072xf32>
    %slice3A_1257 = vector.extract_strided_slice %get3A_7 {offsets = [31, 0], sizes = [1, 3072], strides = [1, 1]} : vector<50x3072xf32> to vector<1x3072xf32>
    %slice3A_1258 = vector.extract_strided_slice %get3A_4 {offsets = [0, 0], sizes = [31, 3072], strides = [1, 1]} : vector<50x3072xf32> to vector<31x3072xf32>
    %sub3A_1259 = vector.broadcast %slice3A_1256 : vector<1x3072xf32> to vector<31x3072xf32>
    %sub3A_1260 = arith.subf %sub3A_1259, %slice3A_1258 : vector<31x3072xf32>
    %slice3A_1261 = vector.extract_strided_slice %get3A_1 {offsets = [0, 0], sizes = [31, 3072], strides = [1, 1]} : vector<50x3072xf32> to vector<31x3072xf32>
    %sub3A_1262 = vector.broadcast %slice3A_1255 : vector<1x3072xf32> to vector<31x3072xf32>
    %sub3A_1263 = arith.subf %slice3A_1261, %sub3A_1262 : vector<31x3072xf32>
    %abs3A_1264 = math.absf %sub3A_1263 : vector<31x3072xf32>
    %mul3A_1265 = arith.mulf %sub3A_1263, %sub3A_1260 : vector<31x3072xf32>
    %lt3A_1266 = arith.constant 0.000000e+00 : f32
    %lt3A_1267 = vector.broadcast %lt3A_1266 : f32 to vector<31x3072xf32>
    %lt3A_1268 = arith.cmpf olt, %mul3A_1265, %lt3A_1267 : vector<31x3072xf32>
    %jit3A_1269 = arith.constant 0.000000e+00 : f32
    %broadcast_in_dim3A_1270 = vector.broadcast %jit3A_1269 : f32 to vector<31x3072xf32>
    %select_n3A_1271 = arith.select %lt3A_1268, %abs3A_1264, %broadcast_in_dim3A_1270 : vector<31x3072xi1>, vector<31x3072xf32>
    %neg3A_1272 = arith.constant 0.000000e+00 : f32
    %neg3A_1273 = vector.broadcast %neg3A_1272 : f32 to vector<31x3072xf32>
    %neg3A_1274 = arith.subf %neg3A_1273, %abs3A_1264 : vector<31x3072xf32>
    %exp3A_1275 = math.exp %neg3A_1274 : vector<31x3072xf32>
    %log1p3A_1276 = math.log1p %exp3A_1275 : vector<31x3072xf32>
    %add3A_1277 = arith.addf %select_n3A_1271, %log1p3A_1276 : vector<31x3072xf32>
    %abs3A_1278 = math.absf %sub3A_1260 : vector<31x3072xf32>
    %gt3A_1279 = arith.constant 9.99999997E-7 : f32
    %gt3A_1280 = vector.broadcast %gt3A_1279 : f32 to vector<31x3072xf32>
    %gt3A_1281 = arith.cmpf ogt, %abs3A_1278, %gt3A_1280 : vector<31x3072xf32>
    %slice3A_1282 = vector.extract_strided_slice %get3A_7 {offsets = [0, 0], sizes = [31, 3072], strides = [1, 1]} : vector<50x3072xf32> to vector<31x3072xf32>
    %mul3A_1283 = vector.broadcast %slice3A_1257 : vector<1x3072xf32> to vector<31x3072xf32>
    %mul3A_1284 = arith.mulf %slice3A_1282, %mul3A_1283 : vector<31x3072xf32>
    %jit3A_1285 = arith.constant 0.000000e+00 : f32
    %broadcast_in_dim3A_1286 = vector.broadcast %jit3A_1285 : f32 to vector<31x3072xf32>
    %select_n3A_1287 = arith.select %gt3A_1281, %mul3A_1284, %broadcast_in_dim3A_1286 : vector<31x3072xi1>, vector<31x3072xf32>
    %mul3A_1288 = arith.mulf %add3A_1277, %select_n3A_1287 : vector<31x3072xf32>
    %reduce_sum3A_1289 = arith.constant dense<0.000000e+00> : vector<3072xf32>
    %reduce_sum3A_1290 = vector.multi_reduction <add>, %mul3A_1288, %reduce_sum3A_1289 [0] : vector<31x3072xf32> to vector<3072xf32>
    %broadcast_in_dim3A_1291 = vector.shape_cast %reduce_sum3A_1290 : vector<3072xf32> to vector<1x3072xf32>
    %add3A_1292 = arith.addf %add3A_1250, %broadcast_in_dim3A_1291 : vector<1x3072xf32>
    %reduce_sum3A_1293 = arith.constant dense<0.000000e+00> : vector<3072xf32>
    %reduce_sum3A_1294 = vector.multi_reduction <add>, %select_n3A_1287, %reduce_sum3A_1293 [0] : vector<31x3072xf32> to vector<3072xf32>
    %broadcast_in_dim3A_1295 = vector.shape_cast %reduce_sum3A_1294 : vector<3072xf32> to vector<1x3072xf32>
    %add3A_1296 = arith.addf %add3A_1254, %broadcast_in_dim3A_1295 : vector<1x3072xf32>
    %slice3A_1297 = vector.extract_strided_slice %get3A_1 {offsets = [32, 0], sizes = [1, 3072], strides = [1, 1]} : vector<50x3072xf32> to vector<1x3072xf32>
    %slice3A_1298 = vector.extract_strided_slice %get3A_4 {offsets = [32, 0], sizes = [1, 3072], strides = [1, 1]} : vector<50x3072xf32> to vector<1x3072xf32>
    %slice3A_1299 = vector.extract_strided_slice %get3A_7 {offsets = [32, 0], sizes = [1, 3072], strides = [1, 1]} : vector<50x3072xf32> to vector<1x3072xf32>
    %slice3A_1300 = vector.extract_strided_slice %get3A_4 {offsets = [0, 0], sizes = [32, 3072], strides = [1, 1]} : vector<50x3072xf32> to vector<32x3072xf32>
    %sub3A_1301 = vector.broadcast %slice3A_1298 : vector<1x3072xf32> to vector<32x3072xf32>
    %sub3A_1302 = arith.subf %sub3A_1301, %slice3A_1300 : vector<32x3072xf32>
    %slice3A_1303 = vector.extract_strided_slice %get3A_1 {offsets = [0, 0], sizes = [32, 3072], strides = [1, 1]} : vector<50x3072xf32> to vector<32x3072xf32>
    %sub3A_1304 = vector.broadcast %slice3A_1297 : vector<1x3072xf32> to vector<32x3072xf32>
    %sub3A_1305 = arith.subf %slice3A_1303, %sub3A_1304 : vector<32x3072xf32>
    %abs3A_1306 = math.absf %sub3A_1305 : vector<32x3072xf32>
    %mul3A_1307 = arith.mulf %sub3A_1305, %sub3A_1302 : vector<32x3072xf32>
    %lt3A_1308 = arith.constant 0.000000e+00 : f32
    %lt3A_1309 = vector.broadcast %lt3A_1308 : f32 to vector<32x3072xf32>
    %lt3A_1310 = arith.cmpf olt, %mul3A_1307, %lt3A_1309 : vector<32x3072xf32>
    %jit3A_1311 = arith.constant 0.000000e+00 : f32
    %broadcast_in_dim3A_1312 = vector.broadcast %jit3A_1311 : f32 to vector<32x3072xf32>
    %select_n3A_1313 = arith.select %lt3A_1310, %abs3A_1306, %broadcast_in_dim3A_1312 : vector<32x3072xi1>, vector<32x3072xf32>
    %neg3A_1314 = arith.constant 0.000000e+00 : f32
    %neg3A_1315 = vector.broadcast %neg3A_1314 : f32 to vector<32x3072xf32>
    %neg3A_1316 = arith.subf %neg3A_1315, %abs3A_1306 : vector<32x3072xf32>
    %exp3A_1317 = math.exp %neg3A_1316 : vector<32x3072xf32>
    %log1p3A_1318 = math.log1p %exp3A_1317 : vector<32x3072xf32>
    %add3A_1319 = arith.addf %select_n3A_1313, %log1p3A_1318 : vector<32x3072xf32>
    %abs3A_1320 = math.absf %sub3A_1302 : vector<32x3072xf32>
    %gt3A_1321 = arith.constant 9.99999997E-7 : f32
    %gt3A_1322 = vector.broadcast %gt3A_1321 : f32 to vector<32x3072xf32>
    %gt3A_1323 = arith.cmpf ogt, %abs3A_1320, %gt3A_1322 : vector<32x3072xf32>
    %slice3A_1324 = vector.extract_strided_slice %get3A_7 {offsets = [0, 0], sizes = [32, 3072], strides = [1, 1]} : vector<50x3072xf32> to vector<32x3072xf32>
    %mul3A_1325 = vector.broadcast %slice3A_1299 : vector<1x3072xf32> to vector<32x3072xf32>
    %mul3A_1326 = arith.mulf %slice3A_1324, %mul3A_1325 : vector<32x3072xf32>
    %jit3A_1327 = arith.constant 0.000000e+00 : f32
    %broadcast_in_dim3A_1328 = vector.broadcast %jit3A_1327 : f32 to vector<32x3072xf32>
    %select_n3A_1329 = arith.select %gt3A_1323, %mul3A_1326, %broadcast_in_dim3A_1328 : vector<32x3072xi1>, vector<32x3072xf32>
    %mul3A_1330 = arith.mulf %add3A_1319, %select_n3A_1329 : vector<32x3072xf32>
    %reduce_sum3A_1331 = arith.constant dense<0.000000e+00> : vector<3072xf32>
    %reduce_sum3A_1332 = vector.multi_reduction <add>, %mul3A_1330, %reduce_sum3A_1331 [0] : vector<32x3072xf32> to vector<3072xf32>
    %broadcast_in_dim3A_1333 = vector.shape_cast %reduce_sum3A_1332 : vector<3072xf32> to vector<1x3072xf32>
    %add3A_1334 = arith.addf %add3A_1292, %broadcast_in_dim3A_1333 : vector<1x3072xf32>
    %reduce_sum3A_1335 = arith.constant dense<0.000000e+00> : vector<3072xf32>
    %reduce_sum3A_1336 = vector.multi_reduction <add>, %select_n3A_1329, %reduce_sum3A_1335 [0] : vector<32x3072xf32> to vector<3072xf32>
    %broadcast_in_dim3A_1337 = vector.shape_cast %reduce_sum3A_1336 : vector<3072xf32> to vector<1x3072xf32>
    %add3A_1338 = arith.addf %add3A_1296, %broadcast_in_dim3A_1337 : vector<1x3072xf32>
    %slice3A_1339 = vector.extract_strided_slice %get3A_1 {offsets = [33, 0], sizes = [1, 3072], strides = [1, 1]} : vector<50x3072xf32> to vector<1x3072xf32>
    %slice3A_1340 = vector.extract_strided_slice %get3A_4 {offsets = [33, 0], sizes = [1, 3072], strides = [1, 1]} : vector<50x3072xf32> to vector<1x3072xf32>
    %slice3A_1341 = vector.extract_strided_slice %get3A_7 {offsets = [33, 0], sizes = [1, 3072], strides = [1, 1]} : vector<50x3072xf32> to vector<1x3072xf32>
    %slice3A_1342 = vector.extract_strided_slice %get3A_4 {offsets = [0, 0], sizes = [33, 3072], strides = [1, 1]} : vector<50x3072xf32> to vector<33x3072xf32>
    %sub3A_1343 = vector.broadcast %slice3A_1340 : vector<1x3072xf32> to vector<33x3072xf32>
    %sub3A_1344 = arith.subf %sub3A_1343, %slice3A_1342 : vector<33x3072xf32>
    %slice3A_1345 = vector.extract_strided_slice %get3A_1 {offsets = [0, 0], sizes = [33, 3072], strides = [1, 1]} : vector<50x3072xf32> to vector<33x3072xf32>
    %sub3A_1346 = vector.broadcast %slice3A_1339 : vector<1x3072xf32> to vector<33x3072xf32>
    %sub3A_1347 = arith.subf %slice3A_1345, %sub3A_1346 : vector<33x3072xf32>
    %abs3A_1348 = math.absf %sub3A_1347 : vector<33x3072xf32>
    %mul3A_1349 = arith.mulf %sub3A_1347, %sub3A_1344 : vector<33x3072xf32>
    %lt3A_1350 = arith.constant 0.000000e+00 : f32
    %lt3A_1351 = vector.broadcast %lt3A_1350 : f32 to vector<33x3072xf32>
    %lt3A_1352 = arith.cmpf olt, %mul3A_1349, %lt3A_1351 : vector<33x3072xf32>
    %jit3A_1353 = arith.constant 0.000000e+00 : f32
    %broadcast_in_dim3A_1354 = vector.broadcast %jit3A_1353 : f32 to vector<33x3072xf32>
    %select_n3A_1355 = arith.select %lt3A_1352, %abs3A_1348, %broadcast_in_dim3A_1354 : vector<33x3072xi1>, vector<33x3072xf32>
    %neg3A_1356 = arith.constant 0.000000e+00 : f32
    %neg3A_1357 = vector.broadcast %neg3A_1356 : f32 to vector<33x3072xf32>
    %neg3A_1358 = arith.subf %neg3A_1357, %abs3A_1348 : vector<33x3072xf32>
    %exp3A_1359 = math.exp %neg3A_1358 : vector<33x3072xf32>
    %log1p3A_1360 = math.log1p %exp3A_1359 : vector<33x3072xf32>
    %add3A_1361 = arith.addf %select_n3A_1355, %log1p3A_1360 : vector<33x3072xf32>
    %abs3A_1362 = math.absf %sub3A_1344 : vector<33x3072xf32>
    %gt3A_1363 = arith.constant 9.99999997E-7 : f32
    %gt3A_1364 = vector.broadcast %gt3A_1363 : f32 to vector<33x3072xf32>
    %gt3A_1365 = arith.cmpf ogt, %abs3A_1362, %gt3A_1364 : vector<33x3072xf32>
    %slice3A_1366 = vector.extract_strided_slice %get3A_7 {offsets = [0, 0], sizes = [33, 3072], strides = [1, 1]} : vector<50x3072xf32> to vector<33x3072xf32>
    %mul3A_1367 = vector.broadcast %slice3A_1341 : vector<1x3072xf32> to vector<33x3072xf32>
    %mul3A_1368 = arith.mulf %slice3A_1366, %mul3A_1367 : vector<33x3072xf32>
    %jit3A_1369 = arith.constant 0.000000e+00 : f32
    %broadcast_in_dim3A_1370 = vector.broadcast %jit3A_1369 : f32 to vector<33x3072xf32>
    %select_n3A_1371 = arith.select %gt3A_1365, %mul3A_1368, %broadcast_in_dim3A_1370 : vector<33x3072xi1>, vector<33x3072xf32>
    %mul3A_1372 = arith.mulf %add3A_1361, %select_n3A_1371 : vector<33x3072xf32>
    %reduce_sum3A_1373 = arith.constant dense<0.000000e+00> : vector<3072xf32>
    %reduce_sum3A_1374 = vector.multi_reduction <add>, %mul3A_1372, %reduce_sum3A_1373 [0] : vector<33x3072xf32> to vector<3072xf32>
    %broadcast_in_dim3A_1375 = vector.shape_cast %reduce_sum3A_1374 : vector<3072xf32> to vector<1x3072xf32>
    %add3A_1376 = arith.addf %add3A_1334, %broadcast_in_dim3A_1375 : vector<1x3072xf32>
    %reduce_sum3A_1377 = arith.constant dense<0.000000e+00> : vector<3072xf32>
    %reduce_sum3A_1378 = vector.multi_reduction <add>, %select_n3A_1371, %reduce_sum3A_1377 [0] : vector<33x3072xf32> to vector<3072xf32>
    %broadcast_in_dim3A_1379 = vector.shape_cast %reduce_sum3A_1378 : vector<3072xf32> to vector<1x3072xf32>
    %add3A_1380 = arith.addf %add3A_1338, %broadcast_in_dim3A_1379 : vector<1x3072xf32>
    %slice3A_1381 = vector.extract_strided_slice %get3A_1 {offsets = [34, 0], sizes = [1, 3072], strides = [1, 1]} : vector<50x3072xf32> to vector<1x3072xf32>
    %slice3A_1382 = vector.extract_strided_slice %get3A_4 {offsets = [34, 0], sizes = [1, 3072], strides = [1, 1]} : vector<50x3072xf32> to vector<1x3072xf32>
    %slice3A_1383 = vector.extract_strided_slice %get3A_7 {offsets = [34, 0], sizes = [1, 3072], strides = [1, 1]} : vector<50x3072xf32> to vector<1x3072xf32>
    %slice3A_1384 = vector.extract_strided_slice %get3A_4 {offsets = [0, 0], sizes = [34, 3072], strides = [1, 1]} : vector<50x3072xf32> to vector<34x3072xf32>
    %sub3A_1385 = vector.broadcast %slice3A_1382 : vector<1x3072xf32> to vector<34x3072xf32>
    %sub3A_1386 = arith.subf %sub3A_1385, %slice3A_1384 : vector<34x3072xf32>
    %slice3A_1387 = vector.extract_strided_slice %get3A_1 {offsets = [0, 0], sizes = [34, 3072], strides = [1, 1]} : vector<50x3072xf32> to vector<34x3072xf32>
    %sub3A_1388 = vector.broadcast %slice3A_1381 : vector<1x3072xf32> to vector<34x3072xf32>
    %sub3A_1389 = arith.subf %slice3A_1387, %sub3A_1388 : vector<34x3072xf32>
    %abs3A_1390 = math.absf %sub3A_1389 : vector<34x3072xf32>
    %mul3A_1391 = arith.mulf %sub3A_1389, %sub3A_1386 : vector<34x3072xf32>
    %lt3A_1392 = arith.constant 0.000000e+00 : f32
    %lt3A_1393 = vector.broadcast %lt3A_1392 : f32 to vector<34x3072xf32>
    %lt3A_1394 = arith.cmpf olt, %mul3A_1391, %lt3A_1393 : vector<34x3072xf32>
    %jit3A_1395 = arith.constant 0.000000e+00 : f32
    %broadcast_in_dim3A_1396 = vector.broadcast %jit3A_1395 : f32 to vector<34x3072xf32>
    %select_n3A_1397 = arith.select %lt3A_1394, %abs3A_1390, %broadcast_in_dim3A_1396 : vector<34x3072xi1>, vector<34x3072xf32>
    %neg3A_1398 = arith.constant 0.000000e+00 : f32
    %neg3A_1399 = vector.broadcast %neg3A_1398 : f32 to vector<34x3072xf32>
    %neg3A_1400 = arith.subf %neg3A_1399, %abs3A_1390 : vector<34x3072xf32>
    %exp3A_1401 = math.exp %neg3A_1400 : vector<34x3072xf32>
    %log1p3A_1402 = math.log1p %exp3A_1401 : vector<34x3072xf32>
    %add3A_1403 = arith.addf %select_n3A_1397, %log1p3A_1402 : vector<34x3072xf32>
    %abs3A_1404 = math.absf %sub3A_1386 : vector<34x3072xf32>
    %gt3A_1405 = arith.constant 9.99999997E-7 : f32
    %gt3A_1406 = vector.broadcast %gt3A_1405 : f32 to vector<34x3072xf32>
    %gt3A_1407 = arith.cmpf ogt, %abs3A_1404, %gt3A_1406 : vector<34x3072xf32>
    %slice3A_1408 = vector.extract_strided_slice %get3A_7 {offsets = [0, 0], sizes = [34, 3072], strides = [1, 1]} : vector<50x3072xf32> to vector<34x3072xf32>
    %mul3A_1409 = vector.broadcast %slice3A_1383 : vector<1x3072xf32> to vector<34x3072xf32>
    %mul3A_1410 = arith.mulf %slice3A_1408, %mul3A_1409 : vector<34x3072xf32>
    %jit3A_1411 = arith.constant 0.000000e+00 : f32
    %broadcast_in_dim3A_1412 = vector.broadcast %jit3A_1411 : f32 to vector<34x3072xf32>
    %select_n3A_1413 = arith.select %gt3A_1407, %mul3A_1410, %broadcast_in_dim3A_1412 : vector<34x3072xi1>, vector<34x3072xf32>
    %mul3A_1414 = arith.mulf %add3A_1403, %select_n3A_1413 : vector<34x3072xf32>
    %reduce_sum3A_1415 = arith.constant dense<0.000000e+00> : vector<3072xf32>
    %reduce_sum3A_1416 = vector.multi_reduction <add>, %mul3A_1414, %reduce_sum3A_1415 [0] : vector<34x3072xf32> to vector<3072xf32>
    %broadcast_in_dim3A_1417 = vector.shape_cast %reduce_sum3A_1416 : vector<3072xf32> to vector<1x3072xf32>
    %add3A_1418 = arith.addf %add3A_1376, %broadcast_in_dim3A_1417 : vector<1x3072xf32>
    %reduce_sum3A_1419 = arith.constant dense<0.000000e+00> : vector<3072xf32>
    %reduce_sum3A_1420 = vector.multi_reduction <add>, %select_n3A_1413, %reduce_sum3A_1419 [0] : vector<34x3072xf32> to vector<3072xf32>
    %broadcast_in_dim3A_1421 = vector.shape_cast %reduce_sum3A_1420 : vector<3072xf32> to vector<1x3072xf32>
    %add3A_1422 = arith.addf %add3A_1380, %broadcast_in_dim3A_1421 : vector<1x3072xf32>
    %slice3A_1423 = vector.extract_strided_slice %get3A_1 {offsets = [35, 0], sizes = [1, 3072], strides = [1, 1]} : vector<50x3072xf32> to vector<1x3072xf32>
    %slice3A_1424 = vector.extract_strided_slice %get3A_4 {offsets = [35, 0], sizes = [1, 3072], strides = [1, 1]} : vector<50x3072xf32> to vector<1x3072xf32>
    %slice3A_1425 = vector.extract_strided_slice %get3A_7 {offsets = [35, 0], sizes = [1, 3072], strides = [1, 1]} : vector<50x3072xf32> to vector<1x3072xf32>
    %slice3A_1426 = vector.extract_strided_slice %get3A_4 {offsets = [0, 0], sizes = [35, 3072], strides = [1, 1]} : vector<50x3072xf32> to vector<35x3072xf32>
    %sub3A_1427 = vector.broadcast %slice3A_1424 : vector<1x3072xf32> to vector<35x3072xf32>
    %sub3A_1428 = arith.subf %sub3A_1427, %slice3A_1426 : vector<35x3072xf32>
    %slice3A_1429 = vector.extract_strided_slice %get3A_1 {offsets = [0, 0], sizes = [35, 3072], strides = [1, 1]} : vector<50x3072xf32> to vector<35x3072xf32>
    %sub3A_1430 = vector.broadcast %slice3A_1423 : vector<1x3072xf32> to vector<35x3072xf32>
    %sub3A_1431 = arith.subf %slice3A_1429, %sub3A_1430 : vector<35x3072xf32>
    %abs3A_1432 = math.absf %sub3A_1431 : vector<35x3072xf32>
    %mul3A_1433 = arith.mulf %sub3A_1431, %sub3A_1428 : vector<35x3072xf32>
    %lt3A_1434 = arith.constant 0.000000e+00 : f32
    %lt3A_1435 = vector.broadcast %lt3A_1434 : f32 to vector<35x3072xf32>
    %lt3A_1436 = arith.cmpf olt, %mul3A_1433, %lt3A_1435 : vector<35x3072xf32>
    %jit3A_1437 = arith.constant 0.000000e+00 : f32
    %broadcast_in_dim3A_1438 = vector.broadcast %jit3A_1437 : f32 to vector<35x3072xf32>
    %select_n3A_1439 = arith.select %lt3A_1436, %abs3A_1432, %broadcast_in_dim3A_1438 : vector<35x3072xi1>, vector<35x3072xf32>
    %neg3A_1440 = arith.constant 0.000000e+00 : f32
    %neg3A_1441 = vector.broadcast %neg3A_1440 : f32 to vector<35x3072xf32>
    %neg3A_1442 = arith.subf %neg3A_1441, %abs3A_1432 : vector<35x3072xf32>
    %exp3A_1443 = math.exp %neg3A_1442 : vector<35x3072xf32>
    %log1p3A_1444 = math.log1p %exp3A_1443 : vector<35x3072xf32>
    %add3A_1445 = arith.addf %select_n3A_1439, %log1p3A_1444 : vector<35x3072xf32>
    %abs3A_1446 = math.absf %sub3A_1428 : vector<35x3072xf32>
    %gt3A_1447 = arith.constant 9.99999997E-7 : f32
    %gt3A_1448 = vector.broadcast %gt3A_1447 : f32 to vector<35x3072xf32>
    %gt3A_1449 = arith.cmpf ogt, %abs3A_1446, %gt3A_1448 : vector<35x3072xf32>
    %slice3A_1450 = vector.extract_strided_slice %get3A_7 {offsets = [0, 0], sizes = [35, 3072], strides = [1, 1]} : vector<50x3072xf32> to vector<35x3072xf32>
    %mul3A_1451 = vector.broadcast %slice3A_1425 : vector<1x3072xf32> to vector<35x3072xf32>
    %mul3A_1452 = arith.mulf %slice3A_1450, %mul3A_1451 : vector<35x3072xf32>
    %jit3A_1453 = arith.constant 0.000000e+00 : f32
    %broadcast_in_dim3A_1454 = vector.broadcast %jit3A_1453 : f32 to vector<35x3072xf32>
    %select_n3A_1455 = arith.select %gt3A_1449, %mul3A_1452, %broadcast_in_dim3A_1454 : vector<35x3072xi1>, vector<35x3072xf32>
    %mul3A_1456 = arith.mulf %add3A_1445, %select_n3A_1455 : vector<35x3072xf32>
    %reduce_sum3A_1457 = arith.constant dense<0.000000e+00> : vector<3072xf32>
    %reduce_sum3A_1458 = vector.multi_reduction <add>, %mul3A_1456, %reduce_sum3A_1457 [0] : vector<35x3072xf32> to vector<3072xf32>
    %broadcast_in_dim3A_1459 = vector.shape_cast %reduce_sum3A_1458 : vector<3072xf32> to vector<1x3072xf32>
    %add3A_1460 = arith.addf %add3A_1418, %broadcast_in_dim3A_1459 : vector<1x3072xf32>
    %reduce_sum3A_1461 = arith.constant dense<0.000000e+00> : vector<3072xf32>
    %reduce_sum3A_1462 = vector.multi_reduction <add>, %select_n3A_1455, %reduce_sum3A_1461 [0] : vector<35x3072xf32> to vector<3072xf32>
    %broadcast_in_dim3A_1463 = vector.shape_cast %reduce_sum3A_1462 : vector<3072xf32> to vector<1x3072xf32>
    %add3A_1464 = arith.addf %add3A_1422, %broadcast_in_dim3A_1463 : vector<1x3072xf32>
    %slice3A_1465 = vector.extract_strided_slice %get3A_1 {offsets = [36, 0], sizes = [1, 3072], strides = [1, 1]} : vector<50x3072xf32> to vector<1x3072xf32>
    %slice3A_1466 = vector.extract_strided_slice %get3A_4 {offsets = [36, 0], sizes = [1, 3072], strides = [1, 1]} : vector<50x3072xf32> to vector<1x3072xf32>
    %slice3A_1467 = vector.extract_strided_slice %get3A_7 {offsets = [36, 0], sizes = [1, 3072], strides = [1, 1]} : vector<50x3072xf32> to vector<1x3072xf32>
    %slice3A_1468 = vector.extract_strided_slice %get3A_4 {offsets = [0, 0], sizes = [36, 3072], strides = [1, 1]} : vector<50x3072xf32> to vector<36x3072xf32>
    %sub3A_1469 = vector.broadcast %slice3A_1466 : vector<1x3072xf32> to vector<36x3072xf32>
    %sub3A_1470 = arith.subf %sub3A_1469, %slice3A_1468 : vector<36x3072xf32>
    %slice3A_1471 = vector.extract_strided_slice %get3A_1 {offsets = [0, 0], sizes = [36, 3072], strides = [1, 1]} : vector<50x3072xf32> to vector<36x3072xf32>
    %sub3A_1472 = vector.broadcast %slice3A_1465 : vector<1x3072xf32> to vector<36x3072xf32>
    %sub3A_1473 = arith.subf %slice3A_1471, %sub3A_1472 : vector<36x3072xf32>
    %abs3A_1474 = math.absf %sub3A_1473 : vector<36x3072xf32>
    %mul3A_1475 = arith.mulf %sub3A_1473, %sub3A_1470 : vector<36x3072xf32>
    %lt3A_1476 = arith.constant 0.000000e+00 : f32
    %lt3A_1477 = vector.broadcast %lt3A_1476 : f32 to vector<36x3072xf32>
    %lt3A_1478 = arith.cmpf olt, %mul3A_1475, %lt3A_1477 : vector<36x3072xf32>
    %jit3A_1479 = arith.constant 0.000000e+00 : f32
    %broadcast_in_dim3A_1480 = vector.broadcast %jit3A_1479 : f32 to vector<36x3072xf32>
    %select_n3A_1481 = arith.select %lt3A_1478, %abs3A_1474, %broadcast_in_dim3A_1480 : vector<36x3072xi1>, vector<36x3072xf32>
    %neg3A_1482 = arith.constant 0.000000e+00 : f32
    %neg3A_1483 = vector.broadcast %neg3A_1482 : f32 to vector<36x3072xf32>
    %neg3A_1484 = arith.subf %neg3A_1483, %abs3A_1474 : vector<36x3072xf32>
    %exp3A_1485 = math.exp %neg3A_1484 : vector<36x3072xf32>
    %log1p3A_1486 = math.log1p %exp3A_1485 : vector<36x3072xf32>
    %add3A_1487 = arith.addf %select_n3A_1481, %log1p3A_1486 : vector<36x3072xf32>
    %abs3A_1488 = math.absf %sub3A_1470 : vector<36x3072xf32>
    %gt3A_1489 = arith.constant 9.99999997E-7 : f32
    %gt3A_1490 = vector.broadcast %gt3A_1489 : f32 to vector<36x3072xf32>
    %gt3A_1491 = arith.cmpf ogt, %abs3A_1488, %gt3A_1490 : vector<36x3072xf32>
    %slice3A_1492 = vector.extract_strided_slice %get3A_7 {offsets = [0, 0], sizes = [36, 3072], strides = [1, 1]} : vector<50x3072xf32> to vector<36x3072xf32>
    %mul3A_1493 = vector.broadcast %slice3A_1467 : vector<1x3072xf32> to vector<36x3072xf32>
    %mul3A_1494 = arith.mulf %slice3A_1492, %mul3A_1493 : vector<36x3072xf32>
    %jit3A_1495 = arith.constant 0.000000e+00 : f32
    %broadcast_in_dim3A_1496 = vector.broadcast %jit3A_1495 : f32 to vector<36x3072xf32>
    %select_n3A_1497 = arith.select %gt3A_1491, %mul3A_1494, %broadcast_in_dim3A_1496 : vector<36x3072xi1>, vector<36x3072xf32>
    %mul3A_1498 = arith.mulf %add3A_1487, %select_n3A_1497 : vector<36x3072xf32>
    %reduce_sum3A_1499 = arith.constant dense<0.000000e+00> : vector<3072xf32>
    %reduce_sum3A_1500 = vector.multi_reduction <add>, %mul3A_1498, %reduce_sum3A_1499 [0] : vector<36x3072xf32> to vector<3072xf32>
    %broadcast_in_dim3A_1501 = vector.shape_cast %reduce_sum3A_1500 : vector<3072xf32> to vector<1x3072xf32>
    %add3A_1502 = arith.addf %add3A_1460, %broadcast_in_dim3A_1501 : vector<1x3072xf32>
    %reduce_sum3A_1503 = arith.constant dense<0.000000e+00> : vector<3072xf32>
    %reduce_sum3A_1504 = vector.multi_reduction <add>, %select_n3A_1497, %reduce_sum3A_1503 [0] : vector<36x3072xf32> to vector<3072xf32>
    %broadcast_in_dim3A_1505 = vector.shape_cast %reduce_sum3A_1504 : vector<3072xf32> to vector<1x3072xf32>
    %add3A_1506 = arith.addf %add3A_1464, %broadcast_in_dim3A_1505 : vector<1x3072xf32>
    %slice3A_1507 = vector.extract_strided_slice %get3A_1 {offsets = [37, 0], sizes = [1, 3072], strides = [1, 1]} : vector<50x3072xf32> to vector<1x3072xf32>
    %slice3A_1508 = vector.extract_strided_slice %get3A_4 {offsets = [37, 0], sizes = [1, 3072], strides = [1, 1]} : vector<50x3072xf32> to vector<1x3072xf32>
    %slice3A_1509 = vector.extract_strided_slice %get3A_7 {offsets = [37, 0], sizes = [1, 3072], strides = [1, 1]} : vector<50x3072xf32> to vector<1x3072xf32>
    %slice3A_1510 = vector.extract_strided_slice %get3A_4 {offsets = [0, 0], sizes = [37, 3072], strides = [1, 1]} : vector<50x3072xf32> to vector<37x3072xf32>
    %sub3A_1511 = vector.broadcast %slice3A_1508 : vector<1x3072xf32> to vector<37x3072xf32>
    %sub3A_1512 = arith.subf %sub3A_1511, %slice3A_1510 : vector<37x3072xf32>
    %slice3A_1513 = vector.extract_strided_slice %get3A_1 {offsets = [0, 0], sizes = [37, 3072], strides = [1, 1]} : vector<50x3072xf32> to vector<37x3072xf32>
    %sub3A_1514 = vector.broadcast %slice3A_1507 : vector<1x3072xf32> to vector<37x3072xf32>
    %sub3A_1515 = arith.subf %slice3A_1513, %sub3A_1514 : vector<37x3072xf32>
    %abs3A_1516 = math.absf %sub3A_1515 : vector<37x3072xf32>
    %mul3A_1517 = arith.mulf %sub3A_1515, %sub3A_1512 : vector<37x3072xf32>
    %lt3A_1518 = arith.constant 0.000000e+00 : f32
    %lt3A_1519 = vector.broadcast %lt3A_1518 : f32 to vector<37x3072xf32>
    %lt3A_1520 = arith.cmpf olt, %mul3A_1517, %lt3A_1519 : vector<37x3072xf32>
    %jit3A_1521 = arith.constant 0.000000e+00 : f32
    %broadcast_in_dim3A_1522 = vector.broadcast %jit3A_1521 : f32 to vector<37x3072xf32>
    %select_n3A_1523 = arith.select %lt3A_1520, %abs3A_1516, %broadcast_in_dim3A_1522 : vector<37x3072xi1>, vector<37x3072xf32>
    %neg3A_1524 = arith.constant 0.000000e+00 : f32
    %neg3A_1525 = vector.broadcast %neg3A_1524 : f32 to vector<37x3072xf32>
    %neg3A_1526 = arith.subf %neg3A_1525, %abs3A_1516 : vector<37x3072xf32>
    %exp3A_1527 = math.exp %neg3A_1526 : vector<37x3072xf32>
    %log1p3A_1528 = math.log1p %exp3A_1527 : vector<37x3072xf32>
    %add3A_1529 = arith.addf %select_n3A_1523, %log1p3A_1528 : vector<37x3072xf32>
    %abs3A_1530 = math.absf %sub3A_1512 : vector<37x3072xf32>
    %gt3A_1531 = arith.constant 9.99999997E-7 : f32
    %gt3A_1532 = vector.broadcast %gt3A_1531 : f32 to vector<37x3072xf32>
    %gt3A_1533 = arith.cmpf ogt, %abs3A_1530, %gt3A_1532 : vector<37x3072xf32>
    %slice3A_1534 = vector.extract_strided_slice %get3A_7 {offsets = [0, 0], sizes = [37, 3072], strides = [1, 1]} : vector<50x3072xf32> to vector<37x3072xf32>
    %mul3A_1535 = vector.broadcast %slice3A_1509 : vector<1x3072xf32> to vector<37x3072xf32>
    %mul3A_1536 = arith.mulf %slice3A_1534, %mul3A_1535 : vector<37x3072xf32>
    %jit3A_1537 = arith.constant 0.000000e+00 : f32
    %broadcast_in_dim3A_1538 = vector.broadcast %jit3A_1537 : f32 to vector<37x3072xf32>
    %select_n3A_1539 = arith.select %gt3A_1533, %mul3A_1536, %broadcast_in_dim3A_1538 : vector<37x3072xi1>, vector<37x3072xf32>
    %mul3A_1540 = arith.mulf %add3A_1529, %select_n3A_1539 : vector<37x3072xf32>
    %reduce_sum3A_1541 = arith.constant dense<0.000000e+00> : vector<3072xf32>
    %reduce_sum3A_1542 = vector.multi_reduction <add>, %mul3A_1540, %reduce_sum3A_1541 [0] : vector<37x3072xf32> to vector<3072xf32>
    %broadcast_in_dim3A_1543 = vector.shape_cast %reduce_sum3A_1542 : vector<3072xf32> to vector<1x3072xf32>
    %add3A_1544 = arith.addf %add3A_1502, %broadcast_in_dim3A_1543 : vector<1x3072xf32>
    %reduce_sum3A_1545 = arith.constant dense<0.000000e+00> : vector<3072xf32>
    %reduce_sum3A_1546 = vector.multi_reduction <add>, %select_n3A_1539, %reduce_sum3A_1545 [0] : vector<37x3072xf32> to vector<3072xf32>
    %broadcast_in_dim3A_1547 = vector.shape_cast %reduce_sum3A_1546 : vector<3072xf32> to vector<1x3072xf32>
    %add3A_1548 = arith.addf %add3A_1506, %broadcast_in_dim3A_1547 : vector<1x3072xf32>
    %slice3A_1549 = vector.extract_strided_slice %get3A_1 {offsets = [38, 0], sizes = [1, 3072], strides = [1, 1]} : vector<50x3072xf32> to vector<1x3072xf32>
    %slice3A_1550 = vector.extract_strided_slice %get3A_4 {offsets = [38, 0], sizes = [1, 3072], strides = [1, 1]} : vector<50x3072xf32> to vector<1x3072xf32>
    %slice3A_1551 = vector.extract_strided_slice %get3A_7 {offsets = [38, 0], sizes = [1, 3072], strides = [1, 1]} : vector<50x3072xf32> to vector<1x3072xf32>
    %slice3A_1552 = vector.extract_strided_slice %get3A_4 {offsets = [0, 0], sizes = [38, 3072], strides = [1, 1]} : vector<50x3072xf32> to vector<38x3072xf32>
    %sub3A_1553 = vector.broadcast %slice3A_1550 : vector<1x3072xf32> to vector<38x3072xf32>
    %sub3A_1554 = arith.subf %sub3A_1553, %slice3A_1552 : vector<38x3072xf32>
    %slice3A_1555 = vector.extract_strided_slice %get3A_1 {offsets = [0, 0], sizes = [38, 3072], strides = [1, 1]} : vector<50x3072xf32> to vector<38x3072xf32>
    %sub3A_1556 = vector.broadcast %slice3A_1549 : vector<1x3072xf32> to vector<38x3072xf32>
    %sub3A_1557 = arith.subf %slice3A_1555, %sub3A_1556 : vector<38x3072xf32>
    %abs3A_1558 = math.absf %sub3A_1557 : vector<38x3072xf32>
    %mul3A_1559 = arith.mulf %sub3A_1557, %sub3A_1554 : vector<38x3072xf32>
    %lt3A_1560 = arith.constant 0.000000e+00 : f32
    %lt3A_1561 = vector.broadcast %lt3A_1560 : f32 to vector<38x3072xf32>
    %lt3A_1562 = arith.cmpf olt, %mul3A_1559, %lt3A_1561 : vector<38x3072xf32>
    %jit3A_1563 = arith.constant 0.000000e+00 : f32
    %broadcast_in_dim3A_1564 = vector.broadcast %jit3A_1563 : f32 to vector<38x3072xf32>
    %select_n3A_1565 = arith.select %lt3A_1562, %abs3A_1558, %broadcast_in_dim3A_1564 : vector<38x3072xi1>, vector<38x3072xf32>
    %neg3A_1566 = arith.constant 0.000000e+00 : f32
    %neg3A_1567 = vector.broadcast %neg3A_1566 : f32 to vector<38x3072xf32>
    %neg3A_1568 = arith.subf %neg3A_1567, %abs3A_1558 : vector<38x3072xf32>
    %exp3A_1569 = math.exp %neg3A_1568 : vector<38x3072xf32>
    %log1p3A_1570 = math.log1p %exp3A_1569 : vector<38x3072xf32>
    %add3A_1571 = arith.addf %select_n3A_1565, %log1p3A_1570 : vector<38x3072xf32>
    %abs3A_1572 = math.absf %sub3A_1554 : vector<38x3072xf32>
    %gt3A_1573 = arith.constant 9.99999997E-7 : f32
    %gt3A_1574 = vector.broadcast %gt3A_1573 : f32 to vector<38x3072xf32>
    %gt3A_1575 = arith.cmpf ogt, %abs3A_1572, %gt3A_1574 : vector<38x3072xf32>
    %slice3A_1576 = vector.extract_strided_slice %get3A_7 {offsets = [0, 0], sizes = [38, 3072], strides = [1, 1]} : vector<50x3072xf32> to vector<38x3072xf32>
    %mul3A_1577 = vector.broadcast %slice3A_1551 : vector<1x3072xf32> to vector<38x3072xf32>
    %mul3A_1578 = arith.mulf %slice3A_1576, %mul3A_1577 : vector<38x3072xf32>
    %jit3A_1579 = arith.constant 0.000000e+00 : f32
    %broadcast_in_dim3A_1580 = vector.broadcast %jit3A_1579 : f32 to vector<38x3072xf32>
    %select_n3A_1581 = arith.select %gt3A_1575, %mul3A_1578, %broadcast_in_dim3A_1580 : vector<38x3072xi1>, vector<38x3072xf32>
    %mul3A_1582 = arith.mulf %add3A_1571, %select_n3A_1581 : vector<38x3072xf32>
    %reduce_sum3A_1583 = arith.constant dense<0.000000e+00> : vector<3072xf32>
    %reduce_sum3A_1584 = vector.multi_reduction <add>, %mul3A_1582, %reduce_sum3A_1583 [0] : vector<38x3072xf32> to vector<3072xf32>
    %broadcast_in_dim3A_1585 = vector.shape_cast %reduce_sum3A_1584 : vector<3072xf32> to vector<1x3072xf32>
    %add3A_1586 = arith.addf %add3A_1544, %broadcast_in_dim3A_1585 : vector<1x3072xf32>
    %reduce_sum3A_1587 = arith.constant dense<0.000000e+00> : vector<3072xf32>
    %reduce_sum3A_1588 = vector.multi_reduction <add>, %select_n3A_1581, %reduce_sum3A_1587 [0] : vector<38x3072xf32> to vector<3072xf32>
    %broadcast_in_dim3A_1589 = vector.shape_cast %reduce_sum3A_1588 : vector<3072xf32> to vector<1x3072xf32>
    %add3A_1590 = arith.addf %add3A_1548, %broadcast_in_dim3A_1589 : vector<1x3072xf32>
    %slice3A_1591 = vector.extract_strided_slice %get3A_1 {offsets = [39, 0], sizes = [1, 3072], strides = [1, 1]} : vector<50x3072xf32> to vector<1x3072xf32>
    %slice3A_1592 = vector.extract_strided_slice %get3A_4 {offsets = [39, 0], sizes = [1, 3072], strides = [1, 1]} : vector<50x3072xf32> to vector<1x3072xf32>
    %slice3A_1593 = vector.extract_strided_slice %get3A_7 {offsets = [39, 0], sizes = [1, 3072], strides = [1, 1]} : vector<50x3072xf32> to vector<1x3072xf32>
    %slice3A_1594 = vector.extract_strided_slice %get3A_4 {offsets = [0, 0], sizes = [39, 3072], strides = [1, 1]} : vector<50x3072xf32> to vector<39x3072xf32>
    %sub3A_1595 = vector.broadcast %slice3A_1592 : vector<1x3072xf32> to vector<39x3072xf32>
    %sub3A_1596 = arith.subf %sub3A_1595, %slice3A_1594 : vector<39x3072xf32>
    %slice3A_1597 = vector.extract_strided_slice %get3A_1 {offsets = [0, 0], sizes = [39, 3072], strides = [1, 1]} : vector<50x3072xf32> to vector<39x3072xf32>
    %sub3A_1598 = vector.broadcast %slice3A_1591 : vector<1x3072xf32> to vector<39x3072xf32>
    %sub3A_1599 = arith.subf %slice3A_1597, %sub3A_1598 : vector<39x3072xf32>
    %abs3A_1600 = math.absf %sub3A_1599 : vector<39x3072xf32>
    %mul3A_1601 = arith.mulf %sub3A_1599, %sub3A_1596 : vector<39x3072xf32>
    %lt3A_1602 = arith.constant 0.000000e+00 : f32
    %lt3A_1603 = vector.broadcast %lt3A_1602 : f32 to vector<39x3072xf32>
    %lt3A_1604 = arith.cmpf olt, %mul3A_1601, %lt3A_1603 : vector<39x3072xf32>
    %jit3A_1605 = arith.constant 0.000000e+00 : f32
    %broadcast_in_dim3A_1606 = vector.broadcast %jit3A_1605 : f32 to vector<39x3072xf32>
    %select_n3A_1607 = arith.select %lt3A_1604, %abs3A_1600, %broadcast_in_dim3A_1606 : vector<39x3072xi1>, vector<39x3072xf32>
    %neg3A_1608 = arith.constant 0.000000e+00 : f32
    %neg3A_1609 = vector.broadcast %neg3A_1608 : f32 to vector<39x3072xf32>
    %neg3A_1610 = arith.subf %neg3A_1609, %abs3A_1600 : vector<39x3072xf32>
    %exp3A_1611 = math.exp %neg3A_1610 : vector<39x3072xf32>
    %log1p3A_1612 = math.log1p %exp3A_1611 : vector<39x3072xf32>
    %add3A_1613 = arith.addf %select_n3A_1607, %log1p3A_1612 : vector<39x3072xf32>
    %abs3A_1614 = math.absf %sub3A_1596 : vector<39x3072xf32>
    %gt3A_1615 = arith.constant 9.99999997E-7 : f32
    %gt3A_1616 = vector.broadcast %gt3A_1615 : f32 to vector<39x3072xf32>
    %gt3A_1617 = arith.cmpf ogt, %abs3A_1614, %gt3A_1616 : vector<39x3072xf32>
    %slice3A_1618 = vector.extract_strided_slice %get3A_7 {offsets = [0, 0], sizes = [39, 3072], strides = [1, 1]} : vector<50x3072xf32> to vector<39x3072xf32>
    %mul3A_1619 = vector.broadcast %slice3A_1593 : vector<1x3072xf32> to vector<39x3072xf32>
    %mul3A_1620 = arith.mulf %slice3A_1618, %mul3A_1619 : vector<39x3072xf32>
    %jit3A_1621 = arith.constant 0.000000e+00 : f32
    %broadcast_in_dim3A_1622 = vector.broadcast %jit3A_1621 : f32 to vector<39x3072xf32>
    %select_n3A_1623 = arith.select %gt3A_1617, %mul3A_1620, %broadcast_in_dim3A_1622 : vector<39x3072xi1>, vector<39x3072xf32>
    %mul3A_1624 = arith.mulf %add3A_1613, %select_n3A_1623 : vector<39x3072xf32>
    %reduce_sum3A_1625 = arith.constant dense<0.000000e+00> : vector<3072xf32>
    %reduce_sum3A_1626 = vector.multi_reduction <add>, %mul3A_1624, %reduce_sum3A_1625 [0] : vector<39x3072xf32> to vector<3072xf32>
    %broadcast_in_dim3A_1627 = vector.shape_cast %reduce_sum3A_1626 : vector<3072xf32> to vector<1x3072xf32>
    %add3A_1628 = arith.addf %add3A_1586, %broadcast_in_dim3A_1627 : vector<1x3072xf32>
    %reduce_sum3A_1629 = arith.constant dense<0.000000e+00> : vector<3072xf32>
    %reduce_sum3A_1630 = vector.multi_reduction <add>, %select_n3A_1623, %reduce_sum3A_1629 [0] : vector<39x3072xf32> to vector<3072xf32>
    %broadcast_in_dim3A_1631 = vector.shape_cast %reduce_sum3A_1630 : vector<3072xf32> to vector<1x3072xf32>
    %add3A_1632 = arith.addf %add3A_1590, %broadcast_in_dim3A_1631 : vector<1x3072xf32>
    %slice3A_1633 = vector.extract_strided_slice %get3A_1 {offsets = [40, 0], sizes = [1, 3072], strides = [1, 1]} : vector<50x3072xf32> to vector<1x3072xf32>
    %slice3A_1634 = vector.extract_strided_slice %get3A_4 {offsets = [40, 0], sizes = [1, 3072], strides = [1, 1]} : vector<50x3072xf32> to vector<1x3072xf32>
    %slice3A_1635 = vector.extract_strided_slice %get3A_7 {offsets = [40, 0], sizes = [1, 3072], strides = [1, 1]} : vector<50x3072xf32> to vector<1x3072xf32>
    %slice3A_1636 = vector.extract_strided_slice %get3A_4 {offsets = [0, 0], sizes = [40, 3072], strides = [1, 1]} : vector<50x3072xf32> to vector<40x3072xf32>
    %sub3A_1637 = vector.broadcast %slice3A_1634 : vector<1x3072xf32> to vector<40x3072xf32>
    %sub3A_1638 = arith.subf %sub3A_1637, %slice3A_1636 : vector<40x3072xf32>
    %slice3A_1639 = vector.extract_strided_slice %get3A_1 {offsets = [0, 0], sizes = [40, 3072], strides = [1, 1]} : vector<50x3072xf32> to vector<40x3072xf32>
    %sub3A_1640 = vector.broadcast %slice3A_1633 : vector<1x3072xf32> to vector<40x3072xf32>
    %sub3A_1641 = arith.subf %slice3A_1639, %sub3A_1640 : vector<40x3072xf32>
    %abs3A_1642 = math.absf %sub3A_1641 : vector<40x3072xf32>
    %mul3A_1643 = arith.mulf %sub3A_1641, %sub3A_1638 : vector<40x3072xf32>
    %lt3A_1644 = arith.constant 0.000000e+00 : f32
    %lt3A_1645 = vector.broadcast %lt3A_1644 : f32 to vector<40x3072xf32>
    %lt3A_1646 = arith.cmpf olt, %mul3A_1643, %lt3A_1645 : vector<40x3072xf32>
    %jit3A_1647 = arith.constant 0.000000e+00 : f32
    %broadcast_in_dim3A_1648 = vector.broadcast %jit3A_1647 : f32 to vector<40x3072xf32>
    %select_n3A_1649 = arith.select %lt3A_1646, %abs3A_1642, %broadcast_in_dim3A_1648 : vector<40x3072xi1>, vector<40x3072xf32>
    %neg3A_1650 = arith.constant 0.000000e+00 : f32
    %neg3A_1651 = vector.broadcast %neg3A_1650 : f32 to vector<40x3072xf32>
    %neg3A_1652 = arith.subf %neg3A_1651, %abs3A_1642 : vector<40x3072xf32>
    %exp3A_1653 = math.exp %neg3A_1652 : vector<40x3072xf32>
    %log1p3A_1654 = math.log1p %exp3A_1653 : vector<40x3072xf32>
    %add3A_1655 = arith.addf %select_n3A_1649, %log1p3A_1654 : vector<40x3072xf32>
    %abs3A_1656 = math.absf %sub3A_1638 : vector<40x3072xf32>
    %gt3A_1657 = arith.constant 9.99999997E-7 : f32
    %gt3A_1658 = vector.broadcast %gt3A_1657 : f32 to vector<40x3072xf32>
    %gt3A_1659 = arith.cmpf ogt, %abs3A_1656, %gt3A_1658 : vector<40x3072xf32>
    %slice3A_1660 = vector.extract_strided_slice %get3A_7 {offsets = [0, 0], sizes = [40, 3072], strides = [1, 1]} : vector<50x3072xf32> to vector<40x3072xf32>
    %mul3A_1661 = vector.broadcast %slice3A_1635 : vector<1x3072xf32> to vector<40x3072xf32>
    %mul3A_1662 = arith.mulf %slice3A_1660, %mul3A_1661 : vector<40x3072xf32>
    %jit3A_1663 = arith.constant 0.000000e+00 : f32
    %broadcast_in_dim3A_1664 = vector.broadcast %jit3A_1663 : f32 to vector<40x3072xf32>
    %select_n3A_1665 = arith.select %gt3A_1659, %mul3A_1662, %broadcast_in_dim3A_1664 : vector<40x3072xi1>, vector<40x3072xf32>
    %mul3A_1666 = arith.mulf %add3A_1655, %select_n3A_1665 : vector<40x3072xf32>
    %reduce_sum3A_1667 = arith.constant dense<0.000000e+00> : vector<3072xf32>
    %reduce_sum3A_1668 = vector.multi_reduction <add>, %mul3A_1666, %reduce_sum3A_1667 [0] : vector<40x3072xf32> to vector<3072xf32>
    %broadcast_in_dim3A_1669 = vector.shape_cast %reduce_sum3A_1668 : vector<3072xf32> to vector<1x3072xf32>
    %add3A_1670 = arith.addf %add3A_1628, %broadcast_in_dim3A_1669 : vector<1x3072xf32>
    %reduce_sum3A_1671 = arith.constant dense<0.000000e+00> : vector<3072xf32>
    %reduce_sum3A_1672 = vector.multi_reduction <add>, %select_n3A_1665, %reduce_sum3A_1671 [0] : vector<40x3072xf32> to vector<3072xf32>
    %broadcast_in_dim3A_1673 = vector.shape_cast %reduce_sum3A_1672 : vector<3072xf32> to vector<1x3072xf32>
    %add3A_1674 = arith.addf %add3A_1632, %broadcast_in_dim3A_1673 : vector<1x3072xf32>
    %slice3A_1675 = vector.extract_strided_slice %get3A_1 {offsets = [41, 0], sizes = [1, 3072], strides = [1, 1]} : vector<50x3072xf32> to vector<1x3072xf32>
    %slice3A_1676 = vector.extract_strided_slice %get3A_4 {offsets = [41, 0], sizes = [1, 3072], strides = [1, 1]} : vector<50x3072xf32> to vector<1x3072xf32>
    %slice3A_1677 = vector.extract_strided_slice %get3A_7 {offsets = [41, 0], sizes = [1, 3072], strides = [1, 1]} : vector<50x3072xf32> to vector<1x3072xf32>
    %slice3A_1678 = vector.extract_strided_slice %get3A_4 {offsets = [0, 0], sizes = [41, 3072], strides = [1, 1]} : vector<50x3072xf32> to vector<41x3072xf32>
    %sub3A_1679 = vector.broadcast %slice3A_1676 : vector<1x3072xf32> to vector<41x3072xf32>
    %sub3A_1680 = arith.subf %sub3A_1679, %slice3A_1678 : vector<41x3072xf32>
    %slice3A_1681 = vector.extract_strided_slice %get3A_1 {offsets = [0, 0], sizes = [41, 3072], strides = [1, 1]} : vector<50x3072xf32> to vector<41x3072xf32>
    %sub3A_1682 = vector.broadcast %slice3A_1675 : vector<1x3072xf32> to vector<41x3072xf32>
    %sub3A_1683 = arith.subf %slice3A_1681, %sub3A_1682 : vector<41x3072xf32>
    %abs3A_1684 = math.absf %sub3A_1683 : vector<41x3072xf32>
    %mul3A_1685 = arith.mulf %sub3A_1683, %sub3A_1680 : vector<41x3072xf32>
    %lt3A_1686 = arith.constant 0.000000e+00 : f32
    %lt3A_1687 = vector.broadcast %lt3A_1686 : f32 to vector<41x3072xf32>
    %lt3A_1688 = arith.cmpf olt, %mul3A_1685, %lt3A_1687 : vector<41x3072xf32>
    %jit3A_1689 = arith.constant 0.000000e+00 : f32
    %broadcast_in_dim3A_1690 = vector.broadcast %jit3A_1689 : f32 to vector<41x3072xf32>
    %select_n3A_1691 = arith.select %lt3A_1688, %abs3A_1684, %broadcast_in_dim3A_1690 : vector<41x3072xi1>, vector<41x3072xf32>
    %neg3A_1692 = arith.constant 0.000000e+00 : f32
    %neg3A_1693 = vector.broadcast %neg3A_1692 : f32 to vector<41x3072xf32>
    %neg3A_1694 = arith.subf %neg3A_1693, %abs3A_1684 : vector<41x3072xf32>
    %exp3A_1695 = math.exp %neg3A_1694 : vector<41x3072xf32>
    %log1p3A_1696 = math.log1p %exp3A_1695 : vector<41x3072xf32>
    %add3A_1697 = arith.addf %select_n3A_1691, %log1p3A_1696 : vector<41x3072xf32>
    %abs3A_1698 = math.absf %sub3A_1680 : vector<41x3072xf32>
    %gt3A_1699 = arith.constant 9.99999997E-7 : f32
    %gt3A_1700 = vector.broadcast %gt3A_1699 : f32 to vector<41x3072xf32>
    %gt3A_1701 = arith.cmpf ogt, %abs3A_1698, %gt3A_1700 : vector<41x3072xf32>
    %slice3A_1702 = vector.extract_strided_slice %get3A_7 {offsets = [0, 0], sizes = [41, 3072], strides = [1, 1]} : vector<50x3072xf32> to vector<41x3072xf32>
    %mul3A_1703 = vector.broadcast %slice3A_1677 : vector<1x3072xf32> to vector<41x3072xf32>
    %mul3A_1704 = arith.mulf %slice3A_1702, %mul3A_1703 : vector<41x3072xf32>
    %jit3A_1705 = arith.constant 0.000000e+00 : f32
    %broadcast_in_dim3A_1706 = vector.broadcast %jit3A_1705 : f32 to vector<41x3072xf32>
    %select_n3A_1707 = arith.select %gt3A_1701, %mul3A_1704, %broadcast_in_dim3A_1706 : vector<41x3072xi1>, vector<41x3072xf32>
    %mul3A_1708 = arith.mulf %add3A_1697, %select_n3A_1707 : vector<41x3072xf32>
    %reduce_sum3A_1709 = arith.constant dense<0.000000e+00> : vector<3072xf32>
    %reduce_sum3A_1710 = vector.multi_reduction <add>, %mul3A_1708, %reduce_sum3A_1709 [0] : vector<41x3072xf32> to vector<3072xf32>
    %broadcast_in_dim3A_1711 = vector.shape_cast %reduce_sum3A_1710 : vector<3072xf32> to vector<1x3072xf32>
    %add3A_1712 = arith.addf %add3A_1670, %broadcast_in_dim3A_1711 : vector<1x3072xf32>
    %reduce_sum3A_1713 = arith.constant dense<0.000000e+00> : vector<3072xf32>
    %reduce_sum3A_1714 = vector.multi_reduction <add>, %select_n3A_1707, %reduce_sum3A_1713 [0] : vector<41x3072xf32> to vector<3072xf32>
    %broadcast_in_dim3A_1715 = vector.shape_cast %reduce_sum3A_1714 : vector<3072xf32> to vector<1x3072xf32>
    %add3A_1716 = arith.addf %add3A_1674, %broadcast_in_dim3A_1715 : vector<1x3072xf32>
    %slice3A_1717 = vector.extract_strided_slice %get3A_1 {offsets = [42, 0], sizes = [1, 3072], strides = [1, 1]} : vector<50x3072xf32> to vector<1x3072xf32>
    %slice3A_1718 = vector.extract_strided_slice %get3A_4 {offsets = [42, 0], sizes = [1, 3072], strides = [1, 1]} : vector<50x3072xf32> to vector<1x3072xf32>
    %slice3A_1719 = vector.extract_strided_slice %get3A_7 {offsets = [42, 0], sizes = [1, 3072], strides = [1, 1]} : vector<50x3072xf32> to vector<1x3072xf32>
    %slice3A_1720 = vector.extract_strided_slice %get3A_4 {offsets = [0, 0], sizes = [42, 3072], strides = [1, 1]} : vector<50x3072xf32> to vector<42x3072xf32>
    %sub3A_1721 = vector.broadcast %slice3A_1718 : vector<1x3072xf32> to vector<42x3072xf32>
    %sub3A_1722 = arith.subf %sub3A_1721, %slice3A_1720 : vector<42x3072xf32>
    %slice3A_1723 = vector.extract_strided_slice %get3A_1 {offsets = [0, 0], sizes = [42, 3072], strides = [1, 1]} : vector<50x3072xf32> to vector<42x3072xf32>
    %sub3A_1724 = vector.broadcast %slice3A_1717 : vector<1x3072xf32> to vector<42x3072xf32>
    %sub3A_1725 = arith.subf %slice3A_1723, %sub3A_1724 : vector<42x3072xf32>
    %abs3A_1726 = math.absf %sub3A_1725 : vector<42x3072xf32>
    %mul3A_1727 = arith.mulf %sub3A_1725, %sub3A_1722 : vector<42x3072xf32>
    %lt3A_1728 = arith.constant 0.000000e+00 : f32
    %lt3A_1729 = vector.broadcast %lt3A_1728 : f32 to vector<42x3072xf32>
    %lt3A_1730 = arith.cmpf olt, %mul3A_1727, %lt3A_1729 : vector<42x3072xf32>
    %jit3A_1731 = arith.constant 0.000000e+00 : f32
    %broadcast_in_dim3A_1732 = vector.broadcast %jit3A_1731 : f32 to vector<42x3072xf32>
    %select_n3A_1733 = arith.select %lt3A_1730, %abs3A_1726, %broadcast_in_dim3A_1732 : vector<42x3072xi1>, vector<42x3072xf32>
    %neg3A_1734 = arith.constant 0.000000e+00 : f32
    %neg3A_1735 = vector.broadcast %neg3A_1734 : f32 to vector<42x3072xf32>
    %neg3A_1736 = arith.subf %neg3A_1735, %abs3A_1726 : vector<42x3072xf32>
    %exp3A_1737 = math.exp %neg3A_1736 : vector<42x3072xf32>
    %log1p3A_1738 = math.log1p %exp3A_1737 : vector<42x3072xf32>
    %add3A_1739 = arith.addf %select_n3A_1733, %log1p3A_1738 : vector<42x3072xf32>
    %abs3A_1740 = math.absf %sub3A_1722 : vector<42x3072xf32>
    %gt3A_1741 = arith.constant 9.99999997E-7 : f32
    %gt3A_1742 = vector.broadcast %gt3A_1741 : f32 to vector<42x3072xf32>
    %gt3A_1743 = arith.cmpf ogt, %abs3A_1740, %gt3A_1742 : vector<42x3072xf32>
    %slice3A_1744 = vector.extract_strided_slice %get3A_7 {offsets = [0, 0], sizes = [42, 3072], strides = [1, 1]} : vector<50x3072xf32> to vector<42x3072xf32>
    %mul3A_1745 = vector.broadcast %slice3A_1719 : vector<1x3072xf32> to vector<42x3072xf32>
    %mul3A_1746 = arith.mulf %slice3A_1744, %mul3A_1745 : vector<42x3072xf32>
    %jit3A_1747 = arith.constant 0.000000e+00 : f32
    %broadcast_in_dim3A_1748 = vector.broadcast %jit3A_1747 : f32 to vector<42x3072xf32>
    %select_n3A_1749 = arith.select %gt3A_1743, %mul3A_1746, %broadcast_in_dim3A_1748 : vector<42x3072xi1>, vector<42x3072xf32>
    %mul3A_1750 = arith.mulf %add3A_1739, %select_n3A_1749 : vector<42x3072xf32>
    %reduce_sum3A_1751 = arith.constant dense<0.000000e+00> : vector<3072xf32>
    %reduce_sum3A_1752 = vector.multi_reduction <add>, %mul3A_1750, %reduce_sum3A_1751 [0] : vector<42x3072xf32> to vector<3072xf32>
    %broadcast_in_dim3A_1753 = vector.shape_cast %reduce_sum3A_1752 : vector<3072xf32> to vector<1x3072xf32>
    %add3A_1754 = arith.addf %add3A_1712, %broadcast_in_dim3A_1753 : vector<1x3072xf32>
    %reduce_sum3A_1755 = arith.constant dense<0.000000e+00> : vector<3072xf32>
    %reduce_sum3A_1756 = vector.multi_reduction <add>, %select_n3A_1749, %reduce_sum3A_1755 [0] : vector<42x3072xf32> to vector<3072xf32>
    %broadcast_in_dim3A_1757 = vector.shape_cast %reduce_sum3A_1756 : vector<3072xf32> to vector<1x3072xf32>
    %add3A_1758 = arith.addf %add3A_1716, %broadcast_in_dim3A_1757 : vector<1x3072xf32>
    %slice3A_1759 = vector.extract_strided_slice %get3A_1 {offsets = [43, 0], sizes = [1, 3072], strides = [1, 1]} : vector<50x3072xf32> to vector<1x3072xf32>
    %slice3A_1760 = vector.extract_strided_slice %get3A_4 {offsets = [43, 0], sizes = [1, 3072], strides = [1, 1]} : vector<50x3072xf32> to vector<1x3072xf32>
    %slice3A_1761 = vector.extract_strided_slice %get3A_7 {offsets = [43, 0], sizes = [1, 3072], strides = [1, 1]} : vector<50x3072xf32> to vector<1x3072xf32>
    %slice3A_1762 = vector.extract_strided_slice %get3A_4 {offsets = [0, 0], sizes = [43, 3072], strides = [1, 1]} : vector<50x3072xf32> to vector<43x3072xf32>
    %sub3A_1763 = vector.broadcast %slice3A_1760 : vector<1x3072xf32> to vector<43x3072xf32>
    %sub3A_1764 = arith.subf %sub3A_1763, %slice3A_1762 : vector<43x3072xf32>
    %slice3A_1765 = vector.extract_strided_slice %get3A_1 {offsets = [0, 0], sizes = [43, 3072], strides = [1, 1]} : vector<50x3072xf32> to vector<43x3072xf32>
    %sub3A_1766 = vector.broadcast %slice3A_1759 : vector<1x3072xf32> to vector<43x3072xf32>
    %sub3A_1767 = arith.subf %slice3A_1765, %sub3A_1766 : vector<43x3072xf32>
    %abs3A_1768 = math.absf %sub3A_1767 : vector<43x3072xf32>
    %mul3A_1769 = arith.mulf %sub3A_1767, %sub3A_1764 : vector<43x3072xf32>
    %lt3A_1770 = arith.constant 0.000000e+00 : f32
    %lt3A_1771 = vector.broadcast %lt3A_1770 : f32 to vector<43x3072xf32>
    %lt3A_1772 = arith.cmpf olt, %mul3A_1769, %lt3A_1771 : vector<43x3072xf32>
    %jit3A_1773 = arith.constant 0.000000e+00 : f32
    %broadcast_in_dim3A_1774 = vector.broadcast %jit3A_1773 : f32 to vector<43x3072xf32>
    %select_n3A_1775 = arith.select %lt3A_1772, %abs3A_1768, %broadcast_in_dim3A_1774 : vector<43x3072xi1>, vector<43x3072xf32>
    %neg3A_1776 = arith.constant 0.000000e+00 : f32
    %neg3A_1777 = vector.broadcast %neg3A_1776 : f32 to vector<43x3072xf32>
    %neg3A_1778 = arith.subf %neg3A_1777, %abs3A_1768 : vector<43x3072xf32>
    %exp3A_1779 = math.exp %neg3A_1778 : vector<43x3072xf32>
    %log1p3A_1780 = math.log1p %exp3A_1779 : vector<43x3072xf32>
    %add3A_1781 = arith.addf %select_n3A_1775, %log1p3A_1780 : vector<43x3072xf32>
    %abs3A_1782 = math.absf %sub3A_1764 : vector<43x3072xf32>
    %gt3A_1783 = arith.constant 9.99999997E-7 : f32
    %gt3A_1784 = vector.broadcast %gt3A_1783 : f32 to vector<43x3072xf32>
    %gt3A_1785 = arith.cmpf ogt, %abs3A_1782, %gt3A_1784 : vector<43x3072xf32>
    %slice3A_1786 = vector.extract_strided_slice %get3A_7 {offsets = [0, 0], sizes = [43, 3072], strides = [1, 1]} : vector<50x3072xf32> to vector<43x3072xf32>
    %mul3A_1787 = vector.broadcast %slice3A_1761 : vector<1x3072xf32> to vector<43x3072xf32>
    %mul3A_1788 = arith.mulf %slice3A_1786, %mul3A_1787 : vector<43x3072xf32>
    %jit3A_1789 = arith.constant 0.000000e+00 : f32
    %broadcast_in_dim3A_1790 = vector.broadcast %jit3A_1789 : f32 to vector<43x3072xf32>
    %select_n3A_1791 = arith.select %gt3A_1785, %mul3A_1788, %broadcast_in_dim3A_1790 : vector<43x3072xi1>, vector<43x3072xf32>
    %mul3A_1792 = arith.mulf %add3A_1781, %select_n3A_1791 : vector<43x3072xf32>
    %reduce_sum3A_1793 = arith.constant dense<0.000000e+00> : vector<3072xf32>
    %reduce_sum3A_1794 = vector.multi_reduction <add>, %mul3A_1792, %reduce_sum3A_1793 [0] : vector<43x3072xf32> to vector<3072xf32>
    %broadcast_in_dim3A_1795 = vector.shape_cast %reduce_sum3A_1794 : vector<3072xf32> to vector<1x3072xf32>
    %add3A_1796 = arith.addf %add3A_1754, %broadcast_in_dim3A_1795 : vector<1x3072xf32>
    %reduce_sum3A_1797 = arith.constant dense<0.000000e+00> : vector<3072xf32>
    %reduce_sum3A_1798 = vector.multi_reduction <add>, %select_n3A_1791, %reduce_sum3A_1797 [0] : vector<43x3072xf32> to vector<3072xf32>
    %broadcast_in_dim3A_1799 = vector.shape_cast %reduce_sum3A_1798 : vector<3072xf32> to vector<1x3072xf32>
    %add3A_1800 = arith.addf %add3A_1758, %broadcast_in_dim3A_1799 : vector<1x3072xf32>
    %slice3A_1801 = vector.extract_strided_slice %get3A_1 {offsets = [44, 0], sizes = [1, 3072], strides = [1, 1]} : vector<50x3072xf32> to vector<1x3072xf32>
    %slice3A_1802 = vector.extract_strided_slice %get3A_4 {offsets = [44, 0], sizes = [1, 3072], strides = [1, 1]} : vector<50x3072xf32> to vector<1x3072xf32>
    %slice3A_1803 = vector.extract_strided_slice %get3A_7 {offsets = [44, 0], sizes = [1, 3072], strides = [1, 1]} : vector<50x3072xf32> to vector<1x3072xf32>
    %slice3A_1804 = vector.extract_strided_slice %get3A_4 {offsets = [0, 0], sizes = [44, 3072], strides = [1, 1]} : vector<50x3072xf32> to vector<44x3072xf32>
    %sub3A_1805 = vector.broadcast %slice3A_1802 : vector<1x3072xf32> to vector<44x3072xf32>
    %sub3A_1806 = arith.subf %sub3A_1805, %slice3A_1804 : vector<44x3072xf32>
    %slice3A_1807 = vector.extract_strided_slice %get3A_1 {offsets = [0, 0], sizes = [44, 3072], strides = [1, 1]} : vector<50x3072xf32> to vector<44x3072xf32>
    %sub3A_1808 = vector.broadcast %slice3A_1801 : vector<1x3072xf32> to vector<44x3072xf32>
    %sub3A_1809 = arith.subf %slice3A_1807, %sub3A_1808 : vector<44x3072xf32>
    %abs3A_1810 = math.absf %sub3A_1809 : vector<44x3072xf32>
    %mul3A_1811 = arith.mulf %sub3A_1809, %sub3A_1806 : vector<44x3072xf32>
    %lt3A_1812 = arith.constant 0.000000e+00 : f32
    %lt3A_1813 = vector.broadcast %lt3A_1812 : f32 to vector<44x3072xf32>
    %lt3A_1814 = arith.cmpf olt, %mul3A_1811, %lt3A_1813 : vector<44x3072xf32>
    %jit3A_1815 = arith.constant 0.000000e+00 : f32
    %broadcast_in_dim3A_1816 = vector.broadcast %jit3A_1815 : f32 to vector<44x3072xf32>
    %select_n3A_1817 = arith.select %lt3A_1814, %abs3A_1810, %broadcast_in_dim3A_1816 : vector<44x3072xi1>, vector<44x3072xf32>
    %neg3A_1818 = arith.constant 0.000000e+00 : f32
    %neg3A_1819 = vector.broadcast %neg3A_1818 : f32 to vector<44x3072xf32>
    %neg3A_1820 = arith.subf %neg3A_1819, %abs3A_1810 : vector<44x3072xf32>
    %exp3A_1821 = math.exp %neg3A_1820 : vector<44x3072xf32>
    %log1p3A_1822 = math.log1p %exp3A_1821 : vector<44x3072xf32>
    %add3A_1823 = arith.addf %select_n3A_1817, %log1p3A_1822 : vector<44x3072xf32>
    %abs3A_1824 = math.absf %sub3A_1806 : vector<44x3072xf32>
    %gt3A_1825 = arith.constant 9.99999997E-7 : f32
    %gt3A_1826 = vector.broadcast %gt3A_1825 : f32 to vector<44x3072xf32>
    %gt3A_1827 = arith.cmpf ogt, %abs3A_1824, %gt3A_1826 : vector<44x3072xf32>
    %slice3A_1828 = vector.extract_strided_slice %get3A_7 {offsets = [0, 0], sizes = [44, 3072], strides = [1, 1]} : vector<50x3072xf32> to vector<44x3072xf32>
    %mul3A_1829 = vector.broadcast %slice3A_1803 : vector<1x3072xf32> to vector<44x3072xf32>
    %mul3A_1830 = arith.mulf %slice3A_1828, %mul3A_1829 : vector<44x3072xf32>
    %jit3A_1831 = arith.constant 0.000000e+00 : f32
    %broadcast_in_dim3A_1832 = vector.broadcast %jit3A_1831 : f32 to vector<44x3072xf32>
    %select_n3A_1833 = arith.select %gt3A_1827, %mul3A_1830, %broadcast_in_dim3A_1832 : vector<44x3072xi1>, vector<44x3072xf32>
    %mul3A_1834 = arith.mulf %add3A_1823, %select_n3A_1833 : vector<44x3072xf32>
    %reduce_sum3A_1835 = arith.constant dense<0.000000e+00> : vector<3072xf32>
    %reduce_sum3A_1836 = vector.multi_reduction <add>, %mul3A_1834, %reduce_sum3A_1835 [0] : vector<44x3072xf32> to vector<3072xf32>
    %broadcast_in_dim3A_1837 = vector.shape_cast %reduce_sum3A_1836 : vector<3072xf32> to vector<1x3072xf32>
    %add3A_1838 = arith.addf %add3A_1796, %broadcast_in_dim3A_1837 : vector<1x3072xf32>
    %reduce_sum3A_1839 = arith.constant dense<0.000000e+00> : vector<3072xf32>
    %reduce_sum3A_1840 = vector.multi_reduction <add>, %select_n3A_1833, %reduce_sum3A_1839 [0] : vector<44x3072xf32> to vector<3072xf32>
    %broadcast_in_dim3A_1841 = vector.shape_cast %reduce_sum3A_1840 : vector<3072xf32> to vector<1x3072xf32>
    %add3A_1842 = arith.addf %add3A_1800, %broadcast_in_dim3A_1841 : vector<1x3072xf32>
    %slice3A_1843 = vector.extract_strided_slice %get3A_1 {offsets = [45, 0], sizes = [1, 3072], strides = [1, 1]} : vector<50x3072xf32> to vector<1x3072xf32>
    %slice3A_1844 = vector.extract_strided_slice %get3A_4 {offsets = [45, 0], sizes = [1, 3072], strides = [1, 1]} : vector<50x3072xf32> to vector<1x3072xf32>
    %slice3A_1845 = vector.extract_strided_slice %get3A_7 {offsets = [45, 0], sizes = [1, 3072], strides = [1, 1]} : vector<50x3072xf32> to vector<1x3072xf32>
    %slice3A_1846 = vector.extract_strided_slice %get3A_4 {offsets = [0, 0], sizes = [45, 3072], strides = [1, 1]} : vector<50x3072xf32> to vector<45x3072xf32>
    %sub3A_1847 = vector.broadcast %slice3A_1844 : vector<1x3072xf32> to vector<45x3072xf32>
    %sub3A_1848 = arith.subf %sub3A_1847, %slice3A_1846 : vector<45x3072xf32>
    %slice3A_1849 = vector.extract_strided_slice %get3A_1 {offsets = [0, 0], sizes = [45, 3072], strides = [1, 1]} : vector<50x3072xf32> to vector<45x3072xf32>
    %sub3A_1850 = vector.broadcast %slice3A_1843 : vector<1x3072xf32> to vector<45x3072xf32>
    %sub3A_1851 = arith.subf %slice3A_1849, %sub3A_1850 : vector<45x3072xf32>
    %abs3A_1852 = math.absf %sub3A_1851 : vector<45x3072xf32>
    %mul3A_1853 = arith.mulf %sub3A_1851, %sub3A_1848 : vector<45x3072xf32>
    %lt3A_1854 = arith.constant 0.000000e+00 : f32
    %lt3A_1855 = vector.broadcast %lt3A_1854 : f32 to vector<45x3072xf32>
    %lt3A_1856 = arith.cmpf olt, %mul3A_1853, %lt3A_1855 : vector<45x3072xf32>
    %jit3A_1857 = arith.constant 0.000000e+00 : f32
    %broadcast_in_dim3A_1858 = vector.broadcast %jit3A_1857 : f32 to vector<45x3072xf32>
    %select_n3A_1859 = arith.select %lt3A_1856, %abs3A_1852, %broadcast_in_dim3A_1858 : vector<45x3072xi1>, vector<45x3072xf32>
    %neg3A_1860 = arith.constant 0.000000e+00 : f32
    %neg3A_1861 = vector.broadcast %neg3A_1860 : f32 to vector<45x3072xf32>
    %neg3A_1862 = arith.subf %neg3A_1861, %abs3A_1852 : vector<45x3072xf32>
    %exp3A_1863 = math.exp %neg3A_1862 : vector<45x3072xf32>
    %log1p3A_1864 = math.log1p %exp3A_1863 : vector<45x3072xf32>
    %add3A_1865 = arith.addf %select_n3A_1859, %log1p3A_1864 : vector<45x3072xf32>
    %abs3A_1866 = math.absf %sub3A_1848 : vector<45x3072xf32>
    %gt3A_1867 = arith.constant 9.99999997E-7 : f32
    %gt3A_1868 = vector.broadcast %gt3A_1867 : f32 to vector<45x3072xf32>
    %gt3A_1869 = arith.cmpf ogt, %abs3A_1866, %gt3A_1868 : vector<45x3072xf32>
    %slice3A_1870 = vector.extract_strided_slice %get3A_7 {offsets = [0, 0], sizes = [45, 3072], strides = [1, 1]} : vector<50x3072xf32> to vector<45x3072xf32>
    %mul3A_1871 = vector.broadcast %slice3A_1845 : vector<1x3072xf32> to vector<45x3072xf32>
    %mul3A_1872 = arith.mulf %slice3A_1870, %mul3A_1871 : vector<45x3072xf32>
    %jit3A_1873 = arith.constant 0.000000e+00 : f32
    %broadcast_in_dim3A_1874 = vector.broadcast %jit3A_1873 : f32 to vector<45x3072xf32>
    %select_n3A_1875 = arith.select %gt3A_1869, %mul3A_1872, %broadcast_in_dim3A_1874 : vector<45x3072xi1>, vector<45x3072xf32>
    %mul3A_1876 = arith.mulf %add3A_1865, %select_n3A_1875 : vector<45x3072xf32>
    %reduce_sum3A_1877 = arith.constant dense<0.000000e+00> : vector<3072xf32>
    %reduce_sum3A_1878 = vector.multi_reduction <add>, %mul3A_1876, %reduce_sum3A_1877 [0] : vector<45x3072xf32> to vector<3072xf32>
    %broadcast_in_dim3A_1879 = vector.shape_cast %reduce_sum3A_1878 : vector<3072xf32> to vector<1x3072xf32>
    %add3A_1880 = arith.addf %add3A_1838, %broadcast_in_dim3A_1879 : vector<1x3072xf32>
    %reduce_sum3A_1881 = arith.constant dense<0.000000e+00> : vector<3072xf32>
    %reduce_sum3A_1882 = vector.multi_reduction <add>, %select_n3A_1875, %reduce_sum3A_1881 [0] : vector<45x3072xf32> to vector<3072xf32>
    %broadcast_in_dim3A_1883 = vector.shape_cast %reduce_sum3A_1882 : vector<3072xf32> to vector<1x3072xf32>
    %add3A_1884 = arith.addf %add3A_1842, %broadcast_in_dim3A_1883 : vector<1x3072xf32>
    %slice3A_1885 = vector.extract_strided_slice %get3A_1 {offsets = [46, 0], sizes = [1, 3072], strides = [1, 1]} : vector<50x3072xf32> to vector<1x3072xf32>
    %slice3A_1886 = vector.extract_strided_slice %get3A_4 {offsets = [46, 0], sizes = [1, 3072], strides = [1, 1]} : vector<50x3072xf32> to vector<1x3072xf32>
    %slice3A_1887 = vector.extract_strided_slice %get3A_7 {offsets = [46, 0], sizes = [1, 3072], strides = [1, 1]} : vector<50x3072xf32> to vector<1x3072xf32>
    %slice3A_1888 = vector.extract_strided_slice %get3A_4 {offsets = [0, 0], sizes = [46, 3072], strides = [1, 1]} : vector<50x3072xf32> to vector<46x3072xf32>
    %sub3A_1889 = vector.broadcast %slice3A_1886 : vector<1x3072xf32> to vector<46x3072xf32>
    %sub3A_1890 = arith.subf %sub3A_1889, %slice3A_1888 : vector<46x3072xf32>
    %slice3A_1891 = vector.extract_strided_slice %get3A_1 {offsets = [0, 0], sizes = [46, 3072], strides = [1, 1]} : vector<50x3072xf32> to vector<46x3072xf32>
    %sub3A_1892 = vector.broadcast %slice3A_1885 : vector<1x3072xf32> to vector<46x3072xf32>
    %sub3A_1893 = arith.subf %slice3A_1891, %sub3A_1892 : vector<46x3072xf32>
    %abs3A_1894 = math.absf %sub3A_1893 : vector<46x3072xf32>
    %mul3A_1895 = arith.mulf %sub3A_1893, %sub3A_1890 : vector<46x3072xf32>
    %lt3A_1896 = arith.constant 0.000000e+00 : f32
    %lt3A_1897 = vector.broadcast %lt3A_1896 : f32 to vector<46x3072xf32>
    %lt3A_1898 = arith.cmpf olt, %mul3A_1895, %lt3A_1897 : vector<46x3072xf32>
    %jit3A_1899 = arith.constant 0.000000e+00 : f32
    %broadcast_in_dim3A_1900 = vector.broadcast %jit3A_1899 : f32 to vector<46x3072xf32>
    %select_n3A_1901 = arith.select %lt3A_1898, %abs3A_1894, %broadcast_in_dim3A_1900 : vector<46x3072xi1>, vector<46x3072xf32>
    %neg3A_1902 = arith.constant 0.000000e+00 : f32
    %neg3A_1903 = vector.broadcast %neg3A_1902 : f32 to vector<46x3072xf32>
    %neg3A_1904 = arith.subf %neg3A_1903, %abs3A_1894 : vector<46x3072xf32>
    %exp3A_1905 = math.exp %neg3A_1904 : vector<46x3072xf32>
    %log1p3A_1906 = math.log1p %exp3A_1905 : vector<46x3072xf32>
    %add3A_1907 = arith.addf %select_n3A_1901, %log1p3A_1906 : vector<46x3072xf32>
    %abs3A_1908 = math.absf %sub3A_1890 : vector<46x3072xf32>
    %gt3A_1909 = arith.constant 9.99999997E-7 : f32
    %gt3A_1910 = vector.broadcast %gt3A_1909 : f32 to vector<46x3072xf32>
    %gt3A_1911 = arith.cmpf ogt, %abs3A_1908, %gt3A_1910 : vector<46x3072xf32>
    %slice3A_1912 = vector.extract_strided_slice %get3A_7 {offsets = [0, 0], sizes = [46, 3072], strides = [1, 1]} : vector<50x3072xf32> to vector<46x3072xf32>
    %mul3A_1913 = vector.broadcast %slice3A_1887 : vector<1x3072xf32> to vector<46x3072xf32>
    %mul3A_1914 = arith.mulf %slice3A_1912, %mul3A_1913 : vector<46x3072xf32>
    %jit3A_1915 = arith.constant 0.000000e+00 : f32
    %broadcast_in_dim3A_1916 = vector.broadcast %jit3A_1915 : f32 to vector<46x3072xf32>
    %select_n3A_1917 = arith.select %gt3A_1911, %mul3A_1914, %broadcast_in_dim3A_1916 : vector<46x3072xi1>, vector<46x3072xf32>
    %mul3A_1918 = arith.mulf %add3A_1907, %select_n3A_1917 : vector<46x3072xf32>
    %reduce_sum3A_1919 = arith.constant dense<0.000000e+00> : vector<3072xf32>
    %reduce_sum3A_1920 = vector.multi_reduction <add>, %mul3A_1918, %reduce_sum3A_1919 [0] : vector<46x3072xf32> to vector<3072xf32>
    %broadcast_in_dim3A_1921 = vector.shape_cast %reduce_sum3A_1920 : vector<3072xf32> to vector<1x3072xf32>
    %add3A_1922 = arith.addf %add3A_1880, %broadcast_in_dim3A_1921 : vector<1x3072xf32>
    %reduce_sum3A_1923 = arith.constant dense<0.000000e+00> : vector<3072xf32>
    %reduce_sum3A_1924 = vector.multi_reduction <add>, %select_n3A_1917, %reduce_sum3A_1923 [0] : vector<46x3072xf32> to vector<3072xf32>
    %broadcast_in_dim3A_1925 = vector.shape_cast %reduce_sum3A_1924 : vector<3072xf32> to vector<1x3072xf32>
    %add3A_1926 = arith.addf %add3A_1884, %broadcast_in_dim3A_1925 : vector<1x3072xf32>
    %slice3A_1927 = vector.extract_strided_slice %get3A_1 {offsets = [47, 0], sizes = [1, 3072], strides = [1, 1]} : vector<50x3072xf32> to vector<1x3072xf32>
    %slice3A_1928 = vector.extract_strided_slice %get3A_4 {offsets = [47, 0], sizes = [1, 3072], strides = [1, 1]} : vector<50x3072xf32> to vector<1x3072xf32>
    %slice3A_1929 = vector.extract_strided_slice %get3A_7 {offsets = [47, 0], sizes = [1, 3072], strides = [1, 1]} : vector<50x3072xf32> to vector<1x3072xf32>
    %slice3A_1930 = vector.extract_strided_slice %get3A_4 {offsets = [0, 0], sizes = [47, 3072], strides = [1, 1]} : vector<50x3072xf32> to vector<47x3072xf32>
    %sub3A_1931 = vector.broadcast %slice3A_1928 : vector<1x3072xf32> to vector<47x3072xf32>
    %sub3A_1932 = arith.subf %sub3A_1931, %slice3A_1930 : vector<47x3072xf32>
    %slice3A_1933 = vector.extract_strided_slice %get3A_1 {offsets = [0, 0], sizes = [47, 3072], strides = [1, 1]} : vector<50x3072xf32> to vector<47x3072xf32>
    %sub3A_1934 = vector.broadcast %slice3A_1927 : vector<1x3072xf32> to vector<47x3072xf32>
    %sub3A_1935 = arith.subf %slice3A_1933, %sub3A_1934 : vector<47x3072xf32>
    %abs3A_1936 = math.absf %sub3A_1935 : vector<47x3072xf32>
    %mul3A_1937 = arith.mulf %sub3A_1935, %sub3A_1932 : vector<47x3072xf32>
    %lt3A_1938 = arith.constant 0.000000e+00 : f32
    %lt3A_1939 = vector.broadcast %lt3A_1938 : f32 to vector<47x3072xf32>
    %lt3A_1940 = arith.cmpf olt, %mul3A_1937, %lt3A_1939 : vector<47x3072xf32>
    %jit3A_1941 = arith.constant 0.000000e+00 : f32
    %broadcast_in_dim3A_1942 = vector.broadcast %jit3A_1941 : f32 to vector<47x3072xf32>
    %select_n3A_1943 = arith.select %lt3A_1940, %abs3A_1936, %broadcast_in_dim3A_1942 : vector<47x3072xi1>, vector<47x3072xf32>
    %neg3A_1944 = arith.constant 0.000000e+00 : f32
    %neg3A_1945 = vector.broadcast %neg3A_1944 : f32 to vector<47x3072xf32>
    %neg3A_1946 = arith.subf %neg3A_1945, %abs3A_1936 : vector<47x3072xf32>
    %exp3A_1947 = math.exp %neg3A_1946 : vector<47x3072xf32>
    %log1p3A_1948 = math.log1p %exp3A_1947 : vector<47x3072xf32>
    %add3A_1949 = arith.addf %select_n3A_1943, %log1p3A_1948 : vector<47x3072xf32>
    %abs3A_1950 = math.absf %sub3A_1932 : vector<47x3072xf32>
    %gt3A_1951 = arith.constant 9.99999997E-7 : f32
    %gt3A_1952 = vector.broadcast %gt3A_1951 : f32 to vector<47x3072xf32>
    %gt3A_1953 = arith.cmpf ogt, %abs3A_1950, %gt3A_1952 : vector<47x3072xf32>
    %slice3A_1954 = vector.extract_strided_slice %get3A_7 {offsets = [0, 0], sizes = [47, 3072], strides = [1, 1]} : vector<50x3072xf32> to vector<47x3072xf32>
    %mul3A_1955 = vector.broadcast %slice3A_1929 : vector<1x3072xf32> to vector<47x3072xf32>
    %mul3A_1956 = arith.mulf %slice3A_1954, %mul3A_1955 : vector<47x3072xf32>
    %jit3A_1957 = arith.constant 0.000000e+00 : f32
    %broadcast_in_dim3A_1958 = vector.broadcast %jit3A_1957 : f32 to vector<47x3072xf32>
    %select_n3A_1959 = arith.select %gt3A_1953, %mul3A_1956, %broadcast_in_dim3A_1958 : vector<47x3072xi1>, vector<47x3072xf32>
    %mul3A_1960 = arith.mulf %add3A_1949, %select_n3A_1959 : vector<47x3072xf32>
    %reduce_sum3A_1961 = arith.constant dense<0.000000e+00> : vector<3072xf32>
    %reduce_sum3A_1962 = vector.multi_reduction <add>, %mul3A_1960, %reduce_sum3A_1961 [0] : vector<47x3072xf32> to vector<3072xf32>
    %broadcast_in_dim3A_1963 = vector.shape_cast %reduce_sum3A_1962 : vector<3072xf32> to vector<1x3072xf32>
    %add3A_1964 = arith.addf %add3A_1922, %broadcast_in_dim3A_1963 : vector<1x3072xf32>
    %reduce_sum3A_1965 = arith.constant dense<0.000000e+00> : vector<3072xf32>
    %reduce_sum3A_1966 = vector.multi_reduction <add>, %select_n3A_1959, %reduce_sum3A_1965 [0] : vector<47x3072xf32> to vector<3072xf32>
    %broadcast_in_dim3A_1967 = vector.shape_cast %reduce_sum3A_1966 : vector<3072xf32> to vector<1x3072xf32>
    %add3A_1968 = arith.addf %add3A_1926, %broadcast_in_dim3A_1967 : vector<1x3072xf32>
    %slice3A_1969 = vector.extract_strided_slice %get3A_1 {offsets = [48, 0], sizes = [1, 3072], strides = [1, 1]} : vector<50x3072xf32> to vector<1x3072xf32>
    %slice3A_1970 = vector.extract_strided_slice %get3A_4 {offsets = [48, 0], sizes = [1, 3072], strides = [1, 1]} : vector<50x3072xf32> to vector<1x3072xf32>
    %slice3A_1971 = vector.extract_strided_slice %get3A_7 {offsets = [48, 0], sizes = [1, 3072], strides = [1, 1]} : vector<50x3072xf32> to vector<1x3072xf32>
    %slice3A_1972 = vector.extract_strided_slice %get3A_4 {offsets = [0, 0], sizes = [48, 3072], strides = [1, 1]} : vector<50x3072xf32> to vector<48x3072xf32>
    %sub3A_1973 = vector.broadcast %slice3A_1970 : vector<1x3072xf32> to vector<48x3072xf32>
    %sub3A_1974 = arith.subf %sub3A_1973, %slice3A_1972 : vector<48x3072xf32>
    %slice3A_1975 = vector.extract_strided_slice %get3A_1 {offsets = [0, 0], sizes = [48, 3072], strides = [1, 1]} : vector<50x3072xf32> to vector<48x3072xf32>
    %sub3A_1976 = vector.broadcast %slice3A_1969 : vector<1x3072xf32> to vector<48x3072xf32>
    %sub3A_1977 = arith.subf %slice3A_1975, %sub3A_1976 : vector<48x3072xf32>
    %abs3A_1978 = math.absf %sub3A_1977 : vector<48x3072xf32>
    %mul3A_1979 = arith.mulf %sub3A_1977, %sub3A_1974 : vector<48x3072xf32>
    %lt3A_1980 = arith.constant 0.000000e+00 : f32
    %lt3A_1981 = vector.broadcast %lt3A_1980 : f32 to vector<48x3072xf32>
    %lt3A_1982 = arith.cmpf olt, %mul3A_1979, %lt3A_1981 : vector<48x3072xf32>
    %jit3A_1983 = arith.constant 0.000000e+00 : f32
    %broadcast_in_dim3A_1984 = vector.broadcast %jit3A_1983 : f32 to vector<48x3072xf32>
    %select_n3A_1985 = arith.select %lt3A_1982, %abs3A_1978, %broadcast_in_dim3A_1984 : vector<48x3072xi1>, vector<48x3072xf32>
    %neg3A_1986 = arith.constant 0.000000e+00 : f32
    %neg3A_1987 = vector.broadcast %neg3A_1986 : f32 to vector<48x3072xf32>
    %neg3A_1988 = arith.subf %neg3A_1987, %abs3A_1978 : vector<48x3072xf32>
    %exp3A_1989 = math.exp %neg3A_1988 : vector<48x3072xf32>
    %log1p3A_1990 = math.log1p %exp3A_1989 : vector<48x3072xf32>
    %add3A_1991 = arith.addf %select_n3A_1985, %log1p3A_1990 : vector<48x3072xf32>
    %abs3A_1992 = math.absf %sub3A_1974 : vector<48x3072xf32>
    %gt3A_1993 = arith.constant 9.99999997E-7 : f32
    %gt3A_1994 = vector.broadcast %gt3A_1993 : f32 to vector<48x3072xf32>
    %gt3A_1995 = arith.cmpf ogt, %abs3A_1992, %gt3A_1994 : vector<48x3072xf32>
    %slice3A_1996 = vector.extract_strided_slice %get3A_7 {offsets = [0, 0], sizes = [48, 3072], strides = [1, 1]} : vector<50x3072xf32> to vector<48x3072xf32>
    %mul3A_1997 = vector.broadcast %slice3A_1971 : vector<1x3072xf32> to vector<48x3072xf32>
    %mul3A_1998 = arith.mulf %slice3A_1996, %mul3A_1997 : vector<48x3072xf32>
    %jit3A_1999 = arith.constant 0.000000e+00 : f32
    %broadcast_in_dim3A_2000 = vector.broadcast %jit3A_1999 : f32 to vector<48x3072xf32>
    %select_n3A_2001 = arith.select %gt3A_1995, %mul3A_1998, %broadcast_in_dim3A_2000 : vector<48x3072xi1>, vector<48x3072xf32>
    %mul3A_2002 = arith.mulf %add3A_1991, %select_n3A_2001 : vector<48x3072xf32>
    %reduce_sum3A_2003 = arith.constant dense<0.000000e+00> : vector<3072xf32>
    %reduce_sum3A_2004 = vector.multi_reduction <add>, %mul3A_2002, %reduce_sum3A_2003 [0] : vector<48x3072xf32> to vector<3072xf32>
    %broadcast_in_dim3A_2005 = vector.shape_cast %reduce_sum3A_2004 : vector<3072xf32> to vector<1x3072xf32>
    %add3A_2006 = arith.addf %add3A_1964, %broadcast_in_dim3A_2005 : vector<1x3072xf32>
    %reduce_sum3A_2007 = arith.constant dense<0.000000e+00> : vector<3072xf32>
    %reduce_sum3A_2008 = vector.multi_reduction <add>, %select_n3A_2001, %reduce_sum3A_2007 [0] : vector<48x3072xf32> to vector<3072xf32>
    %broadcast_in_dim3A_2009 = vector.shape_cast %reduce_sum3A_2008 : vector<3072xf32> to vector<1x3072xf32>
    %add3A_2010 = arith.addf %add3A_1968, %broadcast_in_dim3A_2009 : vector<1x3072xf32>
    %slice3A_2011 = vector.extract_strided_slice %get3A_1 {offsets = [49, 0], sizes = [1, 3072], strides = [1, 1]} : vector<50x3072xf32> to vector<1x3072xf32>
    %slice3A_2012 = vector.extract_strided_slice %get3A_4 {offsets = [49, 0], sizes = [1, 3072], strides = [1, 1]} : vector<50x3072xf32> to vector<1x3072xf32>
    %slice3A_2013 = vector.extract_strided_slice %get3A_7 {offsets = [49, 0], sizes = [1, 3072], strides = [1, 1]} : vector<50x3072xf32> to vector<1x3072xf32>
    %slice3A_2014 = vector.extract_strided_slice %get3A_4 {offsets = [0, 0], sizes = [49, 3072], strides = [1, 1]} : vector<50x3072xf32> to vector<49x3072xf32>
    %sub3A_2015 = vector.broadcast %slice3A_2012 : vector<1x3072xf32> to vector<49x3072xf32>
    %sub3A_2016 = arith.subf %sub3A_2015, %slice3A_2014 : vector<49x3072xf32>
    %slice3A_2017 = vector.extract_strided_slice %get3A_1 {offsets = [0, 0], sizes = [49, 3072], strides = [1, 1]} : vector<50x3072xf32> to vector<49x3072xf32>
    %sub3A_2018 = vector.broadcast %slice3A_2011 : vector<1x3072xf32> to vector<49x3072xf32>
    %sub3A_2019 = arith.subf %slice3A_2017, %sub3A_2018 : vector<49x3072xf32>
    %abs3A_2020 = math.absf %sub3A_2019 : vector<49x3072xf32>
    %mul3A_2021 = arith.mulf %sub3A_2019, %sub3A_2016 : vector<49x3072xf32>
    %lt3A_2022 = arith.constant 0.000000e+00 : f32
    %lt3A_2023 = vector.broadcast %lt3A_2022 : f32 to vector<49x3072xf32>
    %lt3A_2024 = arith.cmpf olt, %mul3A_2021, %lt3A_2023 : vector<49x3072xf32>
    %jit3A_2025 = arith.constant 0.000000e+00 : f32
    %broadcast_in_dim3A_2026 = vector.broadcast %jit3A_2025 : f32 to vector<49x3072xf32>
    %select_n3A_2027 = arith.select %lt3A_2024, %abs3A_2020, %broadcast_in_dim3A_2026 : vector<49x3072xi1>, vector<49x3072xf32>
    %neg3A_2028 = arith.constant 0.000000e+00 : f32
    %neg3A_2029 = vector.broadcast %neg3A_2028 : f32 to vector<49x3072xf32>
    %neg3A_2030 = arith.subf %neg3A_2029, %abs3A_2020 : vector<49x3072xf32>
    %exp3A_2031 = math.exp %neg3A_2030 : vector<49x3072xf32>
    %log1p3A_2032 = math.log1p %exp3A_2031 : vector<49x3072xf32>
    %add3A_2033 = arith.addf %select_n3A_2027, %log1p3A_2032 : vector<49x3072xf32>
    %abs3A_2034 = math.absf %sub3A_2016 : vector<49x3072xf32>
    %gt3A_2035 = arith.constant 9.99999997E-7 : f32
    %gt3A_2036 = vector.broadcast %gt3A_2035 : f32 to vector<49x3072xf32>
    %gt3A_2037 = arith.cmpf ogt, %abs3A_2034, %gt3A_2036 : vector<49x3072xf32>
    %slice3A_2038 = vector.extract_strided_slice %get3A_7 {offsets = [0, 0], sizes = [49, 3072], strides = [1, 1]} : vector<50x3072xf32> to vector<49x3072xf32>
    %mul3A_2039 = vector.broadcast %slice3A_2013 : vector<1x3072xf32> to vector<49x3072xf32>
    %mul3A_2040 = arith.mulf %slice3A_2038, %mul3A_2039 : vector<49x3072xf32>
    %jit3A_2041 = arith.constant 0.000000e+00 : f32
    %broadcast_in_dim3A_2042 = vector.broadcast %jit3A_2041 : f32 to vector<49x3072xf32>
    %select_n3A_2043 = arith.select %gt3A_2037, %mul3A_2040, %broadcast_in_dim3A_2042 : vector<49x3072xi1>, vector<49x3072xf32>
    %mul3A_2044 = arith.mulf %add3A_2033, %select_n3A_2043 : vector<49x3072xf32>
    %reduce_sum3A_2045 = arith.constant dense<0.000000e+00> : vector<3072xf32>
    %reduce_sum3A_2046 = vector.multi_reduction <add>, %mul3A_2044, %reduce_sum3A_2045 [0] : vector<49x3072xf32> to vector<3072xf32>
    %broadcast_in_dim3A_2047 = vector.shape_cast %reduce_sum3A_2046 : vector<3072xf32> to vector<1x3072xf32>
    %add3A_2048 = arith.addf %add3A_2006, %broadcast_in_dim3A_2047 : vector<1x3072xf32>
    %reduce_sum3A_2049 = arith.constant dense<0.000000e+00> : vector<3072xf32>
    %reduce_sum3A_2050 = vector.multi_reduction <add>, %select_n3A_2043, %reduce_sum3A_2049 [0] : vector<49x3072xf32> to vector<3072xf32>
    %broadcast_in_dim3A_2051 = vector.shape_cast %reduce_sum3A_2050 : vector<3072xf32> to vector<1x3072xf32>
    %add3A_2052 = arith.addf %add3A_2010, %broadcast_in_dim3A_2051 : vector<1x3072xf32>
    %reduce_sum3A_2053 = vector.shape_cast %add3A_2048 : vector<1x3072xf32> to vector<1x1x3072xf32>
    %reduce_sum3A_2054 = arith.constant dense<0.000000e+00> : vector<1xf32>
    %reduce_sum3A_2055 = vector.multi_reduction <add>, %reduce_sum3A_2053, %reduce_sum3A_2054 [1, 2] : vector<1x1x3072xf32> to vector<1xf32>
    %reduce_sum3A_2056 = vector.shape_cast %reduce_sum3A_2055 : vector<1xf32> to vector<1x1x1xf32>
    %reduce_sum3A_2057 = vector.extract %reduce_sum3A_2056[0, 0, 0] : f32 from vector<1x1x1xf32>
    %reshape3A = vector.broadcast %reduce_sum3A_2057 : f32 to vector<1x1xf32>
    %swap3A = arith.constant 0 : index
    %swap3A_2058 = arith.constant 0 : index
    %swap3A_2059 = vector.load %arg3[%swap3A, %swap3A_2058] : memref<1x1xf32, #tpu.memory_space<vmem>>, vector<1x1xf32>
    tpu.vector_store %arg3[%swap3A, %swap3A_2058], %reshape3A {strides = array<i32>} : memref<1x1xf32, #tpu.memory_space<vmem>>, vector<1x1xf32>,
    %reduce_sum3A_2060 = vector.shape_cast %add3A_2052 : vector<1x3072xf32> to vector<1x1x3072xf32>
    %reduce_sum3A_2061 = arith.constant dense<0.000000e+00> : vector<1xf32>
    %reduce_sum3A_2062 = vector.multi_reduction <add>, %reduce_sum3A_2060, %reduce_sum3A_2061 [1, 2] : vector<1x1x3072xf32> to vector<1xf32>
    %reduce_sum3A_2063 = vector.shape_cast %reduce_sum3A_2062 : vector<1xf32> to vector<1x1x1xf32>
    %reduce_sum3A_2064 = vector.extract %reduce_sum3A_2063[0, 0, 0] : f32 from vector<1x1x1xf32>
    %reshape3A_2065 = vector.broadcast %reduce_sum3A_2064 : f32 to vector<1x1xf32>
    %swap3A_2066 = arith.constant 0 : index
    %swap3A_2067 = arith.constant 0 : index
    %swap3A_2068 = vector.load %arg4[%swap3A_2066, %swap3A_2067] : memref<1x1xf32, #tpu.memory_space<vmem>>, vector<1x1xf32>
    tpu.vector_store %arg4[%swap3A_2066, %swap3A_2067], %reshape3A_2065 {strides = array<i32>} : memref<1x1xf32, #tpu.memory_space<vmem>>, vector<1x1xf32>,
    return
  }
}

</mosaic_0001>

<sc_bundles>
// kernel: kernel.4.cloned.1.call-start
scs
__scs_entry_jumppad:
0x0: {  	(pc) =	sbr.rel $0x88, $3  }
0x1: {  	(tag) =	ssettag $0x0;
	lr =	simm.s32 $0x1  }
0x2: {  	[smem:$0x3F9E] =	sst lr;
	_ =	strace $0xD0000000  }
0x3: {  	_ = 	snop  }
0x4: {  	_ = 	snop  }
0x5: {  	_ = 	snop  }
0x6: {  	_ = 	snop  }
0x7: {  	_ = 	snop  }
__scs_overlays_trampoline_lowered:
0x8: {  	[smem:$0x3FAD] =	sst s0  }
0x9: {  	[smem:$0x3FAE] =	sst s1  }
0xa: {  	[smem:$0x3FAF] =	sst s2  }
0xb: {  	[smem:$0x3FB0] =	sst s3  }
0xc: {  	[smem:$0x3FB1] =	sst s4  }
0xd: {  	[smem:$0x3FB2] =	sst s5  }
0xe: {  	[smem:$0x3FB3] =	sst s6  }
0xf: {  	[smem:$0x3FB4] =	sst s7  }
0x10: {  	[smem:$0x3FB5] =	sst s8  }
0x11: {  	[smem:$0x3FB6] =	sst s9;
	s0 =	simm.s32 @!p0 $0x0  }
0x12: {  	s1 =	sld [smem:$0x3F9C];
	s0 =	simm.s32 @p0 $0x1  }
0x13: {  	[smem:$0x3FB7] =	sst s0;
	s0 =	simm.s32 @!p1 $0x0  }
0x14: {  	s2 =	sld [smem:$0x3F9B];
	s0 =	simm.s32 @p1 $0x1  }
0x15: {  	[smem:$0x3FB8] =	sst s0;
	s0 =	simm.s32 @!p2 $0x0  }
0x16: {  	s3 =	sld [smem:$0x3FDB];
	s0 =	simm.s32 @p2 $0x1  }
0x17: {  	s4 =	simm.s32 $0x1BF5;
	[smem:$0x3FBA] =	sst s0  }
0x18: {  	s0 =	sld [smem:$0x3F9D];
	_ =	swait.ge [sflag:s4], $0x0  }
0x19: {  	s7 =	sld [smem:$0x3F9E]  }
0x1a: {  	s8 =	sadd.s32 $0xFFFFE003, lr  }
0x1b: {  	s9 =	sadd.s32 $0xFFFFFEF7, lr;
	s5 =	simm.s32 $0xFFFFFFFF;
	p2 =	slt.u32 s8, $0xFFFFF086  }
0x1c: {  	p1 =	slt.u32 s9, $0xF7A;
	s5 =	simm.s32 @!p2 $0x0  }
0x1d: {  	s5 =	simm.s32 @p1 $0x1;
	p0 =	seq.s32 s7, s2  }
0x1e: {  	s7 =	smul.u32 @!p0 $0xF7A, s2;
	p2 =	seq.s32 @!p0 s5, $0x0  }
0x1f: {  	s9 =	smul.u32 $0xF7A, s1;
	s8 =	simm.s32 @!p0 $0x1BF5;
	p2 =	por !p2, p0  }
0x20: {  	[sflag:s8] =	ssyncset.s32 @!p0 $0xFFFFF086;
	s6 =	sadd.s32 @!p0 s3, s7;
	s7 =	simm.s32 @!p0 $0x108  }
0x21: {  	s3 =	sadd.s32 s3, s9;
	s6 =	sadd.s32 @!p0 $0x88, s6;
	s7 =	simm.s32 @p2 $0x1082  }
0x22: {  	[simem:s7], [sflag:s8] =	dma.local @!p0 [hbm:s6], $0xF7A  }
0x23: {  	s9 =	sor.u32 $0xD0000000, s2;
	s6 =	simm.s32 $0x108;
	_ =	swait.ge @!p0 [sflag:s8], $0x0  }
0x24: {  	s3 =	sadd.s32 $0x88, s3;
	s6 =	simm.s32 @!p1 $0x1082;
	[sflag:s4] =	ssyncset.s32 $0xFFFFF086  }
0x25: {  	[simem:s6], [sflag:s4] =	dma.local [hbm:s3], $0xF7A  }
0x26: {  	[smem:$0x3F9E] =	sst s1;
	(tag) =	ssettag s2;
	_ =	strace s9  }
0x27: {  	s1 =	sld [smem:$0x3FAE]  }
0x28: {  	s2 =	sld [smem:$0x3FAF]  }
0x29: {  	s4 =	sld [smem:$0x3FB1]  }
0x2a: {  	p0 =	seq.s32 s5, $0x0;
	s5 =	sld [smem:$0x3FB2]  }
0x2b: {  	s6 =	sld [smem:$0x3FB3]  }
0x2c: {  	s7 =	sld [smem:$0x3FB4]  }
0x2d: {  	s3 =	simm.s32 $0x108;
	s8 =	sld [smem:$0x3FB5]  }
0x2e: {  	s3 =	simm.s32 @!p0 $0x1082;
	s9 =	sld [smem:$0x3FB6]  }
0x2f: {  	lr =	sadd.s32 s0, s3;
	s0 =	sld [smem:$0x3FAD]  }
0x30: {  	s3 =	sld [smem:$0x3FB0]  }
0x31: {  	[smem:$0x3FB9] =	sst s10  }
0x32: {  	s10 =	sld [smem:$0x3FB7];
	_ =	sdelay $0x3  }
0x33: {  	p0 =	seq.s32 s10, $0x1;
	s10 =	sld [smem:$0x3FB9];
	_ =	sdelay $0x3  }
0x34: {  	[smem:$0x3FB9] =	sst s10  }
0x35: {  	s10 =	sld [smem:$0x3FB8];
	_ =	sdelay $0x3  }
0x36: {  	p1 =	seq.s32 s10, $0x1;
	s10 =	sld [smem:$0x3FB9];
	_ =	sdelay $0x3  }
0x37: {  	[smem:$0x3FB9] =	sst s10  }
0x38: {  	s10 =	sld [smem:$0x3FBA]  }
0x39: {  	_ = 	snop;
	(pc) =	sbr.ind lr, $3  }
0x3a: {  	_ = 	snop  }
0x3b: {  	_ = 	snop  }
0x3c: {  	p2 =	seq.s32 s10, $0x1;
	s10 =	sld [smem:$0x3FB9]  }
0x3d: {  	_ =	shalt  }
0x3e: {  	_ =	shalt  }
0x3f: {  	_ =	shalt  }
0x40: {  	_ =	shalt  }
0x41: {  	_ =	shalt  }
0x42: {  	_ =	shalt  }
0x43: {  	_ =	shalt  }
0x44: {  	_ =	shalt  }
0x45: {  	_ =	shalt  }
0x46: {  	_ =	shalt  }
0x47: {  	_ =	shalt  }
0x48: {  	_ =	shalt  }
0x49: {  	_ =	shalt  }
0x4a: {  	_ =	shalt  }
0x4b: {  	_ =	shalt  }
0x4c: {  	_ =	shalt  }
0x4d: {  	_ =	shalt  }
0x4e: {  	_ =	shalt  }
0x4f: {  	_ =	shalt  }
0x50: {  	_ =	shalt  }
0x51: {  	_ =	shalt  }
0x52: {  	_ =	shalt  }
0x53: {  	_ =	shalt  }
0x54: {  	_ =	shalt  }
0x55: {  	_ =	shalt  }
0x56: {  	_ =	shalt  }
0x57: {  	_ =	shalt  }
0x58: {  	_ =	shalt  }
0x59: {  	_ =	shalt  }
0x5a: {  	_ =	shalt  }
0x5b: {  	_ =	shalt  }
0x5c: {  	_ =	shalt  }
0x5d: {  	_ =	shalt  }
0x5e: {  	_ =	shalt  }
0x5f: {  	_ =	shalt  }
0x60: {  	_ =	shalt  }
0x61: {  	_ =	shalt  }
0x62: {  	_ =	shalt  }
0x63: {  	_ =	shalt  }
0x64: {  	_ =	shalt  }
0x65: {  	_ =	shalt  }
0x66: {  	_ =	shalt  }
0x67: {  	_ =	shalt  }
0x68: {  	_ =	shalt  }
0x69: {  	_ =	shalt  }
0x6a: {  	_ =	shalt  }
0x6b: {  	_ =	shalt  }
0x6c: {  	_ =	shalt  }
0x6d: {  	_ =	shalt  }
0x6e: {  	_ =	shalt  }
0x6f: {  	_ =	shalt  }
0x70: {  	_ =	shalt  }
0x71: {  	_ =	shalt  }
0x72: {  	_ =	shalt  }
0x73: {  	_ =	shalt  }
0x74: {  	_ =	shalt  }
0x75: {  	_ =	shalt  }
0x76: {  	_ =	shalt  }
0x77: {  	_ =	shalt  }
0x78: {  	_ =	shalt  }
0x79: {  	_ =	shalt  }
0x7a: {  	_ =	shalt  }
0x7b: {  	_ =	shalt  }
0x7c: {  	_ =	shalt  }
0x7d: {  	_ =	shalt  }
0x7e: {  	_ =	shalt  }
0x7f: {  	_ =	shalt  }
0x80: {  	_ =	shalt  }
0x81: {  	_ =	shalt  }
0x82: {  	_ =	shalt  }
0x83: {  	_ =	shalt  }
0x84: {  	_ =	shalt  }
0x85: {  	_ =	shalt  }
0x86: {  	_ =	shalt  }
0x87: {  	_ =	shalt  }
.Lfunc_end0:
.L_simem_size_0:
called_computation_lowered:
.L_overlay_start_0:
0x88: {  	s2 =	sld [smem:$0x3FD9]  }
0x89: {  	s3 =	sld [smem:$0x3FFE];
	_ =	sdelay $0x1  }
0x8a: {  	s1 =	srdreg.scid  }
0x8b: {  	s0 =	sand.u32 $0x1, s1  }
0x8c: {  	s16 =	sshll.u32 s0, $0xA;
	s2 =	sadd.s32 s3, s2  }
0x8d: {  	s2 =	sadd.s32 s2, s16  }
0x8e: {  	[smem:$0x3FC5] =	sst s2  }
0x8f: {  	_ = 	snop  }
0x90: {  	(tm) =	ssettm $0x1  }
0x91: {  	s17 =	sld [smem:$0x3FFB];
	_ =	sdelay $0x3  }
0x92: {  	_ =	strace s17  }
0x93: {  	s2 =	sld [smem:$0x3FFC];
	_ =	sdelay $0x3  }
0x94: {  	_ =	strace s2  }
0x95: {  	s2 =	sld [smem:$0x3FFD];
	_ =	sdelay $0x3  }
0x96: {  	_ =	strace s2  }
0x97: {  	_ =	strace $0x8FFFFFFF  }
0x98: {  	s18 =	sld [smem:$0x3FDB];
	_ =	sdelay $0x1  }
0x99: {  	s19 =	simm.s32 $_scs_section_size  }
0x9a: {  	s4 =	simm.s32 $_size__tile_overlayer_lowered;
	s5 =	simm.s32 $_tile_overlayer_lowered  }
0x9b: {  	s22 =	simm.s32 $0x1BFF;
	s21 =	sshll.u32 s5, $0x1;
	s2 =	sadd.s32 s19, s18  }
0x9c: {  	s6 =	simm.s32 $0x0;
	s20 =	sshll.u32 s4, $0x1;
	s4 =	sadd.s32 s21, s2  }
0x9d: {  	[timem:s6], [sflag:s22] =	dma.local [hbm:s4], s20  }
0x9e: {  	_ =	swait.ge [sflag:s22], s20  }
0x9f: {  	s3 =	ssub.s32 $0x0, s20;
	[sflag:s22] =	ssyncset.done $0x0  }
0xa0: {  	[sflag:s22] =	ssyncadd.s32 s3;
	_ =	sdelay $0x1  }
0xa1: {  	s23 =	simm.s32 $0x1B8B  }
0xa2: {  	_ =	swait.ge [sflag:s23], $0x1  }
0xa3: {  	[sflag:s23] =	ssyncset.done $0x0  }
0xa4: {  	s25 =	simm.s32 $0x1B8E;
	s24 =	sld [smem:$0x3FFE];
	[sflag:s23] =	ssyncadd.s32 $0xFFFFFFFF  }
0xa5: {  	s26 =	simm.s32 $execute0_lowered;
	[smem:$0x3FD2] =	sst s25  }
0xa6: {  	s4 =	sshll.u32 s26, $0x1;
	_ =	strace $0x80000046;
	[dreg:$0x1] =	wrdreg $0xFFFFFFFF  }
0xa7: {  	s28 =	simm.s32 $_size_execute0_lowered;
	s2 =	sadd.s32 s2, s4;
	[dreg:$0x0] =	wrdreg $0x0  }
0xa8: {  	s4 =	sshll.u32 s28, $0x1;
	[dreg:$0x2] =	wrdreg s2  }
0xa9: {  	[dreg:$0x3] =	wrdreg s4  }
0xaa: {  	[dreg:$0x4] =	wrdreg $0xC0  }
0xab: {  	_ =	task [dreg:s6], $0x5FFFF  }
0xac: {  	[dreg:$0x1] =	wrdreg $0xFFFFFFFF  }
0xad: {  	[dreg:$0x0] =	wrdreg $0x60  }
0xae: {  	[dreg:$0x2] =	wrdreg s24  }
0xaf: {  	[dreg:$0x3] =	wrdreg $0x9  }
0xb0: {  	_ =	task.clear_ibuf [dreg:s6], $0x4FFFF;
	_ =	strace $0x90000046  }
0xb1: {  	s29 =	simm.s32 $0x9;
	_ =	strace $0x80000048  }
0xb2: {  	_ =	swait.ge [sflag:s29], $0x1  }
0xb3: {  	[sflag:s29] =	ssyncadd.s32 $0xFFFFFFFF  }
0xb4: {  	_ =	strace $0x90000048  }
0xb5: {  	_ =	sfence  }
0xb6: {  	s30 =	sld [smem:$0x0];
	_ =	sdelay $0x2  }
0xb7: {  	s31 =	sshll.u32 s1, $0xD;
	s1 =	sshrl.u32 s1, $0x2  }
0xb8: {  	s3 =	sand.u32 $0x4000, s31;
	s1 =	sadd.s32 s1, s30  }
0xb9: {  	s0 =	sor.u32 s3, s0;
	s1 =	sshll.u32 s1, $0x11  }
0xba: {  	s0 =	sor.u32 s1, s0  }
0xbb: {  	s0 =	sadd.s32 $0x8F2B, s0  }
0xbc: {  	[sflag:s0] =	ssyncadd.remote.s32 $0x1  }
0xbd: {  	_ =	sfence.sel $0xFFFF  }
0xbe: {  	[dreg:$0x0] =	wrdreg $0xFFFFFFFF;
	(pc) =	sbr.abs _section_cstart, $3  }
0xbf: {  	[dreg:$0x1] =	wrdreg $0xFFFFFFFF  }
0xc0: {  	_ =	task.clear_ibuf [dreg:s6], $0x2FFFF;
	_ =	strace $0x9FFFFFFF  }
0xc1: {  	(tm) =	ssettm $0x7FFFFFFF  }
tec
execute0_lowered:
.L_overlay_start_1:
0x0: {  	(tag) =	ssettag $0x1  }
0x1: {  	s0 =	rddreg [dreg:$0x0]  }
0x2: {  	s1 =	srdreg.scid;
	s6 =	stileid.u32  }
0x3: {  	s2 =	simm.s32 $0x0;
	s13 =	simm.s32 $0x400;
	s14 =	simm.s32 $0x2000  }
0x4: {  	s16 =	simm.s32 $0x1;
	s17 =	simm.s32 $0x1C00;
	s19 =	simm.s32 $0x3400  }
0x5: {  	s20 =	simm.s32 $0x3800;
	s22 =	simm.s32 $0x5000;
	s23 =	simm.s32 $0x5400  }
0x6: {  	s24 =	simm.s32 $0x5480;
	s25 =	simm.s32 $0x0;
	s1 =	sand.u32 $0x1, s1  }
0x7: {  	s3 =	sshll.u32 s6, $0x8;
	[smem:$0x7FF] =	sst s2;
	s4 =	sshll.u32 s1, $0x7  }
0x8: {  	s5 =	sand.u32 $0x300, s3;
	_ =	strace $0x80000047;
	s1 =	ssub.s32 $0x2, s1  }
0x9: {  	s3 =	sand.u32 $0xC00, s3;
	s4 =	sor.u32 s4, s5;
	s31 =	sshrl.u32 s1, $0x1  }
0xa: {  	s7 =	sadd.s32 s4, s0;
	s3 =	sor.u32 s3, s4;
	s1 =	ssub.s32 s1, s31  }
0xb: {  	s4 =	sshrl.u32 s3, $0x3;
	s3 =	sshrl.u32 s6, $0x2;
	s5 =	sadd.s32 $0x3A00, s7  }
.Ltmp0:
0xc: {  	s6 =	sadd.s32 $0x3E00, s7;
	p0 =	seq.s32 s3, $0x0;
	(pc) =	sbr.rel .LBB2_1-.Ltmp0, $4  }
0xd: {  	s11 =	smax.u32 s1, $0x1;
	s0 =	sadd.s32 s4, s0;
	s3 =	simm.s32 @p0 $0x4  }
0xe: {  	s4 =	sadd.s32 $0x2200, s7;
	s7 =	sadd.s32 $0x600, s7;
	s12 =	sshll.u32 s3, $0x7  }
0xf: {  	s18 =	sadd.s32 $0x1800, s6;
	s9 =	sadd.s32 $0x5C00, s0;
	s8 =	ssub.s32 $0x31, s3;
	v0 =	vmov s12  }
0x10: {  	s10 =	sadd.s32 $0x5A00, s0;
	s21 =	sadd.s32 $0x1800, s7;
	s8 =	sshrl.u32 s8, $0x2;
	[tilespmem:$0x1FFF0] =	vst v0  }
.LBB2_9:
0x11: {  	v0 =	vld [tilespmem:$0x1FFE0]  }
0x12: {  	v2 =	vld [tilespmem:$0x1FFD0];
	_ =	sdelay $0x3  }
0x13: {  	v62 =	vadd.f32 v33, v34  }
0x14: {  	v0 =	vadd.f32 v2, v0  }
0x15: {  	v2 =	vadd.f32 v29, v62  }
0x16: {  	v0 =	vadd.f32 v35, v0  }
0x17: {  	v2 =	vadd.f32 v40, v2  }
0x18: {  	v0 =	vadd.f32 v22, v0  }
0x19: {  	v2 =	vadd.f32 v39, v2  }
0x1a: {  	v0 =	vadd.f32 v21, v0  }
0x1b: {  	v2 =	vadd.f32 v45, v2  }
0x1c: {  	v0 =	vadd.f32 v23, v0  }
0x1d: {  	v2 =	vadd.f32 v46, v2  }
0x1e: {  	v0 =	vadd.f32 v44, v0  }
0x1f: {  	v63 =	vadd.f32 v42, v2  }
0x20: {  	v0 =	vadd.f32 v1, v0  }
0x21: {  	[tilespmem:$0x5480] =	vst v63  }
0x22: {  	[tilespmem:$0x5400] =	vst v0  }
0x23: {  	[hbm4b:s9+s2] =	stream.linear.scatter [tilespmem:s23], [sflag:$0x1], $0x80, $0x38;
	[tilespmem:$0x5500] =	vst v63  }
0x24: {  	s25 =	sadd.s32 $0x1, s25;
	_ =	swait.ge [sflag:s16], $0x80  }
0x25: {  	p0 =	sne.s32 s25, s11;
	[sflag:s16] =	ssyncset.done $0x0  }
.Ltmp1:
0x26: {  	[sflag:s16] =	ssyncadd.s32 $0xFFFFFF80;
	(pc) =	sbr.rel @!p0 .LBB2_10-.Ltmp1, $4  }
0x27: {  	[hbm4b:s10+s2] =	stream.linear.scatter [tilespmem:s24], [sflag:$0x1], $0x80, $0x38;
	[tilespmem:$0x5500] =	vst v63  }
0x28: {  	_ =	swait.ge [sflag:s16], $0x80  }
0x29: {  	[sflag:s16] =	ssyncset.done $0x0  }
0x2a: {  	[sflag:s16] =	ssyncadd.s32 $0xFFFFFF80  }
.LBB2_1:
0x2b: {  	[tilespmem:s2], [sflag:$0x1] =	stream.strided.gather [hbm4b:s4+s13], $0x1800, s14, s13, $0x38;
	[tilespmem:$0x5500] =	vst v63  }
0x2c: {  	s0 =	simm.s32 $0x1800  }
0x2d: {  	[tilespmem:s0], [sflag:$0x1] =	stream.linear.gather [hbm4b:s5+s2], $0x100, $0x38;
	[tilespmem:$0x5500] =	vst v63  }
0x2e: {  	_ =	swait.ge [sflag:s16], $0x1900  }
0x2f: {  	[sflag:s16] =	ssyncset.done $0x0  }
0x30: {  	[sflag:s16] =	ssyncadd.s32 $0xFFFFE700  }
0x31: {  	[tilespmem:s17], [sflag:$0x1] =	stream.strided.gather [hbm4b:s6+s13], $0x1800, s14, s13, $0x38;
	[tilespmem:$0x5500] =	vst v63  }
0x32: {  	_ = 	snop  }
0x33: {  	[tilespmem:s19], [sflag:$0x1] =	stream.linear.gather [hbm4b:s18+s2], $0x100, $0x38;
	[tilespmem:$0x5500] =	vst v63  }
0x34: {  	_ =	swait.ge [sflag:s16], $0x1900  }
0x35: {  	[sflag:s16] =	ssyncset.done $0x0  }
0x36: {  	[sflag:s16] =	ssyncadd.s32 $0xFFFFE700  }
0x37: {  	v42 =	vimm.f32 $0.0e+00;
	[tilespmem:s20], [sflag:$0x1] =	stream.strided.gather [hbm4b:s7+s13], $0x1800, s14, s13, $0x38;
	[tilespmem:$0x5500] =	vst v63  }
0x38: {  	v1 =	vimm.f32 $0.0e+00;
	v46 =	vimm.f32 $0.0e+00;
	v44 =	vimm.f32 $0.0e+00  }
0x39: {  	v45 =	vimm.f32 $0.0e+00;
	v23 =	vimm.f32 $0.0e+00;
	v39 =	vimm.f32 $0.0e+00;
	[tilespmem:s22], [sflag:$0x1] =	stream.linear.gather [hbm4b:s21+s2], $0x100, $0x38;
	[tilespmem:$0x5500] =	vst v63  }
0x3a: {  	v21 =	vimm.f32 $0.0e+00;
	v40 =	vimm.f32 $0.0e+00;
	v0 =	vimm.f32 $0.0e+00;
	_ =	swait.ge [sflag:s16], $0x1900  }
0x3b: {  	v22 =	vimm.f32 $0.0e+00;
	v29 =	vimm.f32 $0.0e+00;
	[sflag:s16] =	ssyncset.done $0x0;
	[tilespmem:$0x1FFD0] =	vst v0;
	v0 =	vimm.f32 $0.0e+00  }
0x3c: {  	v35 =	vimm.f32 $0.0e+00;
	v33 =	vimm.f32 $0.0e+00;
	s26 =	smov.u32 s3;
	v34 =	vimm.f32 $0.0e+00;
	s28 =	simm.s32 $0x0;
	[sflag:s16] =	ssyncadd.s32 $0xFFFFE700;
	[tilespmem:$0x1FFE0] =	vst v0  }
.LBB2_2:
0x3d: {  	s0 =	sshll.u32 s28, $0x9;
	v0 =	vld [tilespmem:$0x1FFF0];
	[tilespmem:$0x1FE20] =	vst v42  }
0x3e: {  	s31 =	simm.s32 $0x40;
	[tilespmem:$0x1FE30] =	vst v46;
	s1 =	sadd.s32 s12, s0  }
0x3f: {  	[tilespmem:$0x1FE40] =	vst v44;
	v19 =	vld [tilespmem:s31+$0x30];
	s15 =	sor.u32 $0x10, s1  }
0x40: {  	[tilespmem:$0x1FE50] =	vst v45;
	v25 =	vld [tilespmem:s15+$0x0];
	s15 =	sor.u32 $0x20, s1  }
0x41: {  	[tilespmem:$0x1FE60] =	vst v23;
	v36 =	vld [tilespmem:s15+$0x0];
	s15 =	sor.u32 $0x30, s1  }
0x42: {  	[tilespmem:$0x1FE70] =	vst v39;
	v26 =	vld [tilespmem:s15+$0x0];
	s15 =	sor.u32 $0x40, s1  }
0x43: {  	[tilespmem:$0x1FE80] =	vst v40;
	v27 =	vld [tilespmem:s15+$0x0];
	s15 =	sor.u32 $0x50, s1  }
0x44: {  	[tilespmem:$0x1FE90] =	vst v21;
	v30 =	vld [tilespmem:s15+$0x0]  }
0x45: {  	[tilespmem:$0x1FEA0] =	vst v29;
	v2 =	vld.idx.msk [tilespmem:v0+s0+$0x3840 ss:$0x1], $0xffff  }
0x46: {  	[tilespmem:$0x1FEB0] =	vst v33;
	v37 =	vld.idx.msk [tilespmem:v0+s0+$0x3830 ss:$0x1], $0xffff  }
0x47: {  	[tilespmem:$0x1FEC0] =	vst v22;
	v3 =	vld.idx.msk [tilespmem:v0+s0+$0x3820 ss:$0x1], $0xffff  }
0x48: {  	[tilespmem:$0x1FED0] =	vst v34;
	v4 =	vld.idx.msk [tilespmem:v0+s0+$0x3810 ss:$0x1], $0xffff  }
0x49: {  	[tilespmem:$0x1FEE0] =	vst v35;
	v38 =	vld.idx.msk [tilespmem:v0+s0+$0x3800 ss:$0x1], $0xffff  }
0x4a: {  	v57 =	vld.idx.msk [tilespmem:v0+s0+$0x1C60 ss:$0x1], $0xffff;
	[tilespmem:$0x1FEF0] =	vst v2  }
0x4b: {  	v58 =	vld.idx.msk [tilespmem:v0+s0+$0x1C50 ss:$0x1], $0xffff;
	[tilespmem:$0x1FF00] =	vst v37  }
0x4c: {  	v59 =	vld.idx.msk [tilespmem:v0+s0+$0x1C40 ss:$0x1], $0xffff;
	[tilespmem:$0x1FF10] =	vst v3  }
0x4d: {  	v60 =	vld.idx.msk [tilespmem:v0+s0+$0x1C30 ss:$0x1], $0xffff;
	[tilespmem:$0x1FF20] =	vst v4  }
0x4e: {  	v61 =	vld.idx.msk [tilespmem:v0+s0+$0x1C20 ss:$0x1], $0xffff;
	[tilespmem:$0x1FF30] =	vst v38  }
0x4f: {  	v62 =	vld.idx.msk [tilespmem:v0+s0+$0x1C10 ss:$0x1], $0xffff;
	[tilespmem:$0x1FF40] =	vst v57  }
0x50: {  	v63 =	vld.idx.msk [tilespmem:v0+s0+$0x1C00 ss:$0x1], $0xffff;
	[tilespmem:$0x1FF50] =	vst v58  }
0x51: {  	v55 =	vld.idx.msk [tilespmem:v0+s0+$0x3870 ss:$0x1], $0xffff;
	[tilespmem:$0x1FF60] =	vst v59  }
0x52: {  	p1 =	sne.s32 s26, $0x1;
	v56 =	vld.idx.msk [tilespmem:v0+s0+$0x1C70 ss:$0x1], $0xffff;
	[tilespmem:$0x1FF70] =	vst v60  }
.Ltmp2:
0x53: {  	s15 =	sor.u32 $0x60, s1;
	v24 =	vld.idx.msk [tilespmem:v0+s0+$0x0 ss:$0x1], $0xffff;
	[tilespmem:$0x1FF80] =	vst v61;
	(pc) =	sbr.rel @!p1 .LBB2_3-.Ltmp2, $4  }
0x54: {  	s1 =	sor.u32 $0x70, s1;
	v28 =	vld [tilespmem:s15+$0x0];
	[tilespmem:$0x1FF90] =	vst v62  }
0x55: {  	v20 =	vld [tilespmem:s1+$0x0];
	[tilespmem:$0x1FFA0] =	vst v63  }
0x56: {  	s30 =	simm.s32 $0x1C40;
	v31 =	vld.idx.msk [tilespmem:v0+s0+$0x3850 ss:$0x1], $0xffff;
	[tilespmem:$0x1FFB0] =	vst v55  }
0x57: {  	s29 =	simm.s32 $0x3840;
	p0 =	por $0x0, $0x0;
	v32 =	vld.idx.msk [tilespmem:v0+s0+$0x3860 ss:$0x1], $0xffff;
	s0 =	sadd.s32 $0xFFFFFFFF, s26;
	[tilespmem:$0x1FFC0] =	vst v56  }
0x58: {  	v0 =	vld [tilespmem:s31+$0xFFFFFFD0];
	_ =	sdelay $0x1  }
0x59: {  	v3 =	vld [tilespmem:s31+$0xFFFFFFE0];
	v16 =	vsub.f32 v19, v20  }
0x5a: {  	v5 =	vld [tilespmem:s31+$0xFFFFFFF0]  }
0x5b: {  	v7 =	vld [tilespmem:s31+$0xFFFFFFC0];
	v17 =	vand.u32 $0x7FFFFFFF, v16  }
0x5c: {  	v6 =	vld [tilespmem:s31+$0x0];
	v38 =	vmovc v37;
	v37 =	vmov v2;
	v2 =	vsub.f32 v0, v25;
	v0 =	vsub.f32 $0.0e+00, v17;
	_ =	sdelay $0x1  }
0x5d: {  	v0 =	vmul.f32 $1.442695020e+00, v0  }
0x5e: {  	v9 =	vld [tilespmem:s31+$0x10]  }
0x5f: {  	v10 =	vld [tilespmem:s31+$0x20];
	v5 =	vsub.f32 v5, v26;
	v15 =	vsub.f32 v7, v24;
	(erf) = vpow2.f32 v0  }
0x60: {  	[tilespmem:$0x1FDB0] =	vst v36;
	v3 =	vsub.f32 v3, v36;
	v36 =	vmovc v4;
	v6 =	vsub.f32 v6, v27;
	v4 =	vand.u32 $0x7FFFFFFF, v2  }
0x61: {  	v7 =	vand.u32 $0x7FFFFFFF, v5;
	v12 =	vand.u32 $0x7FFFFFFF, v15;
	v11 =	vsub.f32 $0.0e+00, v4  }
0x62: {  	v8 =	vand.u32 $0x7FFFFFFF, v3;
	v18 =	vsub.f32 $0.0e+00, v12;
	v19 =	vsub.f32 $0.0e+00, v7  }
0x63: {  	v13 =	vsub.f32 v9, v30;
	v0 =	vsub.f32 $0.0e+00, v8;
	v41 =	vmul.f32 $1.442695020e+00, v11  }
0x64: {  	v14 =	vsub.f32 v10, v28;
	v18 =	vmul.f32 $1.442695020e+00, v18;
	v19 =	vmul.f32 $1.442695020e+00, v19  }
0x65: {  	v9 =	vand.u32 $0x7FFFFFFF, v6;
	v0 =	vmul.f32 $1.442695020e+00, v0;
	(erf) = vpow2.f32 v41  }
0x66: {  	[tilespmem:$0x1FE10] =	vst v20;
	v10 =	vand.u32 $0x7FFFFFFF, v13;
	v20 =	vsub.f32 $0.0e+00, v9;
	(erf) = vpow2.f32 v18  }
0x67: {  	v48 =	vsub.f32 $0.0e+00, v10;
	(erf) = vpow2.f32 v0  }
0x68: {  	v11 =	vand.u32 $0x7FFFFFFF, v14;
	v20 =	vmul.f32 $1.442695020e+00, v20;
	(erf) = vpow2.f32 v19;
	v19 =	vpop (erf)  }
0x69: {  	v49 =	vsub.f32 $0.0e+00, v11;
	v18 =	vmul.f32 $1.442695020e+00, v48;
	v50 =	vmul.f32 $1.741407810e-02, v19  }
0x6a: {  	(erf) = vpow2.f32 v20  }
0x6b: {  	v0 =	vmul.f32 $1.442695020e+00, v49;
	(erf) = vpow2.f32 v18;
	v18 =	vsub.f32 $8.269123730e-02, v50;
	_ =	sdelay $0x1  }
0x6c: {  	(erf) = vpow2.f32 v0  }
0x6d: {  	v0 =	vmul.f32 v18, v19  }
0x6e: {  	v18 =	vpop (erf)  }
0x6f: {  	v0 =	vadd.f32 $-1.903543320e-01, v0;
	v20 =	vpop (erf)  }
0x70: {  	[tilespmem:$0x1FDD0] =	vst v27;
	v51 =	vmul.f32 $1.741407810e-02, v18;
	v52 =	vmul.f32 $1.741407810e-02, v20;
	v43 =	vpop (erf)  }
0x71: {  	[tilespmem:$0x1FDE0] =	vst v24;
	v24 =	vmov v42;
	v27 =	vmov v45;
	v0 =	vmul.f32 v0, v19;
	v45 =	vpop (erf)  }
0x72: {  	[tilespmem:$0x1FDA0] =	vst v25;
	v53 =	vmul.f32 $1.741407810e-02, v43;
	v41 =	vsub.f32 $8.269123730e-02, v51;
	v42 =	vsub.f32 $8.269123730e-02, v52;
	v47 =	vpop (erf)  }
0x73: {  	[tilespmem:$0x1FDC0] =	vst v26;
	v26 =	vmovc v44;
	v25 =	vmovc v46;
	v54 =	vmul.f32 $1.741407810e-02, v45;
	v0 =	vadd.f32 $3.157473210e-01, v0;
	v48 =	vmul.f32 $1.741407810e-02, v47  }
0x74: {  	v44 =	vsub.f32 $8.269123730e-02, v53;
	v49 =	vpop (erf);
	v41 =	vmul.f32 v41, v18;
	v42 =	vmul.f32 v42, v20  }
0x75: {  	v46 =	vsub.f32 $8.269123730e-02, v54;
	v50 =	vmul.f32 $1.741407810e-02, v49;
	v51 =	vpop (erf);
	v0 =	vmul.f32 v0, v19  }
0x76: {  	v53 =	vld [tilespmem:s30+$0x30];
	v48 =	vsub.f32 $8.269123730e-02, v48;
	v52 =	vmul.f32 $1.741407810e-02, v51;
	v44 =	vmul.f32 v44, v43  }
0x77: {  	v41 =	vadd.f32 $-1.903543320e-01, v41;
	v50 =	vsub.f32 $8.269123730e-02, v50;
	v46 =	vmul.f32 v46, v45  }
0x78: {  	v0 =	vadd.f32 $-4.973732230e-01, v0;
	v42 =	vadd.f32 $-1.903543320e-01, v42;
	v48 =	vmul.f32 v48, v47  }
0x79: {  	v52 =	vsub.f32 $8.269123730e-02, v52;
	v41 =	vmul.f32 v41, v18;
	v50 =	vmul.f32 v50, v49  }
0x7a: {  	v44 =	vadd.f32 $-1.903543320e-01, v44;
	v0 =	vmul.f32 v0, v19;
	v42 =	vmul.f32 v42, v20  }
0x7b: {  	v46 =	vadd.f32 $-1.903543320e-01, v46;
	v53 =	vsub.f32 v56, v53;
	v52 =	vmul.f32 v52, v51  }
0x7c: {  	v44 =	vmul.f32 v44, v43;
	v48 =	vadd.f32 $-1.903543320e-01, v48;
	v0 =	vadd.f32 $9.998477100e-01, v0  }
0x7d: {  	v54 =	vld [tilespmem:s29+$0x30];
	v50 =	vadd.f32 $-1.903543320e-01, v50;
	v16 =	vmul.f32 v53, v16;
	v52 =	vadd.f32 $-1.903543320e-01, v52  }
0x7e: {  	v0 =	vmul.f32 v0, v19;
	v19 =	vadd.f32 $3.157473210e-01, v42;
	v42 =	vmul.f32 v46, v45  }
0x7f: {  	v46 =	vmul.f32 v48, v47;
	v48 =	vmul.f32 v50, v49;
	vm0 =	vlt.f32 v16, $0.0e+00  }
0x80: {  	v50 =	vld [tilespmem:s30+$0xFFFFFFD0];
	v16 =	vnsel vm0, $0x0, v17;
	v17 =	vand.u32 $0x7FFFFFFF, v53;
	v52 =	vmul.f32 v52, v51  }
0x81: {  	v0 =	vadd.f32 $1.472065040e-06, v0;
	vm14 =	vgt.f32 v17, $9.999999970e-07;
	v17 =	vadd.f32 $3.157473210e-01, v44  }
0x82: {  	v56 =	vmul.f32 v54, v55;
	v42 =	vadd.f32 $3.157473210e-01, v42;
	v53 =	vadd.f32 $3.157473210e-01, v46  }
0x83: {  	v19 =	vmul.f32 v19, v20;
	v54 =	vadd.f32 $3.157473210e-01, v48;
	v44 =	vld [tilespmem:s30+$0xFFFFFFC0];
	v55 =	vadd.f32 $3.157473210e-01, v52  }
0x84: {  	v0 =	vadd.f32 v0, v16;
	v16 =	vadd.f32 $3.157473210e-01, v41;
	v17 =	vmul.f32 v17, v43  }
0x85: {  	v41 =	vnsel vm14, $0x0, v56;
	v46 =	vmul.f32 v54, v49;
	v48 =	vmul.f32 v55, v51  }
0x86: {  	v62 =	vsub.f32 v62, v50;
	v0 =	vmul.f32 v0, v41;
	v17 =	vadd.f32 $-4.973732230e-01, v17  }
0x87: {  	v16 =	vmul.f32 v16, v18;
	v46 =	vadd.f32 $-4.973732230e-01, v46;
	v48 =	vadd.f32 $-4.973732230e-01, v48  }
0x88: {  	v56 =	vmul.f32 v53, v47;
	v44 =	vsub.f32 v63, v44;
	v1 =	vadd.f32 v0, v1  }
0x89: {  	v0 =	vadd.f32 $-4.973732230e-01, v19;
	v19 =	vmul.f32 v42, v45;
	v16 =	vadd.f32 $-4.973732230e-01, v16  }
0x8a: {  	v52 =	vld [tilespmem:s30+$0xFFFFFFE0];
	v42 =	vadd.f32 $-4.973732230e-01, v56;
	v17 =	vmul.f32 v17, v43;
	v46 =	vmul.f32 v46, v49  }
0x8b: {  	v48 =	vmul.f32 v48, v51;
	v0 =	vmul.f32 v0, v20;
	v19 =	vadd.f32 $-4.973732230e-01, v19  }
0x8c: {  	v53 =	vld [tilespmem:s30+$0xFFFFFFF0];
	v15 =	vmul.f32 v44, v15;
	v16 =	vmul.f32 v16, v18;
	v17 =	vadd.f32 $9.998477100e-01, v17  }
0x8d: {  	v54 =	vld [tilespmem:s30+$0x0];
	v42 =	vmul.f32 v42, v47;
	v19 =	vmul.f32 v19, v45;
	v0 =	vadd.f32 $9.998477100e-01, v0  }
0x8e: {  	v55 =	vld [tilespmem:s30+$0x10];
	vm15 =	vlt.f32 v15, $0.0e+00;
	v16 =	vadd.f32 $9.998477100e-01, v16;
	v17 =	vmul.f32 v17, v43  }
0x8f: {  	v56 =	vld [tilespmem:s30+$0x20];
	v43 =	vsub.f32 v61, v52;
	v0 =	vmul.f32 v0, v20;
	v19 =	vadd.f32 $9.998477100e-01, v19  }
0x90: {  	v20 =	vadd.f32 $9.998477100e-01, v42;
	v16 =	vmul.f32 v16, v18;
	v18 =	vadd.f32 $9.998477100e-01, v46  }
0x91: {  	v12 =	vnsel vm15, $0x0, v12;
	v42 =	vadd.f32 $9.998477100e-01, v48;
	v48 =	vsub.f32 v60, v53  }
0x92: {  	v53 =	vadd.f32 $1.472065040e-06, v17;
	v19 =	vmul.f32 v19, v45;
	v45 =	vsub.f32 v59, v54  }
0x93: {  	v20 =	vmul.f32 v20, v47;
	v47 =	vsub.f32 v58, v55;
	v18 =	vmul.f32 v18, v49  }
0x94: {  	v49 =	vsub.f32 v57, v56;
	v42 =	vmul.f32 v42, v51;
	v50 =	vadd.f32 $1.472065040e-06, v0  }
0x95: {  	[tilespmem:$0x1FDF0] =	vst v30;
	v30 =	vld [tilespmem:$0x1FF30];
	v0 =	vmul.f32 v62, v2;
	v51 =	vadd.f32 $1.472065040e-06, v16;
	v16 =	vmul.f32 v43, v3  }
0x96: {  	[tilespmem:$0x1FE00] =	vst v28;
	v28 =	vld [tilespmem:$0x1FF10];
	v63 =	vmul.f32 v48, v5;
	v61 =	vand.u32 $0x7FFFFFFF, v48;
	v17 =	vmul.f32 v45, v6  }
0x97: {  	v54 =	vld [tilespmem:s29+$0xFFFFFFC0];
	v13 =	vmul.f32 v47, v13;
	v3 =	vadd.f32 $1.472065040e-06, v19;
	v2 =	vadd.f32 $1.472065040e-06, v20  }
0x98: {  	v55 =	vld [tilespmem:s29+$0x10];
	v14 =	vmul.f32 v49, v14;
	v6 =	vadd.f32 $1.472065040e-06, v18;
	v5 =	vadd.f32 $1.472065040e-06, v42  }
0x99: {  	v56 =	vld [tilespmem:s29+$0x20];
	vm1 =	vlt.f32 v0, $0.0e+00;
	vm2 =	vlt.f32 v16, $0.0e+00;
	vm3 =	vlt.f32 v63, $0.0e+00  }
0x9a: {  	v19 =	vld [tilespmem:s29+$0xFFFFFFD0];
	v18 =	vand.u32 $0x7FFFFFFF, v44;
	v16 =	vand.u32 $0x7FFFFFFF, v43;
	v0 =	vand.u32 $0x7FFFFFFF, v47  }
0x9b: {  	v46 =	vmovc v25;
	v20 =	vld [tilespmem:s29+$0xFFFFFFE0];
	v52 =	vnsel vm1, $0x0, v4;
	v8 =	vnsel vm2, $0x0, v8;
	v59 =	vnsel vm3, $0x0, v7  }
0x9c: {  	v42 =	vld [tilespmem:s29+$0xFFFFFFF0];
	v48 =	vmovc v21;
	v43 =	vmovc v23;
	v7 =	vand.u32 $0x7FFFFFFF, v45;
	vm4 =	vlt.f32 v17, $0.0e+00;
	vm5 =	vlt.f32 v13, $0.0e+00  }
0x9d: {  	p1 =	sne.s32 s0, $0x1;
	v44 =	vmovc v26;
	vm6 =	vlt.f32 v14, $0.0e+00;
	v13 =	vld [tilespmem:s29+$0x0];
	v17 =	vand.u32 $0x7FFFFFFF, v62;
	v62 =	vand.u32 $0x7FFFFFFF, v49;
	v49 =	vmovc v40  }
.Ltmp3:
0x9e: {  	v47 =	vmovc v39;
	v45 =	vmovc v27;
	v58 =	vnsel vm4, $0x0, v9;
	v14 =	vnsel vm5, $0x0, v10;
	v60 =	vnsel vm6, $0x0, v11;
	(pc) =	sbr.rel @!p1 .LBB2_5-.Ltmp3, $4  }
0x9f: {  	v40 =	vmovc v38;
	v4 =	vmul.f32 v54, v30;
	v10 =	vadd.f32 v50, v12;
	v11 =	vadd.f32 v51, v52  }
0xa0: {  	v39 =	vmovc v36;
	v12 =	vadd.f32 v53, v8;
	v57 =	vmul.f32 v55, v31;
	v8 =	vmul.f32 v56, v32;
	v56 =	vld [tilespmem:$0x1FFE0]  }
0xa1: {  	s31 =	simm.s32 $0xC0;
	s15 =	sadd.s32 $0xFFFFFFFF, s0;
	v50 =	vmovc v34;
	v54 =	vmovc v33;
	v51 =	vmov v29;
	v55 =	vld [tilespmem:$0x1FFD0];
	v15 =	vmul.f32 v19, v36;
	v63 =	vmul.f32 v20, v28  }
0xa2: {  	p0 =	por $0x1, $0x1;
	s1 =	simm.s32 $0x1C40;
	s0 =	simm.s32 $0x3840;
	v53 =	vmovc v35;
	v52 =	vmovc v22;
	v9 =	vmul.f32 v42, v38;
	v19 =	vld [tilespmem:s31+$0x30];
	v42 =	vmov v24;
	v13 =	vmul.f32 v13, v37  }
.LBB2_6:
0xa3: {  	v21 =	vadd.f32 v2, v58;
	v2 =	vld [tilespmem:s31+$0xFFFFFFE0]  }
0xa4: {  	vm1 =	vgt.f32 v17, $9.999999970e-07;
	v17 =	vadd.f32 v6, v14;
	v6 =	vld [tilespmem:$0x1FDB0];
	_ =	sdelay $0x3  }
0xa5: {  	vm0 =	vgt.f32 v18, $9.999999970e-07;
	v18 =	vadd.f32 v3, v59;
	v3 =	vld [tilespmem:s31+$0xFFFFFFF0]  }
0xa6: {  	v2 =	vsub.f32 v2, v6;
	v6 =	vld [tilespmem:$0x1FDC0];
	_ =	sdelay $0x2  }
0xa7: {  	v22 =	vadd.f32 v5, v60;
	v5 =	vld [tilespmem:s31+$0x0]  }
0xa8: {  	vm2 =	vgt.f32 v16, $9.999999970e-07;
	v16 =	vnsel vm0, $0x0, v4;
	v4 =	vld [tilespmem:$0x1FE10]  }
0xa9: {  	v3 =	vsub.f32 v3, v6;
	v6 =	vld [tilespmem:$0x1FDD0];
	_ =	sdelay $0x1  }
0xaa: {  	v20 =	vld [tilespmem:s31+$0xFFFFFFD0]  }
0xab: {  	vm5 =	vgt.f32 v0, $9.999999970e-07;
	v0 =	vld [tilespmem:s31+$0x10]  }
0xac: {  	v14 =	vsub.f32 v19, v4;
	v4 =	vld [tilespmem:$0x1FDA0]  }
0xad: {  	v5 =	vsub.f32 v5, v6;
	v6 =	vld [tilespmem:$0x1FDF0]  }
0xae: {  	vm4 =	vgt.f32 v7, $9.999999970e-07  }
0xaf: {  	v23 =	vnsel vm4, $0x0, v13;
	v13 =	vand.u32 $0x7FFFFFFF, v14  }
0xb0: {  	v7 =	vsub.f32 $0.0e+00, v13  }
0xb1: {  	v19 =	vnsel vm2, $0x0, v63;
	v63 =	vsub.f32 v20, v4;
	v4 =	vld [tilespmem:s31+$0x20]  }
0xb2: {  	v6 =	vsub.f32 v0, v6;
	v0 =	vmul.f32 $1.442695020e+00, v7;
	v7 =	vld [tilespmem:$0x1FE00];
	_ =	sdelay $0x2  }
0xb3: {  	vm3 =	vgt.f32 v61, $9.999999970e-07  }
0xb4: {  	v20 =	vnsel vm3, $0x0, v9;
	v9 =	vld [tilespmem:s31+$0xFFFFFFC0]  }
0xb5: {  	v7 =	vsub.f32 v4, v7;
	v4 =	vld [tilespmem:$0x1FDE0];
	_ =	sdelay $0x1  }
0xb6: {  	vm7 =	vgt.f32 v62, $9.999999970e-07;
	v42 =	vadd.f32 v41, v42;
	v15 =	vnsel vm1, $0x0, v15  }
0xb7: {  	v24 =	vnsel vm5, $0x0, v57;
	v58 =	vand.u32 $0x7FFFFFFF, v2;
	v57 =	vand.u32 $0x7FFFFFFF, v63  }
0xb8: {  	v37 =	vmovc v31;
	v31 =	vnsel vm7, $0x0, v8;
	v26 =	vsub.f32 $0.0e+00, v58;
	v25 =	vsub.f32 $0.0e+00, v57  }
0xb9: {  	v60 =	vand.u32 $0x7FFFFFFF, v5;
	(erf) = vpow2.f32 v0;
	v9 =	vsub.f32 v9, v4  }
0xba: {  	v50 =	vadd.f32 v16, v50;
	v26 =	vmul.f32 $1.442695020e+00, v26;
	v27 =	vsub.f32 $0.0e+00, v60  }
0xbb: {  	v59 =	vand.u32 $0x7FFFFFFF, v3;
	v25 =	vmul.f32 $1.442695020e+00, v25;
	v4 =	vand.u32 $0x7FFFFFFF, v9  }
0xbc: {  	v27 =	vmul.f32 $1.442695020e+00, v27;
	v61 =	vand.u32 $0x7FFFFFFF, v6;
	v30 =	vsub.f32 $0.0e+00, v4  }
0xbd: {  	v0 =	vsub.f32 $0.0e+00, v59;
	v28 =	vsub.f32 $0.0e+00, v61;
	v62 =	vand.u32 $0x7FFFFFFF, v7  }
0xbe: {  	(erf) = vpow2.f32 v25;
	v29 =	vsub.f32 $0.0e+00, v62;
	v8 =	vmul.f32 $1.442695020e+00, v30  }
0xbf: {  	v54 =	vadd.f32 v15, v54;
	v0 =	vmul.f32 $1.442695020e+00, v0;
	v28 =	vmul.f32 $1.442695020e+00, v28  }
0xc0: {  	v47 =	vadd.f32 v23, v47;
	v29 =	vmul.f32 $1.442695020e+00, v29;
	(erf) = vpow2.f32 v8  }
0xc1: {  	v45 =	vadd.f32 v24, v45;
	v8 =	vmul.f32 v10, v16;
	(erf) = vpow2.f32 v26  }
0xc2: {  	v46 =	vadd.f32 v31, v46;
	v25 =	vpop (erf);
	(erf) = vpow2.f32 v0;
	v0 =	vmul.f32 v12, v19  }
0xc3: {  	v56 =	vadd.f32 v8, v56;
	v8 =	vmul.f32 $1.741407810e-02, v25;
	(erf) = vpow2.f32 v27  }
0xc4: {  	(erf) = vpow2.f32 v28;
	v53 =	vadd.f32 v0, v53;
	v0 =	vmul.f32 v18, v20  }
0xc5: {  	v10 =	vmul.f32 v11, v15;
	v15 =	vsub.f32 $8.269123730e-02, v8;
	(erf) = vpow2.f32 v29  }
0xc6: {  	v11 =	vmul.f32 v22, v31;
	v52 =	vadd.f32 v0, v52;
	v0 =	vmul.f32 v17, v24  }
0xc7: {  	v55 =	vadd.f32 v10, v55;
	v10 =	vmul.f32 v21, v23;
	v15 =	vmul.f32 v15, v25;
	v8 =	vpop (erf)  }
0xc8: {  	v51 =	vadd.f32 v19, v51;
	v49 =	vadd.f32 v20, v49;
	v19 =	vmul.f32 $1.741407810e-02, v8  }
0xc9: {  	v44 =	vadd.f32 v11, v44;
	v36 =	vadd.f32 $-1.903543320e-01, v15;
	v12 =	vpop (erf)  }
0xca: {  	v43 =	vadd.f32 v0, v43;
	v17 =	vsub.f32 $8.269123730e-02, v19;
	v38 =	vmul.f32 $1.741407810e-02, v12;
	v0 =	vpop (erf)  }
0xcb: {  	v48 =	vadd.f32 v10, v48;
	v18 =	vmul.f32 v36, v25;
	v33 =	vmul.f32 $1.741407810e-02, v0;
	v10 =	vpop (erf)  }
0xcc: {  	v17 =	vmul.f32 v17, v8;
	v19 =	vsub.f32 $8.269123730e-02, v38;
	v20 =	vmul.f32 $1.741407810e-02, v10;
	v11 =	vpop (erf)  }
0xcd: {  	s1 =	sadd.s32 $0x80, s1;
	v18 =	vadd.f32 $3.157473210e-01, v18;
	v34 =	vsub.f32 $8.269123730e-02, v33;
	v35 =	vmul.f32 $1.741407810e-02, v11;
	v15 =	vpop (erf)  }
0xce: {  	v41 =	vld [tilespmem:s1+$0x30];
	v17 =	vadd.f32 $-1.903543320e-01, v17;
	v19 =	vmul.f32 v19, v12;
	v36 =	vmul.f32 $1.741407810e-02, v15;
	v16 =	vpop (erf)  }
0xcf: {  	v33 =	vld [tilespmem:$0x1FFC0];
	v20 =	vsub.f32 $8.269123730e-02, v20;
	v18 =	vmul.f32 v18, v25;
	v38 =	vmul.f32 $1.741407810e-02, v16  }
0xd0: {  	v22 =	vsub.f32 $8.269123730e-02, v35;
	v21 =	vmul.f32 v34, v0;
	v17 =	vmul.f32 v17, v8  }
0xd1: {  	v23 =	vsub.f32 $8.269123730e-02, v36;
	v20 =	vmul.f32 v20, v10;
	v18 =	vadd.f32 $-4.973732230e-01, v18  }
0xd2: {  	v19 =	vadd.f32 $-1.903543320e-01, v19;
	v24 =	vsub.f32 $8.269123730e-02, v38;
	v22 =	vmul.f32 v22, v11  }
0xd3: {  	v21 =	vadd.f32 $-1.903543320e-01, v21;
	v23 =	vmul.f32 v23, v15;
	v18 =	vmul.f32 v18, v25  }
0xd4: {  	v19 =	vmul.f32 v19, v12;
	v20 =	vadd.f32 $-1.903543320e-01, v20;
	v26 =	vsub.f32 v33, v41  }
0xd5: {  	s0 =	sadd.s32 $0x80, s0;
	v24 =	vmul.f32 v24, v16;
	v21 =	vmul.f32 v21, v0;
	v18 =	vadd.f32 $9.998477100e-01, v18  }
0xd6: {  	v31 =	vld [tilespmem:s0+$0x30];
	v22 =	vadd.f32 $-1.903543320e-01, v22;
	v23 =	vadd.f32 $-1.903543320e-01, v23;
	v14 =	vmul.f32 v26, v14  }
0xd7: {  	v41 =	vld [tilespmem:$0x1FFB0];
	v36 =	vadd.f32 $3.157473210e-01, v19;
	v34 =	vmul.f32 v20, v10;
	v18 =	vmul.f32 v18, v25  }
0xd8: {  	v24 =	vadd.f32 $-1.903543320e-01, v24;
	v22 =	vmul.f32 v22, v11;
	v23 =	vmul.f32 v23, v15  }
0xd9: {  	vm8 =	vlt.f32 v14, $0.0e+00;
	v25 =	vmul.f32 v36, v12;
	v14 =	vadd.f32 $1.472065040e-06, v18  }
0xda: {  	v13 =	vnsel vm8, $0x0, v13;
	v24 =	vmul.f32 v24, v16;
	v22 =	vadd.f32 $3.157473210e-01, v22  }
0xdb: {  	v18 =	vand.u32 $0x7FFFFFFF, v26;
	v23 =	vadd.f32 $3.157473210e-01, v23;
	v13 =	vadd.f32 v14, v13  }
0xdc: {  	v26 =	vmul.f32 v31, v41;
	v14 =	vadd.f32 $3.157473210e-01, v17;
	v17 =	vadd.f32 $3.157473210e-01, v21  }
0xdd: {  	vm9 =	vgt.f32 v18, $9.999999970e-07;
	v18 =	vadd.f32 $3.157473210e-01, v34;
	v22 =	vmul.f32 v22, v11  }
0xde: {  	v41 =	vnsel vm9, $0x0, v26;
	v23 =	vmul.f32 v23, v15;
	v17 =	vmul.f32 v17, v0  }
0xdf: {  	v24 =	vadd.f32 $3.157473210e-01, v24;
	v18 =	vmul.f32 v18, v10;
	v13 =	vmul.f32 v13, v41  }
0xe0: {  	v30 =	vld [tilespmem:s1+$0xFFFFFFF0];
	v22 =	vadd.f32 $-4.973732230e-01, v22;
	v14 =	vmul.f32 v14, v8;
	v17 =	vadd.f32 $-4.973732230e-01, v17  }
0xe1: {  	v27 =	vld [tilespmem:s1+$0xFFFFFFC0];
	v24 =	vmul.f32 v24, v16;
	v1 =	vadd.f32 v13, v1;
	v13 =	vadd.f32 $-4.973732230e-01, v25  }
0xe2: {  	v28 =	vld [tilespmem:s1+$0xFFFFFFD0];
	v23 =	vadd.f32 $-4.973732230e-01, v23;
	v14 =	vadd.f32 $-4.973732230e-01, v14;
	v17 =	vmul.f32 v17, v0  }
0xe3: {  	v29 =	vld [tilespmem:s1+$0xFFFFFFE0];
	v18 =	vadd.f32 $-4.973732230e-01, v18;
	v24 =	vadd.f32 $-4.973732230e-01, v24;
	v13 =	vmul.f32 v13, v12  }
0xe4: {  	v35 =	vld [tilespmem:s1+$0x20];
	v22 =	vmul.f32 v22, v11;
	v14 =	vmul.f32 v14, v8;
	v17 =	vadd.f32 $9.998477100e-01, v17  }
0xe5: {  	v23 =	vmul.f32 v23, v15;
	v25 =	vld [tilespmem:$0x1FFA0];
	v18 =	vmul.f32 v18, v10;
	v13 =	vadd.f32 $9.998477100e-01, v13  }
0xe6: {  	v24 =	vmul.f32 v24, v16;
	v14 =	vadd.f32 $9.998477100e-01, v14;
	v0 =	vmul.f32 v17, v0;
	v17 =	vld [tilespmem:$0x1FF80]  }
0xe7: {  	v38 =	vmovc v32;
	v32 =	vld [tilespmem:s1+$0x0];
	v12 =	vmul.f32 v13, v12;
	v13 =	vadd.f32 $9.998477100e-01, v18;
	v18 =	vadd.f32 $9.998477100e-01, v22  }
0xe8: {  	v8 =	vmul.f32 v14, v8;
	v14 =	vadd.f32 $9.998477100e-01, v23;
	v22 =	vadd.f32 $9.998477100e-01, v24;
	v24 =	vld [tilespmem:$0x1FF90]  }
0xe9: {  	v10 =	vmul.f32 v13, v10;
	v13 =	vld [tilespmem:$0x1FF60]  }
0xea: {  	v14 =	vmul.f32 v14, v15;
	v15 =	vld [tilespmem:$0x1FF40]  }
0xeb: {  	v23 =	vsub.f32 v25, v27;
	v25 =	vsub.f32 v17, v29;
	v17 =	vld [tilespmem:$0x1FF70];
	_ =	sdelay $0x1  }
0xec: {  	v11 =	vmul.f32 v18, v11  }
0xed: {  	v33 =	vld [tilespmem:s1+$0x10];
	v9 =	vmul.f32 v23, v9;
	v12 =	vadd.f32 $1.472065040e-06, v12;
	v8 =	vadd.f32 $1.472065040e-06, v8  }
0xee: {  	v19 =	vld [tilespmem:s0+$0xFFFFFFC0];
	v16 =	vmul.f32 v22, v16;
	v24 =	vsub.f32 v24, v28;
	v13 =	vsub.f32 v13, v32  }
0xef: {  	vm10 =	vlt.f32 v9, $0.0e+00;
	v15 =	vsub.f32 v15, v35;
	v27 =	vsub.f32 v17, v30;
	v17 =	vld [tilespmem:$0x1FF50]  }
0xf0: {  	v20 =	vld [tilespmem:s0+$0xFFFFFFD0];
	v29 =	vadd.f32 $1.472065040e-06, v0;
	v9 =	vnsel vm10, $0x0, v4;
	v18 =	vmul.f32 v25, v2  }
0xf1: {  	v36 =	vld [tilespmem:s0+$0x20];
	v2 =	vadd.f32 $1.472065040e-06, v11;
	v0 =	vmul.f32 v13, v5;
	v7 =	vmul.f32 v15, v7  }
0xf2: {  	v31 =	vld [tilespmem:s0+$0xFFFFFFE0];
	v5 =	vadd.f32 $1.472065040e-06, v16;
	vm12 =	vlt.f32 v18, $0.0e+00;
	v18 =	vand.u32 $0x7FFFFFFF, v23  }
0xf3: {  	v34 =	vld [tilespmem:s0+$0x10];
	v16 =	vand.u32 $0x7FFFFFFF, v25;
	v35 =	vnsel vm12, $0x0, v58;
	vm14 =	vlt.f32 v0, $0.0e+00  }
0xf4: {  	vm6 =	vlt.f32 v7, $0.0e+00;
	v0 =	vld [tilespmem:$0x1FF30];
	v28 =	vsub.f32 v17, v33;
	v17 =	vmul.f32 v24, v63  }
0xf5: {  	v21 =	vld [tilespmem:s0+$0xFFFFFFF0];
	v7 =	vand.u32 $0x7FFFFFFF, v13;
	v58 =	vnsel vm14, $0x0, v60;
	v60 =	vnsel vm6, $0x0, v62  }
0xf6: {  	v26 =	vld [tilespmem:s0+$0x0];
	v62 =	vand.u32 $0x7FFFFFFF, v15;
	v33 =	vmul.f32 v27, v3;
	vm11 =	vlt.f32 v17, $0.0e+00  }
0xf7: {  	v3 =	vadd.f32 $1.472065040e-06, v10;
	v10 =	vadd.f32 v12, v9;
	v9 =	vld [tilespmem:$0x1FF10];
	v11 =	vnsel vm11, $0x0, v57  }
0xf8: {  	p1 =	sne.s32 s15, $0x1;
	v15 =	vmul.f32 v20, v39;
	v12 =	vadd.f32 v29, v35;
	v11 =	vadd.f32 v8, v11;
	v8 =	vld [tilespmem:$0x1FEF0]  }
.Ltmp4:
0xf9: {  	v4 =	vmul.f32 v19, v0;
	v30 =	vmul.f32 v28, v6;
	v6 =	vadd.f32 $1.472065040e-06, v14;
	(pc) =	sbr.rel @p1 .LBB2_6-.Ltmp4, $4  }
0xfa: {  	vm13 =	vlt.f32 v33, $0.0e+00;
	v17 =	vand.u32 $0x7FFFFFFF, v24;
	v0 =	vand.u32 $0x7FFFFFFF, v28  }
0xfb: {  	v59 =	vnsel vm13, $0x0, v59;
	v57 =	vmul.f32 v34, v37;
	vm15 =	vlt.f32 v30, $0.0e+00  }
0xfc: {  	s31 =	sadd.s32 $0x80, s31;
	v14 =	vnsel vm15, $0x0, v61;
	v63 =	vmul.f32 v31, v9;
	v9 =	vmul.f32 v21, v40  }
0xfd: {  	s15 =	sadd.s32 $0xFFFFFFFF, s15;
	v32 =	vmovc v38;
	v19 =	vld [tilespmem:s31+$0x30];
	v61 =	vand.u32 $0x7FFFFFFF, v27;
	v31 =	vmovc v37;
	v13 =	vmul.f32 v26, v8;
	v8 =	vmul.f32 v36, v38  }
0xfe: {  	v25 =	vld [tilespmem:$0x1FDA0]  }
0xff: {  	v24 =	vld [tilespmem:$0x1FDE0]  }
0x100: {  	v30 =	vld [tilespmem:$0x1FDF0]  }
0x101: {  	v27 =	vld [tilespmem:$0x1FDD0]  }
0x102: {  	v28 =	vld [tilespmem:$0x1FE00]  }
0x103: {  	v26 =	vld [tilespmem:$0x1FDC0]  }
0x104: {  	v36 =	vld [tilespmem:$0x1FDB0]  }
0x105: {  	v20 =	vld [tilespmem:$0x1FE10]  }
.LBB2_8:
0x106: {  	_ =	sdelay $0x3  }
0x107: {  	v19 =	vsub.f32 v19, v20  }
0x108: {  	v20 =	vld [tilespmem:s31+$0xFFFFFFD0]  }
0x109: {  	v21 =	vld [tilespmem:s31+$0xFFFFFFC0];
	v22 =	vand.u32 $0x7FFFFFFF, v19  }
0x10a: {  	v40 =	vld [tilespmem:s31+$0x0];
	v23 =	vsub.f32 $0.0e+00, v22;
	_ =	sdelay $0x1  }
0x10b: {  	v23 =	vmul.f32 $1.442695020e+00, v23  }
0x10c: {  	vm2 =	vgt.f32 @p0 v18, $9.999999970e-07;
	vm3 =	vgt.f32 @p0 v17, $9.999999970e-07;
	s1 =	sadd.s32 @p0 $0x80, s1;
	v29 =	vld [tilespmem:$0x1FFA0];
	v25 =	vsub.f32 v20, v25  }
0x10d: {  	v14 =	vadd.f32 @p0 v6, v14;
	s30 =	smov.u32 @p0 s1;
	v32 =	vsub.f32 v21, v24;
	v21 =	vld [tilespmem:s31+$0xFFFFFFF0];
	(erf) = vpow2.f32 v23  }
0x10e: {  	v40 =	vsub.f32 v40, v27;
	v27 =	vld [tilespmem:s30+$0xFFFFFFC0];
	v23 =	vadd.f32 @p0 v2, v58;
	v2 =	vand.u32 $0x7FFFFFFF, v25  }
0x10f: {  	v6 =	vld [tilespmem:s31+$0x10];
	v20 =	vadd.f32 @p0 v3, v59;
	v3 =	vand.u32 $0x7FFFFFFF, v32;
	v59 =	vsub.f32 $0.0e+00, v2  }
0x110: {  	vm4 =	vgt.f32 @p0 v16, $9.999999970e-07;
	v33 =	vld [tilespmem:s31+$0x20];
	vm5 =	vgt.f32 @p0 v61, $9.999999970e-07;
	v34 =	vsub.f32 $0.0e+00, v3  }
0x111: {  	vm1 =	vgt.f32 @p0 v7, $9.999999970e-07;
	vm0 =	vgt.f32 @p0 v0, $9.999999970e-07;
	v35 =	vmul.f32 $1.442695020e+00, v59  }
0x112: {  	v39 =	vld [tilespmem:s31+$0xFFFFFFE0];
	v9 =	vnsel @p0 vm5, $0x0, v9;
	v61 =	vsub.f32 v21, v26;
	v0 =	vmul.f32 $1.442695020e+00, v34  }
0x113: {  	v27 =	vsub.f32 v29, v27;
	[tilespmem:$0x1FD90] =	vst v25;
	v25 =	vadd.f32 @p0 v5, v60;
	(erf) = vpow2.f32 v35  }
0x114: {  	v60 =	vsub.f32 v6, v30;
	v6 =	vnsel @p0 vm3, $0x0, v15;
	(erf) = vpow2.f32 v0  }
0x115: {  	v13 =	vnsel @p0 vm1, $0x0, v13;
	v58 =	vsub.f32 v33, v28;
	v5 =	vadd.f32 @p0 v6, v54  }
0x116: {  	v34 =	vand.u32 $0x7FFFFFFF, v40;
	v33 =	vand.u32 $0x7FFFFFFF, v60;
	v0 =	vnsel @p0 vm2, $0x0, v4;
	v16 =	vpop (erf)  }
0x117: {  	v59 =	vsub.f32 v39, v36;
	v7 =	vmul.f32 @p0 v10, v0;
	v39 =	vmul.f32 $1.741407810e-02, v16  }
0x118: {  	v21 =	vsub.f32 $0.0e+00, v34;
	v4 =	vadd.f32 @p0 v0, v50;
	v0 =	vmul.f32 @p0 v11, v6  }
0x119: {  	v35 =	vand.u32 $0x7FFFFFFF, v59;
	v6 =	vadd.f32 @p0 v7, v56;
	v50 =	vsub.f32 $8.269123730e-02, v39  }
0x11a: {  	v7 =	vnsel @p0 vm4, $0x0, v63;
	v11 =	vadd.f32 @p0 v0, v55;
	v0 =	vmul.f32 @p0 v20, v9  }
0x11b: {  	v20 =	vmul.f32 @p0 v23, v13;
	v10 =	vadd.f32 @p0 v7, v51;
	v15 =	vmul.f32 v50, v16  }
0x11c: {  	v7 =	vmul.f32 @p0 v12, v7;
	v51 =	vsub.f32 $0.0e+00, v35;
	v12 =	vadd.f32 @p0 v9, v49;
	v18 =	vpop (erf)  }
0x11d: {  	vm2 =	vgt.f32 @p0 v62, $9.999999970e-07;
	v49 =	vadd.f32 @p0 v0, v52;
	v54 =	vpop (erf);
	v0 =	vadd.f32 $-1.903543320e-01, v15  }
0x11e: {  	v23 =	vld [tilespmem:$0x1FFC0];
	v48 =	vadd.f32 @p0 v20, v48;
	v20 =	vmul.f32 $1.442695020e+00, v21;
	v55 =	vmul.f32 $1.741407810e-02, v54  }
0x11f: {  	v8 =	vnsel @p0 vm2, $0x0, v8;
	v21 =	vld [tilespmem:s30+$0x30];
	v17 =	vmul.f32 $1.442695020e+00, v51;
	v0 =	vmul.f32 v0, v16  }
0x120: {  	v9 =	vand.u32 $0x7FFFFFFF, v61;
	v50 =	vadd.f32 @p0 v7, v53;
	v15 =	vsub.f32 $8.269123730e-02, v55  }
0x121: {  	v53 =	vsub.f32 $0.0e+00, v9;
	(erf) = vpow2.f32 v17;
	v0 =	vadd.f32 $3.157473210e-01, v0  }
0x122: {  	v56 =	vsub.f32 $0.0e+00, v33;
	v63 =	vmul.f32 $1.741407810e-02, v18;
	v15 =	vmul.f32 v15, v54  }
0x123: {  	v39 =	vand.u32 $0x7FFFFFFF, v58;
	v7 =	vmul.f32 $1.442695020e+00, v53;
	v0 =	vmul.f32 v0, v16  }
0x124: {  	v21 =	vsub.f32 v23, v21;
	v23 =	vmul.f32 @p0 v25, v8;
	v15 =	vadd.f32 $-1.903543320e-01, v15  }
0x125: {  	(erf) = vpow2.f32 v7;
	v7 =	vmul.f32 $1.442695020e+00, v56;
	v0 =	vadd.f32 $-4.973732230e-01, v0  }
0x126: {  	(erf) = vpow2.f32 v20;
	v20 =	vsub.f32 $0.0e+00, v39;
	v15 =	vmul.f32 v15, v54  }
0x127: {  	s0 =	sadd.s32 @p0 $0x80, s0;
	v13 =	vadd.f32 @p0 v13, v47;
	(erf) = vpow2.f32 v7;
	v0 =	vmul.f32 v0, v16  }
0x128: {  	s29 =	smov.u32 @p0 s0;
	v26 =	vld [tilespmem:$0x1FFB0];
	v7 =	vnsel @p0 vm0, $0x0, v57;
	v20 =	vmul.f32 $1.442695020e+00, v20;
	v57 =	vadd.f32 $3.157473210e-01, v15  }
0x129: {  	v62 =	vld [tilespmem:s29+$0x30];
	v19 =	vmul.f32 v21, v19;
	v14 =	vmul.f32 @p0 v14, v7;
	v0 =	vadd.f32 $9.998477100e-01, v0  }
0x12a: {  	v8 =	vadd.f32 @p0 v8, v46;
	(erf) = vpow2.f32 v20;
	v20 =	vmul.f32 v57, v54  }
0x12b: {  	v14 =	vadd.f32 @p0 v14, v43;
	v43 =	vadd.f32 @p0 v7, v45;
	v0 =	vmul.f32 v0, v16  }
0x12c: {  	vm10 =	vlt.f32 v19, $0.0e+00;
	v7 =	vsub.f32 $8.269123730e-02, v63;
	v24 =	vadd.f32 $-4.973732230e-01, v20  }
0x12d: {  	v45 =	vadd.f32 @p0 v41, v42;
	v41 =	vld [tilespmem:$0x1FEA0];
	v20 =	vnsel vm10, $0x0, v22;
	v0 =	vadd.f32 $1.472065040e-06, v0  }
0x12e: {  	v21 =	vand.u32 $0x7FFFFFFF, v21;
	v19 =	vmul.f32 v62, v26;
	v16 =	vmul.f32 v24, v54  }
0x12f: {  	vm11 =	vgt.f32 v21, $9.999999970e-07;
	v7 =	vmul.f32 v7, v18;
	v0 =	vadd.f32 v0, v20  }
0x130: {  	v28 =	vld [tilespmem:s30+$0xFFFFFFD0];
	v31 =	vnsel vm11, $0x0, v19;
	v15 =	vadd.f32 @p0 v23, v44;
	v20 =	vpop (erf);
	v16 =	vadd.f32 $9.998477100e-01, v16  }
0x131: {  	v7 =	vadd.f32 $-1.903543320e-01, v7;
	v57 =	vld [tilespmem:$0x1FF90];
	v36 =	vmul.f32 $1.741407810e-02, v20;
	v21 =	vpop (erf);
	v0 =	vmul.f32 v0, v31  }
0x132: {  	v10 =	vpsel p0, v10, v41;
	v16 =	vmul.f32 v16, v54;
	v47 =	vmul.f32 $1.741407810e-02, v21;
	v22 =	vpop (erf)  }
0x133: {  	v46 =	vsub.f32 $8.269123730e-02, v36;
	v51 =	vmul.f32 $1.741407810e-02, v22;
	v23 =	vpop (erf);
	v1 =	vadd.f32 v0, v1  }
0x134: {  	v0 =	vmul.f32 v7, v18;
	v19 =	vsub.f32 $8.269123730e-02, v47;
	v52 =	vmul.f32 $1.741407810e-02, v23  }
0x135: {  	v29 =	vld [tilespmem:s30+$0xFFFFFFF0];
	v53 =	vpop (erf);
	v16 =	vadd.f32 $1.472065040e-06, v16;
	v17 =	vmul.f32 v46, v20;
	v7 =	vsub.f32 $8.269123730e-02, v51  }
0x136: {  	v28 =	vsub.f32 v57, v28;
	v54 =	vmul.f32 $1.741407810e-02, v53;
	v46 =	vld [tilespmem:$0x1FF70];
	v0 =	vadd.f32 $3.157473210e-01, v0  }
0x137: {  	v51 =	vld [tilespmem:$0x1FD90];
	v24 =	vsub.f32 $8.269123730e-02, v52;
	v19 =	vmul.f32 v19, v21;
	v17 =	vadd.f32 $-1.903543320e-01, v17  }
0x138: {  	v26 =	vsub.f32 $8.269123730e-02, v54;
	v7 =	vmul.f32 v7, v22;
	v0 =	vmul.f32 v0, v18  }
0x139: {  	v24 =	vmul.f32 v24, v23;
	v19 =	vadd.f32 $-1.903543320e-01, v19;
	v17 =	vmul.f32 v17, v20  }
0x13a: {  	v26 =	vmul.f32 v26, v53;
	v7 =	vadd.f32 $-1.903543320e-01, v7;
	v0 =	vadd.f32 $-4.973732230e-01, v0  }
0x13b: {  	v24 =	vadd.f32 $-1.903543320e-01, v24;
	v19 =	vmul.f32 v19, v21;
	v29 =	vsub.f32 v46, v29  }
0x13c: {  	v25 =	vmul.f32 v28, v51;
	v17 =	vadd.f32 $3.157473210e-01, v17;
	v7 =	vmul.f32 v7, v22  }
0x13d: {  	v30 =	vld [tilespmem:s30+$0x0];
	v26 =	vadd.f32 $-1.903543320e-01, v26;
	v0 =	vmul.f32 v0, v18;
	v24 =	vmul.f32 v24, v23  }
0x13e: {  	v56 =	vld [tilespmem:s30+$0xFFFFFFE0];
	v19 =	vadd.f32 $3.157473210e-01, v19;
	vm13 =	vlt.f32 v25, $0.0e+00;
	v17 =	vmul.f32 v17, v20  }
0x13f: {  	v62 =	vld [tilespmem:s30+$0x10];
	v26 =	vmul.f32 v26, v53;
	v7 =	vadd.f32 $3.157473210e-01, v7;
	v2 =	vnsel vm13, $0x0, v2  }
0x140: {  	v63 =	vld [tilespmem:s30+$0x20];
	v24 =	vadd.f32 $3.157473210e-01, v24;
	v19 =	vmul.f32 v19, v21;
	v17 =	vadd.f32 $-4.973732230e-01, v17  }
0x141: {  	v44 =	vld [tilespmem:$0x1FE80];
	v0 =	vadd.f32 $9.998477100e-01, v0;
	v55 =	vadd.f32 $3.157473210e-01, v26;
	v7 =	vmul.f32 v7, v22  }
0x142: {  	v57 =	vld [tilespmem:s29+$0xFFFFFFF0];
	v24 =	vmul.f32 v24, v23;
	v19 =	vadd.f32 $-4.973732230e-01, v19;
	v17 =	vmul.f32 v17, v20  }
0x143: {  	v47 =	vld [tilespmem:$0x1FF40];
	v0 =	vmul.f32 v0, v18;
	v18 =	vmul.f32 v55, v53;
	v7 =	vadd.f32 $-4.973732230e-01, v7  }
0x144: {  	v36 =	vld [tilespmem:$0x1FF80];
	v24 =	vadd.f32 $-4.973732230e-01, v24;
	v19 =	vmul.f32 v19, v21;
	v17 =	vadd.f32 $9.998477100e-01, v17  }
0x145: {  	v46 =	vld [tilespmem:$0x1FFE0];
	v0 =	vadd.f32 $1.472065040e-06, v0;
	v18 =	vadd.f32 $-4.973732230e-01, v18;
	v7 =	vmul.f32 v7, v22  }
0x146: {  	v52 =	vld [tilespmem:s29+$0xFFFFFFD0];
	v19 =	vadd.f32 $9.998477100e-01, v19;
	v17 =	vmul.f32 v17, v20;
	v20 =	vmul.f32 v24, v23  }
0x147: {  	v0 =	vadd.f32 v0, v2;
	v2 =	vld [tilespmem:$0x1FF00];
	v18 =	vmul.f32 v18, v53;
	v7 =	vadd.f32 $9.998477100e-01, v7  }
0x148: {  	v12 =	vpsel p0, v12, v44;
	v24 =	vsub.f32 v47, v63;
	v47 =	vld [tilespmem:$0x1FFD0];
	v20 =	vadd.f32 $9.998477100e-01, v20  }
0x149: {  	v26 =	vsub.f32 v36, v56;
	v19 =	vmul.f32 v19, v21;
	v21 =	vld [tilespmem:$0x1FF60];
	v18 =	vadd.f32 $9.998477100e-01, v18  }
0x14a: {  	v54 =	vld [tilespmem:s29+$0xFFFFFFE0];
	v6 =	vpsel p0, v6, v46;
	v7 =	vmul.f32 v7, v22;
	v20 =	vmul.f32 v20, v23  }
0x14b: {  	v22 =	vld [tilespmem:$0x1FF50];
	v17 =	vadd.f32 $1.472065040e-06, v17;
	v23 =	vmul.f32 v27, v32;
	v18 =	vmul.f32 v18, v53  }
0x14c: {  	v51 =	vld [tilespmem:$0x1FEE0];
	v19 =	vadd.f32 $1.472065040e-06, v19;
	v53 =	vmul.f32 v29, v61;
	v2 =	vmul.f32 v57, v2  }
0x14d: {  	v61 =	vld [tilespmem:$0x1FF10];
	v7 =	vadd.f32 $1.472065040e-06, v7;
	v27 =	vand.u32 $0x7FFFFFFF, v27;
	v11 =	vpsel p0, v11, v47  }
0x14e: {  	v57 =	vld [tilespmem:$0x1FE50];
	vm9 =	vgt.f32 v27, $9.999999970e-07;
	v21 =	vsub.f32 v21, v30;
	vm12 =	vlt.f32 v23, $0.0e+00  }
0x14f: {  	v30 =	vld [tilespmem:s29+$0xFFFFFFC0];
	v23 =	vmul.f32 v26, v59;
	vm14 =	vlt.f32 v53, $0.0e+00;
	v18 =	vadd.f32 $1.472065040e-06, v18  }
0x150: {  	v59 =	vld [tilespmem:s29+$0x10];
	v26 =	vand.u32 $0x7FFFFFFF, v26;
	v22 =	vsub.f32 v22, v62;
	v3 =	vnsel vm12, $0x0, v3  }
0x151: {  	v62 =	vld [tilespmem:$0x1FEF0];
	v9 =	vnsel vm14, $0x0, v9;
	vm11 =	vgt.f32 v26, $9.999999970e-07;
	v55 =	vmul.f32 v21, v40  }
0x152: {  	vm6 =	vlt.f32 v23, $0.0e+00;
	v23 =	vmul.f32 v24, v58;
	v58 =	vld [tilespmem:s29+$0x0];
	v3 =	vadd.f32 v16, v3  }
0x153: {  	v9 =	vadd.f32 v19, v9;
	v56 =	vmul.f32 v22, v60;
	v60 =	vld [tilespmem:$0x1FF20];
	v42 =	vmul.f32 v54, v61  }
0x154: {  	v35 =	vnsel vm6, $0x0, v35;
	v41 =	vpsel p0, v43, v57;
	vm8 =	vlt.f32 v23, $0.0e+00;
	v23 =	vld [tilespmem:$0x1FF30]  }
0x155: {  	v54 =	vld [tilespmem:$0x1FE70];
	vm15 =	vlt.f32 v55, $0.0e+00;
	v17 =	vadd.f32 v17, v35;
	vm7 =	vlt.f32 v56, $0.0e+00  }
0x156: {  	v25 =	vmul.f32 v59, v37;
	v59 =	vadd.f32 $1.472065040e-06, v20;
	v20 =	vand.u32 $0x7FFFFFFF, v28  }
0x157: {  	v35 =	vpsel p0, v50, v51;
	v55 =	vld [tilespmem:$0x1FE60];
	vm10 =	vgt.f32 v20, $9.999999970e-07;
	v20 =	vnsel vm7, $0x0, v33  }
0x158: {  	v37 =	vld [tilespmem:$0x1FED0];
	v63 =	vmul.f32 v58, v62;
	v58 =	vnsel vm15, $0x0, v34;
	v16 =	vmul.f32 v52, v60  }
0x159: {  	v19 =	vadd.f32 v59, v20;
	v20 =	vnsel vm8, $0x0, v39;
	v23 =	vmul.f32 v30, v23;
	v30 =	vld [tilespmem:s29+$0x20]  }
0x15a: {  	v53 =	vld [tilespmem:$0x1FE90];
	v13 =	vpsel p0, v13, v54;
	v7 =	vadd.f32 v7, v58;
	v16 =	vnsel vm10, $0x0, v16  }
0x15b: {  	v56 =	vld [tilespmem:$0x1FE40];
	v18 =	vadd.f32 v18, v20;
	v20 =	vand.u32 $0x7FFFFFFF, v29;
	v0 =	vmul.f32 v0, v16  }
0x15c: {  	v14 =	vpsel p0, v14, v55;
	vm12 =	vgt.f32 v20, $9.999999970e-07;
	v20 =	vand.u32 $0x7FFFFFFF, v21  }
0x15d: {  	v52 =	vld [tilespmem:$0x1FEC0];
	v21 =	vand.u32 $0x7FFFFFFF, v22;
	v4 =	vpsel p0, v4, v37;
	v0 =	vadd.f32 v0, v11  }
0x15e: {  	vm13 =	vgt.f32 v20, $9.999999970e-07;
	v20 =	vnsel vm9, $0x0, v23;
	v30 =	vmul.f32 v30, v38;
	v38 =	vld [tilespmem:$0x1FEB0]  }
0x15f: {  	v37 =	vpsel p0, v48, v53;
	v3 =	vmul.f32 v3, v20;
	[tilespmem:$0x1FFD0] =	vst v0;
	v0 =	vnsel vm13, $0x0, v63;
	v63 =	vld [tilespmem:$0x1FE30]  }
0x160: {  	v15 =	vpsel p0, v15, v56;
	v61 =	vmul.f32 v7, v0;
	v39 =	vadd.f32 v0, v13;
	v0 =	vld [tilespmem:$0x1FE20]  }
0x161: {  	vm14 =	vgt.f32 v21, $9.999999970e-07;
	v2 =	vnsel vm12, $0x0, v2;
	v3 =	vadd.f32 v3, v6  }
0x162: {  	v21 =	vand.u32 $0x7FFFFFFF, v24;
	v40 =	vadd.f32 v2, v12;
	v2 =	vmul.f32 v9, v2  }
0x163: {  	v60 =	vnsel vm14, $0x0, v25;
	v36 =	vpsel p0, v49, v52;
	[tilespmem:$0x1FFE0] =	vst v3;
	v3 =	vnsel vm11, $0x0, v42  }
0x164: {  	v29 =	vadd.f32 v3, v10;
	v3 =	vmul.f32 v17, v3;
	v5 =	vpsel p0, v5, v38  }
0x165: {  	v33 =	vadd.f32 v16, v5;
	v5 =	vpsel p0, v8, v63;
	v0 =	vpsel p0, v45, v0;
	p0 =	sne.s32 s28, s8  }
.Ltmp5:
0x166: {  	vm15 =	vgt.f32 v21, $9.999999970e-07;
	v34 =	vadd.f32 v20, v4;
	v62 =	vmul.f32 v19, v60;
	(pc) =	sbr.rel @p0 .LBB2_2-.Ltmp5, $4  }
.Ltmp6:
0x167: {  	v22 =	vadd.f32 v2, v36;
	v35 =	vadd.f32 v3, v35;
	v3 =	vnsel vm15, $0x0, v30;
	(pc) =	sbr.rel @!p0 .LBB2_9-.Ltmp6, $4  }
0x168: {  	v23 =	vadd.f32 v62, v14;
	v21 =	vadd.f32 v61, v37;
	v2 =	vmul.f32 v18, v3  }
0x169: {  	s31 =	sadd.s32 $0x1, s28;
	v45 =	vadd.f32 v60, v41;
	v46 =	vadd.f32 v3, v5  }
0x16a: {  	s26 =	sadd.s32 $0x4, s26;
	s28 =	smov.u32 s31;
	v44 =	vadd.f32 v2, v15;
	v42 =	vadd.f32 v31, v0  }
0x16b: {  	_ = 	snop  }
.LBB2_3:
.Ltmp7:
0x16c: {  	_ = 	snop;
	(pc) =	sbr.rel .LBB2_8-.Ltmp7, $4  }
0x16d: {  	_ = 	snop  }
0x16e: {  	v50 =	vmov v34  }
0x16f: {  	v54 =	vmovc v33;
	v51 =	vmovc v29;
	v49 =	vmov v40;
	v56 =	vld [tilespmem:$0x1FFE0];
	v53 =	vmov v35;
	v52 =	vmov v22  }
0x170: {  	v55 =	vld [tilespmem:$0x1FFD0];
	v48 =	vmovc v21;
	v47 =	vmovc v39;
	v43 =	vmov v23;
	s1 =	simm.s32 $0x1C40;
	s0 =	simm.s32 $0x3840;
	v37 =	vmov v31;
	v38 =	vmov v32  }
.LBB2_5:
0x171: {  	v25 =	vld [tilespmem:$0x1FDA0]  }
0x172: {  	v24 =	vld [tilespmem:$0x1FDE0]  }
0x173: {  	v30 =	vld [tilespmem:$0x1FDF0]  }
0x174: {  	v27 =	vld [tilespmem:$0x1FDD0]  }
0x175: {  	v28 =	vld [tilespmem:$0x1FE00]  }
0x176: {  	v26 =	vld [tilespmem:$0x1FDC0]  }
0x177: {  	v36 =	vld [tilespmem:$0x1FDB0]  }
0x178: {  	v50 =	vld [tilespmem:$0x1FED0]  }
0x179: {  	v54 =	vld [tilespmem:$0x1FEB0]  }
0x17a: {  	v51 =	vld [tilespmem:$0x1FEA0]  }
0x17b: {  	v49 =	vld [tilespmem:$0x1FE80]  }
0x17c: {  	v56 =	vld [tilespmem:$0x1FFE0]  }
0x17d: {  	v55 =	vld [tilespmem:$0x1FFD0]  }
0x17e: {  	v53 =	vld [tilespmem:$0x1FEE0]  }
0x17f: {  	v52 =	vld [tilespmem:$0x1FEC0]  }
0x180: {  	v48 =	vld [tilespmem:$0x1FE90]  }
0x181: {  	v47 =	vld [tilespmem:$0x1FE70]  }
0x182: {  	v43 =	vld [tilespmem:$0x1FE60]  }
.Ltmp8:
0x183: {  	v44 =	vld [tilespmem:$0x1FE40];
	(pc) =	sbr.rel .LBB2_8-.Ltmp8, $4  }
0x184: {  	v45 =	vld [tilespmem:$0x1FE50]  }
0x185: {  	v46 =	vld [tilespmem:$0x1FE30]  }
0x186: {  	v42 =	vld [tilespmem:$0x1FE20]  }
0x187: {  	v38 =	vmov v32;
	v37 =	vmov v31;
	s1 =	simm.s32 $0x1C40;
	s0 =	simm.s32 $0x3840;
	v20 =	vld [tilespmem:$0x1FE10]  }
.LBB2_10:
0x188: {  	_ =	sfence.sel $0x180000  }
0x189: {  	[bflag:$0x0] =	sbarrier.arrive $0xFFFF  }
0x18a: {  	_ =	strace $0x90000047  }
0x18b: {  	s0 =	stileid.u32;
	[bflag:$0x2] =	sbarrier.arrive $0xFFFF  }
0x18c: {  	p0 =	sne.s32 s0, $0x0;
	s0 =	rddreg [dreg:$0x1]  }
0x18d: {  	s0 =	sadd.s32 @!p0 $0x100000, s0  }
0x18e: {  	[sflag:s0] =	ssyncadd.tile.s32 @!p0 $0x1;
	_ =	shalt  }
.Lfunc_end2:
_tile_overlayer_lowered:
.L_overlay_start_2:
0x18f: {  	(tag) =	ssettag $0x2  }
0x190: {  	s0 =	rddreg [dreg:$0x0];
	s2 =	stileid.u32  }
0x191: {  	s1 =	rddreg [dreg:$0x1];
	p0 =	sne.s32 s2, $0x0  }
0x192: {  	s3 =	rddreg [dreg:$0x2];
	[bflag:$0x3] =	sbarrier.arrive $0xFFFF;
	s2 =	simm.s32 @!p0 $0x1C01  }
0x193: {  	[timem:s3], [sflag:s2] =	dma.local @!p0 [hbm:s0], s1  }
0x194: {  	s0 =	simm.s32 @!p0 $0x1  }
0x195: {  	_ =	swait.ge @!p0 [sflag:s0], s1  }
0x196: {  	s1 =	ssub.s32 @!p0 $0x0, s1;
	[sflag:s0] =	ssyncset.done @!p0 $0x0  }
0x197: {  	[sflag:s0] =	ssyncadd.s32 @!p0 s1  }
0x198: {  	[bflag:$0x3] =	sbarrier.arrive $0xFFFF  }
0x199: {  	_ =	shalt  }

</sc_bundles>
